<compile_context>
chip_gen: v7x
topology: tpu7x:2x2x1
jax: 0.10.2.dev20260603
libtpu: 0.0.44.dev20260713+nightly
codegen_flags: <defaults>
</compile_context>

<pallas_src>
import functools

import jax
import jax.numpy as jnp
from jax import lax
from jax.experimental import pallas as pl
from jax.experimental.pallas import tpu as pltpu
from jax.experimental.pallas import tpu_sc as plsc

N = 10000
E = 160000
D_IN = 256
DH = 128
H2 = 128

NC = 2
NS = 16
BATCH = 128
NB = 80
EPT = NB * BATCH
EPAD = EPT * NS
PAD_ROW = 10008
NACC = 10112
CH = 16
NCH = NB // CH
RPT_A = NACC // NS
RPT_W = 624
TAIL = N - NS * RPT_W

RB = 1000
GRID_R = N // RB
BT = 1024
GRID_D = (N + BT - 1) // BT

_f32 = jnp.float32



def _deg_body(src_hbm, dst_hbm, zeros_hbm, ones_hbm, odeg_hbm, ideg_hbm,
              acc, idx_all, onesv):
    c = lax.axis_index("c")
    s = lax.axis_index("s")
    pltpu.sync_copy(zeros_hbm.at[pl.ds(s * RPT_A, RPT_A)],
                    acc.at[pl.ds(s * RPT_A, RPT_A)])
    pltpu.sync_copy(ones_hbm, onesv)

    def run(idx_hbm):
        pltpu.sync_copy(idx_hbm.at[pl.ds(s * NB, NB)], idx_all)
        plsc.subcore_barrier()

        def body(b, carry):
            pltpu.sync_copy(onesv, acc.at[idx_all.at[b]], add=True)
            return carry
        lax.fori_loop(0, NB, body, 0)

    pl.when(c == 0)(lambda: run(src_hbm))
    pl.when(c == 1)(lambda: run(dst_hbm))
    plsc.subcore_barrier()

    def wout(o_hbm):
        pltpu.sync_copy(acc.at[pl.ds(s * RPT_W, RPT_W)],
                        o_hbm.at[pl.ds(s * RPT_W, RPT_W)])
        pl.when(s == NS - 1)(lambda: pltpu.sync_copy(
            acc.at[pl.ds(NS * RPT_W, TAIL)], o_hbm.at[pl.ds(NS * RPT_W, TAIL)]))

    pl.when(c == 0)(lambda: wout(odeg_hbm))
    pl.when(c == 1)(lambda: wout(ideg_hbm))


@functools.cache
def _deg_call():
    mesh = plsc.VectorSubcoreMesh(
        core_axis_name="c", subcore_axis_name="s",
        num_cores=NC, num_subcores=NS)
    return pl.kernel(
        _deg_body,
        out_type=(jax.ShapeDtypeStruct((N, 16), _f32),
                  jax.ShapeDtypeStruct((N, 16), _f32)),
        mesh=mesh,
        scratch_types=[
            pltpu.VMEM_SHARED((NACC, 16), _f32),
            pltpu.VMEM((NB, BATCH), jnp.int32),
            pltpu.VMEM((BATCH, 16), _f32),
        ],
    )


def _prop_body(src_hbm, dst_hbm, xa_hbm, xb_hbm, zeros_hbm, outa_hbm, outb_hbm,
               acc, sidx_all, didx_all, rows0, rows1, gsem):
    c = lax.axis_index("c")
    s = lax.axis_index("s")
    pltpu.sync_copy(zeros_hbm.at[pl.ds(s * RPT_A, RPT_A)],
                    acc.at[pl.ds(s * RPT_A, RPT_A)])

    plsc.subcore_barrier()

    def run(x_hbm):
        def chunk(g, carry):
            base = s * NB + g * CH
            pltpu.sync_copy(src_hbm.at[pl.ds(base, CH)], sidx_all)
            pltpu.sync_copy(dst_hbm.at[pl.ds(base, CH)], didx_all)
            pltpu.async_copy(x_hbm.at[sidx_all.at[0]], rows0, gsem)

            def body(i, carry2):
                b0 = 2 * i
                pltpu.make_async_copy(x_hbm.at[sidx_all.at[b0]], rows0,
                                      gsem).wait()
                pltpu.async_copy(x_hbm.at[sidx_all.at[b0 + 1]], rows1, gsem)
                pltpu.sync_copy(rows0, acc.at[didx_all.at[b0]], add=True)
                pltpu.make_async_copy(x_hbm.at[sidx_all.at[b0 + 1]], rows1,
                                      gsem).wait()

                def next_gather():
                    pltpu.async_copy(x_hbm.at[sidx_all.at[b0 + 2]], rows0,
                                     gsem)
                pl.when(i < CH // 2 - 1)(next_gather)
                pltpu.sync_copy(rows1, acc.at[didx_all.at[b0 + 1]], add=True)
                return carry2
            lax.fori_loop(0, CH // 2, body, 0)
            return carry
        lax.fori_loop(0, NCH, chunk, 0)

    pl.when(c == 0)(lambda: run(xa_hbm))
    pl.when(c == 1)(lambda: run(xb_hbm))
    plsc.subcore_barrier()

    def wout(o_hbm):
        pltpu.sync_copy(acc.at[pl.ds(s * RPT_W, RPT_W)],
                        o_hbm.at[pl.ds(s * RPT_W, RPT_W)])
        pl.when(s == NS - 1)(lambda: pltpu.sync_copy(
            acc.at[pl.ds(NS * RPT_W, TAIL)], o_hbm.at[pl.ds(NS * RPT_W, TAIL)]))

    pl.when(c == 0)(lambda: wout(outa_hbm))
    pl.when(c == 1)(lambda: wout(outb_hbm))


@functools.cache
def _prop_call():
    mesh = plsc.VectorSubcoreMesh(
        core_axis_name="c", subcore_axis_name="s",
        num_cores=NC, num_subcores=NS)
    return pl.kernel(
        _prop_body,
        out_type=(jax.ShapeDtypeStruct((N, DH), _f32),
                  jax.ShapeDtypeStruct((N, DH), _f32)),
        mesh=mesh,
        scratch_types=[
            pltpu.VMEM_SHARED((NACC, DH), _f32),
            pltpu.VMEM((CH, BATCH), jnp.int32),
            pltpu.VMEM((CH, BATCH), jnp.int32),
            pltpu.VMEM((BATCH, DH), _f32),
            pltpu.VMEM((BATCH, DH), _f32),
            pltpu.SemaphoreType.DMA,
        ],
    )



def _scale_body(x_ref, odeg_ref, xa_ref, xb_ref):
    a = lax.rsqrt(jnp.maximum(odeg_ref[:, 0:1], 1.0))
    xs = x_ref[...] * a
    xa_ref[...] = xs[:, :DH]
    xb_ref[...] = xs[:, DH:]


_scale_call = pl.pallas_call(
    _scale_body,
    grid=(GRID_R,),
    in_specs=[
        pl.BlockSpec((RB, D_IN), lambda i: (i, 0)),
        pl.BlockSpec((RB, 16), lambda i: (i, 0)),
    ],
    out_specs=[
        pl.BlockSpec((RB, DH), lambda i: (i, 0)),
        pl.BlockSpec((RB, DH), lambda i: (i, 0)),
    ],
    out_shape=(jax.ShapeDtypeStruct((N, DH), _f32),
               jax.ShapeDtypeStruct((N, DH), _f32)),
)


def _layer1_body(s1a_ref, s1b_ref, odeg_ref, ideg_ref, w_ref, b_ref,
                 ha_ref, hb_ref):
    cc = lax.rsqrt(jnp.maximum(ideg_ref[:, 0:1], 1.0))
    s1 = jnp.concatenate([s1a_ref[...], s1b_ref[...]], axis=1) * cc
    h = lax.dot_general(s1, w_ref[...], (((1,), (0,)), ((), ())),
                        precision=lax.Precision.HIGHEST,
                        preferred_element_type=_f32)
    h = jnp.maximum(h + b_ref[...], 0.0)
    a = lax.rsqrt(jnp.maximum(odeg_ref[:, 0:1], 1.0))
    hs = h * a
    ha_ref[...] = hs[:, :DH]
    hb_ref[...] = hs[:, DH:]


_layer1_call = pl.pallas_call(
    _layer1_body,
    grid=(GRID_R,),
    in_specs=[
        pl.BlockSpec((RB, DH), lambda i: (i, 0)),
        pl.BlockSpec((RB, DH), lambda i: (i, 0)),
        pl.BlockSpec((RB, 16), lambda i: (i, 0)),
        pl.BlockSpec((RB, 16), lambda i: (i, 0)),
        pl.BlockSpec((D_IN, D_IN), lambda i: (0, 0)),
        pl.BlockSpec((1, D_IN), lambda i: (0, 0)),
    ],
    out_specs=[
        pl.BlockSpec((RB, DH), lambda i: (i, 0)),
        pl.BlockSpec((RB, DH), lambda i: (i, 0)),
    ],
    out_shape=(jax.ShapeDtypeStruct((N, DH), _f32),
               jax.ShapeDtypeStruct((N, DH), _f32)),
)


def _z_body(s2a_ref, s2b_ref, ideg_ref, w_ref, b_ref, noise_ref, z_ref):
    cc = lax.rsqrt(jnp.maximum(ideg_ref[:, 0:1], 1.0))
    p = jnp.concatenate([s2a_ref[...], s2b_ref[...]], axis=1) * cc
    q = lax.dot_general(p, w_ref[...], (((1,), (0,)), ((), ())),
                        precision=lax.Precision.HIGHEST,
                        preferred_element_type=_f32)
    q = q + b_ref[...]
    z_ref[...] = q[:, :H2] + noise_ref[...] * jnp.exp(q[:, H2:])


_z_call = pl.pallas_call(
    _z_body,
    grid=(GRID_R,),
    in_specs=[
        pl.BlockSpec((RB, DH), lambda i: (i, 0)),
        pl.BlockSpec((RB, DH), lambda i: (i, 0)),
        pl.BlockSpec((RB, 16), lambda i: (i, 0)),
        pl.BlockSpec((D_IN, D_IN), lambda i: (0, 0)),
        pl.BlockSpec((1, D_IN), lambda i: (0, 0)),
        pl.BlockSpec((RB, H2), lambda i: (i, 0)),
    ],
    out_specs=pl.BlockSpec((RB, H2), lambda i: (i, 0)),
    out_shape=jax.ShapeDtypeStruct((N, H2), _f32),
)


def _dec_body(zl_ref, zr_ref, o_ref):
    zl = zl_ref[...]
    zr = zr_ref[...]
    lh = zl.astype(jnp.bfloat16)
    ll = (zl - lh.astype(_f32)).astype(jnp.bfloat16)
    rh = zr.astype(jnp.bfloat16)
    rl = (zr - rh.astype(_f32)).astype(jnp.bfloat16)
    dims = (((1,), (1,)), ((), ()))

    def bdot(a, b):
        return lax.dot_general(a, b, dims, preferred_element_type=_f32)

    acc = bdot(lh, rl) + bdot(ll, rh)
    acc = acc + bdot(lh, rh)
    o_ref[...] = jax.nn.sigmoid(acc)


_dec_call = pl.pallas_call(
    _dec_body,
    grid=(GRID_D, GRID_D),
    in_specs=[
        pl.BlockSpec((BT, H2), lambda i, j: (i, 0)),
        pl.BlockSpec((BT, H2), lambda i, j: (j, 0)),
    ],
    out_specs=pl.BlockSpec((BT, BT), lambda i, j: (i, j)),
    out_shape=jax.ShapeDtypeStruct((N, N), _f32),
)



def kernel(features, edge_index, W1, b1, W2, b2, W3, b3, noise):
    src = edge_index[0]
    dst = edge_index[1]
    trash = jnp.full((EPAD - E,), PAD_ROW, jnp.int32)
    src_prop = jnp.concatenate(
        [src, jnp.zeros((EPAD - E,), jnp.int32)]).reshape(NS * NB, BATCH)
    src_deg = jnp.concatenate([src, trash]).reshape(NS * NB, BATCH)
    dst_pad = jnp.concatenate([dst, trash]).reshape(NS * NB, BATCH)

    zeros_acc = jnp.zeros((NACC, DH), _f32)
    zeros16 = jnp.zeros((NACC, 16), _f32)
    ones16 = jnp.ones((BATCH, 16), _f32)

    odeg, ideg = _deg_call()(src_deg, dst_pad, zeros16, ones16)
    xa, xb = _scale_call(features, odeg)
    s1a, s1b = _prop_call()(src_prop, dst_pad, xa, xb, zeros_acc)
    ha, hb = _layer1_call(s1a, s1b, odeg, ideg, W1, b1.reshape(1, -1))
    s2a, s2b = _prop_call()(src_prop, dst_pad, ha, hb, zeros_acc)

    W23 = jnp.concatenate([W2, W3], axis=1)
    b23 = jnp.concatenate([b2, b3]).reshape(1, -1)
    z = _z_call(s2a, s2b, ideg, W23, b23, noise)
    return _dec_call(z, z)

# --- scband reference (transcript-rebuilt; emitter-appended) ---
"""Pipeline reference for scband-vgaeprivacy-model-10024453669134 (READ-ONLY COPY).

The authoritative reference and input builder live on the scoring server;
editing this copy changes nothing except your own understanding.
"""

import jax, jax.numpy as jnp
import numpy as np

N = 10000
E = 160000
IN_DIM = 256
H1 = 256
H2 = 128


def _graph_conv(x, src, dst, W, b, n_nodes):
    # DGL GraphConv with norm='both', allow_zero_in_degree=True
    ones = jnp.ones((src.shape[0],), dtype=jnp.float32)
    out_deg = jax.ops.segment_sum(ones, src, num_segments=n_nodes)
    in_deg = jax.ops.segment_sum(ones, dst, num_segments=n_nodes)
    out_deg = jnp.clip(out_deg, 1.0, None)
    in_deg = jnp.clip(in_deg, 1.0, None)
    h = x * (out_deg ** -0.5)[:, None]
    h = h @ W
    msg = h[src]
    agg = jax.ops.segment_sum(msg, dst, num_segments=n_nodes)
    agg = agg * (in_deg ** -0.5)[:, None]
    return agg + b


def setup_inputs(seed: int = 0) -> dict:
    key = jax.random.key(seed)
    ks = jax.random.split(key, 10)
    features = jax.random.normal(ks[0], (N, IN_DIM), dtype=jnp.float32)
    edge_index = jax.random.randint(ks[1], (2, E), 0, N, dtype=jnp.int32)
    W1 = jax.random.normal(ks[2], (IN_DIM, H1), dtype=jnp.float32) * (1.0 / np.sqrt(IN_DIM))
    b1 = jnp.zeros((H1,), dtype=jnp.float32)
    W2 = jax.random.normal(ks[3], (H1, H2), dtype=jnp.float32) * (1.0 / np.sqrt(H1))
    b2 = jnp.zeros((H2,), dtype=jnp.float32)
    W3 = jax.random.normal(ks[4], (H1, H2), dtype=jnp.float32) * (1.0 / np.sqrt(H1))
    b3 = jnp.zeros((H2,), dtype=jnp.float32)
    # gaussian_noise from torch.randn in encoder, materialized deterministically
    noise = jax.random.normal(ks[5], (N, H2), dtype=jnp.float32)
    return {"features": features, "edge_index": edge_index,
            "W1": W1, "b1": b1, "W2": W2, "b2": b2, "W3": W3, "b3": b3,
            "noise": noise}


def reference(features, edge_index, W1, b1, W2, b2, W3, b3, noise):
    src = edge_index[0]
    dst = edge_index[1]
    h = jax.nn.relu(_graph_conv(features, src, dst, W1, b1, N))
    mean = _graph_conv(h, src, dst, W2, b2, N)
    log_std = _graph_conv(h, src, dst, W3, b3, N)
    z = mean + noise * jnp.exp(log_std)
    adj_rec = jax.nn.sigmoid(z @ z.T)
    return adj_rec

if __name__ == "__main__":
    import jax
    _d = setup_inputs()
    print(jax.jit(kernel)(*tuple(_d.values())))

</pallas_src>

<mosaic_0001>
#map = affine_map<(d0, d1) -> (0, 0)>
module attributes {stable_mosaic.version = 14 : i64} {
  func.func @_deg_body(%arg0: i32, %arg1: i32, %arg2: memref<1280x128xi32, #tpu.memory_space<hbm>>, %arg3: memref<1280x128xi32, #tpu.memory_space<hbm>>, %arg4: memref<10112x16xf32, #tpu.memory_space<hbm>>, %arg5: memref<128x16xf32, #tpu.memory_space<hbm>>, %arg6: memref<10000x16xf32, #tpu.memory_space<hbm>>, %arg7: memref<10000x16xf32, #tpu.memory_space<hbm>>, %arg8: memref<10112x16xf32, #tpu.memory_space<vmem_shared>>, %arg9: memref<80x128xi32, #tpu.memory_space<vmem>>, %arg10: memref<128x16xf32, #tpu.memory_space<vmem>>) attributes {dimension_semantics = [#tpu.dimension_semantics<core_parallel>, #tpu.dimension_semantics<subcore_parallel>], iteration_bounds = array<i64: 2, 16>, scalar_prefetch = 0 : i64, scratch_operands = 3 : i64, tpu.core_type = #tpu.core_type<sc_vector_subcore>, window_params = [{transform_indices = #map}, {transform_indices = #map}, {transform_indices = #map}, {transform_indices = #map}, {transform_indices = #map}, {transform_indices = #map}]} {
    %mul3A = arith.constant 632 : i32
    %mul3A_0 = arith.muli %arg1, %mul3A : i32
    %mul3A_1 = arith.constant 632 : i32
    %mul3A_2 = arith.muli %arg1, %mul3A_1 : i32
    "tpu.region"() ({
      %run_scoped3A = tpu.sem_alloc : memref<!tpu.dma_semaphore, #tpu.memory_space<semaphore_mem>>
      %dma_start3A = arith.constant 0 : i32
      %dma_start3A_20 = tpu.memref_slice %arg8[%mul3A_2, %dma_start3A] : memref<10112x16xf32, #tpu.memory_space<vmem_shared>> -> memref<632x16xf32, #tpu.memory_space<vmem_shared>>
      %dma_start3A_21 = arith.constant 0 : i32
      %dma_start3A_22 = tpu.memref_slice %arg4[%mul3A_0, %dma_start3A_21] : memref<10112x16xf32, #tpu.memory_space<hbm>> -> memref<632x16xf32, #tpu.memory_space<hbm>>
      tpu.enqueue_dma source(%dma_start3A_22 : memref<632x16xf32, #tpu.memory_space<hbm>>) target(%dma_start3A_20 : memref<632x16xf32, #tpu.memory_space<vmem_shared>>) target_semaphore(%run_scoped3A : memref<!tpu.dma_semaphore, #tpu.memory_space<semaphore_mem>>)
      %dma_wait3A = arith.constant 0 : i32
      %dma_wait3A_23 = tpu.memref_slice %arg8[%mul3A_2, %dma_wait3A] : memref<10112x16xf32, #tpu.memory_space<vmem_shared>> -> memref<632x16xf32, #tpu.memory_space<vmem_shared>>
      %dma_wait3A_24 = arith.constant 0 : i32
      %dma_wait3A_25 = tpu.memref_slice %arg4[%mul3A_0, %dma_wait3A_24] : memref<10112x16xf32, #tpu.memory_space<hbm>> -> memref<632x16xf32, #tpu.memory_space<hbm>>
      tpu.wait_dma2 semaphore(%run_scoped3A : memref<!tpu.dma_semaphore, #tpu.memory_space<semaphore_mem>>) src(%dma_wait3A_25 : memref<632x16xf32, #tpu.memory_space<hbm>>) dst(%dma_wait3A_23 : memref<632x16xf32, #tpu.memory_space<vmem_shared>>)
      tpu.yield
    }) : () -> ()
    "tpu.region"() ({
      %run_scoped3A = tpu.sem_alloc : memref<!tpu.dma_semaphore, #tpu.memory_space<semaphore_mem>>
      tpu.enqueue_dma source(%arg5 : memref<128x16xf32, #tpu.memory_space<hbm>>) target(%arg10 : memref<128x16xf32, #tpu.memory_space<vmem>>) target_semaphore(%run_scoped3A : memref<!tpu.dma_semaphore, #tpu.memory_space<semaphore_mem>>)
      tpu.wait_dma2 semaphore(%run_scoped3A : memref<!tpu.dma_semaphore, #tpu.memory_space<semaphore_mem>>) src(%arg5 : memref<128x16xf32, #tpu.memory_space<hbm>>) dst(%arg10 : memref<128x16xf32, #tpu.memory_space<vmem>>)
      tpu.yield
    }) : () -> ()
    %eq3A = arith.constant 0 : i32
    %eq3A_3 = arith.cmpi eq, %arg0, %eq3A : i32
    %convert_element_type3A = arith.extui %eq3A_3 : i1 to i32
    %cond3A = arith.constant 0 : i32
    %cond3A_4 = arith.cmpi ne, %convert_element_type3A, %cond3A : i32
    scf.if %cond3A_4 {
      %mul3A_20 = arith.constant 80 : i32
      %mul3A_21 = arith.muli %arg1, %mul3A_20 : i32
      "tpu.region"() ({
        %run_scoped3A = tpu.sem_alloc : memref<!tpu.dma_semaphore, #tpu.memory_space<semaphore_mem>>
        %dma_start3A = arith.constant 0 : i32
        %dma_start3A_28 = tpu.memref_slice %arg2[%mul3A_21, %dma_start3A] : memref<1280x128xi32, #tpu.memory_space<hbm>> -> memref<80x128xi32, #tpu.memory_space<hbm>>
        %dma_start3A_29 = arith.constant 0 : i32
        %dma_start3A_30 = tpu.memref_slice %arg2[%mul3A_21, %dma_start3A_29] : memref<1280x128xi32, #tpu.memory_space<hbm>> -> memref<80x128xi32, #tpu.memory_space<hbm>>
        tpu.enqueue_dma source(%dma_start3A_30 : memref<80x128xi32, #tpu.memory_space<hbm>>) target(%arg9 : memref<80x128xi32, #tpu.memory_space<vmem>>) target_semaphore(%run_scoped3A : memref<!tpu.dma_semaphore, #tpu.memory_space<semaphore_mem>>)
        %dma_wait3A = arith.constant 0 : i32
        %dma_wait3A_31 = tpu.memref_slice %arg2[%mul3A_21, %dma_wait3A] : memref<1280x128xi32, #tpu.memory_space<hbm>> -> memref<80x128xi32, #tpu.memory_space<hbm>>
        %dma_wait3A_32 = arith.constant 0 : i32
        %dma_wait3A_33 = tpu.memref_slice %arg2[%mul3A_21, %dma_wait3A_32] : memref<1280x128xi32, #tpu.memory_space<hbm>> -> memref<80x128xi32, #tpu.memory_space<hbm>>
        tpu.wait_dma2 semaphore(%run_scoped3A : memref<!tpu.dma_semaphore, #tpu.memory_space<semaphore_mem>>) src(%dma_wait3A_33 : memref<80x128xi32, #tpu.memory_space<hbm>>) dst(%arg9 : memref<80x128xi32, #tpu.memory_space<vmem>>)
        tpu.yield
      }) : () -> ()
      %barrier3A_22 = arith.constant 0 : index
      tpu.barrier barrier_id(%barrier3A_22)
      %scan3A = arith.constant 0 : i32
      %scan3A_23 = arith.constant 0 : i32
      %scan3A_24 = arith.constant 80 : i32
      %scan3A_25 = arith.addi %scan3A_23, %scan3A_24 : i32
      %scan3A_26 = arith.constant 1 : i32
      scf.for %scan3A_28 = %scan3A_23 to %scan3A_25 step %scan3A_26  : i32 {
        "tpu.region"() ({
          %run_scoped3A = tpu.sem_alloc : memref<!tpu.dma_semaphore, #tpu.memory_space<semaphore_mem>>
          %dma_start3A = arith.constant 0 : i32
          %dma_start3A_29 = tpu.memref_slice %arg9[%scan3A_28, %dma_start3A] : memref<80x128xi32, #tpu.memory_space<vmem>> -> memref<1x128xi32, #tpu.memory_space<vmem>>
          %dma_start3A_30 = tpu.memref_squeeze %dma_start3A_29 : memref<1x128xi32, #tpu.memory_space<vmem>> -> memref<128xi32, #tpu.memory_space<vmem>>
          %dma_start3A_31 = arith.constant 0 : i32
          %dma_start3A_32 = arith.constant 0 : i32
          %dma_start3A_33 = tpu.memref_slice %arg8[%dma_start3A_31, %dma_start3A_32] : memref<10112x16xf32, #tpu.memory_space<vmem_shared>> -> memref<10112x16xf32, #tpu.memory_space<vmem_shared>>
          tpu.enqueue_indirect_dma source(%arg10 : memref<128x16xf32, #tpu.memory_space<vmem>>) target(%dma_start3A_33 : memref<10112x16xf32, #tpu.memory_space<vmem_shared>>) offsets(%dma_start3A_30 : memref<128xi32, #tpu.memory_space<vmem>>) semaphore(%run_scoped3A : memref<!tpu.dma_semaphore, #tpu.memory_space<semaphore_mem>>) {add = true}
          %dma_wait3A = arith.constant 0 : i32
          %dma_wait3A_34 = tpu.memref_slice %arg9[%scan3A_28, %dma_wait3A] : memref<80x128xi32, #tpu.memory_space<vmem>> -> memref<1x128xi32, #tpu.memory_space<vmem>>
          %dma_wait3A_35 = tpu.memref_squeeze %dma_wait3A_34 : memref<1x128xi32, #tpu.memory_space<vmem>> -> memref<128xi32, #tpu.memory_space<vmem>>
          %dma_wait3A_36 = arith.constant 0 : i32
          %dma_wait3A_37 = arith.constant 0 : i32
          %dma_wait3A_38 = tpu.memref_slice %arg8[%dma_wait3A_36, %dma_wait3A_37] : memref<10112x16xf32, #tpu.memory_space<vmem_shared>> -> memref<10112x16xf32, #tpu.memory_space<vmem_shared>>
          tpu.wait_indirect_dma semaphore(%run_scoped3A : memref<!tpu.dma_semaphore, #tpu.memory_space<semaphore_mem>>) src(%arg10 : memref<128x16xf32, #tpu.memory_space<vmem>>) dst(%dma_wait3A_38 : memref<10112x16xf32, #tpu.memory_space<vmem_shared>>)
          tpu.yield
        }) : () -> ()
      }
      %scan3A_27 = arith.constant 80 : i32
    } else {
    }
    %eq3A_5 = arith.constant 1 : i32
    %eq3A_6 = arith.cmpi eq, %arg0, %eq3A_5 : i32
    %convert_element_type3A_7 = arith.extui %eq3A_6 : i1 to i32
    %cond3A_8 = arith.constant 0 : i32
    %cond3A_9 = arith.cmpi ne, %convert_element_type3A_7, %cond3A_8 : i32
    scf.if %cond3A_9 {
      %mul3A_20 = arith.constant 80 : i32
      %mul3A_21 = arith.muli %arg1, %mul3A_20 : i32
      "tpu.region"() ({
        %run_scoped3A = tpu.sem_alloc : memref<!tpu.dma_semaphore, #tpu.memory_space<semaphore_mem>>
        %dma_start3A = arith.constant 0 : i32
        %dma_start3A_28 = tpu.memref_slice %arg3[%mul3A_21, %dma_start3A] : memref<1280x128xi32, #tpu.memory_space<hbm>> -> memref<80x128xi32, #tpu.memory_space<hbm>>
        %dma_start3A_29 = arith.constant 0 : i32
        %dma_start3A_30 = tpu.memref_slice %arg3[%mul3A_21, %dma_start3A_29] : memref<1280x128xi32, #tpu.memory_space<hbm>> -> memref<80x128xi32, #tpu.memory_space<hbm>>
        tpu.enqueue_dma source(%dma_start3A_30 : memref<80x128xi32, #tpu.memory_space<hbm>>) target(%arg9 : memref<80x128xi32, #tpu.memory_space<vmem>>) target_semaphore(%run_scoped3A : memref<!tpu.dma_semaphore, #tpu.memory_space<semaphore_mem>>)
        %dma_wait3A = arith.constant 0 : i32
        %dma_wait3A_31 = tpu.memref_slice %arg3[%mul3A_21, %dma_wait3A] : memref<1280x128xi32, #tpu.memory_space<hbm>> -> memref<80x128xi32, #tpu.memory_space<hbm>>
        %dma_wait3A_32 = arith.constant 0 : i32
        %dma_wait3A_33 = tpu.memref_slice %arg3[%mul3A_21, %dma_wait3A_32] : memref<1280x128xi32, #tpu.memory_space<hbm>> -> memref<80x128xi32, #tpu.memory_space<hbm>>
        tpu.wait_dma2 semaphore(%run_scoped3A : memref<!tpu.dma_semaphore, #tpu.memory_space<semaphore_mem>>) src(%dma_wait3A_33 : memref<80x128xi32, #tpu.memory_space<hbm>>) dst(%arg9 : memref<80x128xi32, #tpu.memory_space<vmem>>)
        tpu.yield
      }) : () -> ()
      %barrier3A_22 = arith.constant 0 : index
      tpu.barrier barrier_id(%barrier3A_22)
      %scan3A = arith.constant 0 : i32
      %scan3A_23 = arith.constant 0 : i32
      %scan3A_24 = arith.constant 80 : i32
      %scan3A_25 = arith.addi %scan3A_23, %scan3A_24 : i32
      %scan3A_26 = arith.constant 1 : i32
      scf.for %scan3A_28 = %scan3A_23 to %scan3A_25 step %scan3A_26  : i32 {
        "tpu.region"() ({
          %run_scoped3A = tpu.sem_alloc : memref<!tpu.dma_semaphore, #tpu.memory_space<semaphore_mem>>
          %dma_start3A = arith.constant 0 : i32
          %dma_start3A_29 = tpu.memref_slice %arg9[%scan3A_28, %dma_start3A] : memref<80x128xi32, #tpu.memory_space<vmem>> -> memref<1x128xi32, #tpu.memory_space<vmem>>
          %dma_start3A_30 = tpu.memref_squeeze %dma_start3A_29 : memref<1x128xi32, #tpu.memory_space<vmem>> -> memref<128xi32, #tpu.memory_space<vmem>>
          %dma_start3A_31 = arith.constant 0 : i32
          %dma_start3A_32 = arith.constant 0 : i32
          %dma_start3A_33 = tpu.memref_slice %arg8[%dma_start3A_31, %dma_start3A_32] : memref<10112x16xf32, #tpu.memory_space<vmem_shared>> -> memref<10112x16xf32, #tpu.memory_space<vmem_shared>>
          tpu.enqueue_indirect_dma source(%arg10 : memref<128x16xf32, #tpu.memory_space<vmem>>) target(%dma_start3A_33 : memref<10112x16xf32, #tpu.memory_space<vmem_shared>>) offsets(%dma_start3A_30 : memref<128xi32, #tpu.memory_space<vmem>>) semaphore(%run_scoped3A : memref<!tpu.dma_semaphore, #tpu.memory_space<semaphore_mem>>) {add = true}
          %dma_wait3A = arith.constant 0 : i32
          %dma_wait3A_34 = tpu.memref_slice %arg9[%scan3A_28, %dma_wait3A] : memref<80x128xi32, #tpu.memory_space<vmem>> -> memref<1x128xi32, #tpu.memory_space<vmem>>
          %dma_wait3A_35 = tpu.memref_squeeze %dma_wait3A_34 : memref<1x128xi32, #tpu.memory_space<vmem>> -> memref<128xi32, #tpu.memory_space<vmem>>
          %dma_wait3A_36 = arith.constant 0 : i32
          %dma_wait3A_37 = arith.constant 0 : i32
          %dma_wait3A_38 = tpu.memref_slice %arg8[%dma_wait3A_36, %dma_wait3A_37] : memref<10112x16xf32, #tpu.memory_space<vmem_shared>> -> memref<10112x16xf32, #tpu.memory_space<vmem_shared>>
          tpu.wait_indirect_dma semaphore(%run_scoped3A : memref<!tpu.dma_semaphore, #tpu.memory_space<semaphore_mem>>) src(%arg10 : memref<128x16xf32, #tpu.memory_space<vmem>>) dst(%dma_wait3A_38 : memref<10112x16xf32, #tpu.memory_space<vmem_shared>>)
          tpu.yield
        }) : () -> ()
      }
      %scan3A_27 = arith.constant 80 : i32
    } else {
    }
    %barrier3A = arith.constant 0 : index
    tpu.barrier barrier_id(%barrier3A)
    %eq3A_10 = arith.constant 0 : i32
    %eq3A_11 = arith.cmpi eq, %arg0, %eq3A_10 : i32
    %convert_element_type3A_12 = arith.extui %eq3A_11 : i1 to i32
    %cond3A_13 = arith.constant 0 : i32
    %cond3A_14 = arith.cmpi ne, %convert_element_type3A_12, %cond3A_13 : i32
    scf.if %cond3A_14 {
      %mul3A_20 = arith.constant 624 : i32
      %mul3A_21 = arith.muli %arg1, %mul3A_20 : i32
      %mul3A_22 = arith.constant 624 : i32
      %mul3A_23 = arith.muli %arg1, %mul3A_22 : i32
      "tpu.region"() ({
        %run_scoped3A = tpu.sem_alloc : memref<!tpu.dma_semaphore, #tpu.memory_space<semaphore_mem>>
        %dma_start3A = arith.constant 0 : i32
        %dma_start3A_29 = tpu.memref_slice %arg6[%mul3A_23, %dma_start3A] : memref<10000x16xf32, #tpu.memory_space<hbm>> -> memref<624x16xf32, #tpu.memory_space<hbm>>
        %dma_start3A_30 = arith.constant 0 : i32
        %dma_start3A_31 = tpu.memref_slice %arg8[%mul3A_21, %dma_start3A_30] : memref<10112x16xf32, #tpu.memory_space<vmem_shared>> -> memref<624x16xf32, #tpu.memory_space<vmem_shared>>
        tpu.enqueue_dma source(%dma_start3A_31 : memref<624x16xf32, #tpu.memory_space<vmem_shared>>) target(%dma_start3A_29 : memref<624x16xf32, #tpu.memory_space<hbm>>) target_semaphore(%run_scoped3A : memref<!tpu.dma_semaphore, #tpu.memory_space<semaphore_mem>>)
        %dma_wait3A = arith.constant 0 : i32
        %dma_wait3A_32 = tpu.memref_slice %arg6[%mul3A_23, %dma_wait3A] : memref<10000x16xf32, #tpu.memory_space<hbm>> -> memref<624x16xf32, #tpu.memory_space<hbm>>
        %dma_wait3A_33 = arith.constant 0 : i32
        %dma_wait3A_34 = tpu.memref_slice %arg8[%mul3A_21, %dma_wait3A_33] : memref<10112x16xf32, #tpu.memory_space<vmem_shared>> -> memref<624x16xf32, #tpu.memory_space<vmem_shared>>
        tpu.wait_dma2 semaphore(%run_scoped3A : memref<!tpu.dma_semaphore, #tpu.memory_space<semaphore_mem>>) src(%dma_wait3A_34 : memref<624x16xf32, #tpu.memory_space<vmem_shared>>) dst(%dma_wait3A_32 : memref<624x16xf32, #tpu.memory_space<hbm>>)
        tpu.yield
      }) : () -> ()
      %eq3A_24 = arith.constant 15 : i32
      %eq3A_25 = arith.cmpi eq, %arg1, %eq3A_24 : i32
      %convert_element_type3A_26 = arith.extui %eq3A_25 : i1 to i32
      %cond3A_27 = arith.constant 0 : i32
      %cond3A_28 = arith.cmpi ne, %convert_element_type3A_26, %cond3A_27 : i32
      scf.if %cond3A_28 {
        "tpu.region"() ({
          %run_scoped3A = tpu.sem_alloc : memref<!tpu.dma_semaphore, #tpu.memory_space<semaphore_mem>>
          %dma_start3A = arith.constant 9984 : i32
          %dma_start3A_29 = arith.constant 0 : i32
          %dma_start3A_30 = tpu.memref_slice %arg6[%dma_start3A, %dma_start3A_29] : memref<10000x16xf32, #tpu.memory_space<hbm>> -> memref<16x16xf32, #tpu.memory_space<hbm>>
          %dma_start3A_31 = arith.constant 9984 : i32
          %dma_start3A_32 = arith.constant 0 : i32
          %dma_start3A_33 = tpu.memref_slice %arg8[%dma_start3A_31, %dma_start3A_32] : memref<10112x16xf32, #tpu.memory_space<vmem_shared>> -> memref<16x16xf32, #tpu.memory_space<vmem_shared>>
          tpu.enqueue_dma source(%dma_start3A_33 : memref<16x16xf32, #tpu.memory_space<vmem_shared>>) target(%dma_start3A_30 : memref<16x16xf32, #tpu.memory_space<hbm>>) target_semaphore(%run_scoped3A : memref<!tpu.dma_semaphore, #tpu.memory_space<semaphore_mem>>)
          %dma_wait3A = arith.constant 9984 : i32
          %dma_wait3A_34 = arith.constant 0 : i32
          %dma_wait3A_35 = tpu.memref_slice %arg6[%dma_wait3A, %dma_wait3A_34] : memref<10000x16xf32, #tpu.memory_space<hbm>> -> memref<16x16xf32, #tpu.memory_space<hbm>>
          %dma_wait3A_36 = arith.constant 9984 : i32
          %dma_wait3A_37 = arith.constant 0 : i32
          %dma_wait3A_38 = tpu.memref_slice %arg8[%dma_wait3A_36, %dma_wait3A_37] : memref<10112x16xf32, #tpu.memory_space<vmem_shared>> -> memref<16x16xf32, #tpu.memory_space<vmem_shared>>
          tpu.wait_dma2 semaphore(%run_scoped3A : memref<!tpu.dma_semaphore, #tpu.memory_space<semaphore_mem>>) src(%dma_wait3A_38 : memref<16x16xf32, #tpu.memory_space<vmem_shared>>) dst(%dma_wait3A_35 : memref<16x16xf32, #tpu.memory_space<hbm>>)
          tpu.yield
        }) : () -> ()
      } else {
      }
    } else {
    }
    %eq3A_15 = arith.constant 1 : i32
    %eq3A_16 = arith.cmpi eq, %arg0, %eq3A_15 : i32
    %convert_element_type3A_17 = arith.extui %eq3A_16 : i1 to i32
    %cond3A_18 = arith.constant 0 : i32
    %cond3A_19 = arith.cmpi ne, %convert_element_type3A_17, %cond3A_18 : i32
    scf.if %cond3A_19 {
      %mul3A_20 = arith.constant 624 : i32
      %mul3A_21 = arith.muli %arg1, %mul3A_20 : i32
      %mul3A_22 = arith.constant 624 : i32
      %mul3A_23 = arith.muli %arg1, %mul3A_22 : i32
      "tpu.region"() ({
        %run_scoped3A = tpu.sem_alloc : memref<!tpu.dma_semaphore, #tpu.memory_space<semaphore_mem>>
        %dma_start3A = arith.constant 0 : i32
        %dma_start3A_29 = tpu.memref_slice %arg7[%mul3A_23, %dma_start3A] : memref<10000x16xf32, #tpu.memory_space<hbm>> -> memref<624x16xf32, #tpu.memory_space<hbm>>
        %dma_start3A_30 = arith.constant 0 : i32
        %dma_start3A_31 = tpu.memref_slice %arg8[%mul3A_21, %dma_start3A_30] : memref<10112x16xf32, #tpu.memory_space<vmem_shared>> -> memref<624x16xf32, #tpu.memory_space<vmem_shared>>
        tpu.enqueue_dma source(%dma_start3A_31 : memref<624x16xf32, #tpu.memory_space<vmem_shared>>) target(%dma_start3A_29 : memref<624x16xf32, #tpu.memory_space<hbm>>) target_semaphore(%run_scoped3A : memref<!tpu.dma_semaphore, #tpu.memory_space<semaphore_mem>>)
        %dma_wait3A = arith.constant 0 : i32
        %dma_wait3A_32 = tpu.memref_slice %arg7[%mul3A_23, %dma_wait3A] : memref<10000x16xf32, #tpu.memory_space<hbm>> -> memref<624x16xf32, #tpu.memory_space<hbm>>
        %dma_wait3A_33 = arith.constant 0 : i32
        %dma_wait3A_34 = tpu.memref_slice %arg8[%mul3A_21, %dma_wait3A_33] : memref<10112x16xf32, #tpu.memory_space<vmem_shared>> -> memref<624x16xf32, #tpu.memory_space<vmem_shared>>
        tpu.wait_dma2 semaphore(%run_scoped3A : memref<!tpu.dma_semaphore, #tpu.memory_space<semaphore_mem>>) src(%dma_wait3A_34 : memref<624x16xf32, #tpu.memory_space<vmem_shared>>) dst(%dma_wait3A_32 : memref<624x16xf32, #tpu.memory_space<hbm>>)
        tpu.yield
      }) : () -> ()
      %eq3A_24 = arith.constant 15 : i32
      %eq3A_25 = arith.cmpi eq, %arg1, %eq3A_24 : i32
      %convert_element_type3A_26 = arith.extui %eq3A_25 : i1 to i32
      %cond3A_27 = arith.constant 0 : i32
      %cond3A_28 = arith.cmpi ne, %convert_element_type3A_26, %cond3A_27 : i32
      scf.if %cond3A_28 {
        "tpu.region"() ({
          %run_scoped3A = tpu.sem_alloc : memref<!tpu.dma_semaphore, #tpu.memory_space<semaphore_mem>>
          %dma_start3A = arith.constant 9984 : i32
          %dma_start3A_29 = arith.constant 0 : i32
          %dma_start3A_30 = tpu.memref_slice %arg7[%dma_start3A, %dma_start3A_29] : memref<10000x16xf32, #tpu.memory_space<hbm>> -> memref<16x16xf32, #tpu.memory_space<hbm>>
          %dma_start3A_31 = arith.constant 9984 : i32
          %dma_start3A_32 = arith.constant 0 : i32
          %dma_start3A_33 = tpu.memref_slice %arg8[%dma_start3A_31, %dma_start3A_32] : memref<10112x16xf32, #tpu.memory_space<vmem_shared>> -> memref<16x16xf32, #tpu.memory_space<vmem_shared>>
          tpu.enqueue_dma source(%dma_start3A_33 : memref<16x16xf32, #tpu.memory_space<vmem_shared>>) target(%dma_start3A_30 : memref<16x16xf32, #tpu.memory_space<hbm>>) target_semaphore(%run_scoped3A : memref<!tpu.dma_semaphore, #tpu.memory_space<semaphore_mem>>)
          %dma_wait3A = arith.constant 9984 : i32
          %dma_wait3A_34 = arith.constant 0 : i32
          %dma_wait3A_35 = tpu.memref_slice %arg7[%dma_wait3A, %dma_wait3A_34] : memref<10000x16xf32, #tpu.memory_space<hbm>> -> memref<16x16xf32, #tpu.memory_space<hbm>>
          %dma_wait3A_36 = arith.constant 9984 : i32
          %dma_wait3A_37 = arith.constant 0 : i32
          %dma_wait3A_38 = tpu.memref_slice %arg8[%dma_wait3A_36, %dma_wait3A_37] : memref<10112x16xf32, #tpu.memory_space<vmem_shared>> -> memref<16x16xf32, #tpu.memory_space<vmem_shared>>
          tpu.wait_dma2 semaphore(%run_scoped3A : memref<!tpu.dma_semaphore, #tpu.memory_space<semaphore_mem>>) src(%dma_wait3A_38 : memref<16x16xf32, #tpu.memory_space<vmem_shared>>) dst(%dma_wait3A_35 : memref<16x16xf32, #tpu.memory_space<hbm>>)
          tpu.yield
        }) : () -> ()
      } else {
      }
    } else {
    }
    return
  }
}

#map = affine_map<(d0, d1) -> (0, 0)>
module attributes {stable_mosaic.version = 14 : i64} {
  func.func @_prop_body(%arg0: i32, %arg1: i32, %arg2: memref<1280x128xi32, #tpu.memory_space<hbm>>, %arg3: memref<1280x128xi32, #tpu.memory_space<hbm>>, %arg4: memref<10000x128xf32, #tpu.memory_space<hbm>>, %arg5: memref<10000x128xf32, #tpu.memory_space<hbm>>, %arg6: memref<10112x128xf32, #tpu.memory_space<hbm>>, %arg7: memref<10000x128xf32, #tpu.memory_space<hbm>>, %arg8: memref<10000x128xf32, #tpu.memory_space<hbm>>, %arg9: memref<10112x128xf32, #tpu.memory_space<vmem_shared>>, %arg10: memref<16x128xi32, #tpu.memory_space<vmem>>, %arg11: memref<16x128xi32, #tpu.memory_space<vmem>>, %arg12: memref<128x128xf32, #tpu.memory_space<vmem>>, %arg13: memref<128x128xf32, #tpu.memory_space<vmem>>, %arg14: memref<!tpu.dma_semaphore, #tpu.memory_space<semaphore_mem>>) attributes {dimension_semantics = [#tpu.dimension_semantics<core_parallel>, #tpu.dimension_semantics<subcore_parallel>], iteration_bounds = array<i64: 2, 16>, scalar_prefetch = 0 : i64, scratch_operands = 6 : i64, tpu.core_type = #tpu.core_type<sc_vector_subcore>, window_params = [{transform_indices = #map}, {transform_indices = #map}, {transform_indices = #map}, {transform_indices = #map}, {transform_indices = #map}, {transform_indices = #map}, {transform_indices = #map}]} {
    %mul3A = arith.constant 632 : i32
    %mul3A_0 = arith.muli %arg1, %mul3A : i32
    %mul3A_1 = arith.constant 632 : i32
    %mul3A_2 = arith.muli %arg1, %mul3A_1 : i32
    "tpu.region"() ({
      %run_scoped3A = tpu.sem_alloc : memref<!tpu.dma_semaphore, #tpu.memory_space<semaphore_mem>>
      %dma_start3A = arith.constant 0 : i32
      %dma_start3A_21 = tpu.memref_slice %arg9[%mul3A_2, %dma_start3A] : memref<10112x128xf32, #tpu.memory_space<vmem_shared>> -> memref<632x128xf32, #tpu.memory_space<vmem_shared>>
      %dma_start3A_22 = arith.constant 0 : i32
      %dma_start3A_23 = tpu.memref_slice %arg6[%mul3A_0, %dma_start3A_22] : memref<10112x128xf32, #tpu.memory_space<hbm>> -> memref<632x128xf32, #tpu.memory_space<hbm>>
      tpu.enqueue_dma source(%dma_start3A_23 : memref<632x128xf32, #tpu.memory_space<hbm>>) target(%dma_start3A_21 : memref<632x128xf32, #tpu.memory_space<vmem_shared>>) target_semaphore(%run_scoped3A : memref<!tpu.dma_semaphore, #tpu.memory_space<semaphore_mem>>)
      %dma_wait3A = arith.constant 0 : i32
      %dma_wait3A_24 = tpu.memref_slice %arg9[%mul3A_2, %dma_wait3A] : memref<10112x128xf32, #tpu.memory_space<vmem_shared>> -> memref<632x128xf32, #tpu.memory_space<vmem_shared>>
      %dma_wait3A_25 = arith.constant 0 : i32
      %dma_wait3A_26 = tpu.memref_slice %arg6[%mul3A_0, %dma_wait3A_25] : memref<10112x128xf32, #tpu.memory_space<hbm>> -> memref<632x128xf32, #tpu.memory_space<hbm>>
      tpu.wait_dma2 semaphore(%run_scoped3A : memref<!tpu.dma_semaphore, #tpu.memory_space<semaphore_mem>>) src(%dma_wait3A_26 : memref<632x128xf32, #tpu.memory_space<hbm>>) dst(%dma_wait3A_24 : memref<632x128xf32, #tpu.memory_space<vmem_shared>>)
      tpu.yield
    }) : () -> ()
    %barrier3A = arith.constant 0 : index
    tpu.barrier barrier_id(%barrier3A)
    %eq3A = arith.constant 0 : i32
    %eq3A_3 = arith.cmpi eq, %arg0, %eq3A : i32
    %convert_element_type3A = arith.extui %eq3A_3 : i1 to i32
    %cond3A = arith.constant 0 : i32
    %cond3A_4 = arith.cmpi ne, %convert_element_type3A, %cond3A : i32
    scf.if %cond3A_4 {
      %scan3A = arith.constant 0 : i32
      %scan3A_21 = arith.constant 0 : i32
      %scan3A_22 = arith.constant 5 : i32
      %scan3A_23 = arith.addi %scan3A_21, %scan3A_22 : i32
      %scan3A_24 = arith.constant 1 : i32
      scf.for %scan3A_26 = %scan3A_21 to %scan3A_23 step %scan3A_24  : i32 {
        %mul3A_27 = arith.constant 80 : i32
        %mul3A_28 = arith.muli %arg1, %mul3A_27 : i32
        %mul3A_29 = arith.constant 16 : i32
        %mul3A_30 = arith.muli %scan3A_26, %mul3A_29 : i32
        %add3A = arith.addi %mul3A_28, %mul3A_30 : i32
        "tpu.region"() ({
          %run_scoped3A = tpu.sem_alloc : memref<!tpu.dma_semaphore, #tpu.memory_space<semaphore_mem>>
          %dma_start3A_43 = arith.constant 0 : i32
          %dma_start3A_44 = tpu.memref_slice %arg2[%add3A, %dma_start3A_43] : memref<1280x128xi32, #tpu.memory_space<hbm>> -> memref<16x128xi32, #tpu.memory_space<hbm>>
          %dma_start3A_45 = arith.constant 0 : i32
          %dma_start3A_46 = tpu.memref_slice %arg2[%add3A, %dma_start3A_45] : memref<1280x128xi32, #tpu.memory_space<hbm>> -> memref<16x128xi32, #tpu.memory_space<hbm>>
          tpu.enqueue_dma source(%dma_start3A_46 : memref<16x128xi32, #tpu.memory_space<hbm>>) target(%arg10 : memref<16x128xi32, #tpu.memory_space<vmem>>) target_semaphore(%run_scoped3A : memref<!tpu.dma_semaphore, #tpu.memory_space<semaphore_mem>>)
          %dma_wait3A = arith.constant 0 : i32
          %dma_wait3A_47 = tpu.memref_slice %arg2[%add3A, %dma_wait3A] : memref<1280x128xi32, #tpu.memory_space<hbm>> -> memref<16x128xi32, #tpu.memory_space<hbm>>
          %dma_wait3A_48 = arith.constant 0 : i32
          %dma_wait3A_49 = tpu.memref_slice %arg2[%add3A, %dma_wait3A_48] : memref<1280x128xi32, #tpu.memory_space<hbm>> -> memref<16x128xi32, #tpu.memory_space<hbm>>
          tpu.wait_dma2 semaphore(%run_scoped3A : memref<!tpu.dma_semaphore, #tpu.memory_space<semaphore_mem>>) src(%dma_wait3A_49 : memref<16x128xi32, #tpu.memory_space<hbm>>) dst(%arg10 : memref<16x128xi32, #tpu.memory_space<vmem>>)
          tpu.yield
        }) : () -> ()
        "tpu.region"() ({
          %run_scoped3A = tpu.sem_alloc : memref<!tpu.dma_semaphore, #tpu.memory_space<semaphore_mem>>
          %dma_start3A_43 = arith.constant 0 : i32
          %dma_start3A_44 = tpu.memref_slice %arg3[%add3A, %dma_start3A_43] : memref<1280x128xi32, #tpu.memory_space<hbm>> -> memref<16x128xi32, #tpu.memory_space<hbm>>
          %dma_start3A_45 = arith.constant 0 : i32
          %dma_start3A_46 = tpu.memref_slice %arg3[%add3A, %dma_start3A_45] : memref<1280x128xi32, #tpu.memory_space<hbm>> -> memref<16x128xi32, #tpu.memory_space<hbm>>
          tpu.enqueue_dma source(%dma_start3A_46 : memref<16x128xi32, #tpu.memory_space<hbm>>) target(%arg11 : memref<16x128xi32, #tpu.memory_space<vmem>>) target_semaphore(%run_scoped3A : memref<!tpu.dma_semaphore, #tpu.memory_space<semaphore_mem>>)
          %dma_wait3A = arith.constant 0 : i32
          %dma_wait3A_47 = tpu.memref_slice %arg3[%add3A, %dma_wait3A] : memref<1280x128xi32, #tpu.memory_space<hbm>> -> memref<16x128xi32, #tpu.memory_space<hbm>>
          %dma_wait3A_48 = arith.constant 0 : i32
          %dma_wait3A_49 = tpu.memref_slice %arg3[%add3A, %dma_wait3A_48] : memref<1280x128xi32, #tpu.memory_space<hbm>> -> memref<16x128xi32, #tpu.memory_space<hbm>>
          tpu.wait_dma2 semaphore(%run_scoped3A : memref<!tpu.dma_semaphore, #tpu.memory_space<semaphore_mem>>) src(%dma_wait3A_49 : memref<16x128xi32, #tpu.memory_space<hbm>>) dst(%arg11 : memref<16x128xi32, #tpu.memory_space<vmem>>)
          tpu.yield
        }) : () -> ()
        %dma_start3A = arith.constant 0 : i32
        %dma_start3A_31 = arith.constant 0 : i32
        %dma_start3A_32 = tpu.memref_slice %arg10[%dma_start3A, %dma_start3A_31] : memref<16x128xi32, #tpu.memory_space<vmem>> -> memref<1x128xi32, #tpu.memory_space<vmem>>
        %dma_start3A_33 = tpu.memref_squeeze %dma_start3A_32 : memref<1x128xi32, #tpu.memory_space<vmem>> -> memref<128xi32, #tpu.memory_space<vmem>>
        %dma_start3A_34 = arith.constant 0 : i32
        %dma_start3A_35 = arith.constant 0 : i32
        %dma_start3A_36 = tpu.memref_slice %arg4[%dma_start3A_34, %dma_start3A_35] : memref<10000x128xf32, #tpu.memory_space<hbm>> -> memref<10000x128xf32, #tpu.memory_space<hbm>>
        tpu.enqueue_indirect_dma source(%dma_start3A_36 : memref<10000x128xf32, #tpu.memory_space<hbm>>) target(%arg12 : memref<128x128xf32, #tpu.memory_space<vmem>>) offsets(%dma_start3A_33 : memref<128xi32, #tpu.memory_space<vmem>>) semaphore(%arg14 : memref<!tpu.dma_semaphore, #tpu.memory_space<semaphore_mem>>)
        %scan3A_37 = arith.constant 0 : i32
        %scan3A_38 = arith.constant 0 : i32
        %scan3A_39 = arith.constant 8 : i32
        %scan3A_40 = arith.addi %scan3A_38, %scan3A_39 : i32
        %scan3A_41 = arith.constant 1 : i32
        scf.for %scan3A_43 = %scan3A_38 to %scan3A_40 step %scan3A_41  : i32 {
          %mul3A_44 = arith.constant 2 : i32
          %mul3A_45 = arith.muli %mul3A_44, %scan3A_43 : i32
          %dma_wait3A = arith.constant 0 : i32
          %dma_wait3A_46 = tpu.memref_slice %arg10[%mul3A_45, %dma_wait3A] : memref<16x128xi32, #tpu.memory_space<vmem>> -> memref<1x128xi32, #tpu.memory_space<vmem>>
          %dma_wait3A_47 = tpu.memref_squeeze %dma_wait3A_46 : memref<1x128xi32, #tpu.memory_space<vmem>> -> memref<128xi32, #tpu.memory_space<vmem>>
          %dma_wait3A_48 = arith.constant 0 : i32
          %dma_wait3A_49 = arith.constant 0 : i32
          %dma_wait3A_50 = tpu.memref_slice %arg4[%dma_wait3A_48, %dma_wait3A_49] : memref<10000x128xf32, #tpu.memory_space<hbm>> -> memref<10000x128xf32, #tpu.memory_space<hbm>>
          tpu.wait_indirect_dma semaphore(%arg14 : memref<!tpu.dma_semaphore, #tpu.memory_space<semaphore_mem>>) src(%dma_wait3A_50 : memref<10000x128xf32, #tpu.memory_space<hbm>>) dst(%arg12 : memref<128x128xf32, #tpu.memory_space<vmem>>)
          %add3A_51 = arith.constant 1 : i32
          %add3A_52 = arith.addi %mul3A_45, %add3A_51 : i32
          %dma_start3A_53 = arith.constant 0 : i32
          %dma_start3A_54 = tpu.memref_slice %arg10[%add3A_52, %dma_start3A_53] : memref<16x128xi32, #tpu.memory_space<vmem>> -> memref<1x128xi32, #tpu.memory_space<vmem>>
          %dma_start3A_55 = tpu.memref_squeeze %dma_start3A_54 : memref<1x128xi32, #tpu.memory_space<vmem>> -> memref<128xi32, #tpu.memory_space<vmem>>
          %dma_start3A_56 = arith.constant 0 : i32
          %dma_start3A_57 = arith.constant 0 : i32
          %dma_start3A_58 = tpu.memref_slice %arg4[%dma_start3A_56, %dma_start3A_57] : memref<10000x128xf32, #tpu.memory_space<hbm>> -> memref<10000x128xf32, #tpu.memory_space<hbm>>
          tpu.enqueue_indirect_dma source(%dma_start3A_58 : memref<10000x128xf32, #tpu.memory_space<hbm>>) target(%arg13 : memref<128x128xf32, #tpu.memory_space<vmem>>) offsets(%dma_start3A_55 : memref<128xi32, #tpu.memory_space<vmem>>) semaphore(%arg14 : memref<!tpu.dma_semaphore, #tpu.memory_space<semaphore_mem>>)
          "tpu.region"() ({
            %run_scoped3A = tpu.sem_alloc : memref<!tpu.dma_semaphore, #tpu.memory_space<semaphore_mem>>
            %dma_start3A_73 = arith.constant 0 : i32
            %dma_start3A_74 = tpu.memref_slice %arg11[%mul3A_45, %dma_start3A_73] : memref<16x128xi32, #tpu.memory_space<vmem>> -> memref<1x128xi32, #tpu.memory_space<vmem>>
            %dma_start3A_75 = tpu.memref_squeeze %dma_start3A_74 : memref<1x128xi32, #tpu.memory_space<vmem>> -> memref<128xi32, #tpu.memory_space<vmem>>
            %dma_start3A_76 = arith.constant 0 : i32
            %dma_start3A_77 = arith.constant 0 : i32
            %dma_start3A_78 = tpu.memref_slice %arg9[%dma_start3A_76, %dma_start3A_77] : memref<10112x128xf32, #tpu.memory_space<vmem_shared>> -> memref<10112x128xf32, #tpu.memory_space<vmem_shared>>
            tpu.enqueue_indirect_dma source(%arg12 : memref<128x128xf32, #tpu.memory_space<vmem>>) target(%dma_start3A_78 : memref<10112x128xf32, #tpu.memory_space<vmem_shared>>) offsets(%dma_start3A_75 : memref<128xi32, #tpu.memory_space<vmem>>) semaphore(%run_scoped3A : memref<!tpu.dma_semaphore, #tpu.memory_space<semaphore_mem>>) {add = true}
            %dma_wait3A_79 = arith.constant 0 : i32
            %dma_wait3A_80 = tpu.memref_slice %arg11[%mul3A_45, %dma_wait3A_79] : memref<16x128xi32, #tpu.memory_space<vmem>> -> memref<1x128xi32, #tpu.memory_space<vmem>>
            %dma_wait3A_81 = tpu.memref_squeeze %dma_wait3A_80 : memref<1x128xi32, #tpu.memory_space<vmem>> -> memref<128xi32, #tpu.memory_space<vmem>>
            %dma_wait3A_82 = arith.constant 0 : i32
            %dma_wait3A_83 = arith.constant 0 : i32
            %dma_wait3A_84 = tpu.memref_slice %arg9[%dma_wait3A_82, %dma_wait3A_83] : memref<10112x128xf32, #tpu.memory_space<vmem_shared>> -> memref<10112x128xf32, #tpu.memory_space<vmem_shared>>
            tpu.wait_indirect_dma semaphore(%run_scoped3A : memref<!tpu.dma_semaphore, #tpu.memory_space<semaphore_mem>>) src(%arg12 : memref<128x128xf32, #tpu.memory_space<vmem>>) dst(%dma_wait3A_84 : memref<10112x128xf32, #tpu.memory_space<vmem_shared>>)
            tpu.yield
          }) : () -> ()
          %add3A_59 = arith.constant 1 : i32
          %add3A_60 = arith.addi %mul3A_45, %add3A_59 : i32
          %dma_wait3A_61 = arith.constant 0 : i32
          %dma_wait3A_62 = tpu.memref_slice %arg10[%add3A_60, %dma_wait3A_61] : memref<16x128xi32, #tpu.memory_space<vmem>> -> memref<1x128xi32, #tpu.memory_space<vmem>>
          %dma_wait3A_63 = tpu.memref_squeeze %dma_wait3A_62 : memref<1x128xi32, #tpu.memory_space<vmem>> -> memref<128xi32, #tpu.memory_space<vmem>>
          %dma_wait3A_64 = arith.constant 0 : i32
          %dma_wait3A_65 = arith.constant 0 : i32
          %dma_wait3A_66 = tpu.memref_slice %arg4[%dma_wait3A_64, %dma_wait3A_65] : memref<10000x128xf32, #tpu.memory_space<hbm>> -> memref<10000x128xf32, #tpu.memory_space<hbm>>
          tpu.wait_indirect_dma semaphore(%arg14 : memref<!tpu.dma_semaphore, #tpu.memory_space<semaphore_mem>>) src(%dma_wait3A_66 : memref<10000x128xf32, #tpu.memory_space<hbm>>) dst(%arg13 : memref<128x128xf32, #tpu.memory_space<vmem>>)
          %lt3A = arith.constant 7 : i32
          %lt3A_67 = arith.cmpi slt, %scan3A_43, %lt3A : i32
          %convert_element_type3A_68 = arith.extui %lt3A_67 : i1 to i32
          %cond3A_69 = arith.constant 0 : i32
          %cond3A_70 = arith.cmpi ne, %convert_element_type3A_68, %cond3A_69 : i32
          scf.if %cond3A_70 {
            %add3A_73 = arith.constant 2 : i32
            %add3A_74 = arith.addi %mul3A_45, %add3A_73 : i32
            %dma_start3A_75 = arith.constant 0 : i32
            %dma_start3A_76 = tpu.memref_slice %arg10[%add3A_74, %dma_start3A_75] : memref<16x128xi32, #tpu.memory_space<vmem>> -> memref<1x128xi32, #tpu.memory_space<vmem>>
            %dma_start3A_77 = tpu.memref_squeeze %dma_start3A_76 : memref<1x128xi32, #tpu.memory_space<vmem>> -> memref<128xi32, #tpu.memory_space<vmem>>
            %dma_start3A_78 = arith.constant 0 : i32
            %dma_start3A_79 = arith.constant 0 : i32
            %dma_start3A_80 = tpu.memref_slice %arg4[%dma_start3A_78, %dma_start3A_79] : memref<10000x128xf32, #tpu.memory_space<hbm>> -> memref<10000x128xf32, #tpu.memory_space<hbm>>
            tpu.enqueue_indirect_dma source(%dma_start3A_80 : memref<10000x128xf32, #tpu.memory_space<hbm>>) target(%arg12 : memref<128x128xf32, #tpu.memory_space<vmem>>) offsets(%dma_start3A_77 : memref<128xi32, #tpu.memory_space<vmem>>) semaphore(%arg14 : memref<!tpu.dma_semaphore, #tpu.memory_space<semaphore_mem>>)
          } else {
          }
          %add3A_71 = arith.constant 1 : i32
          %add3A_72 = arith.addi %mul3A_45, %add3A_71 : i32
          "tpu.region"() ({
            %run_scoped3A = tpu.sem_alloc : memref<!tpu.dma_semaphore, #tpu.memory_space<semaphore_mem>>
            %dma_start3A_73 = arith.constant 0 : i32
            %dma_start3A_74 = tpu.memref_slice %arg11[%add3A_72, %dma_start3A_73] : memref<16x128xi32, #tpu.memory_space<vmem>> -> memref<1x128xi32, #tpu.memory_space<vmem>>
            %dma_start3A_75 = tpu.memref_squeeze %dma_start3A_74 : memref<1x128xi32, #tpu.memory_space<vmem>> -> memref<128xi32, #tpu.memory_space<vmem>>
            %dma_start3A_76 = arith.constant 0 : i32
            %dma_start3A_77 = arith.constant 0 : i32
            %dma_start3A_78 = tpu.memref_slice %arg9[%dma_start3A_76, %dma_start3A_77] : memref<10112x128xf32, #tpu.memory_space<vmem_shared>> -> memref<10112x128xf32, #tpu.memory_space<vmem_shared>>
            tpu.enqueue_indirect_dma source(%arg13 : memref<128x128xf32, #tpu.memory_space<vmem>>) target(%dma_start3A_78 : memref<10112x128xf32, #tpu.memory_space<vmem_shared>>) offsets(%dma_start3A_75 : memref<128xi32, #tpu.memory_space<vmem>>) semaphore(%run_scoped3A : memref<!tpu.dma_semaphore, #tpu.memory_space<semaphore_mem>>) {add = true}
            %dma_wait3A_79 = arith.constant 0 : i32
            %dma_wait3A_80 = tpu.memref_slice %arg11[%add3A_72, %dma_wait3A_79] : memref<16x128xi32, #tpu.memory_space<vmem>> -> memref<1x128xi32, #tpu.memory_space<vmem>>
            %dma_wait3A_81 = tpu.memref_squeeze %dma_wait3A_80 : memref<1x128xi32, #tpu.memory_space<vmem>> -> memref<128xi32, #tpu.memory_space<vmem>>
            %dma_wait3A_82 = arith.constant 0 : i32
            %dma_wait3A_83 = arith.constant 0 : i32
            %dma_wait3A_84 = tpu.memref_slice %arg9[%dma_wait3A_82, %dma_wait3A_83] : memref<10112x128xf32, #tpu.memory_space<vmem_shared>> -> memref<10112x128xf32, #tpu.memory_space<vmem_shared>>
            tpu.wait_indirect_dma semaphore(%run_scoped3A : memref<!tpu.dma_semaphore, #tpu.memory_space<semaphore_mem>>) src(%arg13 : memref<128x128xf32, #tpu.memory_space<vmem>>) dst(%dma_wait3A_84 : memref<10112x128xf32, #tpu.memory_space<vmem_shared>>)
            tpu.yield
          }) : () -> ()
        }
        %scan3A_42 = arith.constant 8 : i32
      }
      %scan3A_25 = arith.constant 5 : i32
    } else {
    }
    %eq3A_5 = arith.constant 1 : i32
    %eq3A_6 = arith.cmpi eq, %arg0, %eq3A_5 : i32
    %convert_element_type3A_7 = arith.extui %eq3A_6 : i1 to i32
    %cond3A_8 = arith.constant 0 : i32
    %cond3A_9 = arith.cmpi ne, %convert_element_type3A_7, %cond3A_8 : i32
    scf.if %cond3A_9 {
      %scan3A = arith.constant 0 : i32
      %scan3A_21 = arith.constant 0 : i32
      %scan3A_22 = arith.constant 5 : i32
      %scan3A_23 = arith.addi %scan3A_21, %scan3A_22 : i32
      %scan3A_24 = arith.constant 1 : i32
      scf.for %scan3A_26 = %scan3A_21 to %scan3A_23 step %scan3A_24  : i32 {
        %mul3A_27 = arith.constant 80 : i32
        %mul3A_28 = arith.muli %arg1, %mul3A_27 : i32
        %mul3A_29 = arith.constant 16 : i32
        %mul3A_30 = arith.muli %scan3A_26, %mul3A_29 : i32
        %add3A = arith.addi %mul3A_28, %mul3A_30 : i32
        "tpu.region"() ({
          %run_scoped3A = tpu.sem_alloc : memref<!tpu.dma_semaphore, #tpu.memory_space<semaphore_mem>>
          %dma_start3A_43 = arith.constant 0 : i32
          %dma_start3A_44 = tpu.memref_slice %arg2[%add3A, %dma_start3A_43] : memref<1280x128xi32, #tpu.memory_space<hbm>> -> memref<16x128xi32, #tpu.memory_space<hbm>>
          %dma_start3A_45 = arith.constant 0 : i32
          %dma_start3A_46 = tpu.memref_slice %arg2[%add3A, %dma_start3A_45] : memref<1280x128xi32, #tpu.memory_space<hbm>> -> memref<16x128xi32, #tpu.memory_space<hbm>>
          tpu.enqueue_dma source(%dma_start3A_46 : memref<16x128xi32, #tpu.memory_space<hbm>>) target(%arg10 : memref<16x128xi32, #tpu.memory_space<vmem>>) target_semaphore(%run_scoped3A : memref<!tpu.dma_semaphore, #tpu.memory_space<semaphore_mem>>)
          %dma_wait3A = arith.constant 0 : i32
          %dma_wait3A_47 = tpu.memref_slice %arg2[%add3A, %dma_wait3A] : memref<1280x128xi32, #tpu.memory_space<hbm>> -> memref<16x128xi32, #tpu.memory_space<hbm>>
          %dma_wait3A_48 = arith.constant 0 : i32
          %dma_wait3A_49 = tpu.memref_slice %arg2[%add3A, %dma_wait3A_48] : memref<1280x128xi32, #tpu.memory_space<hbm>> -> memref<16x128xi32, #tpu.memory_space<hbm>>
          tpu.wait_dma2 semaphore(%run_scoped3A : memref<!tpu.dma_semaphore, #tpu.memory_space<semaphore_mem>>) src(%dma_wait3A_49 : memref<16x128xi32, #tpu.memory_space<hbm>>) dst(%arg10 : memref<16x128xi32, #tpu.memory_space<vmem>>)
          tpu.yield
        }) : () -> ()
        "tpu.region"() ({
          %run_scoped3A = tpu.sem_alloc : memref<!tpu.dma_semaphore, #tpu.memory_space<semaphore_mem>>
          %dma_start3A_43 = arith.constant 0 : i32
          %dma_start3A_44 = tpu.memref_slice %arg3[%add3A, %dma_start3A_43] : memref<1280x128xi32, #tpu.memory_space<hbm>> -> memref<16x128xi32, #tpu.memory_space<hbm>>
          %dma_start3A_45 = arith.constant 0 : i32
          %dma_start3A_46 = tpu.memref_slice %arg3[%add3A, %dma_start3A_45] : memref<1280x128xi32, #tpu.memory_space<hbm>> -> memref<16x128xi32, #tpu.memory_space<hbm>>
          tpu.enqueue_dma source(%dma_start3A_46 : memref<16x128xi32, #tpu.memory_space<hbm>>) target(%arg11 : memref<16x128xi32, #tpu.memory_space<vmem>>) target_semaphore(%run_scoped3A : memref<!tpu.dma_semaphore, #tpu.memory_space<semaphore_mem>>)
          %dma_wait3A = arith.constant 0 : i32
          %dma_wait3A_47 = tpu.memref_slice %arg3[%add3A, %dma_wait3A] : memref<1280x128xi32, #tpu.memory_space<hbm>> -> memref<16x128xi32, #tpu.memory_space<hbm>>
          %dma_wait3A_48 = arith.constant 0 : i32
          %dma_wait3A_49 = tpu.memref_slice %arg3[%add3A, %dma_wait3A_48] : memref<1280x128xi32, #tpu.memory_space<hbm>> -> memref<16x128xi32, #tpu.memory_space<hbm>>
          tpu.wait_dma2 semaphore(%run_scoped3A : memref<!tpu.dma_semaphore, #tpu.memory_space<semaphore_mem>>) src(%dma_wait3A_49 : memref<16x128xi32, #tpu.memory_space<hbm>>) dst(%arg11 : memref<16x128xi32, #tpu.memory_space<vmem>>)
          tpu.yield
        }) : () -> ()
        %dma_start3A = arith.constant 0 : i32
        %dma_start3A_31 = arith.constant 0 : i32
        %dma_start3A_32 = tpu.memref_slice %arg10[%dma_start3A, %dma_start3A_31] : memref<16x128xi32, #tpu.memory_space<vmem>> -> memref<1x128xi32, #tpu.memory_space<vmem>>
        %dma_start3A_33 = tpu.memref_squeeze %dma_start3A_32 : memref<1x128xi32, #tpu.memory_space<vmem>> -> memref<128xi32, #tpu.memory_space<vmem>>
        %dma_start3A_34 = arith.constant 0 : i32
        %dma_start3A_35 = arith.constant 0 : i32
        %dma_start3A_36 = tpu.memref_slice %arg5[%dma_start3A_34, %dma_start3A_35] : memref<10000x128xf32, #tpu.memory_space<hbm>> -> memref<10000x128xf32, #tpu.memory_space<hbm>>
        tpu.enqueue_indirect_dma source(%dma_start3A_36 : memref<10000x128xf32, #tpu.memory_space<hbm>>) target(%arg12 : memref<128x128xf32, #tpu.memory_space<vmem>>) offsets(%dma_start3A_33 : memref<128xi32, #tpu.memory_space<vmem>>) semaphore(%arg14 : memref<!tpu.dma_semaphore, #tpu.memory_space<semaphore_mem>>)
        %scan3A_37 = arith.constant 0 : i32
        %scan3A_38 = arith.constant 0 : i32
        %scan3A_39 = arith.constant 8 : i32
        %scan3A_40 = arith.addi %scan3A_38, %scan3A_39 : i32
        %scan3A_41 = arith.constant 1 : i32
        scf.for %scan3A_43 = %scan3A_38 to %scan3A_40 step %scan3A_41  : i32 {
          %mul3A_44 = arith.constant 2 : i32
          %mul3A_45 = arith.muli %mul3A_44, %scan3A_43 : i32
          %dma_wait3A = arith.constant 0 : i32
          %dma_wait3A_46 = tpu.memref_slice %arg10[%mul3A_45, %dma_wait3A] : memref<16x128xi32, #tpu.memory_space<vmem>> -> memref<1x128xi32, #tpu.memory_space<vmem>>
          %dma_wait3A_47 = tpu.memref_squeeze %dma_wait3A_46 : memref<1x128xi32, #tpu.memory_space<vmem>> -> memref<128xi32, #tpu.memory_space<vmem>>
          %dma_wait3A_48 = arith.constant 0 : i32
          %dma_wait3A_49 = arith.constant 0 : i32
          %dma_wait3A_50 = tpu.memref_slice %arg5[%dma_wait3A_48, %dma_wait3A_49] : memref<10000x128xf32, #tpu.memory_space<hbm>> -> memref<10000x128xf32, #tpu.memory_space<hbm>>
          tpu.wait_indirect_dma semaphore(%arg14 : memref<!tpu.dma_semaphore, #tpu.memory_space<semaphore_mem>>) src(%dma_wait3A_50 : memref<10000x128xf32, #tpu.memory_space<hbm>>) dst(%arg12 : memref<128x128xf32, #tpu.memory_space<vmem>>)
          %add3A_51 = arith.constant 1 : i32
          %add3A_52 = arith.addi %mul3A_45, %add3A_51 : i32
          %dma_start3A_53 = arith.constant 0 : i32
          %dma_start3A_54 = tpu.memref_slice %arg10[%add3A_52, %dma_start3A_53] : memref<16x128xi32, #tpu.memory_space<vmem>> -> memref<1x128xi32, #tpu.memory_space<vmem>>
          %dma_start3A_55 = tpu.memref_squeeze %dma_start3A_54 : memref<1x128xi32, #tpu.memory_space<vmem>> -> memref<128xi32, #tpu.memory_space<vmem>>
          %dma_start3A_56 = arith.constant 0 : i32
          %dma_start3A_57 = arith.constant 0 : i32
          %dma_start3A_58 = tpu.memref_slice %arg5[%dma_start3A_56, %dma_start3A_57] : memref<10000x128xf32, #tpu.memory_space<hbm>> -> memref<10000x128xf32, #tpu.memory_space<hbm>>
          tpu.enqueue_indirect_dma source(%dma_start3A_58 : memref<10000x128xf32, #tpu.memory_space<hbm>>) target(%arg13 : memref<128x128xf32, #tpu.memory_space<vmem>>) offsets(%dma_start3A_55 : memref<128xi32, #tpu.memory_space<vmem>>) semaphore(%arg14 : memref<!tpu.dma_semaphore, #tpu.memory_space<semaphore_mem>>)
          "tpu.region"() ({
            %run_scoped3A = tpu.sem_alloc : memref<!tpu.dma_semaphore, #tpu.memory_space<semaphore_mem>>
            %dma_start3A_73 = arith.constant 0 : i32
            %dma_start3A_74 = tpu.memref_slice %arg11[%mul3A_45, %dma_start3A_73] : memref<16x128xi32, #tpu.memory_space<vmem>> -> memref<1x128xi32, #tpu.memory_space<vmem>>
            %dma_start3A_75 = tpu.memref_squeeze %dma_start3A_74 : memref<1x128xi32, #tpu.memory_space<vmem>> -> memref<128xi32, #tpu.memory_space<vmem>>
            %dma_start3A_76 = arith.constant 0 : i32
            %dma_start3A_77 = arith.constant 0 : i32
            %dma_start3A_78 = tpu.memref_slice %arg9[%dma_start3A_76, %dma_start3A_77] : memref<10112x128xf32, #tpu.memory_space<vmem_shared>> -> memref<10112x128xf32, #tpu.memory_space<vmem_shared>>
            tpu.enqueue_indirect_dma source(%arg12 : memref<128x128xf32, #tpu.memory_space<vmem>>) target(%dma_start3A_78 : memref<10112x128xf32, #tpu.memory_space<vmem_shared>>) offsets(%dma_start3A_75 : memref<128xi32, #tpu.memory_space<vmem>>) semaphore(%run_scoped3A : memref<!tpu.dma_semaphore, #tpu.memory_space<semaphore_mem>>) {add = true}
            %dma_wait3A_79 = arith.constant 0 : i32
            %dma_wait3A_80 = tpu.memref_slice %arg11[%mul3A_45, %dma_wait3A_79] : memref<16x128xi32, #tpu.memory_space<vmem>> -> memref<1x128xi32, #tpu.memory_space<vmem>>
            %dma_wait3A_81 = tpu.memref_squeeze %dma_wait3A_80 : memref<1x128xi32, #tpu.memory_space<vmem>> -> memref<128xi32, #tpu.memory_space<vmem>>
            %dma_wait3A_82 = arith.constant 0 : i32
            %dma_wait3A_83 = arith.constant 0 : i32
            %dma_wait3A_84 = tpu.memref_slice %arg9[%dma_wait3A_82, %dma_wait3A_83] : memref<10112x128xf32, #tpu.memory_space<vmem_shared>> -> memref<10112x128xf32, #tpu.memory_space<vmem_shared>>
            tpu.wait_indirect_dma semaphore(%run_scoped3A : memref<!tpu.dma_semaphore, #tpu.memory_space<semaphore_mem>>) src(%arg12 : memref<128x128xf32, #tpu.memory_space<vmem>>) dst(%dma_wait3A_84 : memref<10112x128xf32, #tpu.memory_space<vmem_shared>>)
            tpu.yield
          }) : () -> ()
          %add3A_59 = arith.constant 1 : i32
          %add3A_60 = arith.addi %mul3A_45, %add3A_59 : i32
          %dma_wait3A_61 = arith.constant 0 : i32
          %dma_wait3A_62 = tpu.memref_slice %arg10[%add3A_60, %dma_wait3A_61] : memref<16x128xi32, #tpu.memory_space<vmem>> -> memref<1x128xi32, #tpu.memory_space<vmem>>
          %dma_wait3A_63 = tpu.memref_squeeze %dma_wait3A_62 : memref<1x128xi32, #tpu.memory_space<vmem>> -> memref<128xi32, #tpu.memory_space<vmem>>
          %dma_wait3A_64 = arith.constant 0 : i32
          %dma_wait3A_65 = arith.constant 0 : i32
          %dma_wait3A_66 = tpu.memref_slice %arg5[%dma_wait3A_64, %dma_wait3A_65] : memref<10000x128xf32, #tpu.memory_space<hbm>> -> memref<10000x128xf32, #tpu.memory_space<hbm>>
          tpu.wait_indirect_dma semaphore(%arg14 : memref<!tpu.dma_semaphore, #tpu.memory_space<semaphore_mem>>) src(%dma_wait3A_66 : memref<10000x128xf32, #tpu.memory_space<hbm>>) dst(%arg13 : memref<128x128xf32, #tpu.memory_space<vmem>>)
          %lt3A = arith.constant 7 : i32
          %lt3A_67 = arith.cmpi slt, %scan3A_43, %lt3A : i32
          %convert_element_type3A_68 = arith.extui %lt3A_67 : i1 to i32
          %cond3A_69 = arith.constant 0 : i32
          %cond3A_70 = arith.cmpi ne, %convert_element_type3A_68, %cond3A_69 : i32
          scf.if %cond3A_70 {
            %add3A_73 = arith.constant 2 : i32
            %add3A_74 = arith.addi %mul3A_45, %add3A_73 : i32
            %dma_start3A_75 = arith.constant 0 : i32
            %dma_start3A_76 = tpu.memref_slice %arg10[%add3A_74, %dma_start3A_75] : memref<16x128xi32, #tpu.memory_space<vmem>> -> memref<1x128xi32, #tpu.memory_space<vmem>>
            %dma_start3A_77 = tpu.memref_squeeze %dma_start3A_76 : memref<1x128xi32, #tpu.memory_space<vmem>> -> memref<128xi32, #tpu.memory_space<vmem>>
            %dma_start3A_78 = arith.constant 0 : i32
            %dma_start3A_79 = arith.constant 0 : i32
            %dma_start3A_80 = tpu.memref_slice %arg5[%dma_start3A_78, %dma_start3A_79] : memref<10000x128xf32, #tpu.memory_space<hbm>> -> memref<10000x128xf32, #tpu.memory_space<hbm>>
            tpu.enqueue_indirect_dma source(%dma_start3A_80 : memref<10000x128xf32, #tpu.memory_space<hbm>>) target(%arg12 : memref<128x128xf32, #tpu.memory_space<vmem>>) offsets(%dma_start3A_77 : memref<128xi32, #tpu.memory_space<vmem>>) semaphore(%arg14 : memref<!tpu.dma_semaphore, #tpu.memory_space<semaphore_mem>>)
          } else {
          }
          %add3A_71 = arith.constant 1 : i32
          %add3A_72 = arith.addi %mul3A_45, %add3A_71 : i32
          "tpu.region"() ({
            %run_scoped3A = tpu.sem_alloc : memref<!tpu.dma_semaphore, #tpu.memory_space<semaphore_mem>>
            %dma_start3A_73 = arith.constant 0 : i32
            %dma_start3A_74 = tpu.memref_slice %arg11[%add3A_72, %dma_start3A_73] : memref<16x128xi32, #tpu.memory_space<vmem>> -> memref<1x128xi32, #tpu.memory_space<vmem>>
            %dma_start3A_75 = tpu.memref_squeeze %dma_start3A_74 : memref<1x128xi32, #tpu.memory_space<vmem>> -> memref<128xi32, #tpu.memory_space<vmem>>
            %dma_start3A_76 = arith.constant 0 : i32
            %dma_start3A_77 = arith.constant 0 : i32
            %dma_start3A_78 = tpu.memref_slice %arg9[%dma_start3A_76, %dma_start3A_77] : memref<10112x128xf32, #tpu.memory_space<vmem_shared>> -> memref<10112x128xf32, #tpu.memory_space<vmem_shared>>
            tpu.enqueue_indirect_dma source(%arg13 : memref<128x128xf32, #tpu.memory_space<vmem>>) target(%dma_start3A_78 : memref<10112x128xf32, #tpu.memory_space<vmem_shared>>) offsets(%dma_start3A_75 : memref<128xi32, #tpu.memory_space<vmem>>) semaphore(%run_scoped3A : memref<!tpu.dma_semaphore, #tpu.memory_space<semaphore_mem>>) {add = true}
            %dma_wait3A_79 = arith.constant 0 : i32
            %dma_wait3A_80 = tpu.memref_slice %arg11[%add3A_72, %dma_wait3A_79] : memref<16x128xi32, #tpu.memory_space<vmem>> -> memref<1x128xi32, #tpu.memory_space<vmem>>
            %dma_wait3A_81 = tpu.memref_squeeze %dma_wait3A_80 : memref<1x128xi32, #tpu.memory_space<vmem>> -> memref<128xi32, #tpu.memory_space<vmem>>
            %dma_wait3A_82 = arith.constant 0 : i32
            %dma_wait3A_83 = arith.constant 0 : i32
            %dma_wait3A_84 = tpu.memref_slice %arg9[%dma_wait3A_82, %dma_wait3A_83] : memref<10112x128xf32, #tpu.memory_space<vmem_shared>> -> memref<10112x128xf32, #tpu.memory_space<vmem_shared>>
            tpu.wait_indirect_dma semaphore(%run_scoped3A : memref<!tpu.dma_semaphore, #tpu.memory_space<semaphore_mem>>) src(%arg13 : memref<128x128xf32, #tpu.memory_space<vmem>>) dst(%dma_wait3A_84 : memref<10112x128xf32, #tpu.memory_space<vmem_shared>>)
            tpu.yield
          }) : () -> ()
        }
        %scan3A_42 = arith.constant 8 : i32
      }
      %scan3A_25 = arith.constant 5 : i32
    } else {
    }
    %barrier3A_10 = arith.constant 0 : index
    tpu.barrier barrier_id(%barrier3A_10)
    %eq3A_11 = arith.constant 0 : i32
    %eq3A_12 = arith.cmpi eq, %arg0, %eq3A_11 : i32
    %convert_element_type3A_13 = arith.extui %eq3A_12 : i1 to i32
    %cond3A_14 = arith.constant 0 : i32
    %cond3A_15 = arith.cmpi ne, %convert_element_type3A_13, %cond3A_14 : i32
    scf.if %cond3A_15 {
      %mul3A_21 = arith.constant 624 : i32
      %mul3A_22 = arith.muli %arg1, %mul3A_21 : i32
      %mul3A_23 = arith.constant 624 : i32
      %mul3A_24 = arith.muli %arg1, %mul3A_23 : i32
      "tpu.region"() ({
        %run_scoped3A = tpu.sem_alloc : memref<!tpu.dma_semaphore, #tpu.memory_space<semaphore_mem>>
        %dma_start3A = arith.constant 0 : i32
        %dma_start3A_30 = tpu.memref_slice %arg7[%mul3A_24, %dma_start3A] : memref<10000x128xf32, #tpu.memory_space<hbm>> -> memref<624x128xf32, #tpu.memory_space<hbm>>
        %dma_start3A_31 = arith.constant 0 : i32
        %dma_start3A_32 = tpu.memref_slice %arg9[%mul3A_22, %dma_start3A_31] : memref<10112x128xf32, #tpu.memory_space<vmem_shared>> -> memref<624x128xf32, #tpu.memory_space<vmem_shared>>
        tpu.enqueue_dma source(%dma_start3A_32 : memref<624x128xf32, #tpu.memory_space<vmem_shared>>) target(%dma_start3A_30 : memref<624x128xf32, #tpu.memory_space<hbm>>) target_semaphore(%run_scoped3A : memref<!tpu.dma_semaphore, #tpu.memory_space<semaphore_mem>>)
        %dma_wait3A = arith.constant 0 : i32
        %dma_wait3A_33 = tpu.memref_slice %arg7[%mul3A_24, %dma_wait3A] : memref<10000x128xf32, #tpu.memory_space<hbm>> -> memref<624x128xf32, #tpu.memory_space<hbm>>
        %dma_wait3A_34 = arith.constant 0 : i32
        %dma_wait3A_35 = tpu.memref_slice %arg9[%mul3A_22, %dma_wait3A_34] : memref<10112x128xf32, #tpu.memory_space<vmem_shared>> -> memref<624x128xf32, #tpu.memory_space<vmem_shared>>
        tpu.wait_dma2 semaphore(%run_scoped3A : memref<!tpu.dma_semaphore, #tpu.memory_space<semaphore_mem>>) src(%dma_wait3A_35 : memref<624x128xf32, #tpu.memory_space<vmem_shared>>) dst(%dma_wait3A_33 : memref<624x128xf32, #tpu.memory_space<hbm>>)
        tpu.yield
      }) : () -> ()
      %eq3A_25 = arith.constant 15 : i32
      %eq3A_26 = arith.cmpi eq, %arg1, %eq3A_25 : i32
      %convert_element_type3A_27 = arith.extui %eq3A_26 : i1 to i32
      %cond3A_28 = arith.constant 0 : i32
      %cond3A_29 = arith.cmpi ne, %convert_element_type3A_27, %cond3A_28 : i32
      scf.if %cond3A_29 {
        "tpu.region"() ({
          %run_scoped3A = tpu.sem_alloc : memref<!tpu.dma_semaphore, #tpu.memory_space<semaphore_mem>>
          %dma_start3A = arith.constant 9984 : i32
          %dma_start3A_30 = arith.constant 0 : i32
          %dma_start3A_31 = tpu.memref_slice %arg7[%dma_start3A, %dma_start3A_30] : memref<10000x128xf32, #tpu.memory_space<hbm>> -> memref<16x128xf32, #tpu.memory_space<hbm>>
          %dma_start3A_32 = arith.constant 9984 : i32
          %dma_start3A_33 = arith.constant 0 : i32
          %dma_start3A_34 = tpu.memref_slice %arg9[%dma_start3A_32, %dma_start3A_33] : memref<10112x128xf32, #tpu.memory_space<vmem_shared>> -> memref<16x128xf32, #tpu.memory_space<vmem_shared>>
          tpu.enqueue_dma source(%dma_start3A_34 : memref<16x128xf32, #tpu.memory_space<vmem_shared>>) target(%dma_start3A_31 : memref<16x128xf32, #tpu.memory_space<hbm>>) target_semaphore(%run_scoped3A : memref<!tpu.dma_semaphore, #tpu.memory_space<semaphore_mem>>)
          %dma_wait3A = arith.constant 9984 : i32
          %dma_wait3A_35 = arith.constant 0 : i32
          %dma_wait3A_36 = tpu.memref_slice %arg7[%dma_wait3A, %dma_wait3A_35] : memref<10000x128xf32, #tpu.memory_space<hbm>> -> memref<16x128xf32, #tpu.memory_space<hbm>>
          %dma_wait3A_37 = arith.constant 9984 : i32
          %dma_wait3A_38 = arith.constant 0 : i32
          %dma_wait3A_39 = tpu.memref_slice %arg9[%dma_wait3A_37, %dma_wait3A_38] : memref<10112x128xf32, #tpu.memory_space<vmem_shared>> -> memref<16x128xf32, #tpu.memory_space<vmem_shared>>
          tpu.wait_dma2 semaphore(%run_scoped3A : memref<!tpu.dma_semaphore, #tpu.memory_space<semaphore_mem>>) src(%dma_wait3A_39 : memref<16x128xf32, #tpu.memory_space<vmem_shared>>) dst(%dma_wait3A_36 : memref<16x128xf32, #tpu.memory_space<hbm>>)
          tpu.yield
        }) : () -> ()
      } else {
      }
    } else {
    }
    %eq3A_16 = arith.constant 1 : i32
    %eq3A_17 = arith.cmpi eq, %arg0, %eq3A_16 : i32
    %convert_element_type3A_18 = arith.extui %eq3A_17 : i1 to i32
    %cond3A_19 = arith.constant 0 : i32
    %cond3A_20 = arith.cmpi ne, %convert_element_type3A_18, %cond3A_19 : i32
    scf.if %cond3A_20 {
      %mul3A_21 = arith.constant 624 : i32
      %mul3A_22 = arith.muli %arg1, %mul3A_21 : i32
      %mul3A_23 = arith.constant 624 : i32
      %mul3A_24 = arith.muli %arg1, %mul3A_23 : i32
      "tpu.region"() ({
        %run_scoped3A = tpu.sem_alloc : memref<!tpu.dma_semaphore, #tpu.memory_space<semaphore_mem>>
        %dma_start3A = arith.constant 0 : i32
        %dma_start3A_30 = tpu.memref_slice %arg8[%mul3A_24, %dma_start3A] : memref<10000x128xf32, #tpu.memory_space<hbm>> -> memref<624x128xf32, #tpu.memory_space<hbm>>
        %dma_start3A_31 = arith.constant 0 : i32
        %dma_start3A_32 = tpu.memref_slice %arg9[%mul3A_22, %dma_start3A_31] : memref<10112x128xf32, #tpu.memory_space<vmem_shared>> -> memref<624x128xf32, #tpu.memory_space<vmem_shared>>
        tpu.enqueue_dma source(%dma_start3A_32 : memref<624x128xf32, #tpu.memory_space<vmem_shared>>) target(%dma_start3A_30 : memref<624x128xf32, #tpu.memory_space<hbm>>) target_semaphore(%run_scoped3A : memref<!tpu.dma_semaphore, #tpu.memory_space<semaphore_mem>>)
        %dma_wait3A = arith.constant 0 : i32
        %dma_wait3A_33 = tpu.memref_slice %arg8[%mul3A_24, %dma_wait3A] : memref<10000x128xf32, #tpu.memory_space<hbm>> -> memref<624x128xf32, #tpu.memory_space<hbm>>
        %dma_wait3A_34 = arith.constant 0 : i32
        %dma_wait3A_35 = tpu.memref_slice %arg9[%mul3A_22, %dma_wait3A_34] : memref<10112x128xf32, #tpu.memory_space<vmem_shared>> -> memref<624x128xf32, #tpu.memory_space<vmem_shared>>
        tpu.wait_dma2 semaphore(%run_scoped3A : memref<!tpu.dma_semaphore, #tpu.memory_space<semaphore_mem>>) src(%dma_wait3A_35 : memref<624x128xf32, #tpu.memory_space<vmem_shared>>) dst(%dma_wait3A_33 : memref<624x128xf32, #tpu.memory_space<hbm>>)
        tpu.yield
      }) : () -> ()
      %eq3A_25 = arith.constant 15 : i32
      %eq3A_26 = arith.cmpi eq, %arg1, %eq3A_25 : i32
      %convert_element_type3A_27 = arith.extui %eq3A_26 : i1 to i32
      %cond3A_28 = arith.constant 0 : i32
      %cond3A_29 = arith.cmpi ne, %convert_element_type3A_27, %cond3A_28 : i32
      scf.if %cond3A_29 {
        "tpu.region"() ({
          %run_scoped3A = tpu.sem_alloc : memref<!tpu.dma_semaphore, #tpu.memory_space<semaphore_mem>>
          %dma_start3A = arith.constant 9984 : i32
          %dma_start3A_30 = arith.constant 0 : i32
          %dma_start3A_31 = tpu.memref_slice %arg8[%dma_start3A, %dma_start3A_30] : memref<10000x128xf32, #tpu.memory_space<hbm>> -> memref<16x128xf32, #tpu.memory_space<hbm>>
          %dma_start3A_32 = arith.constant 9984 : i32
          %dma_start3A_33 = arith.constant 0 : i32
          %dma_start3A_34 = tpu.memref_slice %arg9[%dma_start3A_32, %dma_start3A_33] : memref<10112x128xf32, #tpu.memory_space<vmem_shared>> -> memref<16x128xf32, #tpu.memory_space<vmem_shared>>
          tpu.enqueue_dma source(%dma_start3A_34 : memref<16x128xf32, #tpu.memory_space<vmem_shared>>) target(%dma_start3A_31 : memref<16x128xf32, #tpu.memory_space<hbm>>) target_semaphore(%run_scoped3A : memref<!tpu.dma_semaphore, #tpu.memory_space<semaphore_mem>>)
          %dma_wait3A = arith.constant 9984 : i32
          %dma_wait3A_35 = arith.constant 0 : i32
          %dma_wait3A_36 = tpu.memref_slice %arg8[%dma_wait3A, %dma_wait3A_35] : memref<10000x128xf32, #tpu.memory_space<hbm>> -> memref<16x128xf32, #tpu.memory_space<hbm>>
          %dma_wait3A_37 = arith.constant 9984 : i32
          %dma_wait3A_38 = arith.constant 0 : i32
          %dma_wait3A_39 = tpu.memref_slice %arg9[%dma_wait3A_37, %dma_wait3A_38] : memref<10112x128xf32, #tpu.memory_space<vmem_shared>> -> memref<16x128xf32, #tpu.memory_space<vmem_shared>>
          tpu.wait_dma2 semaphore(%run_scoped3A : memref<!tpu.dma_semaphore, #tpu.memory_space<semaphore_mem>>) src(%dma_wait3A_39 : memref<16x128xf32, #tpu.memory_space<vmem_shared>>) dst(%dma_wait3A_36 : memref<16x128xf32, #tpu.memory_space<hbm>>)
          tpu.yield
        }) : () -> ()
      } else {
      }
    } else {
    }
    return
  }
}

#map = affine_map<(d0, d1) -> (0, 0)>
module attributes {stable_mosaic.version = 14 : i64} {
  func.func @_prop_body(%arg0: i32, %arg1: i32, %arg2: memref<1280x128xi32, #tpu.memory_space<hbm>>, %arg3: memref<1280x128xi32, #tpu.memory_space<hbm>>, %arg4: memref<10000x128xf32, #tpu.memory_space<hbm>>, %arg5: memref<10000x128xf32, #tpu.memory_space<hbm>>, %arg6: memref<10112x128xf32, #tpu.memory_space<hbm>>, %arg7: memref<10000x128xf32, #tpu.memory_space<hbm>>, %arg8: memref<10000x128xf32, #tpu.memory_space<hbm>>, %arg9: memref<10112x128xf32, #tpu.memory_space<vmem_shared>>, %arg10: memref<16x128xi32, #tpu.memory_space<vmem>>, %arg11: memref<16x128xi32, #tpu.memory_space<vmem>>, %arg12: memref<128x128xf32, #tpu.memory_space<vmem>>, %arg13: memref<128x128xf32, #tpu.memory_space<vmem>>, %arg14: memref<!tpu.dma_semaphore, #tpu.memory_space<semaphore_mem>>) attributes {dimension_semantics = [#tpu.dimension_semantics<core_parallel>, #tpu.dimension_semantics<subcore_parallel>], iteration_bounds = array<i64: 2, 16>, scalar_prefetch = 0 : i64, scratch_operands = 6 : i64, tpu.core_type = #tpu.core_type<sc_vector_subcore>, window_params = [{transform_indices = #map}, {transform_indices = #map}, {transform_indices = #map}, {transform_indices = #map}, {transform_indices = #map}, {transform_indices = #map}, {transform_indices = #map}]} {
    %mul3A = arith.constant 632 : i32
    %mul3A_0 = arith.muli %arg1, %mul3A : i32
    %mul3A_1 = arith.constant 632 : i32
    %mul3A_2 = arith.muli %arg1, %mul3A_1 : i32
    "tpu.region"() ({
      %run_scoped3A = tpu.sem_alloc : memref<!tpu.dma_semaphore, #tpu.memory_space<semaphore_mem>>
      %dma_start3A = arith.constant 0 : i32
      %dma_start3A_21 = tpu.memref_slice %arg9[%mul3A_2, %dma_start3A] : memref<10112x128xf32, #tpu.memory_space<vmem_shared>> -> memref<632x128xf32, #tpu.memory_space<vmem_shared>>
      %dma_start3A_22 = arith.constant 0 : i32
      %dma_start3A_23 = tpu.memref_slice %arg6[%mul3A_0, %dma_start3A_22] : memref<10112x128xf32, #tpu.memory_space<hbm>> -> memref<632x128xf32, #tpu.memory_space<hbm>>
      tpu.enqueue_dma source(%dma_start3A_23 : memref<632x128xf32, #tpu.memory_space<hbm>>) target(%dma_start3A_21 : memref<632x128xf32, #tpu.memory_space<vmem_shared>>) target_semaphore(%run_scoped3A : memref<!tpu.dma_semaphore, #tpu.memory_space<semaphore_mem>>)
      %dma_wait3A = arith.constant 0 : i32
      %dma_wait3A_24 = tpu.memref_slice %arg9[%mul3A_2, %dma_wait3A] : memref<10112x128xf32, #tpu.memory_space<vmem_shared>> -> memref<632x128xf32, #tpu.memory_space<vmem_shared>>
      %dma_wait3A_25 = arith.constant 0 : i32
      %dma_wait3A_26 = tpu.memref_slice %arg6[%mul3A_0, %dma_wait3A_25] : memref<10112x128xf32, #tpu.memory_space<hbm>> -> memref<632x128xf32, #tpu.memory_space<hbm>>
      tpu.wait_dma2 semaphore(%run_scoped3A : memref<!tpu.dma_semaphore, #tpu.memory_space<semaphore_mem>>) src(%dma_wait3A_26 : memref<632x128xf32, #tpu.memory_space<hbm>>) dst(%dma_wait3A_24 : memref<632x128xf32, #tpu.memory_space<vmem_shared>>)
      tpu.yield
    }) : () -> ()
    %barrier3A = arith.constant 0 : index
    tpu.barrier barrier_id(%barrier3A)
    %eq3A = arith.constant 0 : i32
    %eq3A_3 = arith.cmpi eq, %arg0, %eq3A : i32
    %convert_element_type3A = arith.extui %eq3A_3 : i1 to i32
    %cond3A = arith.constant 0 : i32
    %cond3A_4 = arith.cmpi ne, %convert_element_type3A, %cond3A : i32
    scf.if %cond3A_4 {
      %scan3A = arith.constant 0 : i32
      %scan3A_21 = arith.constant 0 : i32
      %scan3A_22 = arith.constant 5 : i32
      %scan3A_23 = arith.addi %scan3A_21, %scan3A_22 : i32
      %scan3A_24 = arith.constant 1 : i32
      scf.for %scan3A_26 = %scan3A_21 to %scan3A_23 step %scan3A_24  : i32 {
        %mul3A_27 = arith.constant 80 : i32
        %mul3A_28 = arith.muli %arg1, %mul3A_27 : i32
        %mul3A_29 = arith.constant 16 : i32
        %mul3A_30 = arith.muli %scan3A_26, %mul3A_29 : i32
        %add3A = arith.addi %mul3A_28, %mul3A_30 : i32
        "tpu.region"() ({
          %run_scoped3A = tpu.sem_alloc : memref<!tpu.dma_semaphore, #tpu.memory_space<semaphore_mem>>
          %dma_start3A_43 = arith.constant 0 : i32
          %dma_start3A_44 = tpu.memref_slice %arg2[%add3A, %dma_start3A_43] : memref<1280x128xi32, #tpu.memory_space<hbm>> -> memref<16x128xi32, #tpu.memory_space<hbm>>
          %dma_start3A_45 = arith.constant 0 : i32
          %dma_start3A_46 = tpu.memref_slice %arg2[%add3A, %dma_start3A_45] : memref<1280x128xi32, #tpu.memory_space<hbm>> -> memref<16x128xi32, #tpu.memory_space<hbm>>
          tpu.enqueue_dma source(%dma_start3A_46 : memref<16x128xi32, #tpu.memory_space<hbm>>) target(%arg10 : memref<16x128xi32, #tpu.memory_space<vmem>>) target_semaphore(%run_scoped3A : memref<!tpu.dma_semaphore, #tpu.memory_space<semaphore_mem>>)
          %dma_wait3A = arith.constant 0 : i32
          %dma_wait3A_47 = tpu.memref_slice %arg2[%add3A, %dma_wait3A] : memref<1280x128xi32, #tpu.memory_space<hbm>> -> memref<16x128xi32, #tpu.memory_space<hbm>>
          %dma_wait3A_48 = arith.constant 0 : i32
          %dma_wait3A_49 = tpu.memref_slice %arg2[%add3A, %dma_wait3A_48] : memref<1280x128xi32, #tpu.memory_space<hbm>> -> memref<16x128xi32, #tpu.memory_space<hbm>>
          tpu.wait_dma2 semaphore(%run_scoped3A : memref<!tpu.dma_semaphore, #tpu.memory_space<semaphore_mem>>) src(%dma_wait3A_49 : memref<16x128xi32, #tpu.memory_space<hbm>>) dst(%arg10 : memref<16x128xi32, #tpu.memory_space<vmem>>)
          tpu.yield
        }) : () -> ()
        "tpu.region"() ({
          %run_scoped3A = tpu.sem_alloc : memref<!tpu.dma_semaphore, #tpu.memory_space<semaphore_mem>>
          %dma_start3A_43 = arith.constant 0 : i32
          %dma_start3A_44 = tpu.memref_slice %arg3[%add3A, %dma_start3A_43] : memref<1280x128xi32, #tpu.memory_space<hbm>> -> memref<16x128xi32, #tpu.memory_space<hbm>>
          %dma_start3A_45 = arith.constant 0 : i32
          %dma_start3A_46 = tpu.memref_slice %arg3[%add3A, %dma_start3A_45] : memref<1280x128xi32, #tpu.memory_space<hbm>> -> memref<16x128xi32, #tpu.memory_space<hbm>>
          tpu.enqueue_dma source(%dma_start3A_46 : memref<16x128xi32, #tpu.memory_space<hbm>>) target(%arg11 : memref<16x128xi32, #tpu.memory_space<vmem>>) target_semaphore(%run_scoped3A : memref<!tpu.dma_semaphore, #tpu.memory_space<semaphore_mem>>)
          %dma_wait3A = arith.constant 0 : i32
          %dma_wait3A_47 = tpu.memref_slice %arg3[%add3A, %dma_wait3A] : memref<1280x128xi32, #tpu.memory_space<hbm>> -> memref<16x128xi32, #tpu.memory_space<hbm>>
          %dma_wait3A_48 = arith.constant 0 : i32
          %dma_wait3A_49 = tpu.memref_slice %arg3[%add3A, %dma_wait3A_48] : memref<1280x128xi32, #tpu.memory_space<hbm>> -> memref<16x128xi32, #tpu.memory_space<hbm>>
          tpu.wait_dma2 semaphore(%run_scoped3A : memref<!tpu.dma_semaphore, #tpu.memory_space<semaphore_mem>>) src(%dma_wait3A_49 : memref<16x128xi32, #tpu.memory_space<hbm>>) dst(%arg11 : memref<16x128xi32, #tpu.memory_space<vmem>>)
          tpu.yield
        }) : () -> ()
        %dma_start3A = arith.constant 0 : i32
        %dma_start3A_31 = arith.constant 0 : i32
        %dma_start3A_32 = tpu.memref_slice %arg10[%dma_start3A, %dma_start3A_31] : memref<16x128xi32, #tpu.memory_space<vmem>> -> memref<1x128xi32, #tpu.memory_space<vmem>>
        %dma_start3A_33 = tpu.memref_squeeze %dma_start3A_32 : memref<1x128xi32, #tpu.memory_space<vmem>> -> memref<128xi32, #tpu.memory_space<vmem>>
        %dma_start3A_34 = arith.constant 0 : i32
        %dma_start3A_35 = arith.constant 0 : i32
        %dma_start3A_36 = tpu.memref_slice %arg4[%dma_start3A_34, %dma_start3A_35] : memref<10000x128xf32, #tpu.memory_space<hbm>> -> memref<10000x128xf32, #tpu.memory_space<hbm>>
        tpu.enqueue_indirect_dma source(%dma_start3A_36 : memref<10000x128xf32, #tpu.memory_space<hbm>>) target(%arg12 : memref<128x128xf32, #tpu.memory_space<vmem>>) offsets(%dma_start3A_33 : memref<128xi32, #tpu.memory_space<vmem>>) semaphore(%arg14 : memref<!tpu.dma_semaphore, #tpu.memory_space<semaphore_mem>>)
        %scan3A_37 = arith.constant 0 : i32
        %scan3A_38 = arith.constant 0 : i32
        %scan3A_39 = arith.constant 8 : i32
        %scan3A_40 = arith.addi %scan3A_38, %scan3A_39 : i32
        %scan3A_41 = arith.constant 1 : i32
        scf.for %scan3A_43 = %scan3A_38 to %scan3A_40 step %scan3A_41  : i32 {
          %mul3A_44 = arith.constant 2 : i32
          %mul3A_45 = arith.muli %mul3A_44, %scan3A_43 : i32
          %dma_wait3A = arith.constant 0 : i32
          %dma_wait3A_46 = tpu.memref_slice %arg10[%mul3A_45, %dma_wait3A] : memref<16x128xi32, #tpu.memory_space<vmem>> -> memref<1x128xi32, #tpu.memory_space<vmem>>
          %dma_wait3A_47 = tpu.memref_squeeze %dma_wait3A_46 : memref<1x128xi32, #tpu.memory_space<vmem>> -> memref<128xi32, #tpu.memory_space<vmem>>
          %dma_wait3A_48 = arith.constant 0 : i32
          %dma_wait3A_49 = arith.constant 0 : i32
          %dma_wait3A_50 = tpu.memref_slice %arg4[%dma_wait3A_48, %dma_wait3A_49] : memref<10000x128xf32, #tpu.memory_space<hbm>> -> memref<10000x128xf32, #tpu.memory_space<hbm>>
          tpu.wait_indirect_dma semaphore(%arg14 : memref<!tpu.dma_semaphore, #tpu.memory_space<semaphore_mem>>) src(%dma_wait3A_50 : memref<10000x128xf32, #tpu.memory_space<hbm>>) dst(%arg12 : memref<128x128xf32, #tpu.memory_space<vmem>>)
          %add3A_51 = arith.constant 1 : i32
          %add3A_52 = arith.addi %mul3A_45, %add3A_51 : i32
          %dma_start3A_53 = arith.constant 0 : i32
          %dma_start3A_54 = tpu.memref_slice %arg10[%add3A_52, %dma_start3A_53] : memref<16x128xi32, #tpu.memory_space<vmem>> -> memref<1x128xi32, #tpu.memory_space<vmem>>
          %dma_start3A_55 = tpu.memref_squeeze %dma_start3A_54 : memref<1x128xi32, #tpu.memory_space<vmem>> -> memref<128xi32, #tpu.memory_space<vmem>>
          %dma_start3A_56 = arith.constant 0 : i32
          %dma_start3A_57 = arith.constant 0 : i32
          %dma_start3A_58 = tpu.memref_slice %arg4[%dma_start3A_56, %dma_start3A_57] : memref<10000x128xf32, #tpu.memory_space<hbm>> -> memref<10000x128xf32, #tpu.memory_space<hbm>>
          tpu.enqueue_indirect_dma source(%dma_start3A_58 : memref<10000x128xf32, #tpu.memory_space<hbm>>) target(%arg13 : memref<128x128xf32, #tpu.memory_space<vmem>>) offsets(%dma_start3A_55 : memref<128xi32, #tpu.memory_space<vmem>>) semaphore(%arg14 : memref<!tpu.dma_semaphore, #tpu.memory_space<semaphore_mem>>)
          "tpu.region"() ({
            %run_scoped3A = tpu.sem_alloc : memref<!tpu.dma_semaphore, #tpu.memory_space<semaphore_mem>>
            %dma_start3A_73 = arith.constant 0 : i32
            %dma_start3A_74 = tpu.memref_slice %arg11[%mul3A_45, %dma_start3A_73] : memref<16x128xi32, #tpu.memory_space<vmem>> -> memref<1x128xi32, #tpu.memory_space<vmem>>
            %dma_start3A_75 = tpu.memref_squeeze %dma_start3A_74 : memref<1x128xi32, #tpu.memory_space<vmem>> -> memref<128xi32, #tpu.memory_space<vmem>>
            %dma_start3A_76 = arith.constant 0 : i32
            %dma_start3A_77 = arith.constant 0 : i32
            %dma_start3A_78 = tpu.memref_slice %arg9[%dma_start3A_76, %dma_start3A_77] : memref<10112x128xf32, #tpu.memory_space<vmem_shared>> -> memref<10112x128xf32, #tpu.memory_space<vmem_shared>>
            tpu.enqueue_indirect_dma source(%arg12 : memref<128x128xf32, #tpu.memory_space<vmem>>) target(%dma_start3A_78 : memref<10112x128xf32, #tpu.memory_space<vmem_shared>>) offsets(%dma_start3A_75 : memref<128xi32, #tpu.memory_space<vmem>>) semaphore(%run_scoped3A : memref<!tpu.dma_semaphore, #tpu.memory_space<semaphore_mem>>) {add = true}
            %dma_wait3A_79 = arith.constant 0 : i32
            %dma_wait3A_80 = tpu.memref_slice %arg11[%mul3A_45, %dma_wait3A_79] : memref<16x128xi32, #tpu.memory_space<vmem>> -> memref<1x128xi32, #tpu.memory_space<vmem>>
            %dma_wait3A_81 = tpu.memref_squeeze %dma_wait3A_80 : memref<1x128xi32, #tpu.memory_space<vmem>> -> memref<128xi32, #tpu.memory_space<vmem>>
            %dma_wait3A_82 = arith.constant 0 : i32
            %dma_wait3A_83 = arith.constant 0 : i32
            %dma_wait3A_84 = tpu.memref_slice %arg9[%dma_wait3A_82, %dma_wait3A_83] : memref<10112x128xf32, #tpu.memory_space<vmem_shared>> -> memref<10112x128xf32, #tpu.memory_space<vmem_shared>>
            tpu.wait_indirect_dma semaphore(%run_scoped3A : memref<!tpu.dma_semaphore, #tpu.memory_space<semaphore_mem>>) src(%arg12 : memref<128x128xf32, #tpu.memory_space<vmem>>) dst(%dma_wait3A_84 : memref<10112x128xf32, #tpu.memory_space<vmem_shared>>)
            tpu.yield
          }) : () -> ()
          %add3A_59 = arith.constant 1 : i32
          %add3A_60 = arith.addi %mul3A_45, %add3A_59 : i32
          %dma_wait3A_61 = arith.constant 0 : i32
          %dma_wait3A_62 = tpu.memref_slice %arg10[%add3A_60, %dma_wait3A_61] : memref<16x128xi32, #tpu.memory_space<vmem>> -> memref<1x128xi32, #tpu.memory_space<vmem>>
          %dma_wait3A_63 = tpu.memref_squeeze %dma_wait3A_62 : memref<1x128xi32, #tpu.memory_space<vmem>> -> memref<128xi32, #tpu.memory_space<vmem>>
          %dma_wait3A_64 = arith.constant 0 : i32
          %dma_wait3A_65 = arith.constant 0 : i32
          %dma_wait3A_66 = tpu.memref_slice %arg4[%dma_wait3A_64, %dma_wait3A_65] : memref<10000x128xf32, #tpu.memory_space<hbm>> -> memref<10000x128xf32, #tpu.memory_space<hbm>>
          tpu.wait_indirect_dma semaphore(%arg14 : memref<!tpu.dma_semaphore, #tpu.memory_space<semaphore_mem>>) src(%dma_wait3A_66 : memref<10000x128xf32, #tpu.memory_space<hbm>>) dst(%arg13 : memref<128x128xf32, #tpu.memory_space<vmem>>)
          %lt3A = arith.constant 7 : i32
          %lt3A_67 = arith.cmpi slt, %scan3A_43, %lt3A : i32
          %convert_element_type3A_68 = arith.extui %lt3A_67 : i1 to i32
          %cond3A_69 = arith.constant 0 : i32
          %cond3A_70 = arith.cmpi ne, %convert_element_type3A_68, %cond3A_69 : i32
          scf.if %cond3A_70 {
            %add3A_73 = arith.constant 2 : i32
            %add3A_74 = arith.addi %mul3A_45, %add3A_73 : i32
            %dma_start3A_75 = arith.constant 0 : i32
            %dma_start3A_76 = tpu.memref_slice %arg10[%add3A_74, %dma_start3A_75] : memref<16x128xi32, #tpu.memory_space<vmem>> -> memref<1x128xi32, #tpu.memory_space<vmem>>
            %dma_start3A_77 = tpu.memref_squeeze %dma_start3A_76 : memref<1x128xi32, #tpu.memory_space<vmem>> -> memref<128xi32, #tpu.memory_space<vmem>>
            %dma_start3A_78 = arith.constant 0 : i32
            %dma_start3A_79 = arith.constant 0 : i32
            %dma_start3A_80 = tpu.memref_slice %arg4[%dma_start3A_78, %dma_start3A_79] : memref<10000x128xf32, #tpu.memory_space<hbm>> -> memref<10000x128xf32, #tpu.memory_space<hbm>>
            tpu.enqueue_indirect_dma source(%dma_start3A_80 : memref<10000x128xf32, #tpu.memory_space<hbm>>) target(%arg12 : memref<128x128xf32, #tpu.memory_space<vmem>>) offsets(%dma_start3A_77 : memref<128xi32, #tpu.memory_space<vmem>>) semaphore(%arg14 : memref<!tpu.dma_semaphore, #tpu.memory_space<semaphore_mem>>)
          } else {
          }
          %add3A_71 = arith.constant 1 : i32
          %add3A_72 = arith.addi %mul3A_45, %add3A_71 : i32
          "tpu.region"() ({
            %run_scoped3A = tpu.sem_alloc : memref<!tpu.dma_semaphore, #tpu.memory_space<semaphore_mem>>
            %dma_start3A_73 = arith.constant 0 : i32
            %dma_start3A_74 = tpu.memref_slice %arg11[%add3A_72, %dma_start3A_73] : memref<16x128xi32, #tpu.memory_space<vmem>> -> memref<1x128xi32, #tpu.memory_space<vmem>>
            %dma_start3A_75 = tpu.memref_squeeze %dma_start3A_74 : memref<1x128xi32, #tpu.memory_space<vmem>> -> memref<128xi32, #tpu.memory_space<vmem>>
            %dma_start3A_76 = arith.constant 0 : i32
            %dma_start3A_77 = arith.constant 0 : i32
            %dma_start3A_78 = tpu.memref_slice %arg9[%dma_start3A_76, %dma_start3A_77] : memref<10112x128xf32, #tpu.memory_space<vmem_shared>> -> memref<10112x128xf32, #tpu.memory_space<vmem_shared>>
            tpu.enqueue_indirect_dma source(%arg13 : memref<128x128xf32, #tpu.memory_space<vmem>>) target(%dma_start3A_78 : memref<10112x128xf32, #tpu.memory_space<vmem_shared>>) offsets(%dma_start3A_75 : memref<128xi32, #tpu.memory_space<vmem>>) semaphore(%run_scoped3A : memref<!tpu.dma_semaphore, #tpu.memory_space<semaphore_mem>>) {add = true}
            %dma_wait3A_79 = arith.constant 0 : i32
            %dma_wait3A_80 = tpu.memref_slice %arg11[%add3A_72, %dma_wait3A_79] : memref<16x128xi32, #tpu.memory_space<vmem>> -> memref<1x128xi32, #tpu.memory_space<vmem>>
            %dma_wait3A_81 = tpu.memref_squeeze %dma_wait3A_80 : memref<1x128xi32, #tpu.memory_space<vmem>> -> memref<128xi32, #tpu.memory_space<vmem>>
            %dma_wait3A_82 = arith.constant 0 : i32
            %dma_wait3A_83 = arith.constant 0 : i32
            %dma_wait3A_84 = tpu.memref_slice %arg9[%dma_wait3A_82, %dma_wait3A_83] : memref<10112x128xf32, #tpu.memory_space<vmem_shared>> -> memref<10112x128xf32, #tpu.memory_space<vmem_shared>>
            tpu.wait_indirect_dma semaphore(%run_scoped3A : memref<!tpu.dma_semaphore, #tpu.memory_space<semaphore_mem>>) src(%arg13 : memref<128x128xf32, #tpu.memory_space<vmem>>) dst(%dma_wait3A_84 : memref<10112x128xf32, #tpu.memory_space<vmem_shared>>)
            tpu.yield
          }) : () -> ()
        }
        %scan3A_42 = arith.constant 8 : i32
      }
      %scan3A_25 = arith.constant 5 : i32
    } else {
    }
    %eq3A_5 = arith.constant 1 : i32
    %eq3A_6 = arith.cmpi eq, %arg0, %eq3A_5 : i32
    %convert_element_type3A_7 = arith.extui %eq3A_6 : i1 to i32
    %cond3A_8 = arith.constant 0 : i32
    %cond3A_9 = arith.cmpi ne, %convert_element_type3A_7, %cond3A_8 : i32
    scf.if %cond3A_9 {
      %scan3A = arith.constant 0 : i32
      %scan3A_21 = arith.constant 0 : i32
      %scan3A_22 = arith.constant 5 : i32
      %scan3A_23 = arith.addi %scan3A_21, %scan3A_22 : i32
      %scan3A_24 = arith.constant 1 : i32
      scf.for %scan3A_26 = %scan3A_21 to %scan3A_23 step %scan3A_24  : i32 {
        %mul3A_27 = arith.constant 80 : i32
        %mul3A_28 = arith.muli %arg1, %mul3A_27 : i32
        %mul3A_29 = arith.constant 16 : i32
        %mul3A_30 = arith.muli %scan3A_26, %mul3A_29 : i32
        %add3A = arith.addi %mul3A_28, %mul3A_30 : i32
        "tpu.region"() ({
          %run_scoped3A = tpu.sem_alloc : memref<!tpu.dma_semaphore, #tpu.memory_space<semaphore_mem>>
          %dma_start3A_43 = arith.constant 0 : i32
          %dma_start3A_44 = tpu.memref_slice %arg2[%add3A, %dma_start3A_43] : memref<1280x128xi32, #tpu.memory_space<hbm>> -> memref<16x128xi32, #tpu.memory_space<hbm>>
          %dma_start3A_45 = arith.constant 0 : i32
          %dma_start3A_46 = tpu.memref_slice %arg2[%add3A, %dma_start3A_45] : memref<1280x128xi32, #tpu.memory_space<hbm>> -> memref<16x128xi32, #tpu.memory_space<hbm>>
          tpu.enqueue_dma source(%dma_start3A_46 : memref<16x128xi32, #tpu.memory_space<hbm>>) target(%arg10 : memref<16x128xi32, #tpu.memory_space<vmem>>) target_semaphore(%run_scoped3A : memref<!tpu.dma_semaphore, #tpu.memory_space<semaphore_mem>>)
          %dma_wait3A = arith.constant 0 : i32
          %dma_wait3A_47 = tpu.memref_slice %arg2[%add3A, %dma_wait3A] : memref<1280x128xi32, #tpu.memory_space<hbm>> -> memref<16x128xi32, #tpu.memory_space<hbm>>
          %dma_wait3A_48 = arith.constant 0 : i32
          %dma_wait3A_49 = tpu.memref_slice %arg2[%add3A, %dma_wait3A_48] : memref<1280x128xi32, #tpu.memory_space<hbm>> -> memref<16x128xi32, #tpu.memory_space<hbm>>
          tpu.wait_dma2 semaphore(%run_scoped3A : memref<!tpu.dma_semaphore, #tpu.memory_space<semaphore_mem>>) src(%dma_wait3A_49 : memref<16x128xi32, #tpu.memory_space<hbm>>) dst(%arg10 : memref<16x128xi32, #tpu.memory_space<vmem>>)
          tpu.yield
        }) : () -> ()
        "tpu.region"() ({
          %run_scoped3A = tpu.sem_alloc : memref<!tpu.dma_semaphore, #tpu.memory_space<semaphore_mem>>
          %dma_start3A_43 = arith.constant 0 : i32
          %dma_start3A_44 = tpu.memref_slice %arg3[%add3A, %dma_start3A_43] : memref<1280x128xi32, #tpu.memory_space<hbm>> -> memref<16x128xi32, #tpu.memory_space<hbm>>
          %dma_start3A_45 = arith.constant 0 : i32
          %dma_start3A_46 = tpu.memref_slice %arg3[%add3A, %dma_start3A_45] : memref<1280x128xi32, #tpu.memory_space<hbm>> -> memref<16x128xi32, #tpu.memory_space<hbm>>
          tpu.enqueue_dma source(%dma_start3A_46 : memref<16x128xi32, #tpu.memory_space<hbm>>) target(%arg11 : memref<16x128xi32, #tpu.memory_space<vmem>>) target_semaphore(%run_scoped3A : memref<!tpu.dma_semaphore, #tpu.memory_space<semaphore_mem>>)
          %dma_wait3A = arith.constant 0 : i32
          %dma_wait3A_47 = tpu.memref_slice %arg3[%add3A, %dma_wait3A] : memref<1280x128xi32, #tpu.memory_space<hbm>> -> memref<16x128xi32, #tpu.memory_space<hbm>>
          %dma_wait3A_48 = arith.constant 0 : i32
          %dma_wait3A_49 = tpu.memref_slice %arg3[%add3A, %dma_wait3A_48] : memref<1280x128xi32, #tpu.memory_space<hbm>> -> memref<16x128xi32, #tpu.memory_space<hbm>>
          tpu.wait_dma2 semaphore(%run_scoped3A : memref<!tpu.dma_semaphore, #tpu.memory_space<semaphore_mem>>) src(%dma_wait3A_49 : memref<16x128xi32, #tpu.memory_space<hbm>>) dst(%arg11 : memref<16x128xi32, #tpu.memory_space<vmem>>)
          tpu.yield
        }) : () -> ()
        %dma_start3A = arith.constant 0 : i32
        %dma_start3A_31 = arith.constant 0 : i32
        %dma_start3A_32 = tpu.memref_slice %arg10[%dma_start3A, %dma_start3A_31] : memref<16x128xi32, #tpu.memory_space<vmem>> -> memref<1x128xi32, #tpu.memory_space<vmem>>
        %dma_start3A_33 = tpu.memref_squeeze %dma_start3A_32 : memref<1x128xi32, #tpu.memory_space<vmem>> -> memref<128xi32, #tpu.memory_space<vmem>>
        %dma_start3A_34 = arith.constant 0 : i32
        %dma_start3A_35 = arith.constant 0 : i32
        %dma_start3A_36 = tpu.memref_slice %arg5[%dma_start3A_34, %dma_start3A_35] : memref<10000x128xf32, #tpu.memory_space<hbm>> -> memref<10000x128xf32, #tpu.memory_space<hbm>>
        tpu.enqueue_indirect_dma source(%dma_start3A_36 : memref<10000x128xf32, #tpu.memory_space<hbm>>) target(%arg12 : memref<128x128xf32, #tpu.memory_space<vmem>>) offsets(%dma_start3A_33 : memref<128xi32, #tpu.memory_space<vmem>>) semaphore(%arg14 : memref<!tpu.dma_semaphore, #tpu.memory_space<semaphore_mem>>)
        %scan3A_37 = arith.constant 0 : i32
        %scan3A_38 = arith.constant 0 : i32
        %scan3A_39 = arith.constant 8 : i32
        %scan3A_40 = arith.addi %scan3A_38, %scan3A_39 : i32
        %scan3A_41 = arith.constant 1 : i32
        scf.for %scan3A_43 = %scan3A_38 to %scan3A_40 step %scan3A_41  : i32 {
          %mul3A_44 = arith.constant 2 : i32
          %mul3A_45 = arith.muli %mul3A_44, %scan3A_43 : i32
          %dma_wait3A = arith.constant 0 : i32
          %dma_wait3A_46 = tpu.memref_slice %arg10[%mul3A_45, %dma_wait3A] : memref<16x128xi32, #tpu.memory_space<vmem>> -> memref<1x128xi32, #tpu.memory_space<vmem>>
          %dma_wait3A_47 = tpu.memref_squeeze %dma_wait3A_46 : memref<1x128xi32, #tpu.memory_space<vmem>> -> memref<128xi32, #tpu.memory_space<vmem>>
          %dma_wait3A_48 = arith.constant 0 : i32
          %dma_wait3A_49 = arith.constant 0 : i32
          %dma_wait3A_50 = tpu.memref_slice %arg5[%dma_wait3A_48, %dma_wait3A_49] : memref<10000x128xf32, #tpu.memory_space<hbm>> -> memref<10000x128xf32, #tpu.memory_space<hbm>>
          tpu.wait_indirect_dma semaphore(%arg14 : memref<!tpu.dma_semaphore, #tpu.memory_space<semaphore_mem>>) src(%dma_wait3A_50 : memref<10000x128xf32, #tpu.memory_space<hbm>>) dst(%arg12 : memref<128x128xf32, #tpu.memory_space<vmem>>)
          %add3A_51 = arith.constant 1 : i32
          %add3A_52 = arith.addi %mul3A_45, %add3A_51 : i32
          %dma_start3A_53 = arith.constant 0 : i32
          %dma_start3A_54 = tpu.memref_slice %arg10[%add3A_52, %dma_start3A_53] : memref<16x128xi32, #tpu.memory_space<vmem>> -> memref<1x128xi32, #tpu.memory_space<vmem>>
          %dma_start3A_55 = tpu.memref_squeeze %dma_start3A_54 : memref<1x128xi32, #tpu.memory_space<vmem>> -> memref<128xi32, #tpu.memory_space<vmem>>
          %dma_start3A_56 = arith.constant 0 : i32
          %dma_start3A_57 = arith.constant 0 : i32
          %dma_start3A_58 = tpu.memref_slice %arg5[%dma_start3A_56, %dma_start3A_57] : memref<10000x128xf32, #tpu.memory_space<hbm>> -> memref<10000x128xf32, #tpu.memory_space<hbm>>
          tpu.enqueue_indirect_dma source(%dma_start3A_58 : memref<10000x128xf32, #tpu.memory_space<hbm>>) target(%arg13 : memref<128x128xf32, #tpu.memory_space<vmem>>) offsets(%dma_start3A_55 : memref<128xi32, #tpu.memory_space<vmem>>) semaphore(%arg14 : memref<!tpu.dma_semaphore, #tpu.memory_space<semaphore_mem>>)
          "tpu.region"() ({
            %run_scoped3A = tpu.sem_alloc : memref<!tpu.dma_semaphore, #tpu.memory_space<semaphore_mem>>
            %dma_start3A_73 = arith.constant 0 : i32
            %dma_start3A_74 = tpu.memref_slice %arg11[%mul3A_45, %dma_start3A_73] : memref<16x128xi32, #tpu.memory_space<vmem>> -> memref<1x128xi32, #tpu.memory_space<vmem>>
            %dma_start3A_75 = tpu.memref_squeeze %dma_start3A_74 : memref<1x128xi32, #tpu.memory_space<vmem>> -> memref<128xi32, #tpu.memory_space<vmem>>
            %dma_start3A_76 = arith.constant 0 : i32
            %dma_start3A_77 = arith.constant 0 : i32
            %dma_start3A_78 = tpu.memref_slice %arg9[%dma_start3A_76, %dma_start3A_77] : memref<10112x128xf32, #tpu.memory_space<vmem_shared>> -> memref<10112x128xf32, #tpu.memory_space<vmem_shared>>
            tpu.enqueue_indirect_dma source(%arg12 : memref<128x128xf32, #tpu.memory_space<vmem>>) target(%dma_start3A_78 : memref<10112x128xf32, #tpu.memory_space<vmem_shared>>) offsets(%dma_start3A_75 : memref<128xi32, #tpu.memory_space<vmem>>) semaphore(%run_scoped3A : memref<!tpu.dma_semaphore, #tpu.memory_space<semaphore_mem>>) {add = true}
            %dma_wait3A_79 = arith.constant 0 : i32
            %dma_wait3A_80 = tpu.memref_slice %arg11[%mul3A_45, %dma_wait3A_79] : memref<16x128xi32, #tpu.memory_space<vmem>> -> memref<1x128xi32, #tpu.memory_space<vmem>>
            %dma_wait3A_81 = tpu.memref_squeeze %dma_wait3A_80 : memref<1x128xi32, #tpu.memory_space<vmem>> -> memref<128xi32, #tpu.memory_space<vmem>>
            %dma_wait3A_82 = arith.constant 0 : i32
            %dma_wait3A_83 = arith.constant 0 : i32
            %dma_wait3A_84 = tpu.memref_slice %arg9[%dma_wait3A_82, %dma_wait3A_83] : memref<10112x128xf32, #tpu.memory_space<vmem_shared>> -> memref<10112x128xf32, #tpu.memory_space<vmem_shared>>
            tpu.wait_indirect_dma semaphore(%run_scoped3A : memref<!tpu.dma_semaphore, #tpu.memory_space<semaphore_mem>>) src(%arg12 : memref<128x128xf32, #tpu.memory_space<vmem>>) dst(%dma_wait3A_84 : memref<10112x128xf32, #tpu.memory_space<vmem_shared>>)
            tpu.yield
          }) : () -> ()
          %add3A_59 = arith.constant 1 : i32
          %add3A_60 = arith.addi %mul3A_45, %add3A_59 : i32
          %dma_wait3A_61 = arith.constant 0 : i32
          %dma_wait3A_62 = tpu.memref_slice %arg10[%add3A_60, %dma_wait3A_61] : memref<16x128xi32, #tpu.memory_space<vmem>> -> memref<1x128xi32, #tpu.memory_space<vmem>>
          %dma_wait3A_63 = tpu.memref_squeeze %dma_wait3A_62 : memref<1x128xi32, #tpu.memory_space<vmem>> -> memref<128xi32, #tpu.memory_space<vmem>>
          %dma_wait3A_64 = arith.constant 0 : i32
          %dma_wait3A_65 = arith.constant 0 : i32
          %dma_wait3A_66 = tpu.memref_slice %arg5[%dma_wait3A_64, %dma_wait3A_65] : memref<10000x128xf32, #tpu.memory_space<hbm>> -> memref<10000x128xf32, #tpu.memory_space<hbm>>
          tpu.wait_indirect_dma semaphore(%arg14 : memref<!tpu.dma_semaphore, #tpu.memory_space<semaphore_mem>>) src(%dma_wait3A_66 : memref<10000x128xf32, #tpu.memory_space<hbm>>) dst(%arg13 : memref<128x128xf32, #tpu.memory_space<vmem>>)
          %lt3A = arith.constant 7 : i32
          %lt3A_67 = arith.cmpi slt, %scan3A_43, %lt3A : i32
          %convert_element_type3A_68 = arith.extui %lt3A_67 : i1 to i32
          %cond3A_69 = arith.constant 0 : i32
          %cond3A_70 = arith.cmpi ne, %convert_element_type3A_68, %cond3A_69 : i32
          scf.if %cond3A_70 {
            %add3A_73 = arith.constant 2 : i32
            %add3A_74 = arith.addi %mul3A_45, %add3A_73 : i32
            %dma_start3A_75 = arith.constant 0 : i32
            %dma_start3A_76 = tpu.memref_slice %arg10[%add3A_74, %dma_start3A_75] : memref<16x128xi32, #tpu.memory_space<vmem>> -> memref<1x128xi32, #tpu.memory_space<vmem>>
            %dma_start3A_77 = tpu.memref_squeeze %dma_start3A_76 : memref<1x128xi32, #tpu.memory_space<vmem>> -> memref<128xi32, #tpu.memory_space<vmem>>
            %dma_start3A_78 = arith.constant 0 : i32
            %dma_start3A_79 = arith.constant 0 : i32
            %dma_start3A_80 = tpu.memref_slice %arg5[%dma_start3A_78, %dma_start3A_79] : memref<10000x128xf32, #tpu.memory_space<hbm>> -> memref<10000x128xf32, #tpu.memory_space<hbm>>
            tpu.enqueue_indirect_dma source(%dma_start3A_80 : memref<10000x128xf32, #tpu.memory_space<hbm>>) target(%arg12 : memref<128x128xf32, #tpu.memory_space<vmem>>) offsets(%dma_start3A_77 : memref<128xi32, #tpu.memory_space<vmem>>) semaphore(%arg14 : memref<!tpu.dma_semaphore, #tpu.memory_space<semaphore_mem>>)
          } else {
          }
          %add3A_71 = arith.constant 1 : i32
          %add3A_72 = arith.addi %mul3A_45, %add3A_71 : i32
          "tpu.region"() ({
            %run_scoped3A = tpu.sem_alloc : memref<!tpu.dma_semaphore, #tpu.memory_space<semaphore_mem>>
            %dma_start3A_73 = arith.constant 0 : i32
            %dma_start3A_74 = tpu.memref_slice %arg11[%add3A_72, %dma_start3A_73] : memref<16x128xi32, #tpu.memory_space<vmem>> -> memref<1x128xi32, #tpu.memory_space<vmem>>
            %dma_start3A_75 = tpu.memref_squeeze %dma_start3A_74 : memref<1x128xi32, #tpu.memory_space<vmem>> -> memref<128xi32, #tpu.memory_space<vmem>>
            %dma_start3A_76 = arith.constant 0 : i32
            %dma_start3A_77 = arith.constant 0 : i32
            %dma_start3A_78 = tpu.memref_slice %arg9[%dma_start3A_76, %dma_start3A_77] : memref<10112x128xf32, #tpu.memory_space<vmem_shared>> -> memref<10112x128xf32, #tpu.memory_space<vmem_shared>>
            tpu.enqueue_indirect_dma source(%arg13 : memref<128x128xf32, #tpu.memory_space<vmem>>) target(%dma_start3A_78 : memref<10112x128xf32, #tpu.memory_space<vmem_shared>>) offsets(%dma_start3A_75 : memref<128xi32, #tpu.memory_space<vmem>>) semaphore(%run_scoped3A : memref<!tpu.dma_semaphore, #tpu.memory_space<semaphore_mem>>) {add = true}
            %dma_wait3A_79 = arith.constant 0 : i32
            %dma_wait3A_80 = tpu.memref_slice %arg11[%add3A_72, %dma_wait3A_79] : memref<16x128xi32, #tpu.memory_space<vmem>> -> memref<1x128xi32, #tpu.memory_space<vmem>>
            %dma_wait3A_81 = tpu.memref_squeeze %dma_wait3A_80 : memref<1x128xi32, #tpu.memory_space<vmem>> -> memref<128xi32, #tpu.memory_space<vmem>>
            %dma_wait3A_82 = arith.constant 0 : i32
            %dma_wait3A_83 = arith.constant 0 : i32
            %dma_wait3A_84 = tpu.memref_slice %arg9[%dma_wait3A_82, %dma_wait3A_83] : memref<10112x128xf32, #tpu.memory_space<vmem_shared>> -> memref<10112x128xf32, #tpu.memory_space<vmem_shared>>
            tpu.wait_indirect_dma semaphore(%run_scoped3A : memref<!tpu.dma_semaphore, #tpu.memory_space<semaphore_mem>>) src(%arg13 : memref<128x128xf32, #tpu.memory_space<vmem>>) dst(%dma_wait3A_84 : memref<10112x128xf32, #tpu.memory_space<vmem_shared>>)
            tpu.yield
          }) : () -> ()
        }
        %scan3A_42 = arith.constant 8 : i32
      }
      %scan3A_25 = arith.constant 5 : i32
    } else {
    }
    %barrier3A_10 = arith.constant 0 : index
    tpu.barrier barrier_id(%barrier3A_10)
    %eq3A_11 = arith.constant 0 : i32
    %eq3A_12 = arith.cmpi eq, %arg0, %eq3A_11 : i32
    %convert_element_type3A_13 = arith.extui %eq3A_12 : i1 to i32
    %cond3A_14 = arith.constant 0 : i32
    %cond3A_15 = arith.cmpi ne, %convert_element_type3A_13, %cond3A_14 : i32
    scf.if %cond3A_15 {
      %mul3A_21 = arith.constant 624 : i32
      %mul3A_22 = arith.muli %arg1, %mul3A_21 : i32
      %mul3A_23 = arith.constant 624 : i32
      %mul3A_24 = arith.muli %arg1, %mul3A_23 : i32
      "tpu.region"() ({
        %run_scoped3A = tpu.sem_alloc : memref<!tpu.dma_semaphore, #tpu.memory_space<semaphore_mem>>
        %dma_start3A = arith.constant 0 : i32
        %dma_start3A_30 = tpu.memref_slice %arg7[%mul3A_24, %dma_start3A] : memref<10000x128xf32, #tpu.memory_space<hbm>> -> memref<624x128xf32, #tpu.memory_space<hbm>>
        %dma_start3A_31 = arith.constant 0 : i32
        %dma_start3A_32 = tpu.memref_slice %arg9[%mul3A_22, %dma_start3A_31] : memref<10112x128xf32, #tpu.memory_space<vmem_shared>> -> memref<624x128xf32, #tpu.memory_space<vmem_shared>>
        tpu.enqueue_dma source(%dma_start3A_32 : memref<624x128xf32, #tpu.memory_space<vmem_shared>>) target(%dma_start3A_30 : memref<624x128xf32, #tpu.memory_space<hbm>>) target_semaphore(%run_scoped3A : memref<!tpu.dma_semaphore, #tpu.memory_space<semaphore_mem>>)
        %dma_wait3A = arith.constant 0 : i32
        %dma_wait3A_33 = tpu.memref_slice %arg7[%mul3A_24, %dma_wait3A] : memref<10000x128xf32, #tpu.memory_space<hbm>> -> memref<624x128xf32, #tpu.memory_space<hbm>>
        %dma_wait3A_34 = arith.constant 0 : i32
        %dma_wait3A_35 = tpu.memref_slice %arg9[%mul3A_22, %dma_wait3A_34] : memref<10112x128xf32, #tpu.memory_space<vmem_shared>> -> memref<624x128xf32, #tpu.memory_space<vmem_shared>>
        tpu.wait_dma2 semaphore(%run_scoped3A : memref<!tpu.dma_semaphore, #tpu.memory_space<semaphore_mem>>) src(%dma_wait3A_35 : memref<624x128xf32, #tpu.memory_space<vmem_shared>>) dst(%dma_wait3A_33 : memref<624x128xf32, #tpu.memory_space<hbm>>)
        tpu.yield
      }) : () -> ()
      %eq3A_25 = arith.constant 15 : i32
      %eq3A_26 = arith.cmpi eq, %arg1, %eq3A_25 : i32
      %convert_element_type3A_27 = arith.extui %eq3A_26 : i1 to i32
      %cond3A_28 = arith.constant 0 : i32
      %cond3A_29 = arith.cmpi ne, %convert_element_type3A_27, %cond3A_28 : i32
      scf.if %cond3A_29 {
        "tpu.region"() ({
          %run_scoped3A = tpu.sem_alloc : memref<!tpu.dma_semaphore, #tpu.memory_space<semaphore_mem>>
          %dma_start3A = arith.constant 9984 : i32
          %dma_start3A_30 = arith.constant 0 : i32
          %dma_start3A_31 = tpu.memref_slice %arg7[%dma_start3A, %dma_start3A_30] : memref<10000x128xf32, #tpu.memory_space<hbm>> -> memref<16x128xf32, #tpu.memory_space<hbm>>
          %dma_start3A_32 = arith.constant 9984 : i32
          %dma_start3A_33 = arith.constant 0 : i32
          %dma_start3A_34 = tpu.memref_slice %arg9[%dma_start3A_32, %dma_start3A_33] : memref<10112x128xf32, #tpu.memory_space<vmem_shared>> -> memref<16x128xf32, #tpu.memory_space<vmem_shared>>
          tpu.enqueue_dma source(%dma_start3A_34 : memref<16x128xf32, #tpu.memory_space<vmem_shared>>) target(%dma_start3A_31 : memref<16x128xf32, #tpu.memory_space<hbm>>) target_semaphore(%run_scoped3A : memref<!tpu.dma_semaphore, #tpu.memory_space<semaphore_mem>>)
          %dma_wait3A = arith.constant 9984 : i32
          %dma_wait3A_35 = arith.constant 0 : i32
          %dma_wait3A_36 = tpu.memref_slice %arg7[%dma_wait3A, %dma_wait3A_35] : memref<10000x128xf32, #tpu.memory_space<hbm>> -> memref<16x128xf32, #tpu.memory_space<hbm>>
          %dma_wait3A_37 = arith.constant 9984 : i32
          %dma_wait3A_38 = arith.constant 0 : i32
          %dma_wait3A_39 = tpu.memref_slice %arg9[%dma_wait3A_37, %dma_wait3A_38] : memref<10112x128xf32, #tpu.memory_space<vmem_shared>> -> memref<16x128xf32, #tpu.memory_space<vmem_shared>>
          tpu.wait_dma2 semaphore(%run_scoped3A : memref<!tpu.dma_semaphore, #tpu.memory_space<semaphore_mem>>) src(%dma_wait3A_39 : memref<16x128xf32, #tpu.memory_space<vmem_shared>>) dst(%dma_wait3A_36 : memref<16x128xf32, #tpu.memory_space<hbm>>)
          tpu.yield
        }) : () -> ()
      } else {
      }
    } else {
    }
    %eq3A_16 = arith.constant 1 : i32
    %eq3A_17 = arith.cmpi eq, %arg0, %eq3A_16 : i32
    %convert_element_type3A_18 = arith.extui %eq3A_17 : i1 to i32
    %cond3A_19 = arith.constant 0 : i32
    %cond3A_20 = arith.cmpi ne, %convert_element_type3A_18, %cond3A_19 : i32
    scf.if %cond3A_20 {
      %mul3A_21 = arith.constant 624 : i32
      %mul3A_22 = arith.muli %arg1, %mul3A_21 : i32
      %mul3A_23 = arith.constant 624 : i32
      %mul3A_24 = arith.muli %arg1, %mul3A_23 : i32
      "tpu.region"() ({
        %run_scoped3A = tpu.sem_alloc : memref<!tpu.dma_semaphore, #tpu.memory_space<semaphore_mem>>
        %dma_start3A = arith.constant 0 : i32
        %dma_start3A_30 = tpu.memref_slice %arg8[%mul3A_24, %dma_start3A] : memref<10000x128xf32, #tpu.memory_space<hbm>> -> memref<624x128xf32, #tpu.memory_space<hbm>>
        %dma_start3A_31 = arith.constant 0 : i32
        %dma_start3A_32 = tpu.memref_slice %arg9[%mul3A_22, %dma_start3A_31] : memref<10112x128xf32, #tpu.memory_space<vmem_shared>> -> memref<624x128xf32, #tpu.memory_space<vmem_shared>>
        tpu.enqueue_dma source(%dma_start3A_32 : memref<624x128xf32, #tpu.memory_space<vmem_shared>>) target(%dma_start3A_30 : memref<624x128xf32, #tpu.memory_space<hbm>>) target_semaphore(%run_scoped3A : memref<!tpu.dma_semaphore, #tpu.memory_space<semaphore_mem>>)
        %dma_wait3A = arith.constant 0 : i32
        %dma_wait3A_33 = tpu.memref_slice %arg8[%mul3A_24, %dma_wait3A] : memref<10000x128xf32, #tpu.memory_space<hbm>> -> memref<624x128xf32, #tpu.memory_space<hbm>>
        %dma_wait3A_34 = arith.constant 0 : i32
        %dma_wait3A_35 = tpu.memref_slice %arg9[%mul3A_22, %dma_wait3A_34] : memref<10112x128xf32, #tpu.memory_space<vmem_shared>> -> memref<624x128xf32, #tpu.memory_space<vmem_shared>>
        tpu.wait_dma2 semaphore(%run_scoped3A : memref<!tpu.dma_semaphore, #tpu.memory_space<semaphore_mem>>) src(%dma_wait3A_35 : memref<624x128xf32, #tpu.memory_space<vmem_shared>>) dst(%dma_wait3A_33 : memref<624x128xf32, #tpu.memory_space<hbm>>)
        tpu.yield
      }) : () -> ()
      %eq3A_25 = arith.constant 15 : i32
      %eq3A_26 = arith.cmpi eq, %arg1, %eq3A_25 : i32
      %convert_element_type3A_27 = arith.extui %eq3A_26 : i1 to i32
      %cond3A_28 = arith.constant 0 : i32
      %cond3A_29 = arith.cmpi ne, %convert_element_type3A_27, %cond3A_28 : i32
      scf.if %cond3A_29 {
        "tpu.region"() ({
          %run_scoped3A = tpu.sem_alloc : memref<!tpu.dma_semaphore, #tpu.memory_space<semaphore_mem>>
          %dma_start3A = arith.constant 9984 : i32
          %dma_start3A_30 = arith.constant 0 : i32
          %dma_start3A_31 = tpu.memref_slice %arg8[%dma_start3A, %dma_start3A_30] : memref<10000x128xf32, #tpu.memory_space<hbm>> -> memref<16x128xf32, #tpu.memory_space<hbm>>
          %dma_start3A_32 = arith.constant 9984 : i32
          %dma_start3A_33 = arith.constant 0 : i32
          %dma_start3A_34 = tpu.memref_slice %arg9[%dma_start3A_32, %dma_start3A_33] : memref<10112x128xf32, #tpu.memory_space<vmem_shared>> -> memref<16x128xf32, #tpu.memory_space<vmem_shared>>
          tpu.enqueue_dma source(%dma_start3A_34 : memref<16x128xf32, #tpu.memory_space<vmem_shared>>) target(%dma_start3A_31 : memref<16x128xf32, #tpu.memory_space<hbm>>) target_semaphore(%run_scoped3A : memref<!tpu.dma_semaphore, #tpu.memory_space<semaphore_mem>>)
          %dma_wait3A = arith.constant 9984 : i32
          %dma_wait3A_35 = arith.constant 0 : i32
          %dma_wait3A_36 = tpu.memref_slice %arg8[%dma_wait3A, %dma_wait3A_35] : memref<10000x128xf32, #tpu.memory_space<hbm>> -> memref<16x128xf32, #tpu.memory_space<hbm>>
          %dma_wait3A_37 = arith.constant 9984 : i32
          %dma_wait3A_38 = arith.constant 0 : i32
          %dma_wait3A_39 = tpu.memref_slice %arg9[%dma_wait3A_37, %dma_wait3A_38] : memref<10112x128xf32, #tpu.memory_space<vmem_shared>> -> memref<16x128xf32, #tpu.memory_space<vmem_shared>>
          tpu.wait_dma2 semaphore(%run_scoped3A : memref<!tpu.dma_semaphore, #tpu.memory_space<semaphore_mem>>) src(%dma_wait3A_39 : memref<16x128xf32, #tpu.memory_space<vmem_shared>>) dst(%dma_wait3A_36 : memref<16x128xf32, #tpu.memory_space<hbm>>)
          tpu.yield
        }) : () -> ()
      } else {
      }
    } else {
    }
    return
  }
}

module attributes {stable_mosaic.version = 14 : i64} {
  func.func @_scale_body(%arg0: i32, %arg1: memref<1000x256xf32, #tpu.memory_space<vmem>>, %arg2: memref<1000x16xf32, #tpu.memory_space<vmem>>, %arg3: memref<1000x128xf32, #tpu.memory_space<vmem>>, %arg4: memref<1000x128xf32, #tpu.memory_space<vmem>>) attributes {dimension_semantics = [#tpu.dimension_semantics<arbitrary>], iteration_bounds = array<i64: 10>, scalar_prefetch = 0 : i64, scratch_operands = 0 : i64, tpu.core_type = #tpu.core_type<tc>, window_params = [{transform_indices = @transform_0, window_bounds = array<i64: 1000, 256>}, {transform_indices = @transform_1, window_bounds = array<i64: 1000, 16>}, {transform_indices = @transform_2, window_bounds = array<i64: 1000, 128>}, {transform_indices = @transform_3, window_bounds = array<i64: 1000, 128>}]} {
    %get3A = arith.constant 0 : index
    %get3A_0 = arith.constant 0 : index
    %get3A_1 = vector.load %arg2[%get3A, %get3A_0] : memref<1000x16xf32, #tpu.memory_space<vmem>>, vector<1000x1xf32>
    %max3A = arith.constant 1.000000e+00 : f32
    %max3A_2 = vector.broadcast %max3A : f32 to vector<1000x1xf32>
    %max3A_3 = arith.maximumf %get3A_1, %max3A_2 : vector<1000x1xf32>
    %rsqrt3A = math.rsqrt %max3A_3 : vector<1000x1xf32>
    %get3A_4 = arith.constant 0 : index
    %get3A_5 = arith.constant 0 : index
    %get3A_6 = vector.load %arg1[%get3A_4, %get3A_5] : memref<1000x256xf32, #tpu.memory_space<vmem>>, vector<1000x256xf32>
    %mul3A = vector.broadcast %rsqrt3A : vector<1000x1xf32> to vector<1000x256xf32>
    %mul3A_7 = arith.mulf %get3A_6, %mul3A : vector<1000x256xf32>
    %slice3A = vector.extract_strided_slice %mul3A_7 {offsets = [0, 0], sizes = [1000, 128], strides = [1, 1]} : vector<1000x256xf32> to vector<1000x128xf32>
    %swap3A = arith.constant 0 : index
    %swap3A_8 = arith.constant 0 : index
    %swap3A_9 = vector.load %arg3[%swap3A, %swap3A_8] : memref<1000x128xf32, #tpu.memory_space<vmem>>, vector<1000x128xf32>
    tpu.vector_store %arg3[%swap3A, %swap3A_8], %slice3A {strides = array<i32>} : memref<1000x128xf32, #tpu.memory_space<vmem>>, vector<1000x128xf32>,
    %slice3A_10 = vector.extract_strided_slice %mul3A_7 {offsets = [0, 128], sizes = [1000, 128], strides = [1, 1]} : vector<1000x256xf32> to vector<1000x128xf32>
    %swap3A_11 = arith.constant 0 : index
    %swap3A_12 = arith.constant 0 : index
    %swap3A_13 = vector.load %arg4[%swap3A_11, %swap3A_12] : memref<1000x128xf32, #tpu.memory_space<vmem>>, vector<1000x128xf32>
    tpu.vector_store %arg4[%swap3A_11, %swap3A_12], %slice3A_10 {strides = array<i32>} : memref<1000x128xf32, #tpu.memory_space<vmem>>, vector<1000x128xf32>,
    return
  }
  func.func @transform_0(%arg0: i32) -> (i32, i32) {
    %c0_i32 = arith.constant 0 : i32
    %c0_i32_0 = arith.constant 0 : i32
    return %arg0, %c0_i32 : i32, i32
  }
  func.func @transform_1(%arg0: i32) -> (i32, i32) {
    %c0_i32 = arith.constant 0 : i32
    %c0_i32_0 = arith.constant 0 : i32
    return %arg0, %c0_i32 : i32, i32
  }
  func.func @transform_2(%arg0: i32) -> (i32, i32) {
    %c0_i32 = arith.constant 0 : i32
    %c0_i32_0 = arith.constant 0 : i32
    return %arg0, %c0_i32 : i32, i32
  }
  func.func @transform_3(%arg0: i32) -> (i32, i32) {
    %c0_i32 = arith.constant 0 : i32
    %c0_i32_0 = arith.constant 0 : i32
    return %arg0, %c0_i32 : i32, i32
  }
}

module attributes {stable_mosaic.version = 14 : i64} {
  func.func @_layer1_body(%arg0: i32, %arg1: memref<1000x128xf32, #tpu.memory_space<vmem>>, %arg2: memref<1000x128xf32, #tpu.memory_space<vmem>>, %arg3: memref<1000x16xf32, #tpu.memory_space<vmem>>, %arg4: memref<1000x16xf32, #tpu.memory_space<vmem>>, %arg5: memref<256x256xf32, #tpu.memory_space<vmem>>, %arg6: memref<1x256xf32, #tpu.memory_space<vmem>>, %arg7: memref<1000x128xf32, #tpu.memory_space<vmem>>, %arg8: memref<1000x128xf32, #tpu.memory_space<vmem>>) attributes {dimension_semantics = [#tpu.dimension_semantics<arbitrary>], iteration_bounds = array<i64: 10>, scalar_prefetch = 0 : i64, scratch_operands = 0 : i64, tpu.core_type = #tpu.core_type<tc>, window_params = [{transform_indices = @transform_0, window_bounds = array<i64: 1000, 128>}, {transform_indices = @transform_1, window_bounds = array<i64: 1000, 128>}, {transform_indices = @transform_2, window_bounds = array<i64: 1000, 16>}, {transform_indices = @transform_3, window_bounds = array<i64: 1000, 16>}, {pipeline_mode = #tpu.pipeline_mode<synchronous>, transform_indices = @transform_4, window_bounds = array<i64: 256, 256>}, {pipeline_mode = #tpu.pipeline_mode<synchronous>, transform_indices = @transform_5, window_bounds = array<i64: 1, 256>}, {transform_indices = @transform_6, window_bounds = array<i64: 1000, 128>}, {transform_indices = @transform_7, window_bounds = array<i64: 1000, 128>}]} {
    %get3A = arith.constant 0 : index
    %get3A_0 = arith.constant 0 : index
    %get3A_1 = vector.load %arg4[%get3A, %get3A_0] : memref<1000x16xf32, #tpu.memory_space<vmem>>, vector<1000x1xf32>
    %max3A = arith.constant 1.000000e+00 : f32
    %max3A_2 = vector.broadcast %max3A : f32 to vector<1000x1xf32>
    %max3A_3 = arith.maximumf %get3A_1, %max3A_2 : vector<1000x1xf32>
    %rsqrt3A = math.rsqrt %max3A_3 : vector<1000x1xf32>
    %get3A_4 = arith.constant 0 : index
    %get3A_5 = arith.constant 0 : index
    %get3A_6 = vector.load %arg1[%get3A_4, %get3A_5] : memref<1000x128xf32, #tpu.memory_space<vmem>>, vector<1000x128xf32>
    %get3A_7 = arith.constant 0 : index
    %get3A_8 = arith.constant 0 : index
    %get3A_9 = vector.load %arg2[%get3A_7, %get3A_8] : memref<1000x128xf32, #tpu.memory_space<vmem>>, vector<1000x128xf32>
    %concatenate3A = tpu.concatenate %get3A_6, %get3A_9 in 1 : vector<1000x128xf32>, vector<1000x128xf32> -> vector<1000x256xf32>
    %mul3A = vector.broadcast %rsqrt3A : vector<1000x1xf32> to vector<1000x256xf32>
    %mul3A_10 = arith.mulf %concatenate3A, %mul3A : vector<1000x256xf32>
    %get3A_11 = arith.constant 0 : index
    %get3A_12 = arith.constant 0 : index
    %get3A_13 = vector.load %arg5[%get3A_11, %get3A_12] : memref<256x256xf32, #tpu.memory_space<vmem>>, vector<256x256xf32>
    %dot_general3A = arith.constant dense<0.000000e+00> : vector<1000x256xf32>
    %dot_general3A_14 = tpu.matmul %mul3A_10, %get3A_13, %dot_general3A {dimension_numbers = #tpu.dot_dimension_numbers<[1], [0], [0], [1], [0, 0, 1, 1], [], []>, precision = #tpu.contract_precision<fp32>, transpose_lhs_hint = false} : vector<1000x256xf32>, vector<256x256xf32>, vector<1000x256xf32> -> vector<1000x256xf32>
    %get3A_15 = arith.constant 0 : index
    %get3A_16 = arith.constant 0 : index
    %get3A_17 = vector.load %arg6[%get3A_15, %get3A_16] : memref<1x256xf32, #tpu.memory_space<vmem>>, vector<1x256xf32>
    %add3A = vector.broadcast %get3A_17 : vector<1x256xf32> to vector<1000x256xf32>
    %add3A_18 = arith.addf %dot_general3A_14, %add3A : vector<1000x256xf32>
    %max3A_19 = arith.constant 0.000000e+00 : f32
    %max3A_20 = vector.broadcast %max3A_19 : f32 to vector<1000x256xf32>
    %max3A_21 = arith.maximumf %add3A_18, %max3A_20 : vector<1000x256xf32>
    %get3A_22 = arith.constant 0 : index
    %get3A_23 = arith.constant 0 : index
    %get3A_24 = vector.load %arg3[%get3A_22, %get3A_23] : memref<1000x16xf32, #tpu.memory_space<vmem>>, vector<1000x1xf32>
    %max3A_25 = arith.constant 1.000000e+00 : f32
    %max3A_26 = vector.broadcast %max3A_25 : f32 to vector<1000x1xf32>
    %max3A_27 = arith.maximumf %get3A_24, %max3A_26 : vector<1000x1xf32>
    %rsqrt3A_28 = math.rsqrt %max3A_27 : vector<1000x1xf32>
    %mul3A_29 = vector.broadcast %rsqrt3A_28 : vector<1000x1xf32> to vector<1000x256xf32>
    %mul3A_30 = arith.mulf %max3A_21, %mul3A_29 : vector<1000x256xf32>
    %slice3A = vector.extract_strided_slice %mul3A_30 {offsets = [0, 0], sizes = [1000, 128], strides = [1, 1]} : vector<1000x256xf32> to vector<1000x128xf32>
    %swap3A = arith.constant 0 : index
    %swap3A_31 = arith.constant 0 : index
    %swap3A_32 = vector.load %arg7[%swap3A, %swap3A_31] : memref<1000x128xf32, #tpu.memory_space<vmem>>, vector<1000x128xf32>
    tpu.vector_store %arg7[%swap3A, %swap3A_31], %slice3A {strides = array<i32>} : memref<1000x128xf32, #tpu.memory_space<vmem>>, vector<1000x128xf32>,
    %slice3A_33 = vector.extract_strided_slice %mul3A_30 {offsets = [0, 128], sizes = [1000, 128], strides = [1, 1]} : vector<1000x256xf32> to vector<1000x128xf32>
    %swap3A_34 = arith.constant 0 : index
    %swap3A_35 = arith.constant 0 : index
    %swap3A_36 = vector.load %arg8[%swap3A_34, %swap3A_35] : memref<1000x128xf32, #tpu.memory_space<vmem>>, vector<1000x128xf32>
    tpu.vector_store %arg8[%swap3A_34, %swap3A_35], %slice3A_33 {strides = array<i32>} : memref<1000x128xf32, #tpu.memory_space<vmem>>, vector<1000x128xf32>,
    return
  }
  func.func @transform_0(%arg0: i32) -> (i32, i32) {
    %c0_i32 = arith.constant 0 : i32
    %c0_i32_0 = arith.constant 0 : i32
    return %arg0, %c0_i32 : i32, i32
  }
  func.func @transform_1(%arg0: i32) -> (i32, i32) {
    %c0_i32 = arith.constant 0 : i32
    %c0_i32_0 = arith.constant 0 : i32
    return %arg0, %c0_i32 : i32, i32
  }
  func.func @transform_2(%arg0: i32) -> (i32, i32) {
    %c0_i32 = arith.constant 0 : i32
    %c0_i32_0 = arith.constant 0 : i32
    return %arg0, %c0_i32 : i32, i32
  }
  func.func @transform_3(%arg0: i32) -> (i32, i32) {
    %c0_i32 = arith.constant 0 : i32
    %c0_i32_0 = arith.constant 0 : i32
    return %arg0, %c0_i32 : i32, i32
  }
  func.func @transform_4(%arg0: i32) -> (i32, i32) {
    %c0_i32 = arith.constant 0 : i32
    %c0_i32_0 = arith.constant 0 : i32
    %c0_i32_1 = arith.constant 0 : i32
    return %c0_i32, %c0_i32_0 : i32, i32
  }
  func.func @transform_5(%arg0: i32) -> (i32, i32) {
    %c0_i32 = arith.constant 0 : i32
    %c0_i32_0 = arith.constant 0 : i32
    %c0_i32_1 = arith.constant 0 : i32
    return %c0_i32, %c0_i32_0 : i32, i32
  }
  func.func @transform_6(%arg0: i32) -> (i32, i32) {
    %c0_i32 = arith.constant 0 : i32
    %c0_i32_0 = arith.constant 0 : i32
    return %arg0, %c0_i32 : i32, i32
  }
  func.func @transform_7(%arg0: i32) -> (i32, i32) {
    %c0_i32 = arith.constant 0 : i32
    %c0_i32_0 = arith.constant 0 : i32
    return %arg0, %c0_i32 : i32, i32
  }
}

module attributes {stable_mosaic.version = 14 : i64} {
  func.func @_z_body(%arg0: i32, %arg1: memref<1000x128xf32, #tpu.memory_space<vmem>>, %arg2: memref<1000x128xf32, #tpu.memory_space<vmem>>, %arg3: memref<1000x16xf32, #tpu.memory_space<vmem>>, %arg4: memref<256x256xf32, #tpu.memory_space<vmem>>, %arg5: memref<1x256xf32, #tpu.memory_space<vmem>>, %arg6: memref<1000x128xf32, #tpu.memory_space<vmem>>, %arg7: memref<1000x128xf32, #tpu.memory_space<vmem>>) attributes {dimension_semantics = [#tpu.dimension_semantics<arbitrary>], iteration_bounds = array<i64: 10>, scalar_prefetch = 0 : i64, scratch_operands = 0 : i64, tpu.core_type = #tpu.core_type<tc>, window_params = [{transform_indices = @transform_0, window_bounds = array<i64: 1000, 128>}, {transform_indices = @transform_1, window_bounds = array<i64: 1000, 128>}, {transform_indices = @transform_2, window_bounds = array<i64: 1000, 16>}, {pipeline_mode = #tpu.pipeline_mode<synchronous>, transform_indices = @transform_3, window_bounds = array<i64: 256, 256>}, {pipeline_mode = #tpu.pipeline_mode<synchronous>, transform_indices = @transform_4, window_bounds = array<i64: 1, 256>}, {transform_indices = @transform_5, window_bounds = array<i64: 1000, 128>}, {transform_indices = @transform_6, window_bounds = array<i64: 1000, 128>}]} {
    %get3A = arith.constant 0 : index
    %get3A_0 = arith.constant 0 : index
    %get3A_1 = vector.load %arg3[%get3A, %get3A_0] : memref<1000x16xf32, #tpu.memory_space<vmem>>, vector<1000x1xf32>
    %max3A = arith.constant 1.000000e+00 : f32
    %max3A_2 = vector.broadcast %max3A : f32 to vector<1000x1xf32>
    %max3A_3 = arith.maximumf %get3A_1, %max3A_2 : vector<1000x1xf32>
    %rsqrt3A = math.rsqrt %max3A_3 : vector<1000x1xf32>
    %get3A_4 = arith.constant 0 : index
    %get3A_5 = arith.constant 0 : index
    %get3A_6 = vector.load %arg1[%get3A_4, %get3A_5] : memref<1000x128xf32, #tpu.memory_space<vmem>>, vector<1000x128xf32>
    %get3A_7 = arith.constant 0 : index
    %get3A_8 = arith.constant 0 : index
    %get3A_9 = vector.load %arg2[%get3A_7, %get3A_8] : memref<1000x128xf32, #tpu.memory_space<vmem>>, vector<1000x128xf32>
    %concatenate3A = tpu.concatenate %get3A_6, %get3A_9 in 1 : vector<1000x128xf32>, vector<1000x128xf32> -> vector<1000x256xf32>
    %mul3A = vector.broadcast %rsqrt3A : vector<1000x1xf32> to vector<1000x256xf32>
    %mul3A_10 = arith.mulf %concatenate3A, %mul3A : vector<1000x256xf32>
    %get3A_11 = arith.constant 0 : index
    %get3A_12 = arith.constant 0 : index
    %get3A_13 = vector.load %arg4[%get3A_11, %get3A_12] : memref<256x256xf32, #tpu.memory_space<vmem>>, vector<256x256xf32>
    %dot_general3A = arith.constant dense<0.000000e+00> : vector<1000x256xf32>
    %dot_general3A_14 = tpu.matmul %mul3A_10, %get3A_13, %dot_general3A {dimension_numbers = #tpu.dot_dimension_numbers<[1], [0], [0], [1], [0, 0, 1, 1], [], []>, precision = #tpu.contract_precision<fp32>, transpose_lhs_hint = false} : vector<1000x256xf32>, vector<256x256xf32>, vector<1000x256xf32> -> vector<1000x256xf32>
    %get3A_15 = arith.constant 0 : index
    %get3A_16 = arith.constant 0 : index
    %get3A_17 = vector.load %arg5[%get3A_15, %get3A_16] : memref<1x256xf32, #tpu.memory_space<vmem>>, vector<1x256xf32>
    %add3A = vector.broadcast %get3A_17 : vector<1x256xf32> to vector<1000x256xf32>
    %add3A_18 = arith.addf %dot_general3A_14, %add3A : vector<1000x256xf32>
    %slice3A = vector.extract_strided_slice %add3A_18 {offsets = [0, 0], sizes = [1000, 128], strides = [1, 1]} : vector<1000x256xf32> to vector<1000x128xf32>
    %get3A_19 = arith.constant 0 : index
    %get3A_20 = arith.constant 0 : index
    %get3A_21 = vector.load %arg6[%get3A_19, %get3A_20] : memref<1000x128xf32, #tpu.memory_space<vmem>>, vector<1000x128xf32>
    %slice3A_22 = vector.extract_strided_slice %add3A_18 {offsets = [0, 128], sizes = [1000, 128], strides = [1, 1]} : vector<1000x256xf32> to vector<1000x128xf32>
    %exp3A = math.exp %slice3A_22 : vector<1000x128xf32>
    %mul3A_23 = arith.mulf %get3A_21, %exp3A : vector<1000x128xf32>
    %add3A_24 = arith.addf %slice3A, %mul3A_23 : vector<1000x128xf32>
    %swap3A = arith.constant 0 : index
    %swap3A_25 = arith.constant 0 : index
    %swap3A_26 = vector.load %arg7[%swap3A, %swap3A_25] : memref<1000x128xf32, #tpu.memory_space<vmem>>, vector<1000x128xf32>
    tpu.vector_store %arg7[%swap3A, %swap3A_25], %add3A_24 {strides = array<i32>} : memref<1000x128xf32, #tpu.memory_space<vmem>>, vector<1000x128xf32>,
    return
  }
  func.func @transform_0(%arg0: i32) -> (i32, i32) {
    %c0_i32 = arith.constant 0 : i32
    %c0_i32_0 = arith.constant 0 : i32
    return %arg0, %c0_i32 : i32, i32
  }
  func.func @transform_1(%arg0: i32) -> (i32, i32) {
    %c0_i32 = arith.constant 0 : i32
    %c0_i32_0 = arith.constant 0 : i32
    return %arg0, %c0_i32 : i32, i32
  }
  func.func @transform_2(%arg0: i32) -> (i32, i32) {
    %c0_i32 = arith.constant 0 : i32
    %c0_i32_0 = arith.constant 0 : i32
    return %arg0, %c0_i32 : i32, i32
  }
  func.func @transform_3(%arg0: i32) -> (i32, i32) {
    %c0_i32 = arith.constant 0 : i32
    %c0_i32_0 = arith.constant 0 : i32
    %c0_i32_1 = arith.constant 0 : i32
    return %c0_i32, %c0_i32_0 : i32, i32
  }
  func.func @transform_4(%arg0: i32) -> (i32, i32) {
    %c0_i32 = arith.constant 0 : i32
    %c0_i32_0 = arith.constant 0 : i32
    %c0_i32_1 = arith.constant 0 : i32
    return %c0_i32, %c0_i32_0 : i32, i32
  }
  func.func @transform_5(%arg0: i32) -> (i32, i32) {
    %c0_i32 = arith.constant 0 : i32
    %c0_i32_0 = arith.constant 0 : i32
    return %arg0, %c0_i32 : i32, i32
  }
  func.func @transform_6(%arg0: i32) -> (i32, i32) {
    %c0_i32 = arith.constant 0 : i32
    %c0_i32_0 = arith.constant 0 : i32
    return %arg0, %c0_i32 : i32, i32
  }
}

module attributes {stable_mosaic.version = 14 : i64} {
  func.func @_dec_body(%arg0: i32, %arg1: i32, %arg2: memref<1024x128xf32, #tpu.memory_space<vmem>>, %arg3: memref<1024x128xf32, #tpu.memory_space<vmem>>, %arg4: memref<1024x1024xf32, #tpu.memory_space<vmem>>) attributes {dimension_semantics = [#tpu.dimension_semantics<arbitrary>, #tpu.dimension_semantics<arbitrary>], iteration_bounds = array<i64: 10, 10>, scalar_prefetch = 0 : i64, scratch_operands = 0 : i64, tpu.core_type = #tpu.core_type<tc>, window_params = [{transform_indices = @transform_0, window_bounds = array<i64: 1024, 128>}, {transform_indices = @transform_1, window_bounds = array<i64: 1024, 128>}, {transform_indices = @transform_2, window_bounds = array<i64: 1024, 1024>}]} {
    %get3A = arith.constant 0 : index
    %get3A_0 = arith.constant 0 : index
    %get3A_1 = vector.load %arg2[%get3A, %get3A_0] : memref<1024x128xf32, #tpu.memory_space<vmem>>, vector<1024x128xf32>
    %get3A_2 = arith.constant 0 : index
    %get3A_3 = arith.constant 0 : index
    %get3A_4 = vector.load %arg3[%get3A_2, %get3A_3] : memref<1024x128xf32, #tpu.memory_space<vmem>>, vector<1024x128xf32>
    %convert_element_type3A = arith.truncf %get3A_1 : vector<1024x128xf32> to vector<1024x128xbf16>
    %convert_element_type3A_5 = arith.extf %convert_element_type3A : vector<1024x128xbf16> to vector<1024x128xf32>
    %sub3A = arith.subf %get3A_1, %convert_element_type3A_5 : vector<1024x128xf32>
    %convert_element_type3A_6 = arith.truncf %sub3A : vector<1024x128xf32> to vector<1024x128xbf16>
    %convert_element_type3A_7 = arith.truncf %get3A_4 : vector<1024x128xf32> to vector<1024x128xbf16>
    %convert_element_type3A_8 = arith.extf %convert_element_type3A_7 : vector<1024x128xbf16> to vector<1024x128xf32>
    %sub3A_9 = arith.subf %get3A_4, %convert_element_type3A_8 : vector<1024x128xf32>
    %convert_element_type3A_10 = arith.truncf %sub3A_9 : vector<1024x128xf32> to vector<1024x128xbf16>
    %dot_general3A = arith.constant dense<0.000000e+00> : vector<1024x1024xf32>
    %dot_general3A_11 = tpu.matmul %convert_element_type3A, %convert_element_type3A_10, %dot_general3A {dimension_numbers = #tpu.dot_dimension_numbers<[1], [1], [0], [0], [0, 0, 1, 0], [], []>, transpose_lhs_hint = false} : vector<1024x128xbf16>, vector<1024x128xbf16>, vector<1024x1024xf32> -> vector<1024x1024xf32>
    %dot_general3A_12 = arith.constant dense<0.000000e+00> : vector<1024x1024xf32>
    %dot_general3A_13 = tpu.matmul %convert_element_type3A_6, %convert_element_type3A_7, %dot_general3A_12 {dimension_numbers = #tpu.dot_dimension_numbers<[1], [1], [0], [0], [0, 0, 1, 0], [], []>, transpose_lhs_hint = false} : vector<1024x128xbf16>, vector<1024x128xbf16>, vector<1024x1024xf32> -> vector<1024x1024xf32>
    %add3A = arith.addf %dot_general3A_11, %dot_general3A_13 : vector<1024x1024xf32>
    %dot_general3A_14 = arith.constant dense<0.000000e+00> : vector<1024x1024xf32>
    %dot_general3A_15 = tpu.matmul %convert_element_type3A, %convert_element_type3A_7, %dot_general3A_14 {dimension_numbers = #tpu.dot_dimension_numbers<[1], [1], [0], [0], [0, 0, 1, 0], [], []>, transpose_lhs_hint = false} : vector<1024x128xbf16>, vector<1024x128xbf16>, vector<1024x1024xf32> -> vector<1024x1024xf32>
    %add3A_16 = arith.addf %add3A, %dot_general3A_15 : vector<1024x1024xf32>
    %logistic3A = arith.negf %add3A_16 : vector<1024x1024xf32>
    %logistic3A_17 = math.exp %logistic3A : vector<1024x1024xf32>
    %logistic3A_18 = arith.constant 1.000000e+00 : f32
    %logistic3A_19 = vector.broadcast %logistic3A_18 : f32 to vector<1024x1024xf32>
    %logistic3A_20 = arith.addf %logistic3A_19, %logistic3A_17 : vector<1024x1024xf32>
    %logistic3A_21 = arith.divf %logistic3A_19, %logistic3A_20 : vector<1024x1024xf32>
    %swap3A = arith.constant 0 : index
    %swap3A_22 = arith.constant 0 : index
    %swap3A_23 = vector.load %arg4[%swap3A, %swap3A_22] : memref<1024x1024xf32, #tpu.memory_space<vmem>>, vector<1024x1024xf32>
    tpu.vector_store %arg4[%swap3A, %swap3A_22], %logistic3A_21 {strides = array<i32>} : memref<1024x1024xf32, #tpu.memory_space<vmem>>, vector<1024x1024xf32>,
    return
  }
  func.func @transform_0(%arg0: i32, %arg1: i32) -> (i32, i32) {
    %c0_i32 = arith.constant 0 : i32
    %c0_i32_0 = arith.constant 0 : i32
    return %arg0, %c0_i32 : i32, i32
  }
  func.func @transform_1(%arg0: i32, %arg1: i32) -> (i32, i32) {
    %c0_i32 = arith.constant 0 : i32
    %c0_i32_0 = arith.constant 0 : i32
    return %arg1, %c0_i32 : i32, i32
  }
  func.func @transform_2(%arg0: i32, %arg1: i32) -> (i32, i32) {
    %c0_i32 = arith.constant 0 : i32
    return %arg0, %arg1 : i32, i32
  }
}

</mosaic_0001>

<sc_bundles>
// kernel: kernel.12.cloned.1.call-start
scs
__scs_entry_jumppad:
0x0: {  	(pc) =	sbr.rel $0x88, $3  }
0x1: {  	(tag) =	ssettag $0x0;
	lr =	simm.s32 $0x1  }
0x2: {  	[smem:$0x3F98] =	sst lr;
	_ =	strace $0xD0000000  }
0x3: {  	_ = 	snop  }
0x4: {  	_ = 	snop  }
0x5: {  	_ = 	snop  }
0x6: {  	_ = 	snop  }
0x7: {  	_ = 	snop  }
__scs_overlays_trampoline_lowered:
0x8: {  	[smem:$0x3FA7] =	sst s0  }
0x9: {  	[smem:$0x3FA8] =	sst s1  }
0xa: {  	[smem:$0x3FA9] =	sst s2  }
0xb: {  	[smem:$0x3FAA] =	sst s3  }
0xc: {  	[smem:$0x3FAB] =	sst s4  }
0xd: {  	[smem:$0x3FAC] =	sst s5  }
0xe: {  	[smem:$0x3FAD] =	sst s6  }
0xf: {  	[smem:$0x3FAE] =	sst s7  }
0x10: {  	[smem:$0x3FAF] =	sst s8  }
0x11: {  	[smem:$0x3FB0] =	sst s9;
	s0 =	simm.s32 @!p0 $0x0  }
0x12: {  	s1 =	sld [smem:$0x3F96];
	s0 =	simm.s32 @p0 $0x1  }
0x13: {  	[smem:$0x3FB1] =	sst s0;
	s0 =	simm.s32 @!p1 $0x0  }
0x14: {  	s2 =	sld [smem:$0x3F95];
	s0 =	simm.s32 @p1 $0x1  }
0x15: {  	[smem:$0x3FB2] =	sst s0;
	s0 =	simm.s32 @!p2 $0x0  }
0x16: {  	s3 =	sld [smem:$0x3FDB];
	s0 =	simm.s32 @p2 $0x1  }
0x17: {  	s4 =	simm.s32 $0x1BF5;
	[smem:$0x3FB4] =	sst s0  }
0x18: {  	s0 =	sld [smem:$0x3F97];
	_ =	swait.ge [sflag:s4], $0x0  }
0x19: {  	s7 =	sld [smem:$0x3F98]  }
0x1a: {  	s8 =	sadd.s32 $0xFFFFE003, lr  }
0x1b: {  	s9 =	sadd.s32 $0xFFFFFEF7, lr;
	s5 =	simm.s32 $0xFFFFFFFF;
	p2 =	slt.u32 s8, $0xFFFFF086  }
0x1c: {  	p1 =	slt.u32 s9, $0xF7A;
	s5 =	simm.s32 @!p2 $0x0  }
0x1d: {  	s5 =	simm.s32 @p1 $0x1;
	p0 =	seq.s32 s7, s2  }
0x1e: {  	s7 =	smul.u32 @!p0 $0xF7A, s2;
	p2 =	seq.s32 @!p0 s5, $0x0  }
0x1f: {  	s9 =	smul.u32 $0xF7A, s1;
	s8 =	simm.s32 @!p0 $0x1BF5;
	p2 =	por !p2, p0  }
0x20: {  	[sflag:s8] =	ssyncset.s32 @!p0 $0xFFFFF086;
	s6 =	sadd.s32 @!p0 s3, s7;
	s7 =	simm.s32 @!p0 $0x108  }
0x21: {  	s3 =	sadd.s32 s3, s9;
	s6 =	sadd.s32 @!p0 $0x88, s6;
	s7 =	simm.s32 @p2 $0x1082  }
0x22: {  	[simem:s7], [sflag:s8] =	dma.local @!p0 [hbm:s6], $0xF7A  }
0x23: {  	s9 =	sor.u32 $0xD0000000, s2;
	s6 =	simm.s32 $0x108;
	_ =	swait.ge @!p0 [sflag:s8], $0x0  }
0x24: {  	s3 =	sadd.s32 $0x88, s3;
	s6 =	simm.s32 @!p1 $0x1082;
	[sflag:s4] =	ssyncset.s32 $0xFFFFF086  }
0x25: {  	[simem:s6], [sflag:s4] =	dma.local [hbm:s3], $0xF7A  }
0x26: {  	[smem:$0x3F98] =	sst s1;
	(tag) =	ssettag s2;
	_ =	strace s9  }
0x27: {  	s1 =	sld [smem:$0x3FA8]  }
0x28: {  	s2 =	sld [smem:$0x3FA9]  }
0x29: {  	s4 =	sld [smem:$0x3FAB]  }
0x2a: {  	p0 =	seq.s32 s5, $0x0;
	s5 =	sld [smem:$0x3FAC]  }
0x2b: {  	s6 =	sld [smem:$0x3FAD]  }
0x2c: {  	s7 =	sld [smem:$0x3FAE]  }
0x2d: {  	s3 =	simm.s32 $0x108;
	s8 =	sld [smem:$0x3FAF]  }
0x2e: {  	s3 =	simm.s32 @!p0 $0x1082;
	s9 =	sld [smem:$0x3FB0]  }
0x2f: {  	lr =	sadd.s32 s0, s3;
	s0 =	sld [smem:$0x3FA7]  }
0x30: {  	s3 =	sld [smem:$0x3FAA]  }
0x31: {  	[smem:$0x3FB3] =	sst s10  }
0x32: {  	s10 =	sld [smem:$0x3FB1];
	_ =	sdelay $0x3  }
0x33: {  	p0 =	seq.s32 s10, $0x1;
	s10 =	sld [smem:$0x3FB3];
	_ =	sdelay $0x3  }
0x34: {  	[smem:$0x3FB3] =	sst s10  }
0x35: {  	s10 =	sld [smem:$0x3FB2];
	_ =	sdelay $0x3  }
0x36: {  	p1 =	seq.s32 s10, $0x1;
	s10 =	sld [smem:$0x3FB3];
	_ =	sdelay $0x3  }
0x37: {  	[smem:$0x3FB3] =	sst s10  }
0x38: {  	s10 =	sld [smem:$0x3FB4]  }
0x39: {  	_ = 	snop;
	(pc) =	sbr.ind lr, $3  }
0x3a: {  	_ = 	snop  }
0x3b: {  	_ = 	snop  }
0x3c: {  	p2 =	seq.s32 s10, $0x1;
	s10 =	sld [smem:$0x3FB3]  }
0x3d: {  	_ =	shalt  }
0x3e: {  	_ =	shalt  }
0x3f: {  	_ =	shalt  }
0x40: {  	_ =	shalt  }
0x41: {  	_ =	shalt  }
0x42: {  	_ =	shalt  }
0x43: {  	_ =	shalt  }
0x44: {  	_ =	shalt  }
0x45: {  	_ =	shalt  }
0x46: {  	_ =	shalt  }
0x47: {  	_ =	shalt  }
0x48: {  	_ =	shalt  }
0x49: {  	_ =	shalt  }
0x4a: {  	_ =	shalt  }
0x4b: {  	_ =	shalt  }
0x4c: {  	_ =	shalt  }
0x4d: {  	_ =	shalt  }
0x4e: {  	_ =	shalt  }
0x4f: {  	_ =	shalt  }
0x50: {  	_ =	shalt  }
0x51: {  	_ =	shalt  }
0x52: {  	_ =	shalt  }
0x53: {  	_ =	shalt  }
0x54: {  	_ =	shalt  }
0x55: {  	_ =	shalt  }
0x56: {  	_ =	shalt  }
0x57: {  	_ =	shalt  }
0x58: {  	_ =	shalt  }
0x59: {  	_ =	shalt  }
0x5a: {  	_ =	shalt  }
0x5b: {  	_ =	shalt  }
0x5c: {  	_ =	shalt  }
0x5d: {  	_ =	shalt  }
0x5e: {  	_ =	shalt  }
0x5f: {  	_ =	shalt  }
0x60: {  	_ =	shalt  }
0x61: {  	_ =	shalt  }
0x62: {  	_ =	shalt  }
0x63: {  	_ =	shalt  }
0x64: {  	_ =	shalt  }
0x65: {  	_ =	shalt  }
0x66: {  	_ =	shalt  }
0x67: {  	_ =	shalt  }
0x68: {  	_ =	shalt  }
0x69: {  	_ =	shalt  }
0x6a: {  	_ =	shalt  }
0x6b: {  	_ =	shalt  }
0x6c: {  	_ =	shalt  }
0x6d: {  	_ =	shalt  }
0x6e: {  	_ =	shalt  }
0x6f: {  	_ =	shalt  }
0x70: {  	_ =	shalt  }
0x71: {  	_ =	shalt  }
0x72: {  	_ =	shalt  }
0x73: {  	_ =	shalt  }
0x74: {  	_ =	shalt  }
0x75: {  	_ =	shalt  }
0x76: {  	_ =	shalt  }
0x77: {  	_ =	shalt  }
0x78: {  	_ =	shalt  }
0x79: {  	_ =	shalt  }
0x7a: {  	_ =	shalt  }
0x7b: {  	_ =	shalt  }
0x7c: {  	_ =	shalt  }
0x7d: {  	_ =	shalt  }
0x7e: {  	_ =	shalt  }
0x7f: {  	_ =	shalt  }
0x80: {  	_ =	shalt  }
0x81: {  	_ =	shalt  }
0x82: {  	_ =	shalt  }
0x83: {  	_ =	shalt  }
0x84: {  	_ =	shalt  }
0x85: {  	_ =	shalt  }
0x86: {  	_ =	shalt  }
0x87: {  	_ =	shalt  }
.Lfunc_end0:
.L_simem_size_0:
called_computation.1_lowered:
.L_overlay_start_0:
0x88: {  	s2 =	sld [smem:$0x3FD9]  }
0x89: {  	s3 =	sld [smem:$0x3FFE];
	_ =	sdelay $0x1  }
0x8a: {  	s1 =	srdreg.scid  }
0x8b: {  	s0 =	sand.u32 $0x1, s1  }
0x8c: {  	s17 =	sshll.u32 s0, $0xA;
	s2 =	sadd.s32 s3, s2  }
0x8d: {  	s2 =	sadd.s32 s2, s17  }
0x8e: {  	[smem:$0x3FBF] =	sst s2  }
0x8f: {  	_ = 	snop  }
0x90: {  	s2 =	sld [smem:$0x3FD0];
	(tm) =	ssettm $0x1  }
0x91: {  	s18 =	sld [smem:$0x3FFB];
	_ =	sdelay $0x3  }
0x92: {  	_ =	strace s18  }
0x93: {  	s3 =	sld [smem:$0x3FFC];
	_ =	sdelay $0x3  }
0x94: {  	_ =	strace s3  }
0x95: {  	s3 =	sld [smem:$0x3FFD];
	_ =	sdelay $0x3  }
0x96: {  	_ =	strace s3  }
0x97: {  	_ =	strace $0x8FFFFFFF  }
0x98: {  	s19 =	sld [smem:$0x3FDB];
	_ =	sdelay $0x1  }
0x99: {  	s4 =	simm.s32 $_scs_section_size  }
0x9a: {  	s5 =	simm.s32 $_size__tile_overlayer_lowered;
	s6 =	simm.s32 $_tile_overlayer_lowered  }
0x9b: {  	s22 =	simm.s32 $0x1BFF;
	s21 =	sshll.u32 s6, $0x1;
	s3 =	sadd.s32 s4, s19  }
0x9c: {  	s7 =	simm.s32 $0x0;
	s20 =	sshll.u32 s5, $0x1;
	s5 =	sadd.s32 s21, s3  }
0x9d: {  	[timem:s7], [sflag:s22] =	dma.local [hbm:s5], s20  }
0x9e: {  	_ =	swait.ge [sflag:s22], s20  }
0x9f: {  	s4 =	ssub.s32 $0x0, s20;
	[sflag:s22] =	ssyncset.done $0x0  }
0xa0: {  	[sflag:s22] =	ssyncadd.s32 s4;
	_ =	sdelay $0x1  }
0xa1: {  	s23 =	simm.s32 $0x1B8B  }
0xa2: {  	_ =	swait.ge [sflag:s23], $0x1  }
0xa3: {  	[sflag:s23] =	ssyncset.done $0x0  }
0xa4: {  	s25 =	simm.s32 $0x1B8E;
	s24 =	sld [smem:$0x3FFE];
	[sflag:s23] =	ssyncadd.s32 $0xFFFFFFFF  }
0xa5: {  	s26 =	simm.s32 $execute0_lowered;
	[smem:$0x3FD2] =	sst s25  }
0xa6: {  	s5 =	sshll.u32 s26, $0x1;
	_ =	strace $0x80000049;
	[dreg:$0x1] =	wrdreg $0xFFFFFFFF  }
0xa7: {  	s28 =	simm.s32 $_size_execute0_lowered;
	s3 =	sadd.s32 s3, s5;
	[dreg:$0x0] =	wrdreg $0x0  }
0xa8: {  	s5 =	sshll.u32 s28, $0x1;
	[dreg:$0x2] =	wrdreg s3  }
0xa9: {  	[dreg:$0x3] =	wrdreg s5  }
0xaa: {  	[dreg:$0x4] =	wrdreg $0xC0  }
0xab: {  	_ =	task [dreg:s7], $0x5FFFF  }
0xac: {  	[dreg:$0x1] =	wrdreg $0xFFFFFFFF  }
0xad: {  	[dreg:$0x0] =	wrdreg $0x60  }
0xae: {  	[dreg:$0x2] =	wrdreg s24  }
0xaf: {  	[dreg:$0x3] =	wrdreg s2  }
0xb0: {  	[dreg:$0x4] =	wrdreg $0x0  }
0xb1: {  	[dreg:$0x5] =	wrdreg $0x9  }
0xb2: {  	_ =	task.clear_ibuf [dreg:s7], $0x6FFFF;
	_ =	strace $0x90000049  }
0xb3: {  	s29 =	simm.s32 $0x9;
	_ =	strace $0x8000004B  }
0xb4: {  	_ =	swait.ge [sflag:s29], $0x1  }
0xb5: {  	[sflag:s29] =	ssyncadd.s32 $0xFFFFFFFF  }
0xb6: {  	_ =	strace $0x9000004B  }
0xb7: {  	_ =	sfence  }
0xb8: {  	s30 =	sld [smem:$0x0];
	_ =	sdelay $0x2  }
0xb9: {  	s31 =	sshll.u32 s1, $0xD;
	s1 =	sshrl.u32 s1, $0x2  }
0xba: {  	s3 =	sand.u32 $0x4000, s31;
	s1 =	sadd.s32 s1, s30  }
0xbb: {  	s0 =	sor.u32 s3, s0;
	s1 =	sshll.u32 s1, $0x11  }
0xbc: {  	s0 =	sor.u32 s1, s0  }
0xbd: {  	s0 =	sadd.s32 $0x8F2B, s0  }
0xbe: {  	[sflag:s0] =	ssyncadd.remote.s32 $0x1  }
0xbf: {  	_ =	sfence.sel $0xFFFF  }
0xc0: {  	[dreg:$0x0] =	wrdreg $0xFFFFFFFF;
	(pc) =	sbr.abs _section_cstart, $3  }
0xc1: {  	[dreg:$0x1] =	wrdreg $0xFFFFFFFF  }
0xc2: {  	_ =	task.clear_ibuf [dreg:s7], $0x2FFFF;
	_ =	strace $0x9FFFFFFF  }
0xc3: {  	(tm) =	ssettm $0x7FFFFFFF  }
tec
execute0_lowered:
.L_overlay_start_1:
0x0: {  	(tag) =	ssettag $0x1  }
0x1: {  	s0 =	rddreg [dreg:$0x0]  }
0x2: {  	s1 =	rddreg [dreg:$0x1]  }
0x3: {  	s2 =	rddreg [dreg:$0x2];
	s12 =	stileid.u32  }
0x4: {  	s3 =	simm.s32 $0x0;
	s7 =	srdreg.scid;
	s28 =	simm.s32 $0x13E00  }
0x5: {  	s29 =	simm.s32 $0x14580;
	s30 =	simm.s32 $0x13E80;
	s4 =	smul.u32 $0x500, s12  }
0x6: {  	s31 =	simm.s32 $0x0;
	[smem:$0x7FF] =	sst s3;
	s8 =	smul.u32 $0x4F000, s12  }
0x7: {  	s5 =	sadd.s32 $0x61800, s0;
	s13 =	sadd.s32 $0xAFC00, s0;
	s9 =	smul.u32 $0x2780, s12  }
0x8: {  	s7 =	sand.u32 $0x1, s7;
	s14 =	sadd.s32 $0xD6E00, s0;
	s11 =	smul.u32 $0x4E000, s12  }
0x9: {  	s18 =	smul.u32 $0x2700, s12;
	s19 =	sshll.u32 s12, $0x6;
	s23 =	sadd.s32 $0x138000, s2  }
0xa: {  	p1 =	seq.s32 s12, $0xF;
	p2 =	sne.s32 s12, $0xF;
	s12 =	simm.s32 $0x13F80  }
0xb: {  	_ =	strace $0x8000004A;
	s17 =	ssub.s32 $0x2, s7;
	[dreg:$0x5] =	wrdreg s14  }
0xc: {  	s16 =	sor.u32 $0x1C02, s19;
	[dreg:$0x4] =	wrdreg s13;
	p0 =	sne.s32 s7, $0x0  }
0xd: {  	s19 =	simm.s32 $0x14400;
	s26 =	sshrl.u32 s23, $0x3;
	s23 =	simm.s32 $0x13D80  }
0xe: {  	s6 =	sadd.s32 s4, s0;
	s4 =	sadd.s32 $0x88A00, s0;
	s10 =	sshrl.u32 s17, $0x1  }
0xf: {  	s8 =	sshrl.u32 s8, $0x2;
	s1 =	sadd.s32 s1, s9;
	s20 =	sshrl.u32 s11, $0x2  }
0x10: {  	s22 =	sadd.s32 s14, s18;
	s24 =	sadd.s32 s13, s18;
	[dreg:$0xd] =	wrdreg s26  }
0x11: {  	s18 =	simm.s32 $0x13C00;
	s13 =	simm.s32 $0x13C80;
	[dreg:$0x7] =	wrdreg s16  }
0x12: {  	s9 =	simm.s32 $0x13D00;
	s26 =	simm.s32 $0x14500;
	[dreg:$0x6] =	wrdreg s1  }
0x13: {  	s11 =	simm.s32 $0x14680;
	s0 =	ssub.s32 s17, s10;
	[dreg:$0x9] =	wrdreg s22  }
0x14: {  	s8 =	sadd.s32 s8, s2;
	s21 =	sadd.s32 s20, s2;
	[dreg:$0xa] =	wrdreg s24  }
0x15: {  	s14 =	sadd.s32 $0xDC00, s6;
	s15 =	sadd.s32 $0x8C00, s6;
	s17 =	simm.s32 $0x2  }
.Ltmp0:
0x16: {  	s20 =	simm.s32 $0x80;
	s22 =	simm.s32 $0x1;
	(pc) =	sbr.rel .LBB2_1-.Ltmp0, $4  }
0x17: {  	s24 =	simm.s32 $0x18C00;
	s10 =	simm.s32 $0x14480;
	s1 =	simm.s32 $0x13F00  }
0x18: {  	s6 =	simm.s32 $0x14000;
	[dreg:$0x8] =	wrdreg s21;
	s0 =	smax.u32 s0, $0x1  }
0x19: {  	s25 =	sshrl.u32 s8, $0x3;
	s21 =	simm.s32 $0x14C00;
	[dreg:$0xb] =	wrdreg s0  }
0x1a: {  	[dreg:$0xc] =	wrdreg s25;
	s0 =	simm.s32 $0x14600;
	s25 =	simm.s32 $0x14700  }
.LBB2_8:
0x1b: {  	s7 =	sadd.s32 $0x27000, s7;
	s8 =	rddreg [dreg:$0xd]  }
0x1c: {  	[hbm:s7], [sflag:s16] =	dma.local [spmem:s8], $0x100  }
0x1d: {  	_ =	swait.ge [sflag:s17], $0x100  }
0x1e: {  	[sflag:s17] =	ssyncset.done $0x0  }
0x1f: {  	[sflag:s17] =	ssyncadd.s32 $0xFFFFFF00  }
.LBB2_9:
0x20: {  	s31 =	sadd.s32 $0x1, s31;
	s7 =	rddreg [dreg:$0xb]  }
0x21: {  	p3 =	sne.s32 s31, s7  }
.Ltmp1:
0x22: {  	_ = 	snop;
	(pc) =	sbr.rel @!p3 .LBB2_10-.Ltmp1, $1  }
0x23: {  	_ =	sdelay $0x3  }
.LBB2_1:
0x24: {  	[dreg:$0xe] =	wrdreg s31  }
0x25: {  	s7 =	rddreg [dreg:$0x6]  }
0x26: {  	s8 =	rddreg [dreg:$0xc]  }
0x27: {  	[spmem:s8], [sflag:s16] =	dma.local [hbm:s7], $0x2780  }
.Ltmp2:
0x28: {  	_ =	swait.ge [sflag:s17], $0x2780;
	(pc) =	sbr.rel @p0 .LBB2_5-.Ltmp2, $4  }
0x29: {  	[sflag:s17] =	ssyncset.done $0x0  }
0x2a: {  	[sflag:s17] =	ssyncadd.s32 $0xFFFFD880  }
0x2b: {  	[bflag:$0x0] =	sbarrier.arrive $0xFFFF  }
0x2c: {  	s7 =	sadd.s32 $0x0, s15  }
0x2d: {  	[tilespmem:s18], [sflag:$0x2] =	stream.linear.gather [hbm4b:s7+s3], $0x800, $0x38;
	[tilespmem:$0x1CC00] =	vst v63  }
0x2e: {  	_ =	swait.ge [sflag:s17], $0x800  }
0x2f: {  	[sflag:s17] =	ssyncset.done $0x0  }
0x30: {  	s16 =	sadd.s32 $0x0, s14;
	[sflag:s17] =	ssyncadd.s32 $0xFFFFF800  }
0x31: {  	[tilespmem:s19], [sflag:$0x2] =	stream.linear.gather [hbm4b:s16+s3], $0x800, $0x38;
	[tilespmem:$0x1CC00] =	vst v63  }
0x32: {  	_ =	swait.ge [sflag:s17], $0x800  }
0x33: {  	[sflag:s17] =	ssyncset.done $0x0  }
0x34: {  	[sflag:s17] =	ssyncadd.s32 $0xFFFFF800  }
0x35: {  	[tilespmem:s21], [sflag:$0x1] =	stream.indirect.gather [hbm4b:s4+s20], $0x80, s18, s20, $0xb8;
	[tilespmem:$0x1CC00] =	vst v63  }
0x36: {  	_ =	swait.ge [sflag:s22], $0x4000  }
0x37: {  	[sflag:s22] =	ssyncset.done $0x0  }
0x38: {  	[sflag:s22] =	ssyncadd.s32 $0xFFFFC000  }
0x39: {  	[tilespmem:s24], [sflag:$0x1] =	stream.indirect.gather [hbm4b:s4+s20], $0x80, s13, s20, $0xb8;
	[tilespmem:$0x1CC00] =	vst v63  }
0x3a: {  	_ = 	snop  }
0x3b: {  	[spmem:s2] =	stream.indirect.scatter.add.f32 [tilespmem:s21], [sflag:$0x2], $0x80, s19, s20, $0xb8;
	[tilespmem:$0x1CC00] =	vst v63  }
0x3c: {  	_ =	swait.ge [sflag:s17], $0x4000  }
0x3d: {  	[sflag:s17] =	ssyncset.done $0x0  }
0x3e: {  	[sflag:s17] =	ssyncadd.s32 $0xFFFFC000  }
0x3f: {  	_ =	swait.ge [sflag:s22], $0x4000  }
0x40: {  	[sflag:s22] =	ssyncset.done $0x0  }
0x41: {  	[sflag:s22] =	ssyncadd.s32 $0xFFFFC000  }
0x42: {  	[tilespmem:s21], [sflag:$0x1] =	stream.indirect.gather [hbm4b:s4+s20], $0x80, s9, s20, $0xb8;
	[tilespmem:$0x1CC00] =	vst v63  }
0x43: {  	_ = 	snop  }
0x44: {  	[spmem:s2] =	stream.indirect.scatter.add.f32 [tilespmem:s24], [sflag:$0x2], $0x80, s10, s20, $0xb8;
	[tilespmem:$0x1CC00] =	vst v63  }
0x45: {  	_ =	swait.ge [sflag:s17], $0x4000  }
0x46: {  	[sflag:s17] =	ssyncset.done $0x0  }
0x47: {  	[sflag:s17] =	ssyncadd.s32 $0xFFFFC000  }
0x48: {  	_ =	swait.ge [sflag:s22], $0x4000  }
0x49: {  	[sflag:s22] =	ssyncset.done $0x0  }
0x4a: {  	[sflag:s22] =	ssyncadd.s32 $0xFFFFC000  }
0x4b: {  	[tilespmem:s24], [sflag:$0x1] =	stream.indirect.gather [hbm4b:s4+s20], $0x80, s23, s20, $0xb8;
	[tilespmem:$0x1CC00] =	vst v63  }
0x4c: {  	_ = 	snop  }
0x4d: {  	[spmem:s2] =	stream.indirect.scatter.add.f32 [tilespmem:s21], [sflag:$0x2], $0x80, s26, s20, $0xb8;
	[tilespmem:$0x1CC00] =	vst v63  }
0x4e: {  	_ =	swait.ge [sflag:s17], $0x4000  }
0x4f: {  	[sflag:s17] =	ssyncset.done $0x0  }
0x50: {  	[sflag:s17] =	ssyncadd.s32 $0xFFFFC000  }
0x51: {  	_ =	swait.ge [sflag:s22], $0x4000  }
0x52: {  	[sflag:s22] =	ssyncset.done $0x0  }
0x53: {  	[sflag:s22] =	ssyncadd.s32 $0xFFFFC000  }
0x54: {  	[tilespmem:s21], [sflag:$0x1] =	stream.indirect.gather [hbm4b:s4+s20], $0x80, s28, s20, $0xb8;
	[tilespmem:$0x1CC00] =	vst v63  }
0x55: {  	_ = 	snop  }
0x56: {  	[spmem:s2] =	stream.indirect.scatter.add.f32 [tilespmem:s24], [sflag:$0x2], $0x80, s29, s20, $0xb8;
	[tilespmem:$0x1CC00] =	vst v63  }
0x57: {  	_ =	swait.ge [sflag:s17], $0x4000  }
0x58: {  	[sflag:s17] =	ssyncset.done $0x0  }
0x59: {  	[sflag:s17] =	ssyncadd.s32 $0xFFFFC000  }
0x5a: {  	_ =	swait.ge [sflag:s22], $0x4000  }
0x5b: {  	[sflag:s22] =	ssyncset.done $0x0  }
0x5c: {  	[sflag:s22] =	ssyncadd.s32 $0xFFFFC000  }
0x5d: {  	[tilespmem:s24], [sflag:$0x1] =	stream.indirect.gather [hbm4b:s4+s20], $0x80, s30, s20, $0xb8;
	[tilespmem:$0x1CC00] =	vst v63  }
0x5e: {  	_ = 	snop  }
0x5f: {  	[spmem:s2] =	stream.indirect.scatter.add.f32 [tilespmem:s21], [sflag:$0x2], $0x80, s0, s20, $0xb8;
	[tilespmem:$0x1CC00] =	vst v63  }
0x60: {  	_ =	swait.ge [sflag:s17], $0x4000  }
0x61: {  	[sflag:s17] =	ssyncset.done $0x0  }
0x62: {  	[sflag:s17] =	ssyncadd.s32 $0xFFFFC000  }
0x63: {  	_ =	swait.ge [sflag:s22], $0x4000  }
0x64: {  	[sflag:s22] =	ssyncset.done $0x0  }
0x65: {  	[sflag:s22] =	ssyncadd.s32 $0xFFFFC000  }
0x66: {  	[tilespmem:s21], [sflag:$0x1] =	stream.indirect.gather [hbm4b:s4+s20], $0x80, s1, s20, $0xb8;
	[tilespmem:$0x1CC00] =	vst v63  }
0x67: {  	_ = 	snop  }
0x68: {  	[spmem:s2] =	stream.indirect.scatter.add.f32 [tilespmem:s24], [sflag:$0x2], $0x80, s11, s20, $0xb8;
	[tilespmem:$0x1CC00] =	vst v63  }
0x69: {  	_ =	swait.ge [sflag:s17], $0x4000  }
0x6a: {  	[sflag:s17] =	ssyncset.done $0x0  }
0x6b: {  	[sflag:s17] =	ssyncadd.s32 $0xFFFFC000  }
0x6c: {  	_ =	swait.ge [sflag:s22], $0x4000  }
0x6d: {  	[sflag:s22] =	ssyncset.done $0x0  }
0x6e: {  	[sflag:s22] =	ssyncadd.s32 $0xFFFFC000  }
0x6f: {  	[tilespmem:s24], [sflag:$0x1] =	stream.indirect.gather [hbm4b:s4+s20], $0x80, s12, s20, $0xb8;
	[tilespmem:$0x1CC00] =	vst v63  }
0x70: {  	_ = 	snop  }
0x71: {  	[spmem:s2] =	stream.indirect.scatter.add.f32 [tilespmem:s21], [sflag:$0x2], $0x80, s25, s20, $0xb8;
	[tilespmem:$0x1CC00] =	vst v63  }
0x72: {  	_ =	swait.ge [sflag:s17], $0x4000  }
0x73: {  	[sflag:s17] =	ssyncset.done $0x0  }
0x74: {  	[sflag:s17] =	ssyncadd.s32 $0xFFFFC000  }
0x75: {  	_ =	swait.ge [sflag:s22], $0x4000  }
0x76: {  	[sflag:s22] =	ssyncset.done $0x0  }
0x77: {  	[sflag:s22] =	ssyncadd.s32 $0xFFFFC000  }
0x78: {  	[tilespmem:s21], [sflag:$0x1] =	stream.indirect.gather [hbm4b:s4+s20], $0x80, s6, s20, $0xb8;
	[tilespmem:$0x1CC00] =	vst v63  }
0x79: {  	s23 =	simm.s32 $0x14780  }
0x7a: {  	[spmem:s2] =	stream.indirect.scatter.add.f32 [tilespmem:s24], [sflag:$0x2], $0x80, s23, s20, $0xb8;
	[tilespmem:$0x1CC00] =	vst v63  }
0x7b: {  	_ =	swait.ge [sflag:s17], $0x4000  }
0x7c: {  	[sflag:s17] =	ssyncset.done $0x0  }
0x7d: {  	[sflag:s17] =	ssyncadd.s32 $0xFFFFC000  }
0x7e: {  	_ =	swait.ge [sflag:s22], $0x4000  }
0x7f: {  	[sflag:s22] =	ssyncset.done $0x0  }
0x80: {  	s25 =	simm.s32 $0x14080;
	[sflag:s22] =	ssyncadd.s32 $0xFFFFC000  }
0x81: {  	[tilespmem:s24], [sflag:$0x1] =	stream.indirect.gather [hbm4b:s4+s20], $0x80, s25, s20, $0xb8;
	[tilespmem:$0x1CC00] =	vst v63  }
0x82: {  	s26 =	simm.s32 $0x14800  }
0x83: {  	[spmem:s2] =	stream.indirect.scatter.add.f32 [tilespmem:s21], [sflag:$0x2], $0x80, s26, s20, $0xb8;
	[tilespmem:$0x1CC00] =	vst v63  }
0x84: {  	_ =	swait.ge [sflag:s17], $0x4000  }
0x85: {  	[sflag:s17] =	ssyncset.done $0x0  }
0x86: {  	[sflag:s17] =	ssyncadd.s32 $0xFFFFC000  }
0x87: {  	_ =	swait.ge [sflag:s22], $0x4000  }
0x88: {  	[sflag:s22] =	ssyncset.done $0x0  }
0x89: {  	s1 =	simm.s32 $0x14100;
	[sflag:s22] =	ssyncadd.s32 $0xFFFFC000  }
0x8a: {  	[tilespmem:s21], [sflag:$0x1] =	stream.indirect.gather [hbm4b:s4+s20], $0x80, s1, s20, $0xb8;
	[tilespmem:$0x1CC00] =	vst v63  }
0x8b: {  	s6 =	simm.s32 $0x14880  }
0x8c: {  	[spmem:s2] =	stream.indirect.scatter.add.f32 [tilespmem:s24], [sflag:$0x2], $0x80, s6, s20, $0xb8;
	[tilespmem:$0x1CC00] =	vst v63  }
0x8d: {  	_ =	swait.ge [sflag:s17], $0x4000  }
0x8e: {  	[sflag:s17] =	ssyncset.done $0x0  }
0x8f: {  	[sflag:s17] =	ssyncadd.s32 $0xFFFFC000  }
0x90: {  	_ =	swait.ge [sflag:s22], $0x4000  }
0x91: {  	[sflag:s22] =	ssyncset.done $0x0  }
0x92: {  	s7 =	simm.s32 $0x14180;
	[sflag:s22] =	ssyncadd.s32 $0xFFFFC000  }
0x93: {  	[tilespmem:s24], [sflag:$0x1] =	stream.indirect.gather [hbm4b:s4+s20], $0x80, s7, s20, $0xb8;
	[tilespmem:$0x1CC00] =	vst v63  }
0x94: {  	s8 =	simm.s32 $0x14900  }
0x95: {  	[spmem:s2] =	stream.indirect.scatter.add.f32 [tilespmem:s21], [sflag:$0x2], $0x80, s8, s20, $0xb8;
	[tilespmem:$0x1CC00] =	vst v63  }
0x96: {  	_ =	swait.ge [sflag:s17], $0x4000  }
0x97: {  	[sflag:s17] =	ssyncset.done $0x0  }
0x98: {  	[sflag:s17] =	ssyncadd.s32 $0xFFFFC000  }
0x99: {  	_ =	swait.ge [sflag:s22], $0x4000  }
0x9a: {  	[sflag:s22] =	ssyncset.done $0x0  }
0x9b: {  	s9 =	simm.s32 $0x14200;
	[sflag:s22] =	ssyncadd.s32 $0xFFFFC000  }
0x9c: {  	[tilespmem:s21], [sflag:$0x1] =	stream.indirect.gather [hbm4b:s4+s20], $0x80, s9, s20, $0xb8;
	[tilespmem:$0x1CC00] =	vst v63  }
0x9d: {  	s10 =	simm.s32 $0x14980  }
0x9e: {  	[spmem:s2] =	stream.indirect.scatter.add.f32 [tilespmem:s24], [sflag:$0x2], $0x80, s10, s20, $0xb8;
	[tilespmem:$0x1CC00] =	vst v63  }
0x9f: {  	_ =	swait.ge [sflag:s17], $0x4000  }
0xa0: {  	[sflag:s17] =	ssyncset.done $0x0  }
0xa1: {  	[sflag:s17] =	ssyncadd.s32 $0xFFFFC000  }
0xa2: {  	_ =	swait.ge [sflag:s22], $0x4000  }
0xa3: {  	[sflag:s22] =	ssyncset.done $0x0  }
0xa4: {  	s11 =	simm.s32 $0x14280;
	[sflag:s22] =	ssyncadd.s32 $0xFFFFC000  }
0xa5: {  	[tilespmem:s24], [sflag:$0x1] =	stream.indirect.gather [hbm4b:s4+s20], $0x80, s11, s20, $0xb8;
	[tilespmem:$0x1CC00] =	vst v63  }
0xa6: {  	s12 =	simm.s32 $0x14A00  }
0xa7: {  	[spmem:s2] =	stream.indirect.scatter.add.f32 [tilespmem:s21], [sflag:$0x2], $0x80, s12, s20, $0xb8;
	[tilespmem:$0x1CC00] =	vst v63  }
0xa8: {  	_ =	swait.ge [sflag:s17], $0x4000  }
0xa9: {  	[sflag:s17] =	ssyncset.done $0x0  }
0xaa: {  	[sflag:s17] =	ssyncadd.s32 $0xFFFFC000  }
0xab: {  	_ =	swait.ge [sflag:s22], $0x4000  }
0xac: {  	[sflag:s22] =	ssyncset.done $0x0  }
0xad: {  	s13 =	simm.s32 $0x14300;
	[sflag:s22] =	ssyncadd.s32 $0xFFFFC000  }
0xae: {  	[tilespmem:s21], [sflag:$0x1] =	stream.indirect.gather [hbm4b:s4+s20], $0x80, s13, s20, $0xb8;
	[tilespmem:$0x1CC00] =	vst v63  }
0xaf: {  	s16 =	simm.s32 $0x14A80  }
0xb0: {  	[spmem:s2] =	stream.indirect.scatter.add.f32 [tilespmem:s24], [sflag:$0x2], $0x80, s16, s20, $0xb8;
	[tilespmem:$0x1CC00] =	vst v63  }
0xb1: {  	_ =	swait.ge [sflag:s17], $0x4000  }
0xb2: {  	[sflag:s17] =	ssyncset.done $0x0  }
0xb3: {  	[sflag:s17] =	ssyncadd.s32 $0xFFFFC000  }
0xb4: {  	_ =	swait.ge [sflag:s22], $0x4000  }
0xb5: {  	[sflag:s22] =	ssyncset.done $0x0  }
0xb6: {  	s23 =	simm.s32 $0x14380;
	[sflag:s22] =	ssyncadd.s32 $0xFFFFC000  }
0xb7: {  	[tilespmem:s24], [sflag:$0x1] =	stream.indirect.gather [hbm4b:s4+s20], $0x80, s23, s20, $0xb8;
	[tilespmem:$0x1CC00] =	vst v63  }
0xb8: {  	s25 =	simm.s32 $0x14B00  }
0xb9: {  	[spmem:s2] =	stream.indirect.scatter.add.f32 [tilespmem:s21], [sflag:$0x2], $0x80, s25, s20, $0xb8;
	[tilespmem:$0x1CC00] =	vst v63  }
0xba: {  	s31 =	simm.s32 $0x13E80;
	s28 =	simm.s32 $0x14500;
	_ =	swait.ge [sflag:s17], $0x4000  }
0xbb: {  	s29 =	simm.s32 $0x13E00;
	s30 =	simm.s32 $0x14580;
	[sflag:s17] =	ssyncset.done $0x0  }
0xbc: {  	s0 =	simm.s32 $0x14600;
	s26 =	simm.s32 $0x14B80;
	[sflag:s17] =	ssyncadd.s32 $0xFFFFC000  }
0xbd: {  	s1 =	simm.s32 $0x13F00;
	s6 =	simm.s32 $0x14000;
	_ =	swait.ge [sflag:s22], $0x4000  }
0xbe: {  	s7 =	simm.s32 $0x100;
	s8 =	simm.s32 $0x200;
	[sflag:s22] =	ssyncset.done $0x0  }
0xbf: {  	s9 =	simm.s32 $0x13D00;
	s11 =	simm.s32 $0x14680;
	[sflag:s22] =	ssyncadd.s32 $0xFFFFC000  }
0xc0: {  	[spmem:s2] =	stream.indirect.scatter.add.f32 [tilespmem:s24], [sflag:$0x2], $0x80, s26, s20, $0xb8;
	[tilespmem:$0x1CC00] =	vst v63  }
0xc1: {  	s12 =	simm.s32 $0x13F80;
	s23 =	simm.s32 $0x14480;
	_ =	swait.ge [sflag:s17], $0x4000  }
0xc2: {  	s25 =	simm.s32 $0x14700;
	s26 =	simm.s32 $0x13D80;
	[sflag:s17] =	ssyncset.done $0x0  }
.LBB2_3:
0xc3: {  	s13 =	sadd.s32 s7, s15  }
0xc4: {  	[sflag:s17] =	ssyncadd.s32 $0xFFFFC000;
	s16 =	smov.u32 s8;
	s10 =	sadd.s32 $0x100, s8  }
0xc5: {  	[tilespmem:s18], [sflag:$0x2] =	stream.linear.gather [hbm4b:s13+s3], $0x800, $0x38;
	[tilespmem:$0x1CC00] =	vst v63  }
0xc6: {  	s13 =	simm.s32 $0x13C80  }
0xc7: {  	p3 =	sne.s32 s8, $0x400;
	_ =	swait.ge [sflag:s17], $0x800  }
0xc8: {  	s8 =	sadd.s32 s7, s14;
	[sflag:s17] =	ssyncset.done $0x0  }
0xc9: {  	s7 =	smov.u32 s16;
	s16 =	simm.s32 $0x14080;
	[sflag:s17] =	ssyncadd.s32 $0xFFFFF800  }
0xca: {  	[tilespmem:s19], [sflag:$0x2] =	stream.linear.gather [hbm4b:s8+s3], $0x800, $0x38;
	[tilespmem:$0x1CC00] =	vst v63  }
0xcb: {  	_ =	swait.ge [sflag:s17], $0x800  }
0xcc: {  	[sflag:s17] =	ssyncset.done $0x0  }
0xcd: {  	[sflag:s17] =	ssyncadd.s32 $0xFFFFF800  }
0xce: {  	[tilespmem:s21], [sflag:$0x1] =	stream.indirect.gather [hbm4b:s4+s20], $0x80, s18, s20, $0xb8;
	[tilespmem:$0x1CC00] =	vst v63  }
0xcf: {  	_ =	swait.ge [sflag:s22], $0x4000  }
0xd0: {  	[sflag:s22] =	ssyncset.done $0x0  }
0xd1: {  	[sflag:s22] =	ssyncadd.s32 $0xFFFFC000  }
0xd2: {  	[tilespmem:s24], [sflag:$0x1] =	stream.indirect.gather [hbm4b:s4+s20], $0x80, s13, s20, $0xb8;
	[tilespmem:$0x1CC00] =	vst v63  }
0xd3: {  	_ = 	snop  }
0xd4: {  	[spmem:s2] =	stream.indirect.scatter.add.f32 [tilespmem:s21], [sflag:$0x2], $0x80, s19, s20, $0xb8;
	[tilespmem:$0x1CC00] =	vst v63  }
0xd5: {  	_ =	swait.ge [sflag:s17], $0x4000  }
0xd6: {  	[sflag:s17] =	ssyncset.done $0x0  }
0xd7: {  	[sflag:s17] =	ssyncadd.s32 $0xFFFFC000  }
0xd8: {  	_ =	swait.ge [sflag:s22], $0x4000  }
0xd9: {  	[sflag:s22] =	ssyncset.done $0x0  }
0xda: {  	[sflag:s22] =	ssyncadd.s32 $0xFFFFC000  }
0xdb: {  	[tilespmem:s21], [sflag:$0x1] =	stream.indirect.gather [hbm4b:s4+s20], $0x80, s9, s20, $0xb8;
	[tilespmem:$0x1CC00] =	vst v63  }
0xdc: {  	_ = 	snop  }
0xdd: {  	[spmem:s2] =	stream.indirect.scatter.add.f32 [tilespmem:s24], [sflag:$0x2], $0x80, s23, s20, $0xb8;
	[tilespmem:$0x1CC00] =	vst v63  }
0xde: {  	_ =	swait.ge [sflag:s17], $0x4000  }
0xdf: {  	[sflag:s17] =	ssyncset.done $0x0  }
0xe0: {  	[sflag:s17] =	ssyncadd.s32 $0xFFFFC000  }
0xe1: {  	_ =	swait.ge [sflag:s22], $0x4000  }
0xe2: {  	[sflag:s22] =	ssyncset.done $0x0  }
0xe3: {  	[sflag:s22] =	ssyncadd.s32 $0xFFFFC000  }
0xe4: {  	[tilespmem:s24], [sflag:$0x1] =	stream.indirect.gather [hbm4b:s4+s20], $0x80, s26, s20, $0xb8;
	[tilespmem:$0x1CC00] =	vst v63  }
0xe5: {  	_ = 	snop  }
0xe6: {  	[spmem:s2] =	stream.indirect.scatter.add.f32 [tilespmem:s21], [sflag:$0x2], $0x80, s28, s20, $0xb8;
	[tilespmem:$0x1CC00] =	vst v63  }
0xe7: {  	_ =	swait.ge [sflag:s17], $0x4000  }
0xe8: {  	[sflag:s17] =	ssyncset.done $0x0  }
0xe9: {  	[sflag:s17] =	ssyncadd.s32 $0xFFFFC000  }
0xea: {  	_ =	swait.ge [sflag:s22], $0x4000  }
0xeb: {  	[sflag:s22] =	ssyncset.done $0x0  }
0xec: {  	[sflag:s22] =	ssyncadd.s32 $0xFFFFC000  }
0xed: {  	[tilespmem:s21], [sflag:$0x1] =	stream.indirect.gather [hbm4b:s4+s20], $0x80, s29, s20, $0xb8;
	[tilespmem:$0x1CC00] =	vst v63  }
0xee: {  	_ = 	snop  }
0xef: {  	[spmem:s2] =	stream.indirect.scatter.add.f32 [tilespmem:s24], [sflag:$0x2], $0x80, s30, s20, $0xb8;
	[tilespmem:$0x1CC00] =	vst v63  }
0xf0: {  	_ =	swait.ge [sflag:s17], $0x4000  }
0xf1: {  	[sflag:s17] =	ssyncset.done $0x0  }
0xf2: {  	[sflag:s17] =	ssyncadd.s32 $0xFFFFC000  }
0xf3: {  	_ =	swait.ge [sflag:s22], $0x4000  }
0xf4: {  	[sflag:s22] =	ssyncset.done $0x0  }
0xf5: {  	[sflag:s22] =	ssyncadd.s32 $0xFFFFC000  }
0xf6: {  	[tilespmem:s24], [sflag:$0x1] =	stream.indirect.gather [hbm4b:s4+s20], $0x80, s31, s20, $0xb8;
	[tilespmem:$0x1CC00] =	vst v63  }
0xf7: {  	_ = 	snop  }
0xf8: {  	[spmem:s2] =	stream.indirect.scatter.add.f32 [tilespmem:s21], [sflag:$0x2], $0x80, s0, s20, $0xb8;
	[tilespmem:$0x1CC00] =	vst v63  }
0xf9: {  	_ =	swait.ge [sflag:s17], $0x4000  }
0xfa: {  	[sflag:s17] =	ssyncset.done $0x0  }
0xfb: {  	[sflag:s17] =	ssyncadd.s32 $0xFFFFC000  }
0xfc: {  	_ =	swait.ge [sflag:s22], $0x4000  }
0xfd: {  	[sflag:s22] =	ssyncset.done $0x0  }
0xfe: {  	[sflag:s22] =	ssyncadd.s32 $0xFFFFC000  }
0xff: {  	[tilespmem:s21], [sflag:$0x1] =	stream.indirect.gather [hbm4b:s4+s20], $0x80, s1, s20, $0xb8;
	[tilespmem:$0x1CC00] =	vst v63  }
0x100: {  	_ = 	snop  }
0x101: {  	[spmem:s2] =	stream.indirect.scatter.add.f32 [tilespmem:s24], [sflag:$0x2], $0x80, s11, s20, $0xb8;
	[tilespmem:$0x1CC00] =	vst v63  }
0x102: {  	_ =	swait.ge [sflag:s17], $0x4000  }
0x103: {  	[sflag:s17] =	ssyncset.done $0x0  }
0x104: {  	[sflag:s17] =	ssyncadd.s32 $0xFFFFC000  }
0x105: {  	_ =	swait.ge [sflag:s22], $0x4000  }
0x106: {  	[sflag:s22] =	ssyncset.done $0x0  }
0x107: {  	[sflag:s22] =	ssyncadd.s32 $0xFFFFC000  }
0x108: {  	[tilespmem:s24], [sflag:$0x1] =	stream.indirect.gather [hbm4b:s4+s20], $0x80, s12, s20, $0xb8;
	[tilespmem:$0x1CC00] =	vst v63  }
0x109: {  	_ = 	snop  }
0x10a: {  	[spmem:s2] =	stream.indirect.scatter.add.f32 [tilespmem:s21], [sflag:$0x2], $0x80, s25, s20, $0xb8;
	[tilespmem:$0x1CC00] =	vst v63  }
0x10b: {  	_ =	swait.ge [sflag:s17], $0x4000  }
0x10c: {  	[sflag:s17] =	ssyncset.done $0x0  }
0x10d: {  	[sflag:s17] =	ssyncadd.s32 $0xFFFFC000  }
0x10e: {  	_ =	swait.ge [sflag:s22], $0x4000  }
0x10f: {  	[sflag:s22] =	ssyncset.done $0x0  }
0x110: {  	[sflag:s22] =	ssyncadd.s32 $0xFFFFC000  }
0x111: {  	[tilespmem:s21], [sflag:$0x1] =	stream.indirect.gather [hbm4b:s4+s20], $0x80, s6, s20, $0xb8;
	[tilespmem:$0x1CC00] =	vst v63  }
0x112: {  	s8 =	simm.s32 $0x14780  }
0x113: {  	[spmem:s2] =	stream.indirect.scatter.add.f32 [tilespmem:s24], [sflag:$0x2], $0x80, s8, s20, $0xb8;
	[tilespmem:$0x1CC00] =	vst v63  }
0x114: {  	_ =	swait.ge [sflag:s17], $0x4000  }
0x115: {  	[sflag:s17] =	ssyncset.done $0x0  }
0x116: {  	[sflag:s17] =	ssyncadd.s32 $0xFFFFC000  }
0x117: {  	_ =	swait.ge [sflag:s22], $0x4000  }
0x118: {  	[sflag:s22] =	ssyncset.done $0x0  }
0x119: {  	[sflag:s22] =	ssyncadd.s32 $0xFFFFC000  }
0x11a: {  	[tilespmem:s24], [sflag:$0x1] =	stream.indirect.gather [hbm4b:s4+s20], $0x80, s16, s20, $0xb8;
	[tilespmem:$0x1CC00] =	vst v63  }
0x11b: {  	s8 =	simm.s32 $0x14800  }
0x11c: {  	[spmem:s2] =	stream.indirect.scatter.add.f32 [tilespmem:s21], [sflag:$0x2], $0x80, s8, s20, $0xb8;
	[tilespmem:$0x1CC00] =	vst v63  }
0x11d: {  	_ =	swait.ge [sflag:s17], $0x4000  }
0x11e: {  	[sflag:s17] =	ssyncset.done $0x0  }
0x11f: {  	[sflag:s17] =	ssyncadd.s32 $0xFFFFC000  }
0x120: {  	_ =	swait.ge [sflag:s22], $0x4000  }
0x121: {  	[sflag:s22] =	ssyncset.done $0x0  }
0x122: {  	s8 =	simm.s32 $0x14100;
	[sflag:s22] =	ssyncadd.s32 $0xFFFFC000  }
0x123: {  	[tilespmem:s21], [sflag:$0x1] =	stream.indirect.gather [hbm4b:s4+s20], $0x80, s8, s20, $0xb8;
	[tilespmem:$0x1CC00] =	vst v63  }
0x124: {  	s8 =	simm.s32 $0x14880  }
0x125: {  	[spmem:s2] =	stream.indirect.scatter.add.f32 [tilespmem:s24], [sflag:$0x2], $0x80, s8, s20, $0xb8;
	[tilespmem:$0x1CC00] =	vst v63  }
0x126: {  	_ =	swait.ge [sflag:s17], $0x4000  }
0x127: {  	[sflag:s17] =	ssyncset.done $0x0  }
0x128: {  	[sflag:s17] =	ssyncadd.s32 $0xFFFFC000  }
0x129: {  	_ =	swait.ge [sflag:s22], $0x4000  }
0x12a: {  	[sflag:s22] =	ssyncset.done $0x0  }
0x12b: {  	s8 =	simm.s32 $0x14180;
	[sflag:s22] =	ssyncadd.s32 $0xFFFFC000  }
0x12c: {  	[tilespmem:s24], [sflag:$0x1] =	stream.indirect.gather [hbm4b:s4+s20], $0x80, s8, s20, $0xb8;
	[tilespmem:$0x1CC00] =	vst v63  }
0x12d: {  	s8 =	simm.s32 $0x14900  }
0x12e: {  	[spmem:s2] =	stream.indirect.scatter.add.f32 [tilespmem:s21], [sflag:$0x2], $0x80, s8, s20, $0xb8;
	[tilespmem:$0x1CC00] =	vst v63  }
0x12f: {  	_ =	swait.ge [sflag:s17], $0x4000  }
0x130: {  	[sflag:s17] =	ssyncset.done $0x0  }
0x131: {  	[sflag:s17] =	ssyncadd.s32 $0xFFFFC000  }
0x132: {  	_ =	swait.ge [sflag:s22], $0x4000  }
0x133: {  	[sflag:s22] =	ssyncset.done $0x0  }
0x134: {  	s8 =	simm.s32 $0x14200;
	[sflag:s22] =	ssyncadd.s32 $0xFFFFC000  }
0x135: {  	[tilespmem:s21], [sflag:$0x1] =	stream.indirect.gather [hbm4b:s4+s20], $0x80, s8, s20, $0xb8;
	[tilespmem:$0x1CC00] =	vst v63  }
0x136: {  	s8 =	simm.s32 $0x14980  }
0x137: {  	[spmem:s2] =	stream.indirect.scatter.add.f32 [tilespmem:s24], [sflag:$0x2], $0x80, s8, s20, $0xb8;
	[tilespmem:$0x1CC00] =	vst v63  }
0x138: {  	_ =	swait.ge [sflag:s17], $0x4000  }
0x139: {  	[sflag:s17] =	ssyncset.done $0x0  }
0x13a: {  	[sflag:s17] =	ssyncadd.s32 $0xFFFFC000  }
0x13b: {  	_ =	swait.ge [sflag:s22], $0x4000  }
0x13c: {  	[sflag:s22] =	ssyncset.done $0x0  }
0x13d: {  	s8 =	simm.s32 $0x14280;
	[sflag:s22] =	ssyncadd.s32 $0xFFFFC000  }
0x13e: {  	[tilespmem:s24], [sflag:$0x1] =	stream.indirect.gather [hbm4b:s4+s20], $0x80, s8, s20, $0xb8;
	[tilespmem:$0x1CC00] =	vst v63  }
0x13f: {  	s8 =	simm.s32 $0x14A00  }
0x140: {  	[spmem:s2] =	stream.indirect.scatter.add.f32 [tilespmem:s21], [sflag:$0x2], $0x80, s8, s20, $0xb8;
	[tilespmem:$0x1CC00] =	vst v63  }
0x141: {  	_ =	swait.ge [sflag:s17], $0x4000  }
0x142: {  	[sflag:s17] =	ssyncset.done $0x0  }
0x143: {  	[sflag:s17] =	ssyncadd.s32 $0xFFFFC000  }
0x144: {  	_ =	swait.ge [sflag:s22], $0x4000  }
0x145: {  	[sflag:s22] =	ssyncset.done $0x0  }
0x146: {  	s8 =	simm.s32 $0x14300;
	[sflag:s22] =	ssyncadd.s32 $0xFFFFC000  }
0x147: {  	[tilespmem:s21], [sflag:$0x1] =	stream.indirect.gather [hbm4b:s4+s20], $0x80, s8, s20, $0xb8;
	[tilespmem:$0x1CC00] =	vst v63  }
0x148: {  	s8 =	simm.s32 $0x14A80  }
0x149: {  	[spmem:s2] =	stream.indirect.scatter.add.f32 [tilespmem:s24], [sflag:$0x2], $0x80, s8, s20, $0xb8;
	[tilespmem:$0x1CC00] =	vst v63  }
0x14a: {  	_ =	swait.ge [sflag:s17], $0x4000  }
0x14b: {  	[sflag:s17] =	ssyncset.done $0x0  }
0x14c: {  	[sflag:s17] =	ssyncadd.s32 $0xFFFFC000  }
0x14d: {  	_ =	swait.ge [sflag:s22], $0x4000  }
0x14e: {  	[sflag:s22] =	ssyncset.done $0x0  }
0x14f: {  	s8 =	simm.s32 $0x14380;
	[sflag:s22] =	ssyncadd.s32 $0xFFFFC000  }
0x150: {  	[tilespmem:s24], [sflag:$0x1] =	stream.indirect.gather [hbm4b:s4+s20], $0x80, s8, s20, $0xb8;
	[tilespmem:$0x1CC00] =	vst v63  }
0x151: {  	s8 =	simm.s32 $0x14B00  }
0x152: {  	[spmem:s2] =	stream.indirect.scatter.add.f32 [tilespmem:s21], [sflag:$0x2], $0x80, s8, s20, $0xb8;
	[tilespmem:$0x1CC00] =	vst v63  }
0x153: {  	_ =	swait.ge [sflag:s17], $0x4000  }
0x154: {  	[sflag:s17] =	ssyncset.done $0x0  }
0x155: {  	[sflag:s17] =	ssyncadd.s32 $0xFFFFC000  }
0x156: {  	_ =	swait.ge [sflag:s22], $0x4000  }
.Ltmp3:
0x157: {  	[sflag:s22] =	ssyncset.done $0x0;
	(pc) =	sbr.rel @p3 .LBB2_3-.Ltmp3, $4  }
0x158: {  	s8 =	simm.s32 $0x14B80;
	[sflag:s22] =	ssyncadd.s32 $0xFFFFC000  }
0x159: {  	[spmem:s2] =	stream.indirect.scatter.add.f32 [tilespmem:s24], [sflag:$0x2], $0x80, s8, s20, $0xb8;
	[tilespmem:$0x1CC00] =	vst v63  }
0x15a: {  	_ =	swait.ge [sflag:s17], $0x4000  }
0x15b: {  	s8 =	smov.u32 s10;
	[sflag:s17] =	ssyncset.done $0x0  }
0x15c: {  	s8 =	sadd.s32 s7, s15;
	[sflag:s17] =	ssyncadd.s32 $0xFFFFC000  }
0x15d: {  	[tilespmem:s18], [sflag:$0x2] =	stream.linear.gather [hbm4b:s8+s3], $0x800, $0x38;
	[tilespmem:$0x1CC00] =	vst v63  }
0x15e: {  	_ =	swait.ge [sflag:s17], $0x800  }
0x15f: {  	[sflag:s17] =	ssyncset.done $0x0  }
0x160: {  	s10 =	sadd.s32 s7, s14;
	[sflag:s17] =	ssyncadd.s32 $0xFFFFF800  }
0x161: {  	[tilespmem:s19], [sflag:$0x2] =	stream.linear.gather [hbm4b:s10+s3], $0x800, $0x38;
	[tilespmem:$0x1CC00] =	vst v63  }
0x162: {  	_ =	swait.ge [sflag:s17], $0x800  }
0x163: {  	[sflag:s17] =	ssyncset.done $0x0  }
0x164: {  	[sflag:s17] =	ssyncadd.s32 $0xFFFFF800  }
0x165: {  	[tilespmem:s21], [sflag:$0x1] =	stream.indirect.gather [hbm4b:s4+s20], $0x80, s18, s20, $0xb8;
	[tilespmem:$0x1CC00] =	vst v63  }
0x166: {  	_ =	swait.ge [sflag:s22], $0x4000  }
0x167: {  	[sflag:s22] =	ssyncset.done $0x0  }
0x168: {  	[sflag:s22] =	ssyncadd.s32 $0xFFFFC000  }
0x169: {  	[tilespmem:s24], [sflag:$0x1] =	stream.indirect.gather [hbm4b:s4+s20], $0x80, s13, s20, $0xb8;
	[tilespmem:$0x1CC00] =	vst v63  }
0x16a: {  	_ = 	snop  }
0x16b: {  	[spmem:s2] =	stream.indirect.scatter.add.f32 [tilespmem:s21], [sflag:$0x2], $0x80, s19, s20, $0xb8;
	[tilespmem:$0x1CC00] =	vst v63  }
0x16c: {  	_ =	swait.ge [sflag:s17], $0x4000  }
0x16d: {  	[sflag:s17] =	ssyncset.done $0x0  }
0x16e: {  	[sflag:s17] =	ssyncadd.s32 $0xFFFFC000  }
0x16f: {  	_ =	swait.ge [sflag:s22], $0x4000  }
0x170: {  	[sflag:s22] =	ssyncset.done $0x0  }
0x171: {  	[sflag:s22] =	ssyncadd.s32 $0xFFFFC000  }
0x172: {  	[tilespmem:s21], [sflag:$0x1] =	stream.indirect.gather [hbm4b:s4+s20], $0x80, s9, s20, $0xb8;
	[tilespmem:$0x1CC00] =	vst v63  }
0x173: {  	_ = 	snop  }
0x174: {  	[spmem:s2] =	stream.indirect.scatter.add.f32 [tilespmem:s24], [sflag:$0x2], $0x80, s23, s20, $0xb8;
	[tilespmem:$0x1CC00] =	vst v63  }
0x175: {  	_ =	swait.ge [sflag:s17], $0x4000  }
0x176: {  	[sflag:s17] =	ssyncset.done $0x0  }
0x177: {  	[sflag:s17] =	ssyncadd.s32 $0xFFFFC000  }
0x178: {  	_ =	swait.ge [sflag:s22], $0x4000  }
0x179: {  	[sflag:s22] =	ssyncset.done $0x0  }
0x17a: {  	[sflag:s22] =	ssyncadd.s32 $0xFFFFC000  }
0x17b: {  	[tilespmem:s24], [sflag:$0x1] =	stream.indirect.gather [hbm4b:s4+s20], $0x80, s26, s20, $0xb8;
	[tilespmem:$0x1CC00] =	vst v63  }
0x17c: {  	_ = 	snop  }
0x17d: {  	[spmem:s2] =	stream.indirect.scatter.add.f32 [tilespmem:s21], [sflag:$0x2], $0x80, s28, s20, $0xb8;
	[tilespmem:$0x1CC00] =	vst v63  }
0x17e: {  	_ =	swait.ge [sflag:s17], $0x4000  }
0x17f: {  	[sflag:s17] =	ssyncset.done $0x0  }
0x180: {  	[sflag:s17] =	ssyncadd.s32 $0xFFFFC000  }
0x181: {  	_ =	swait.ge [sflag:s22], $0x4000  }
0x182: {  	[sflag:s22] =	ssyncset.done $0x0  }
0x183: {  	[sflag:s22] =	ssyncadd.s32 $0xFFFFC000  }
0x184: {  	[tilespmem:s21], [sflag:$0x1] =	stream.indirect.gather [hbm4b:s4+s20], $0x80, s29, s20, $0xb8;
	[tilespmem:$0x1CC00] =	vst v63  }
0x185: {  	_ = 	snop  }
0x186: {  	[spmem:s2] =	stream.indirect.scatter.add.f32 [tilespmem:s24], [sflag:$0x2], $0x80, s30, s20, $0xb8;
	[tilespmem:$0x1CC00] =	vst v63  }
0x187: {  	_ =	swait.ge [sflag:s17], $0x4000  }
0x188: {  	[sflag:s17] =	ssyncset.done $0x0  }
0x189: {  	[sflag:s17] =	ssyncadd.s32 $0xFFFFC000  }
0x18a: {  	_ =	swait.ge [sflag:s22], $0x4000  }
0x18b: {  	[sflag:s22] =	ssyncset.done $0x0  }
0x18c: {  	[sflag:s22] =	ssyncadd.s32 $0xFFFFC000  }
0x18d: {  	[tilespmem:s24], [sflag:$0x1] =	stream.indirect.gather [hbm4b:s4+s20], $0x80, s31, s20, $0xb8;
	[tilespmem:$0x1CC00] =	vst v63  }
0x18e: {  	_ = 	snop  }
0x18f: {  	[spmem:s2] =	stream.indirect.scatter.add.f32 [tilespmem:s21], [sflag:$0x2], $0x80, s0, s20, $0xb8;
	[tilespmem:$0x1CC00] =	vst v63  }
0x190: {  	_ =	swait.ge [sflag:s17], $0x4000  }
0x191: {  	[sflag:s17] =	ssyncset.done $0x0  }
0x192: {  	[sflag:s17] =	ssyncadd.s32 $0xFFFFC000  }
0x193: {  	_ =	swait.ge [sflag:s22], $0x4000  }
0x194: {  	[sflag:s22] =	ssyncset.done $0x0  }
0x195: {  	[sflag:s22] =	ssyncadd.s32 $0xFFFFC000  }
0x196: {  	[tilespmem:s21], [sflag:$0x1] =	stream.indirect.gather [hbm4b:s4+s20], $0x80, s1, s20, $0xb8;
	[tilespmem:$0x1CC00] =	vst v63  }
0x197: {  	_ = 	snop  }
0x198: {  	[spmem:s2] =	stream.indirect.scatter.add.f32 [tilespmem:s24], [sflag:$0x2], $0x80, s11, s20, $0xb8;
	[tilespmem:$0x1CC00] =	vst v63  }
0x199: {  	_ =	swait.ge [sflag:s17], $0x4000  }
0x19a: {  	[sflag:s17] =	ssyncset.done $0x0  }
0x19b: {  	[sflag:s17] =	ssyncadd.s32 $0xFFFFC000  }
0x19c: {  	_ =	swait.ge [sflag:s22], $0x4000  }
0x19d: {  	[sflag:s22] =	ssyncset.done $0x0  }
0x19e: {  	[sflag:s22] =	ssyncadd.s32 $0xFFFFC000  }
0x19f: {  	[tilespmem:s24], [sflag:$0x1] =	stream.indirect.gather [hbm4b:s4+s20], $0x80, s12, s20, $0xb8;
	[tilespmem:$0x1CC00] =	vst v63  }
0x1a0: {  	_ = 	snop  }
0x1a1: {  	[spmem:s2] =	stream.indirect.scatter.add.f32 [tilespmem:s21], [sflag:$0x2], $0x80, s25, s20, $0xb8;
	[tilespmem:$0x1CC00] =	vst v63  }
0x1a2: {  	_ =	swait.ge [sflag:s17], $0x4000  }
0x1a3: {  	[sflag:s17] =	ssyncset.done $0x0  }
0x1a4: {  	[sflag:s17] =	ssyncadd.s32 $0xFFFFC000  }
0x1a5: {  	_ =	swait.ge [sflag:s22], $0x4000  }
0x1a6: {  	[sflag:s22] =	ssyncset.done $0x0  }
0x1a7: {  	[sflag:s22] =	ssyncadd.s32 $0xFFFFC000  }
0x1a8: {  	[tilespmem:s21], [sflag:$0x1] =	stream.indirect.gather [hbm4b:s4+s20], $0x80, s6, s20, $0xb8;
	[tilespmem:$0x1CC00] =	vst v63  }
0x1a9: {  	s12 =	simm.s32 $0x14780  }
0x1aa: {  	[spmem:s2] =	stream.indirect.scatter.add.f32 [tilespmem:s24], [sflag:$0x2], $0x80, s12, s20, $0xb8;
	[tilespmem:$0x1CC00] =	vst v63  }
0x1ab: {  	_ =	swait.ge [sflag:s17], $0x4000  }
0x1ac: {  	[sflag:s17] =	ssyncset.done $0x0  }
0x1ad: {  	[sflag:s17] =	ssyncadd.s32 $0xFFFFC000  }
0x1ae: {  	_ =	swait.ge [sflag:s22], $0x4000  }
0x1af: {  	[sflag:s22] =	ssyncset.done $0x0  }
0x1b0: {  	[sflag:s22] =	ssyncadd.s32 $0xFFFFC000  }
0x1b1: {  	[tilespmem:s24], [sflag:$0x1] =	stream.indirect.gather [hbm4b:s4+s20], $0x80, s16, s20, $0xb8;
	[tilespmem:$0x1CC00] =	vst v63  }
0x1b2: {  	s16 =	simm.s32 $0x14800  }
0x1b3: {  	[spmem:s2] =	stream.indirect.scatter.add.f32 [tilespmem:s21], [sflag:$0x2], $0x80, s16, s20, $0xb8;
	[tilespmem:$0x1CC00] =	vst v63  }
0x1b4: {  	_ =	swait.ge [sflag:s17], $0x4000  }
0x1b5: {  	[sflag:s17] =	ssyncset.done $0x0  }
0x1b6: {  	[sflag:s17] =	ssyncadd.s32 $0xFFFFC000  }
0x1b7: {  	_ =	swait.ge [sflag:s22], $0x4000  }
0x1b8: {  	[sflag:s22] =	ssyncset.done $0x0  }
0x1b9: {  	s23 =	simm.s32 $0x14100;
	[sflag:s22] =	ssyncadd.s32 $0xFFFFC000  }
0x1ba: {  	[tilespmem:s21], [sflag:$0x1] =	stream.indirect.gather [hbm4b:s4+s20], $0x80, s23, s20, $0xb8;
	[tilespmem:$0x1CC00] =	vst v63  }
0x1bb: {  	s25 =	simm.s32 $0x14880  }
0x1bc: {  	[spmem:s2] =	stream.indirect.scatter.add.f32 [tilespmem:s24], [sflag:$0x2], $0x80, s25, s20, $0xb8;
	[tilespmem:$0x1CC00] =	vst v63  }
0x1bd: {  	_ =	swait.ge [sflag:s17], $0x4000  }
0x1be: {  	[sflag:s17] =	ssyncset.done $0x0  }
0x1bf: {  	[sflag:s17] =	ssyncadd.s32 $0xFFFFC000  }
0x1c0: {  	_ =	swait.ge [sflag:s22], $0x4000  }
0x1c1: {  	[sflag:s22] =	ssyncset.done $0x0  }
0x1c2: {  	s26 =	simm.s32 $0x14180;
	[sflag:s22] =	ssyncadd.s32 $0xFFFFC000  }
0x1c3: {  	[tilespmem:s24], [sflag:$0x1] =	stream.indirect.gather [hbm4b:s4+s20], $0x80, s26, s20, $0xb8;
	[tilespmem:$0x1CC00] =	vst v63  }
0x1c4: {  	s1 =	simm.s32 $0x14900  }
0x1c5: {  	[spmem:s2] =	stream.indirect.scatter.add.f32 [tilespmem:s21], [sflag:$0x2], $0x80, s1, s20, $0xb8;
	[tilespmem:$0x1CC00] =	vst v63  }
0x1c6: {  	_ =	swait.ge [sflag:s17], $0x4000  }
0x1c7: {  	[sflag:s17] =	ssyncset.done $0x0  }
0x1c8: {  	[sflag:s17] =	ssyncadd.s32 $0xFFFFC000  }
0x1c9: {  	_ =	swait.ge [sflag:s22], $0x4000  }
0x1ca: {  	[sflag:s22] =	ssyncset.done $0x0  }
0x1cb: {  	s6 =	simm.s32 $0x14200;
	[sflag:s22] =	ssyncadd.s32 $0xFFFFC000  }
0x1cc: {  	[tilespmem:s21], [sflag:$0x1] =	stream.indirect.gather [hbm4b:s4+s20], $0x80, s6, s20, $0xb8;
	[tilespmem:$0x1CC00] =	vst v63  }
0x1cd: {  	s7 =	simm.s32 $0x14980  }
0x1ce: {  	[spmem:s2] =	stream.indirect.scatter.add.f32 [tilespmem:s24], [sflag:$0x2], $0x80, s7, s20, $0xb8;
	[tilespmem:$0x1CC00] =	vst v63  }
0x1cf: {  	_ =	swait.ge [sflag:s17], $0x4000  }
0x1d0: {  	[sflag:s17] =	ssyncset.done $0x0  }
0x1d1: {  	[sflag:s17] =	ssyncadd.s32 $0xFFFFC000  }
0x1d2: {  	_ =	swait.ge [sflag:s22], $0x4000  }
0x1d3: {  	[sflag:s22] =	ssyncset.done $0x0  }
0x1d4: {  	s8 =	simm.s32 $0x14280;
	[sflag:s22] =	ssyncadd.s32 $0xFFFFC000  }
0x1d5: {  	[tilespmem:s24], [sflag:$0x1] =	stream.indirect.gather [hbm4b:s4+s20], $0x80, s8, s20, $0xb8;
	[tilespmem:$0x1CC00] =	vst v63  }
0x1d6: {  	s9 =	simm.s32 $0x14A00  }
0x1d7: {  	[spmem:s2] =	stream.indirect.scatter.add.f32 [tilespmem:s21], [sflag:$0x2], $0x80, s9, s20, $0xb8;
	[tilespmem:$0x1CC00] =	vst v63  }
0x1d8: {  	_ =	swait.ge [sflag:s17], $0x4000  }
0x1d9: {  	[sflag:s17] =	ssyncset.done $0x0  }
0x1da: {  	[sflag:s17] =	ssyncadd.s32 $0xFFFFC000  }
0x1db: {  	_ =	swait.ge [sflag:s22], $0x4000  }
0x1dc: {  	[sflag:s22] =	ssyncset.done $0x0  }
0x1dd: {  	s10 =	simm.s32 $0x14300;
	[sflag:s22] =	ssyncadd.s32 $0xFFFFC000  }
0x1de: {  	[tilespmem:s21], [sflag:$0x1] =	stream.indirect.gather [hbm4b:s4+s20], $0x80, s10, s20, $0xb8;
	[tilespmem:$0x1CC00] =	vst v63  }
0x1df: {  	s11 =	simm.s32 $0x14A80  }
0x1e0: {  	[spmem:s2] =	stream.indirect.scatter.add.f32 [tilespmem:s24], [sflag:$0x2], $0x80, s11, s20, $0xb8;
	[tilespmem:$0x1CC00] =	vst v63  }
0x1e1: {  	_ =	swait.ge [sflag:s17], $0x4000  }
0x1e2: {  	[sflag:s17] =	ssyncset.done $0x0  }
0x1e3: {  	[sflag:s17] =	ssyncadd.s32 $0xFFFFC000  }
0x1e4: {  	_ =	swait.ge [sflag:s22], $0x4000  }
0x1e5: {  	[sflag:s22] =	ssyncset.done $0x0  }
0x1e6: {  	s12 =	simm.s32 $0x14380;
	[sflag:s22] =	ssyncadd.s32 $0xFFFFC000  }
0x1e7: {  	[tilespmem:s24], [sflag:$0x1] =	stream.indirect.gather [hbm4b:s4+s20], $0x80, s12, s20, $0xb8;
	[tilespmem:$0x1CC00] =	vst v63  }
0x1e8: {  	s16 =	simm.s32 $0x14B00  }
0x1e9: {  	[spmem:s2] =	stream.indirect.scatter.add.f32 [tilespmem:s21], [sflag:$0x2], $0x80, s16, s20, $0xb8;
	[tilespmem:$0x1CC00] =	vst v63  }
0x1ea: {  	_ =	swait.ge [sflag:s17], $0x4000  }
0x1eb: {  	[sflag:s17] =	ssyncset.done $0x0  }
0x1ec: {  	[sflag:s17] =	ssyncadd.s32 $0xFFFFC000  }
0x1ed: {  	_ =	swait.ge [sflag:s22], $0x4000  }
0x1ee: {  	[sflag:s22] =	ssyncset.done $0x0  }
0x1ef: {  	s23 =	simm.s32 $0x14B80;
	[sflag:s22] =	ssyncadd.s32 $0xFFFFC000  }
0x1f0: {  	[spmem:s2] =	stream.indirect.scatter.add.f32 [tilespmem:s24], [sflag:$0x2], $0x80, s23, s20, $0xb8;
	[tilespmem:$0x1CC00] =	vst v63  }
0x1f1: {  	_ =	swait.ge [sflag:s17], $0x4000  }
0x1f2: {  	[sflag:s17] =	ssyncset.done $0x0  }
0x1f3: {  	[sflag:s17] =	ssyncadd.s32 $0xFFFFC000  }
0x1f4: {  	[bflag:$0x0] =	sbarrier.arrive $0xFFFF  }
0x1f5: {  	s28 =	simm.s32 $0x13E00;
	s29 =	simm.s32 $0x14580;
	s25 =	rddreg [dreg:$0x8]  }
0x1f6: {  	s30 =	simm.s32 $0x13E80;
	s0 =	simm.s32 $0x14600;
	s16 =	rddreg [dreg:$0x7]  }
0x1f7: {  	s1 =	simm.s32 $0x13F00;
	s26 =	rddreg [dreg:$0xa];
	s7 =	sshrl.u32 s25, $0x3  }
0x1f8: {  	[hbm:s26], [sflag:s16] =	dma.local [spmem:s7], $0x2700  }
.Ltmp4:
0x1f9: {  	s6 =	simm.s32 $0x14000;
	s9 =	simm.s32 $0x13D00;
	(pc) =	sbr.rel @p1 .LBB2_8-.Ltmp4, $4  }
.Ltmp5:
0x1fa: {  	s10 =	simm.s32 $0x14480;
	s11 =	simm.s32 $0x14680;
	(pc) =	sbr.rel @!p1 .LBB2_9-.Ltmp5, $4  }
0x1fb: {  	s12 =	simm.s32 $0x13F80;
	s23 =	simm.s32 $0x13D80;
	_ =	swait.ge [sflag:s17], $0x2700  }
0x1fc: {  	s25 =	simm.s32 $0x14700;
	[sflag:s17] =	ssyncset.done $0x0;
	s7 =	rddreg [dreg:$0x4]  }
0x1fd: {  	s26 =	simm.s32 $0x14500;
	s31 =	rddreg [dreg:$0xe];
	[sflag:s17] =	ssyncadd.s32 $0xFFFFD900  }
0x1fe: {  	_ = 	snop  }
.LBB2_5:
0x1ff: {  	[tilespmem:s18], [sflag:$0x2] =	stream.linear.gather [hbm4b:s7+s3], $0x800, $0x38;
	[tilespmem:$0x1CC00] =	vst v63  }
0x200: {  	_ =	swait.ge [sflag:s17], $0x800  }
0x201: {  	[sflag:s17] =	ssyncset.done $0x0  }
0x202: {  	s16 =	sadd.s32 $0x0, s14;
	[sflag:s17] =	ssyncadd.s32 $0xFFFFF800  }
0x203: {  	[tilespmem:s19], [sflag:$0x2] =	stream.linear.gather [hbm4b:s16+s3], $0x800, $0x38;
	[tilespmem:$0x1CC00] =	vst v63  }
0x204: {  	_ =	swait.ge [sflag:s17], $0x800  }
0x205: {  	[sflag:s17] =	ssyncset.done $0x0  }
0x206: {  	[sflag:s17] =	ssyncadd.s32 $0xFFFFF800  }
0x207: {  	[tilespmem:s21], [sflag:$0x1] =	stream.indirect.gather [hbm4b:s5+s20], $0x80, s18, s20, $0xb8;
	[tilespmem:$0x1CC00] =	vst v63  }
0x208: {  	_ =	swait.ge [sflag:s22], $0x4000  }
0x209: {  	[sflag:s22] =	ssyncset.done $0x0  }
0x20a: {  	[sflag:s22] =	ssyncadd.s32 $0xFFFFC000  }
0x20b: {  	[tilespmem:s24], [sflag:$0x1] =	stream.indirect.gather [hbm4b:s5+s20], $0x80, s13, s20, $0xb8;
	[tilespmem:$0x1CC00] =	vst v63  }
0x20c: {  	_ = 	snop  }
0x20d: {  	[spmem:s2] =	stream.indirect.scatter.add.f32 [tilespmem:s21], [sflag:$0x2], $0x80, s19, s20, $0xb8;
	[tilespmem:$0x1CC00] =	vst v63  }
0x20e: {  	_ =	swait.ge [sflag:s17], $0x4000  }
0x20f: {  	[sflag:s17] =	ssyncset.done $0x0  }
0x210: {  	[sflag:s17] =	ssyncadd.s32 $0xFFFFC000  }
0x211: {  	_ =	swait.ge [sflag:s22], $0x4000  }
0x212: {  	[sflag:s22] =	ssyncset.done $0x0  }
0x213: {  	[sflag:s22] =	ssyncadd.s32 $0xFFFFC000  }
0x214: {  	[tilespmem:s21], [sflag:$0x1] =	stream.indirect.gather [hbm4b:s5+s20], $0x80, s9, s20, $0xb8;
	[tilespmem:$0x1CC00] =	vst v63  }
0x215: {  	_ = 	snop  }
0x216: {  	[spmem:s2] =	stream.indirect.scatter.add.f32 [tilespmem:s24], [sflag:$0x2], $0x80, s10, s20, $0xb8;
	[tilespmem:$0x1CC00] =	vst v63  }
0x217: {  	_ =	swait.ge [sflag:s17], $0x4000  }
0x218: {  	[sflag:s17] =	ssyncset.done $0x0  }
0x219: {  	[sflag:s17] =	ssyncadd.s32 $0xFFFFC000  }
0x21a: {  	_ =	swait.ge [sflag:s22], $0x4000  }
0x21b: {  	[sflag:s22] =	ssyncset.done $0x0  }
0x21c: {  	[sflag:s22] =	ssyncadd.s32 $0xFFFFC000  }
0x21d: {  	[tilespmem:s24], [sflag:$0x1] =	stream.indirect.gather [hbm4b:s5+s20], $0x80, s23, s20, $0xb8;
	[tilespmem:$0x1CC00] =	vst v63  }
0x21e: {  	_ = 	snop  }
0x21f: {  	[spmem:s2] =	stream.indirect.scatter.add.f32 [tilespmem:s21], [sflag:$0x2], $0x80, s26, s20, $0xb8;
	[tilespmem:$0x1CC00] =	vst v63  }
0x220: {  	_ =	swait.ge [sflag:s17], $0x4000  }
0x221: {  	[sflag:s17] =	ssyncset.done $0x0  }
0x222: {  	[sflag:s17] =	ssyncadd.s32 $0xFFFFC000  }
0x223: {  	_ =	swait.ge [sflag:s22], $0x4000  }
0x224: {  	[sflag:s22] =	ssyncset.done $0x0  }
0x225: {  	[sflag:s22] =	ssyncadd.s32 $0xFFFFC000  }
0x226: {  	[tilespmem:s21], [sflag:$0x1] =	stream.indirect.gather [hbm4b:s5+s20], $0x80, s28, s20, $0xb8;
	[tilespmem:$0x1CC00] =	vst v63  }
0x227: {  	_ = 	snop  }
0x228: {  	[spmem:s2] =	stream.indirect.scatter.add.f32 [tilespmem:s24], [sflag:$0x2], $0x80, s29, s20, $0xb8;
	[tilespmem:$0x1CC00] =	vst v63  }
0x229: {  	_ =	swait.ge [sflag:s17], $0x4000  }
0x22a: {  	[sflag:s17] =	ssyncset.done $0x0  }
0x22b: {  	[sflag:s17] =	ssyncadd.s32 $0xFFFFC000  }
0x22c: {  	_ =	swait.ge [sflag:s22], $0x4000  }
0x22d: {  	[sflag:s22] =	ssyncset.done $0x0  }
0x22e: {  	[sflag:s22] =	ssyncadd.s32 $0xFFFFC000  }
0x22f: {  	[tilespmem:s24], [sflag:$0x1] =	stream.indirect.gather [hbm4b:s5+s20], $0x80, s30, s20, $0xb8;
	[tilespmem:$0x1CC00] =	vst v63  }
0x230: {  	_ = 	snop  }
0x231: {  	[spmem:s2] =	stream.indirect.scatter.add.f32 [tilespmem:s21], [sflag:$0x2], $0x80, s0, s20, $0xb8;
	[tilespmem:$0x1CC00] =	vst v63  }
0x232: {  	_ =	swait.ge [sflag:s17], $0x4000  }
0x233: {  	[sflag:s17] =	ssyncset.done $0x0  }
0x234: {  	[sflag:s17] =	ssyncadd.s32 $0xFFFFC000  }
0x235: {  	_ =	swait.ge [sflag:s22], $0x4000  }
0x236: {  	[sflag:s22] =	ssyncset.done $0x0  }
0x237: {  	[sflag:s22] =	ssyncadd.s32 $0xFFFFC000  }
0x238: {  	[tilespmem:s21], [sflag:$0x1] =	stream.indirect.gather [hbm4b:s5+s20], $0x80, s1, s20, $0xb8;
	[tilespmem:$0x1CC00] =	vst v63  }
0x239: {  	_ = 	snop  }
0x23a: {  	[spmem:s2] =	stream.indirect.scatter.add.f32 [tilespmem:s24], [sflag:$0x2], $0x80, s11, s20, $0xb8;
	[tilespmem:$0x1CC00] =	vst v63  }
0x23b: {  	_ =	swait.ge [sflag:s17], $0x4000  }
0x23c: {  	[sflag:s17] =	ssyncset.done $0x0  }
0x23d: {  	[sflag:s17] =	ssyncadd.s32 $0xFFFFC000  }
0x23e: {  	_ =	swait.ge [sflag:s22], $0x4000  }
0x23f: {  	[sflag:s22] =	ssyncset.done $0x0  }
0x240: {  	[sflag:s22] =	ssyncadd.s32 $0xFFFFC000  }
0x241: {  	[tilespmem:s24], [sflag:$0x1] =	stream.indirect.gather [hbm4b:s5+s20], $0x80, s12, s20, $0xb8;
	[tilespmem:$0x1CC00] =	vst v63  }
0x242: {  	_ = 	snop  }
0x243: {  	[spmem:s2] =	stream.indirect.scatter.add.f32 [tilespmem:s21], [sflag:$0x2], $0x80, s25, s20, $0xb8;
	[tilespmem:$0x1CC00] =	vst v63  }
0x244: {  	_ =	swait.ge [sflag:s17], $0x4000  }
0x245: {  	[sflag:s17] =	ssyncset.done $0x0  }
0x246: {  	[sflag:s17] =	ssyncadd.s32 $0xFFFFC000  }
0x247: {  	_ =	swait.ge [sflag:s22], $0x4000  }
0x248: {  	[sflag:s22] =	ssyncset.done $0x0  }
0x249: {  	[sflag:s22] =	ssyncadd.s32 $0xFFFFC000  }
0x24a: {  	[tilespmem:s21], [sflag:$0x1] =	stream.indirect.gather [hbm4b:s5+s20], $0x80, s6, s20, $0xb8;
	[tilespmem:$0x1CC00] =	vst v63  }
0x24b: {  	s23 =	simm.s32 $0x14780  }
0x24c: {  	[spmem:s2] =	stream.indirect.scatter.add.f32 [tilespmem:s24], [sflag:$0x2], $0x80, s23, s20, $0xb8;
	[tilespmem:$0x1CC00] =	vst v63  }
0x24d: {  	_ =	swait.ge [sflag:s17], $0x4000  }
0x24e: {  	[sflag:s17] =	ssyncset.done $0x0  }
0x24f: {  	[sflag:s17] =	ssyncadd.s32 $0xFFFFC000  }
0x250: {  	_ =	swait.ge [sflag:s22], $0x4000  }
0x251: {  	[sflag:s22] =	ssyncset.done $0x0  }
0x252: {  	s25 =	simm.s32 $0x14080;
	[sflag:s22] =	ssyncadd.s32 $0xFFFFC000  }
0x253: {  	[tilespmem:s24], [sflag:$0x1] =	stream.indirect.gather [hbm4b:s5+s20], $0x80, s25, s20, $0xb8;
	[tilespmem:$0x1CC00] =	vst v63  }
0x254: {  	s26 =	simm.s32 $0x14800  }
0x255: {  	[spmem:s2] =	stream.indirect.scatter.add.f32 [tilespmem:s21], [sflag:$0x2], $0x80, s26, s20, $0xb8;
	[tilespmem:$0x1CC00] =	vst v63  }
0x256: {  	_ =	swait.ge [sflag:s17], $0x4000  }
0x257: {  	[sflag:s17] =	ssyncset.done $0x0  }
0x258: {  	[sflag:s17] =	ssyncadd.s32 $0xFFFFC000  }
0x259: {  	_ =	swait.ge [sflag:s22], $0x4000  }
0x25a: {  	[sflag:s22] =	ssyncset.done $0x0  }
0x25b: {  	s1 =	simm.s32 $0x14100;
	[sflag:s22] =	ssyncadd.s32 $0xFFFFC000  }
0x25c: {  	[tilespmem:s21], [sflag:$0x1] =	stream.indirect.gather [hbm4b:s5+s20], $0x80, s1, s20, $0xb8;
	[tilespmem:$0x1CC00] =	vst v63  }
0x25d: {  	s6 =	simm.s32 $0x14880  }
0x25e: {  	[spmem:s2] =	stream.indirect.scatter.add.f32 [tilespmem:s24], [sflag:$0x2], $0x80, s6, s20, $0xb8;
	[tilespmem:$0x1CC00] =	vst v63  }
0x25f: {  	_ =	swait.ge [sflag:s17], $0x4000  }
0x260: {  	[sflag:s17] =	ssyncset.done $0x0  }
0x261: {  	[sflag:s17] =	ssyncadd.s32 $0xFFFFC000  }
0x262: {  	_ =	swait.ge [sflag:s22], $0x4000  }
0x263: {  	[sflag:s22] =	ssyncset.done $0x0  }
0x264: {  	s7 =	simm.s32 $0x14180;
	[sflag:s22] =	ssyncadd.s32 $0xFFFFC000  }
0x265: {  	[tilespmem:s24], [sflag:$0x1] =	stream.indirect.gather [hbm4b:s5+s20], $0x80, s7, s20, $0xb8;
	[tilespmem:$0x1CC00] =	vst v63  }
0x266: {  	s8 =	simm.s32 $0x14900  }
0x267: {  	[spmem:s2] =	stream.indirect.scatter.add.f32 [tilespmem:s21], [sflag:$0x2], $0x80, s8, s20, $0xb8;
	[tilespmem:$0x1CC00] =	vst v63  }
0x268: {  	_ =	swait.ge [sflag:s17], $0x4000  }
0x269: {  	[sflag:s17] =	ssyncset.done $0x0  }
0x26a: {  	[sflag:s17] =	ssyncadd.s32 $0xFFFFC000  }
0x26b: {  	_ =	swait.ge [sflag:s22], $0x4000  }
0x26c: {  	[sflag:s22] =	ssyncset.done $0x0  }
0x26d: {  	s9 =	simm.s32 $0x14200;
	[sflag:s22] =	ssyncadd.s32 $0xFFFFC000  }
0x26e: {  	[tilespmem:s21], [sflag:$0x1] =	stream.indirect.gather [hbm4b:s5+s20], $0x80, s9, s20, $0xb8;
	[tilespmem:$0x1CC00] =	vst v63  }
0x26f: {  	s10 =	simm.s32 $0x14980  }
0x270: {  	[spmem:s2] =	stream.indirect.scatter.add.f32 [tilespmem:s24], [sflag:$0x2], $0x80, s10, s20, $0xb8;
	[tilespmem:$0x1CC00] =	vst v63  }
0x271: {  	_ =	swait.ge [sflag:s17], $0x4000  }
0x272: {  	[sflag:s17] =	ssyncset.done $0x0  }
0x273: {  	[sflag:s17] =	ssyncadd.s32 $0xFFFFC000  }
0x274: {  	_ =	swait.ge [sflag:s22], $0x4000  }
0x275: {  	[sflag:s22] =	ssyncset.done $0x0  }
0x276: {  	s11 =	simm.s32 $0x14280;
	[sflag:s22] =	ssyncadd.s32 $0xFFFFC000  }
0x277: {  	[tilespmem:s24], [sflag:$0x1] =	stream.indirect.gather [hbm4b:s5+s20], $0x80, s11, s20, $0xb8;
	[tilespmem:$0x1CC00] =	vst v63  }
0x278: {  	s12 =	simm.s32 $0x14A00  }
0x279: {  	[spmem:s2] =	stream.indirect.scatter.add.f32 [tilespmem:s21], [sflag:$0x2], $0x80, s12, s20, $0xb8;
	[tilespmem:$0x1CC00] =	vst v63  }
0x27a: {  	_ =	swait.ge [sflag:s17], $0x4000  }
0x27b: {  	[sflag:s17] =	ssyncset.done $0x0  }
0x27c: {  	[sflag:s17] =	ssyncadd.s32 $0xFFFFC000  }
0x27d: {  	_ =	swait.ge [sflag:s22], $0x4000  }
0x27e: {  	[sflag:s22] =	ssyncset.done $0x0  }
0x27f: {  	s13 =	simm.s32 $0x14300;
	[sflag:s22] =	ssyncadd.s32 $0xFFFFC000  }
0x280: {  	[tilespmem:s21], [sflag:$0x1] =	stream.indirect.gather [hbm4b:s5+s20], $0x80, s13, s20, $0xb8;
	[tilespmem:$0x1CC00] =	vst v63  }
0x281: {  	s16 =	simm.s32 $0x14A80  }
0x282: {  	[spmem:s2] =	stream.indirect.scatter.add.f32 [tilespmem:s24], [sflag:$0x2], $0x80, s16, s20, $0xb8;
	[tilespmem:$0x1CC00] =	vst v63  }
0x283: {  	_ =	swait.ge [sflag:s17], $0x4000  }
0x284: {  	[sflag:s17] =	ssyncset.done $0x0  }
0x285: {  	[sflag:s17] =	ssyncadd.s32 $0xFFFFC000  }
0x286: {  	_ =	swait.ge [sflag:s22], $0x4000  }
0x287: {  	[sflag:s22] =	ssyncset.done $0x0  }
0x288: {  	s23 =	simm.s32 $0x14380;
	[sflag:s22] =	ssyncadd.s32 $0xFFFFC000  }
0x289: {  	[tilespmem:s24], [sflag:$0x1] =	stream.indirect.gather [hbm4b:s5+s20], $0x80, s23, s20, $0xb8;
	[tilespmem:$0x1CC00] =	vst v63  }
0x28a: {  	s25 =	simm.s32 $0x14B00  }
0x28b: {  	[spmem:s2] =	stream.indirect.scatter.add.f32 [tilespmem:s21], [sflag:$0x2], $0x80, s25, s20, $0xb8;
	[tilespmem:$0x1CC00] =	vst v63  }
0x28c: {  	s31 =	simm.s32 $0x13E80;
	s28 =	simm.s32 $0x14500;
	_ =	swait.ge [sflag:s17], $0x4000  }
0x28d: {  	s29 =	simm.s32 $0x13E00;
	s30 =	simm.s32 $0x14580;
	[sflag:s17] =	ssyncset.done $0x0  }
0x28e: {  	s0 =	simm.s32 $0x14600;
	s26 =	simm.s32 $0x14B80;
	[sflag:s17] =	ssyncadd.s32 $0xFFFFC000  }
0x28f: {  	s1 =	simm.s32 $0x13F00;
	s6 =	simm.s32 $0x14000;
	_ =	swait.ge [sflag:s22], $0x4000  }
0x290: {  	s7 =	simm.s32 $0x100;
	s9 =	simm.s32 $0x13D00;
	[sflag:s22] =	ssyncset.done $0x0  }
0x291: {  	s10 =	simm.s32 $0x200;
	s11 =	simm.s32 $0x14680;
	[sflag:s22] =	ssyncadd.s32 $0xFFFFC000  }
0x292: {  	[spmem:s2] =	stream.indirect.scatter.add.f32 [tilespmem:s24], [sflag:$0x2], $0x80, s26, s20, $0xb8;
	[tilespmem:$0x1CC00] =	vst v63  }
0x293: {  	s12 =	simm.s32 $0x13F80;
	s23 =	simm.s32 $0x14480;
	_ =	swait.ge [sflag:s17], $0x4000  }
0x294: {  	s25 =	simm.s32 $0x14700;
	s26 =	simm.s32 $0x13D80;
	[sflag:s17] =	ssyncset.done $0x0  }
.LBB2_6:
0x295: {  	s13 =	sadd.s32 s7, s15  }
0x296: {  	[sflag:s17] =	ssyncadd.s32 $0xFFFFC000;
	s16 =	smov.u32 s10;
	s8 =	sadd.s32 $0x100, s10  }
0x297: {  	[tilespmem:s18], [sflag:$0x2] =	stream.linear.gather [hbm4b:s13+s3], $0x800, $0x38;
	[tilespmem:$0x1CC00] =	vst v63  }
0x298: {  	s13 =	simm.s32 $0x13C80  }
0x299: {  	p3 =	sne.s32 s10, $0x400;
	_ =	swait.ge [sflag:s17], $0x800  }
0x29a: {  	s10 =	sadd.s32 s7, s14;
	[sflag:s17] =	ssyncset.done $0x0  }
0x29b: {  	s7 =	smov.u32 s16;
	s16 =	simm.s32 $0x14080;
	[sflag:s17] =	ssyncadd.s32 $0xFFFFF800  }
0x29c: {  	[tilespmem:s19], [sflag:$0x2] =	stream.linear.gather [hbm4b:s10+s3], $0x800, $0x38;
	[tilespmem:$0x1CC00] =	vst v63  }
0x29d: {  	_ =	swait.ge [sflag:s17], $0x800  }
0x29e: {  	[sflag:s17] =	ssyncset.done $0x0  }
0x29f: {  	[sflag:s17] =	ssyncadd.s32 $0xFFFFF800  }
0x2a0: {  	[tilespmem:s21], [sflag:$0x1] =	stream.indirect.gather [hbm4b:s5+s20], $0x80, s18, s20, $0xb8;
	[tilespmem:$0x1CC00] =	vst v63  }
0x2a1: {  	_ =	swait.ge [sflag:s22], $0x4000  }
0x2a2: {  	[sflag:s22] =	ssyncset.done $0x0  }
0x2a3: {  	[sflag:s22] =	ssyncadd.s32 $0xFFFFC000  }
0x2a4: {  	[tilespmem:s24], [sflag:$0x1] =	stream.indirect.gather [hbm4b:s5+s20], $0x80, s13, s20, $0xb8;
	[tilespmem:$0x1CC00] =	vst v63  }
0x2a5: {  	_ = 	snop  }
0x2a6: {  	[spmem:s2] =	stream.indirect.scatter.add.f32 [tilespmem:s21], [sflag:$0x2], $0x80, s19, s20, $0xb8;
	[tilespmem:$0x1CC00] =	vst v63  }
0x2a7: {  	_ =	swait.ge [sflag:s17], $0x4000  }
0x2a8: {  	[sflag:s17] =	ssyncset.done $0x0  }
0x2a9: {  	[sflag:s17] =	ssyncadd.s32 $0xFFFFC000  }
0x2aa: {  	_ =	swait.ge [sflag:s22], $0x4000  }
0x2ab: {  	[sflag:s22] =	ssyncset.done $0x0  }
0x2ac: {  	[sflag:s22] =	ssyncadd.s32 $0xFFFFC000  }
0x2ad: {  	[tilespmem:s21], [sflag:$0x1] =	stream.indirect.gather [hbm4b:s5+s20], $0x80, s9, s20, $0xb8;
	[tilespmem:$0x1CC00] =	vst v63  }
0x2ae: {  	_ = 	snop  }
0x2af: {  	[spmem:s2] =	stream.indirect.scatter.add.f32 [tilespmem:s24], [sflag:$0x2], $0x80, s23, s20, $0xb8;
	[tilespmem:$0x1CC00] =	vst v63  }
0x2b0: {  	_ =	swait.ge [sflag:s17], $0x4000  }
0x2b1: {  	[sflag:s17] =	ssyncset.done $0x0  }
0x2b2: {  	[sflag:s17] =	ssyncadd.s32 $0xFFFFC000  }
0x2b3: {  	_ =	swait.ge [sflag:s22], $0x4000  }
0x2b4: {  	[sflag:s22] =	ssyncset.done $0x0  }
0x2b5: {  	[sflag:s22] =	ssyncadd.s32 $0xFFFFC000  }
0x2b6: {  	[tilespmem:s24], [sflag:$0x1] =	stream.indirect.gather [hbm4b:s5+s20], $0x80, s26, s20, $0xb8;
	[tilespmem:$0x1CC00] =	vst v63  }
0x2b7: {  	_ = 	snop  }
0x2b8: {  	[spmem:s2] =	stream.indirect.scatter.add.f32 [tilespmem:s21], [sflag:$0x2], $0x80, s28, s20, $0xb8;
	[tilespmem:$0x1CC00] =	vst v63  }
0x2b9: {  	_ =	swait.ge [sflag:s17], $0x4000  }
0x2ba: {  	[sflag:s17] =	ssyncset.done $0x0  }
0x2bb: {  	[sflag:s17] =	ssyncadd.s32 $0xFFFFC000  }
0x2bc: {  	_ =	swait.ge [sflag:s22], $0x4000  }
0x2bd: {  	[sflag:s22] =	ssyncset.done $0x0  }
0x2be: {  	[sflag:s22] =	ssyncadd.s32 $0xFFFFC000  }
0x2bf: {  	[tilespmem:s21], [sflag:$0x1] =	stream.indirect.gather [hbm4b:s5+s20], $0x80, s29, s20, $0xb8;
	[tilespmem:$0x1CC00] =	vst v63  }
0x2c0: {  	_ = 	snop  }
0x2c1: {  	[spmem:s2] =	stream.indirect.scatter.add.f32 [tilespmem:s24], [sflag:$0x2], $0x80, s30, s20, $0xb8;
	[tilespmem:$0x1CC00] =	vst v63  }
0x2c2: {  	_ =	swait.ge [sflag:s17], $0x4000  }
0x2c3: {  	[sflag:s17] =	ssyncset.done $0x0  }
0x2c4: {  	[sflag:s17] =	ssyncadd.s32 $0xFFFFC000  }
0x2c5: {  	_ =	swait.ge [sflag:s22], $0x4000  }
0x2c6: {  	[sflag:s22] =	ssyncset.done $0x0  }
0x2c7: {  	[sflag:s22] =	ssyncadd.s32 $0xFFFFC000  }
0x2c8: {  	[tilespmem:s24], [sflag:$0x1] =	stream.indirect.gather [hbm4b:s5+s20], $0x80, s31, s20, $0xb8;
	[tilespmem:$0x1CC00] =	vst v63  }
0x2c9: {  	_ = 	snop  }
0x2ca: {  	[spmem:s2] =	stream.indirect.scatter.add.f32 [tilespmem:s21], [sflag:$0x2], $0x80, s0, s20, $0xb8;
	[tilespmem:$0x1CC00] =	vst v63  }
0x2cb: {  	_ =	swait.ge [sflag:s17], $0x4000  }
0x2cc: {  	[sflag:s17] =	ssyncset.done $0x0  }
0x2cd: {  	[sflag:s17] =	ssyncadd.s32 $0xFFFFC000  }
0x2ce: {  	_ =	swait.ge [sflag:s22], $0x4000  }
0x2cf: {  	[sflag:s22] =	ssyncset.done $0x0  }
0x2d0: {  	[sflag:s22] =	ssyncadd.s32 $0xFFFFC000  }
0x2d1: {  	[tilespmem:s21], [sflag:$0x1] =	stream.indirect.gather [hbm4b:s5+s20], $0x80, s1, s20, $0xb8;
	[tilespmem:$0x1CC00] =	vst v63  }
0x2d2: {  	_ = 	snop  }
0x2d3: {  	[spmem:s2] =	stream.indirect.scatter.add.f32 [tilespmem:s24], [sflag:$0x2], $0x80, s11, s20, $0xb8;
	[tilespmem:$0x1CC00] =	vst v63  }
0x2d4: {  	_ =	swait.ge [sflag:s17], $0x4000  }
0x2d5: {  	[sflag:s17] =	ssyncset.done $0x0  }
0x2d6: {  	[sflag:s17] =	ssyncadd.s32 $0xFFFFC000  }
0x2d7: {  	_ =	swait.ge [sflag:s22], $0x4000  }
0x2d8: {  	[sflag:s22] =	ssyncset.done $0x0  }
0x2d9: {  	[sflag:s22] =	ssyncadd.s32 $0xFFFFC000  }
0x2da: {  	[tilespmem:s24], [sflag:$0x1] =	stream.indirect.gather [hbm4b:s5+s20], $0x80, s12, s20, $0xb8;
	[tilespmem:$0x1CC00] =	vst v63  }
0x2db: {  	_ = 	snop  }
0x2dc: {  	[spmem:s2] =	stream.indirect.scatter.add.f32 [tilespmem:s21], [sflag:$0x2], $0x80, s25, s20, $0xb8;
	[tilespmem:$0x1CC00] =	vst v63  }
0x2dd: {  	_ =	swait.ge [sflag:s17], $0x4000  }
0x2de: {  	[sflag:s17] =	ssyncset.done $0x0  }
0x2df: {  	[sflag:s17] =	ssyncadd.s32 $0xFFFFC000  }
0x2e0: {  	_ =	swait.ge [sflag:s22], $0x4000  }
0x2e1: {  	[sflag:s22] =	ssyncset.done $0x0  }
0x2e2: {  	[sflag:s22] =	ssyncadd.s32 $0xFFFFC000  }
0x2e3: {  	[tilespmem:s21], [sflag:$0x1] =	stream.indirect.gather [hbm4b:s5+s20], $0x80, s6, s20, $0xb8;
	[tilespmem:$0x1CC00] =	vst v63  }
0x2e4: {  	s10 =	simm.s32 $0x14780  }
0x2e5: {  	[spmem:s2] =	stream.indirect.scatter.add.f32 [tilespmem:s24], [sflag:$0x2], $0x80, s10, s20, $0xb8;
	[tilespmem:$0x1CC00] =	vst v63  }
0x2e6: {  	_ =	swait.ge [sflag:s17], $0x4000  }
0x2e7: {  	[sflag:s17] =	ssyncset.done $0x0  }
0x2e8: {  	[sflag:s17] =	ssyncadd.s32 $0xFFFFC000  }
0x2e9: {  	_ =	swait.ge [sflag:s22], $0x4000  }
0x2ea: {  	[sflag:s22] =	ssyncset.done $0x0  }
0x2eb: {  	[sflag:s22] =	ssyncadd.s32 $0xFFFFC000  }
0x2ec: {  	[tilespmem:s24], [sflag:$0x1] =	stream.indirect.gather [hbm4b:s5+s20], $0x80, s16, s20, $0xb8;
	[tilespmem:$0x1CC00] =	vst v63  }
0x2ed: {  	s10 =	simm.s32 $0x14800  }
0x2ee: {  	[spmem:s2] =	stream.indirect.scatter.add.f32 [tilespmem:s21], [sflag:$0x2], $0x80, s10, s20, $0xb8;
	[tilespmem:$0x1CC00] =	vst v63  }
0x2ef: {  	_ =	swait.ge [sflag:s17], $0x4000  }
0x2f0: {  	[sflag:s17] =	ssyncset.done $0x0  }
0x2f1: {  	[sflag:s17] =	ssyncadd.s32 $0xFFFFC000  }
0x2f2: {  	_ =	swait.ge [sflag:s22], $0x4000  }
0x2f3: {  	[sflag:s22] =	ssyncset.done $0x0  }
0x2f4: {  	s10 =	simm.s32 $0x14100;
	[sflag:s22] =	ssyncadd.s32 $0xFFFFC000  }
0x2f5: {  	[tilespmem:s21], [sflag:$0x1] =	stream.indirect.gather [hbm4b:s5+s20], $0x80, s10, s20, $0xb8;
	[tilespmem:$0x1CC00] =	vst v63  }
0x2f6: {  	s10 =	simm.s32 $0x14880  }
0x2f7: {  	[spmem:s2] =	stream.indirect.scatter.add.f32 [tilespmem:s24], [sflag:$0x2], $0x80, s10, s20, $0xb8;
	[tilespmem:$0x1CC00] =	vst v63  }
0x2f8: {  	_ =	swait.ge [sflag:s17], $0x4000  }
0x2f9: {  	[sflag:s17] =	ssyncset.done $0x0  }
0x2fa: {  	[sflag:s17] =	ssyncadd.s32 $0xFFFFC000  }
0x2fb: {  	_ =	swait.ge [sflag:s22], $0x4000  }
0x2fc: {  	[sflag:s22] =	ssyncset.done $0x0  }
0x2fd: {  	s10 =	simm.s32 $0x14180;
	[sflag:s22] =	ssyncadd.s32 $0xFFFFC000  }
0x2fe: {  	[tilespmem:s24], [sflag:$0x1] =	stream.indirect.gather [hbm4b:s5+s20], $0x80, s10, s20, $0xb8;
	[tilespmem:$0x1CC00] =	vst v63  }
0x2ff: {  	s10 =	simm.s32 $0x14900  }
0x300: {  	[spmem:s2] =	stream.indirect.scatter.add.f32 [tilespmem:s21], [sflag:$0x2], $0x80, s10, s20, $0xb8;
	[tilespmem:$0x1CC00] =	vst v63  }
0x301: {  	_ =	swait.ge [sflag:s17], $0x4000  }
0x302: {  	[sflag:s17] =	ssyncset.done $0x0  }
0x303: {  	[sflag:s17] =	ssyncadd.s32 $0xFFFFC000  }
0x304: {  	_ =	swait.ge [sflag:s22], $0x4000  }
0x305: {  	[sflag:s22] =	ssyncset.done $0x0  }
0x306: {  	s10 =	simm.s32 $0x14200;
	[sflag:s22] =	ssyncadd.s32 $0xFFFFC000  }
0x307: {  	[tilespmem:s21], [sflag:$0x1] =	stream.indirect.gather [hbm4b:s5+s20], $0x80, s10, s20, $0xb8;
	[tilespmem:$0x1CC00] =	vst v63  }
0x308: {  	s10 =	simm.s32 $0x14980  }
0x309: {  	[spmem:s2] =	stream.indirect.scatter.add.f32 [tilespmem:s24], [sflag:$0x2], $0x80, s10, s20, $0xb8;
	[tilespmem:$0x1CC00] =	vst v63  }
0x30a: {  	_ =	swait.ge [sflag:s17], $0x4000  }
0x30b: {  	[sflag:s17] =	ssyncset.done $0x0  }
0x30c: {  	[sflag:s17] =	ssyncadd.s32 $0xFFFFC000  }
0x30d: {  	_ =	swait.ge [sflag:s22], $0x4000  }
0x30e: {  	[sflag:s22] =	ssyncset.done $0x0  }
0x30f: {  	s10 =	simm.s32 $0x14280;
	[sflag:s22] =	ssyncadd.s32 $0xFFFFC000  }
0x310: {  	[tilespmem:s24], [sflag:$0x1] =	stream.indirect.gather [hbm4b:s5+s20], $0x80, s10, s20, $0xb8;
	[tilespmem:$0x1CC00] =	vst v63  }
0x311: {  	s10 =	simm.s32 $0x14A00  }
0x312: {  	[spmem:s2] =	stream.indirect.scatter.add.f32 [tilespmem:s21], [sflag:$0x2], $0x80, s10, s20, $0xb8;
	[tilespmem:$0x1CC00] =	vst v63  }
0x313: {  	_ =	swait.ge [sflag:s17], $0x4000  }
0x314: {  	[sflag:s17] =	ssyncset.done $0x0  }
0x315: {  	[sflag:s17] =	ssyncadd.s32 $0xFFFFC000  }
0x316: {  	_ =	swait.ge [sflag:s22], $0x4000  }
0x317: {  	[sflag:s22] =	ssyncset.done $0x0  }
0x318: {  	s10 =	simm.s32 $0x14300;
	[sflag:s22] =	ssyncadd.s32 $0xFFFFC000  }
0x319: {  	[tilespmem:s21], [sflag:$0x1] =	stream.indirect.gather [hbm4b:s5+s20], $0x80, s10, s20, $0xb8;
	[tilespmem:$0x1CC00] =	vst v63  }
0x31a: {  	s10 =	simm.s32 $0x14A80  }
0x31b: {  	[spmem:s2] =	stream.indirect.scatter.add.f32 [tilespmem:s24], [sflag:$0x2], $0x80, s10, s20, $0xb8;
	[tilespmem:$0x1CC00] =	vst v63  }
0x31c: {  	_ =	swait.ge [sflag:s17], $0x4000  }
0x31d: {  	[sflag:s17] =	ssyncset.done $0x0  }
0x31e: {  	[sflag:s17] =	ssyncadd.s32 $0xFFFFC000  }
0x31f: {  	_ =	swait.ge [sflag:s22], $0x4000  }
0x320: {  	[sflag:s22] =	ssyncset.done $0x0  }
0x321: {  	s10 =	simm.s32 $0x14380;
	[sflag:s22] =	ssyncadd.s32 $0xFFFFC000  }
0x322: {  	[tilespmem:s24], [sflag:$0x1] =	stream.indirect.gather [hbm4b:s5+s20], $0x80, s10, s20, $0xb8;
	[tilespmem:$0x1CC00] =	vst v63  }
0x323: {  	s10 =	simm.s32 $0x14B00  }
0x324: {  	[spmem:s2] =	stream.indirect.scatter.add.f32 [tilespmem:s21], [sflag:$0x2], $0x80, s10, s20, $0xb8;
	[tilespmem:$0x1CC00] =	vst v63  }
0x325: {  	_ =	swait.ge [sflag:s17], $0x4000  }
0x326: {  	[sflag:s17] =	ssyncset.done $0x0  }
0x327: {  	[sflag:s17] =	ssyncadd.s32 $0xFFFFC000  }
0x328: {  	_ =	swait.ge [sflag:s22], $0x4000  }
.Ltmp6:
0x329: {  	[sflag:s22] =	ssyncset.done $0x0;
	(pc) =	sbr.rel @p3 .LBB2_6-.Ltmp6, $4  }
0x32a: {  	s10 =	simm.s32 $0x14B80;
	[sflag:s22] =	ssyncadd.s32 $0xFFFFC000  }
0x32b: {  	[spmem:s2] =	stream.indirect.scatter.add.f32 [tilespmem:s24], [sflag:$0x2], $0x80, s10, s20, $0xb8;
	[tilespmem:$0x1CC00] =	vst v63  }
0x32c: {  	_ =	swait.ge [sflag:s17], $0x4000  }
0x32d: {  	s10 =	smov.u32 s8;
	[sflag:s17] =	ssyncset.done $0x0  }
0x32e: {  	s8 =	sadd.s32 s7, s15;
	[sflag:s17] =	ssyncadd.s32 $0xFFFFC000  }
0x32f: {  	[tilespmem:s18], [sflag:$0x2] =	stream.linear.gather [hbm4b:s8+s3], $0x800, $0x38;
	[tilespmem:$0x1CC00] =	vst v63  }
0x330: {  	_ =	swait.ge [sflag:s17], $0x800  }
0x331: {  	[sflag:s17] =	ssyncset.done $0x0  }
0x332: {  	s10 =	sadd.s32 s7, s14;
	[sflag:s17] =	ssyncadd.s32 $0xFFFFF800  }
0x333: {  	[tilespmem:s19], [sflag:$0x2] =	stream.linear.gather [hbm4b:s10+s3], $0x800, $0x38;
	[tilespmem:$0x1CC00] =	vst v63  }
0x334: {  	_ =	swait.ge [sflag:s17], $0x800  }
0x335: {  	[sflag:s17] =	ssyncset.done $0x0  }
0x336: {  	[sflag:s17] =	ssyncadd.s32 $0xFFFFF800  }
0x337: {  	[tilespmem:s21], [sflag:$0x1] =	stream.indirect.gather [hbm4b:s5+s20], $0x80, s18, s20, $0xb8;
	[tilespmem:$0x1CC00] =	vst v63  }
0x338: {  	_ =	swait.ge [sflag:s22], $0x4000  }
0x339: {  	[sflag:s22] =	ssyncset.done $0x0  }
0x33a: {  	[sflag:s22] =	ssyncadd.s32 $0xFFFFC000  }
0x33b: {  	[tilespmem:s24], [sflag:$0x1] =	stream.indirect.gather [hbm4b:s5+s20], $0x80, s13, s20, $0xb8;
	[tilespmem:$0x1CC00] =	vst v63  }
0x33c: {  	_ = 	snop  }
0x33d: {  	[spmem:s2] =	stream.indirect.scatter.add.f32 [tilespmem:s21], [sflag:$0x2], $0x80, s19, s20, $0xb8;
	[tilespmem:$0x1CC00] =	vst v63  }
0x33e: {  	_ =	swait.ge [sflag:s17], $0x4000  }
0x33f: {  	[sflag:s17] =	ssyncset.done $0x0  }
0x340: {  	[sflag:s17] =	ssyncadd.s32 $0xFFFFC000  }
0x341: {  	_ =	swait.ge [sflag:s22], $0x4000  }
0x342: {  	[sflag:s22] =	ssyncset.done $0x0  }
0x343: {  	[sflag:s22] =	ssyncadd.s32 $0xFFFFC000  }
0x344: {  	[tilespmem:s21], [sflag:$0x1] =	stream.indirect.gather [hbm4b:s5+s20], $0x80, s9, s20, $0xb8;
	[tilespmem:$0x1CC00] =	vst v63  }
0x345: {  	_ = 	snop  }
0x346: {  	[spmem:s2] =	stream.indirect.scatter.add.f32 [tilespmem:s24], [sflag:$0x2], $0x80, s23, s20, $0xb8;
	[tilespmem:$0x1CC00] =	vst v63  }
0x347: {  	_ =	swait.ge [sflag:s17], $0x4000  }
0x348: {  	[sflag:s17] =	ssyncset.done $0x0  }
0x349: {  	[sflag:s17] =	ssyncadd.s32 $0xFFFFC000  }
0x34a: {  	_ =	swait.ge [sflag:s22], $0x4000  }
0x34b: {  	[sflag:s22] =	ssyncset.done $0x0  }
0x34c: {  	[sflag:s22] =	ssyncadd.s32 $0xFFFFC000  }
0x34d: {  	[tilespmem:s24], [sflag:$0x1] =	stream.indirect.gather [hbm4b:s5+s20], $0x80, s26, s20, $0xb8;
	[tilespmem:$0x1CC00] =	vst v63  }
0x34e: {  	_ = 	snop  }
0x34f: {  	[spmem:s2] =	stream.indirect.scatter.add.f32 [tilespmem:s21], [sflag:$0x2], $0x80, s28, s20, $0xb8;
	[tilespmem:$0x1CC00] =	vst v63  }
0x350: {  	_ =	swait.ge [sflag:s17], $0x4000  }
0x351: {  	[sflag:s17] =	ssyncset.done $0x0  }
0x352: {  	[sflag:s17] =	ssyncadd.s32 $0xFFFFC000  }
0x353: {  	_ =	swait.ge [sflag:s22], $0x4000  }
0x354: {  	[sflag:s22] =	ssyncset.done $0x0  }
0x355: {  	[sflag:s22] =	ssyncadd.s32 $0xFFFFC000  }
0x356: {  	[tilespmem:s21], [sflag:$0x1] =	stream.indirect.gather [hbm4b:s5+s20], $0x80, s29, s20, $0xb8;
	[tilespmem:$0x1CC00] =	vst v63  }
0x357: {  	_ = 	snop  }
0x358: {  	[spmem:s2] =	stream.indirect.scatter.add.f32 [tilespmem:s24], [sflag:$0x2], $0x80, s30, s20, $0xb8;
	[tilespmem:$0x1CC00] =	vst v63  }
0x359: {  	_ =	swait.ge [sflag:s17], $0x4000  }
0x35a: {  	[sflag:s17] =	ssyncset.done $0x0  }
0x35b: {  	[sflag:s17] =	ssyncadd.s32 $0xFFFFC000  }
0x35c: {  	_ =	swait.ge [sflag:s22], $0x4000  }
0x35d: {  	[sflag:s22] =	ssyncset.done $0x0  }
0x35e: {  	[sflag:s22] =	ssyncadd.s32 $0xFFFFC000  }
0x35f: {  	[tilespmem:s24], [sflag:$0x1] =	stream.indirect.gather [hbm4b:s5+s20], $0x80, s31, s20, $0xb8;
	[tilespmem:$0x1CC00] =	vst v63  }
0x360: {  	_ = 	snop  }
0x361: {  	[spmem:s2] =	stream.indirect.scatter.add.f32 [tilespmem:s21], [sflag:$0x2], $0x80, s0, s20, $0xb8;
	[tilespmem:$0x1CC00] =	vst v63  }
0x362: {  	_ =	swait.ge [sflag:s17], $0x4000  }
0x363: {  	[sflag:s17] =	ssyncset.done $0x0  }
0x364: {  	[sflag:s17] =	ssyncadd.s32 $0xFFFFC000  }
0x365: {  	_ =	swait.ge [sflag:s22], $0x4000  }
0x366: {  	[sflag:s22] =	ssyncset.done $0x0  }
0x367: {  	[sflag:s22] =	ssyncadd.s32 $0xFFFFC000  }
0x368: {  	[tilespmem:s21], [sflag:$0x1] =	stream.indirect.gather [hbm4b:s5+s20], $0x80, s1, s20, $0xb8;
	[tilespmem:$0x1CC00] =	vst v63  }
0x369: {  	_ = 	snop  }
0x36a: {  	[spmem:s2] =	stream.indirect.scatter.add.f32 [tilespmem:s24], [sflag:$0x2], $0x80, s11, s20, $0xb8;
	[tilespmem:$0x1CC00] =	vst v63  }
0x36b: {  	_ =	swait.ge [sflag:s17], $0x4000  }
0x36c: {  	[sflag:s17] =	ssyncset.done $0x0  }
0x36d: {  	[sflag:s17] =	ssyncadd.s32 $0xFFFFC000  }
0x36e: {  	_ =	swait.ge [sflag:s22], $0x4000  }
0x36f: {  	[sflag:s22] =	ssyncset.done $0x0  }
0x370: {  	[sflag:s22] =	ssyncadd.s32 $0xFFFFC000  }
0x371: {  	[tilespmem:s24], [sflag:$0x1] =	stream.indirect.gather [hbm4b:s5+s20], $0x80, s12, s20, $0xb8;
	[tilespmem:$0x1CC00] =	vst v63  }
0x372: {  	_ = 	snop  }
0x373: {  	[spmem:s2] =	stream.indirect.scatter.add.f32 [tilespmem:s21], [sflag:$0x2], $0x80, s25, s20, $0xb8;
	[tilespmem:$0x1CC00] =	vst v63  }
0x374: {  	_ =	swait.ge [sflag:s17], $0x4000  }
0x375: {  	[sflag:s17] =	ssyncset.done $0x0  }
0x376: {  	[sflag:s17] =	ssyncadd.s32 $0xFFFFC000  }
0x377: {  	_ =	swait.ge [sflag:s22], $0x4000  }
0x378: {  	[sflag:s22] =	ssyncset.done $0x0  }
0x379: {  	[sflag:s22] =	ssyncadd.s32 $0xFFFFC000  }
0x37a: {  	[tilespmem:s21], [sflag:$0x1] =	stream.indirect.gather [hbm4b:s5+s20], $0x80, s6, s20, $0xb8;
	[tilespmem:$0x1CC00] =	vst v63  }
0x37b: {  	s12 =	simm.s32 $0x14780  }
0x37c: {  	[spmem:s2] =	stream.indirect.scatter.add.f32 [tilespmem:s24], [sflag:$0x2], $0x80, s12, s20, $0xb8;
	[tilespmem:$0x1CC00] =	vst v63  }
0x37d: {  	_ =	swait.ge [sflag:s17], $0x4000  }
0x37e: {  	[sflag:s17] =	ssyncset.done $0x0  }
0x37f: {  	[sflag:s17] =	ssyncadd.s32 $0xFFFFC000  }
0x380: {  	_ =	swait.ge [sflag:s22], $0x4000  }
0x381: {  	[sflag:s22] =	ssyncset.done $0x0  }
0x382: {  	[sflag:s22] =	ssyncadd.s32 $0xFFFFC000  }
0x383: {  	[tilespmem:s24], [sflag:$0x1] =	stream.indirect.gather [hbm4b:s5+s20], $0x80, s16, s20, $0xb8;
	[tilespmem:$0x1CC00] =	vst v63  }
0x384: {  	s16 =	simm.s32 $0x14800  }
0x385: {  	[spmem:s2] =	stream.indirect.scatter.add.f32 [tilespmem:s21], [sflag:$0x2], $0x80, s16, s20, $0xb8;
	[tilespmem:$0x1CC00] =	vst v63  }
0x386: {  	_ =	swait.ge [sflag:s17], $0x4000  }
0x387: {  	[sflag:s17] =	ssyncset.done $0x0  }
0x388: {  	[sflag:s17] =	ssyncadd.s32 $0xFFFFC000  }
0x389: {  	_ =	swait.ge [sflag:s22], $0x4000  }
0x38a: {  	[sflag:s22] =	ssyncset.done $0x0  }
0x38b: {  	s23 =	simm.s32 $0x14100;
	[sflag:s22] =	ssyncadd.s32 $0xFFFFC000  }
0x38c: {  	[tilespmem:s21], [sflag:$0x1] =	stream.indirect.gather [hbm4b:s5+s20], $0x80, s23, s20, $0xb8;
	[tilespmem:$0x1CC00] =	vst v63  }
0x38d: {  	s25 =	simm.s32 $0x14880  }
0x38e: {  	[spmem:s2] =	stream.indirect.scatter.add.f32 [tilespmem:s24], [sflag:$0x2], $0x80, s25, s20, $0xb8;
	[tilespmem:$0x1CC00] =	vst v63  }
0x38f: {  	_ =	swait.ge [sflag:s17], $0x4000  }
0x390: {  	[sflag:s17] =	ssyncset.done $0x0  }
0x391: {  	[sflag:s17] =	ssyncadd.s32 $0xFFFFC000  }
0x392: {  	_ =	swait.ge [sflag:s22], $0x4000  }
0x393: {  	[sflag:s22] =	ssyncset.done $0x0  }
0x394: {  	s26 =	simm.s32 $0x14180;
	[sflag:s22] =	ssyncadd.s32 $0xFFFFC000  }
0x395: {  	[tilespmem:s24], [sflag:$0x1] =	stream.indirect.gather [hbm4b:s5+s20], $0x80, s26, s20, $0xb8;
	[tilespmem:$0x1CC00] =	vst v63  }
0x396: {  	s1 =	simm.s32 $0x14900  }
0x397: {  	[spmem:s2] =	stream.indirect.scatter.add.f32 [tilespmem:s21], [sflag:$0x2], $0x80, s1, s20, $0xb8;
	[tilespmem:$0x1CC00] =	vst v63  }
0x398: {  	_ =	swait.ge [sflag:s17], $0x4000  }
0x399: {  	[sflag:s17] =	ssyncset.done $0x0  }
0x39a: {  	[sflag:s17] =	ssyncadd.s32 $0xFFFFC000  }
0x39b: {  	_ =	swait.ge [sflag:s22], $0x4000  }
0x39c: {  	[sflag:s22] =	ssyncset.done $0x0  }
0x39d: {  	s6 =	simm.s32 $0x14200;
	[sflag:s22] =	ssyncadd.s32 $0xFFFFC000  }
0x39e: {  	[tilespmem:s21], [sflag:$0x1] =	stream.indirect.gather [hbm4b:s5+s20], $0x80, s6, s20, $0xb8;
	[tilespmem:$0x1CC00] =	vst v63  }
0x39f: {  	s7 =	simm.s32 $0x14980  }
0x3a0: {  	[spmem:s2] =	stream.indirect.scatter.add.f32 [tilespmem:s24], [sflag:$0x2], $0x80, s7, s20, $0xb8;
	[tilespmem:$0x1CC00] =	vst v63  }
0x3a1: {  	_ =	swait.ge [sflag:s17], $0x4000  }
0x3a2: {  	[sflag:s17] =	ssyncset.done $0x0  }
0x3a3: {  	[sflag:s17] =	ssyncadd.s32 $0xFFFFC000  }
0x3a4: {  	_ =	swait.ge [sflag:s22], $0x4000  }
0x3a5: {  	[sflag:s22] =	ssyncset.done $0x0  }
0x3a6: {  	s8 =	simm.s32 $0x14280;
	[sflag:s22] =	ssyncadd.s32 $0xFFFFC000  }
0x3a7: {  	[tilespmem:s24], [sflag:$0x1] =	stream.indirect.gather [hbm4b:s5+s20], $0x80, s8, s20, $0xb8;
	[tilespmem:$0x1CC00] =	vst v63  }
0x3a8: {  	s9 =	simm.s32 $0x14A00  }
0x3a9: {  	[spmem:s2] =	stream.indirect.scatter.add.f32 [tilespmem:s21], [sflag:$0x2], $0x80, s9, s20, $0xb8;
	[tilespmem:$0x1CC00] =	vst v63  }
0x3aa: {  	_ =	swait.ge [sflag:s17], $0x4000  }
0x3ab: {  	[sflag:s17] =	ssyncset.done $0x0  }
0x3ac: {  	[sflag:s17] =	ssyncadd.s32 $0xFFFFC000  }
0x3ad: {  	_ =	swait.ge [sflag:s22], $0x4000  }
0x3ae: {  	[sflag:s22] =	ssyncset.done $0x0  }
0x3af: {  	s10 =	simm.s32 $0x14300;
	[sflag:s22] =	ssyncadd.s32 $0xFFFFC000  }
0x3b0: {  	[tilespmem:s21], [sflag:$0x1] =	stream.indirect.gather [hbm4b:s5+s20], $0x80, s10, s20, $0xb8;
	[tilespmem:$0x1CC00] =	vst v63  }
0x3b1: {  	s11 =	simm.s32 $0x14A80  }
0x3b2: {  	[spmem:s2] =	stream.indirect.scatter.add.f32 [tilespmem:s24], [sflag:$0x2], $0x80, s11, s20, $0xb8;
	[tilespmem:$0x1CC00] =	vst v63  }
0x3b3: {  	_ =	swait.ge [sflag:s17], $0x4000  }
0x3b4: {  	[sflag:s17] =	ssyncset.done $0x0  }
0x3b5: {  	[sflag:s17] =	ssyncadd.s32 $0xFFFFC000  }
0x3b6: {  	_ =	swait.ge [sflag:s22], $0x4000  }
0x3b7: {  	[sflag:s22] =	ssyncset.done $0x0  }
0x3b8: {  	s12 =	simm.s32 $0x14380;
	[sflag:s22] =	ssyncadd.s32 $0xFFFFC000  }
0x3b9: {  	[tilespmem:s24], [sflag:$0x1] =	stream.indirect.gather [hbm4b:s5+s20], $0x80, s12, s20, $0xb8;
	[tilespmem:$0x1CC00] =	vst v63  }
0x3ba: {  	s16 =	simm.s32 $0x14B00  }
0x3bb: {  	[spmem:s2] =	stream.indirect.scatter.add.f32 [tilespmem:s21], [sflag:$0x2], $0x80, s16, s20, $0xb8;
	[tilespmem:$0x1CC00] =	vst v63  }
0x3bc: {  	_ =	swait.ge [sflag:s17], $0x4000  }
0x3bd: {  	[sflag:s17] =	ssyncset.done $0x0  }
0x3be: {  	[sflag:s17] =	ssyncadd.s32 $0xFFFFC000  }
0x3bf: {  	_ =	swait.ge [sflag:s22], $0x4000  }
0x3c0: {  	[sflag:s22] =	ssyncset.done $0x0  }
0x3c1: {  	s23 =	simm.s32 $0x14B80;
	[sflag:s22] =	ssyncadd.s32 $0xFFFFC000  }
0x3c2: {  	[spmem:s2] =	stream.indirect.scatter.add.f32 [tilespmem:s24], [sflag:$0x2], $0x80, s23, s20, $0xb8;
	[tilespmem:$0x1CC00] =	vst v63  }
0x3c3: {  	_ =	swait.ge [sflag:s17], $0x4000  }
0x3c4: {  	[sflag:s17] =	ssyncset.done $0x0  }
0x3c5: {  	[sflag:s17] =	ssyncadd.s32 $0xFFFFC000  }
0x3c6: {  	[bflag:$0x0] =	sbarrier.arrive $0xFFFF  }
0x3c7: {  	s28 =	simm.s32 $0x13E00;
	s29 =	simm.s32 $0x14580;
	s25 =	rddreg [dreg:$0x8]  }
0x3c8: {  	s30 =	simm.s32 $0x13E80;
	s0 =	simm.s32 $0x14600;
	s16 =	rddreg [dreg:$0x7]  }
0x3c9: {  	s1 =	simm.s32 $0x13F00;
	s26 =	rddreg [dreg:$0x9];
	s7 =	sshrl.u32 s25, $0x3  }
0x3ca: {  	[hbm:s26], [sflag:s16] =	dma.local [spmem:s7], $0x2700  }
.Ltmp7:
0x3cb: {  	s6 =	simm.s32 $0x14000;
	s9 =	simm.s32 $0x13D00;
	(pc) =	sbr.rel @p2 .LBB2_9-.Ltmp7, $4  }
.Ltmp8:
0x3cc: {  	s10 =	simm.s32 $0x14480;
	s11 =	simm.s32 $0x14680;
	(pc) =	sbr.rel @!p2 .LBB2_8-.Ltmp8, $4  }
0x3cd: {  	s12 =	simm.s32 $0x13F80;
	s23 =	simm.s32 $0x13D80;
	_ =	swait.ge [sflag:s17], $0x2700  }
0x3ce: {  	s25 =	simm.s32 $0x14700;
	[sflag:s17] =	ssyncset.done $0x0;
	s7 =	rddreg [dreg:$0x5]  }
0x3cf: {  	s26 =	simm.s32 $0x14500;
	s31 =	rddreg [dreg:$0xe];
	[sflag:s17] =	ssyncadd.s32 $0xFFFFD900  }
0x3d0: {  	_ = 	snop  }
.LBB2_10:
0x3d1: {  	_ =	sfence.sel $0x180000  }
0x3d2: {  	[bflag:$0x0] =	sbarrier.arrive $0xFFFF  }
0x3d3: {  	_ =	strace $0x9000004A  }
0x3d4: {  	s0 =	stileid.u32;
	[bflag:$0x2] =	sbarrier.arrive $0xFFFF  }
0x3d5: {  	p0 =	sne.s32 s0, $0x0;
	s0 =	rddreg [dreg:$0x3]  }
0x3d6: {  	s0 =	sadd.s32 @!p0 $0x100000, s0  }
0x3d7: {  	[sflag:s0] =	ssyncadd.tile.s32 @!p0 $0x1;
	_ =	shalt  }
.Lfunc_end2:
_tile_overlayer_lowered:
.L_overlay_start_2:
0x3d8: {  	(tag) =	ssettag $0x2  }
0x3d9: {  	s0 =	rddreg [dreg:$0x0];
	s2 =	stileid.u32  }
0x3da: {  	s1 =	rddreg [dreg:$0x1];
	p0 =	sne.s32 s2, $0x0  }
0x3db: {  	s3 =	rddreg [dreg:$0x2];
	[bflag:$0x3] =	sbarrier.arrive $0xFFFF;
	s2 =	simm.s32 @!p0 $0x1C02  }
0x3dc: {  	[timem:s3], [sflag:s2] =	dma.local @!p0 [hbm:s0], s1  }
0x3dd: {  	s0 =	simm.s32 @!p0 $0x2  }
0x3de: {  	_ =	swait.ge @!p0 [sflag:s0], s1  }
0x3df: {  	s1 =	ssub.s32 @!p0 $0x0, s1;
	[sflag:s0] =	ssyncset.done @!p0 $0x0  }
0x3e0: {  	[sflag:s0] =	ssyncadd.s32 @!p0 s1  }
0x3e1: {  	[bflag:$0x3] =	sbarrier.arrive $0xFFFF  }
0x3e2: {  	_ =	shalt  }

// kernel: kernel.15.cloned.1.call-start
scs
__scs_entry_jumppad:
0x0: {  	(pc) =	sbr.rel $0x88, $3  }
0x1: {  	(tag) =	ssettag $0x0;
	lr =	simm.s32 $0x1  }
0x2: {  	[smem:$0x3F98] =	sst lr;
	_ =	strace $0xD0000000  }
0x3: {  	_ = 	snop  }
0x4: {  	_ = 	snop  }
0x5: {  	_ = 	snop  }
0x6: {  	_ = 	snop  }
0x7: {  	_ = 	snop  }
__scs_overlays_trampoline_lowered:
0x8: {  	[smem:$0x3FA7] =	sst s0  }
0x9: {  	[smem:$0x3FA8] =	sst s1  }
0xa: {  	[smem:$0x3FA9] =	sst s2  }
0xb: {  	[smem:$0x3FAA] =	sst s3  }
0xc: {  	[smem:$0x3FAB] =	sst s4  }
0xd: {  	[smem:$0x3FAC] =	sst s5  }
0xe: {  	[smem:$0x3FAD] =	sst s6  }
0xf: {  	[smem:$0x3FAE] =	sst s7  }
0x10: {  	[smem:$0x3FAF] =	sst s8  }
0x11: {  	[smem:$0x3FB0] =	sst s9;
	s0 =	simm.s32 @!p0 $0x0  }
0x12: {  	s1 =	sld [smem:$0x3F96];
	s0 =	simm.s32 @p0 $0x1  }
0x13: {  	[smem:$0x3FB1] =	sst s0;
	s0 =	simm.s32 @!p1 $0x0  }
0x14: {  	s2 =	sld [smem:$0x3F95];
	s0 =	simm.s32 @p1 $0x1  }
0x15: {  	[smem:$0x3FB2] =	sst s0;
	s0 =	simm.s32 @!p2 $0x0  }
0x16: {  	s3 =	sld [smem:$0x3FDB];
	s0 =	simm.s32 @p2 $0x1  }
0x17: {  	s4 =	simm.s32 $0x1BF5;
	[smem:$0x3FB4] =	sst s0  }
0x18: {  	s0 =	sld [smem:$0x3F97];
	_ =	swait.ge [sflag:s4], $0x0  }
0x19: {  	s7 =	sld [smem:$0x3F98]  }
0x1a: {  	s8 =	sadd.s32 $0xFFFFE003, lr  }
0x1b: {  	s9 =	sadd.s32 $0xFFFFFEF7, lr;
	s5 =	simm.s32 $0xFFFFFFFF;
	p2 =	slt.u32 s8, $0xFFFFF086  }
0x1c: {  	p1 =	slt.u32 s9, $0xF7A;
	s5 =	simm.s32 @!p2 $0x0  }
0x1d: {  	s5 =	simm.s32 @p1 $0x1;
	p0 =	seq.s32 s7, s2  }
0x1e: {  	s7 =	smul.u32 @!p0 $0xF7A, s2;
	p2 =	seq.s32 @!p0 s5, $0x0  }
0x1f: {  	s9 =	smul.u32 $0xF7A, s1;
	s8 =	simm.s32 @!p0 $0x1BF5;
	p2 =	por !p2, p0  }
0x20: {  	[sflag:s8] =	ssyncset.s32 @!p0 $0xFFFFF086;
	s6 =	sadd.s32 @!p0 s3, s7;
	s7 =	simm.s32 @!p0 $0x108  }
0x21: {  	s3 =	sadd.s32 s3, s9;
	s6 =	sadd.s32 @!p0 $0x88, s6;
	s7 =	simm.s32 @p2 $0x1082  }
0x22: {  	[simem:s7], [sflag:s8] =	dma.local @!p0 [hbm:s6], $0xF7A  }
0x23: {  	s9 =	sor.u32 $0xD0000000, s2;
	s6 =	simm.s32 $0x108;
	_ =	swait.ge @!p0 [sflag:s8], $0x0  }
0x24: {  	s3 =	sadd.s32 $0x88, s3;
	s6 =	simm.s32 @!p1 $0x1082;
	[sflag:s4] =	ssyncset.s32 $0xFFFFF086  }
0x25: {  	[simem:s6], [sflag:s4] =	dma.local [hbm:s3], $0xF7A  }
0x26: {  	[smem:$0x3F98] =	sst s1;
	(tag) =	ssettag s2;
	_ =	strace s9  }
0x27: {  	s1 =	sld [smem:$0x3FA8]  }
0x28: {  	s2 =	sld [smem:$0x3FA9]  }
0x29: {  	s4 =	sld [smem:$0x3FAB]  }
0x2a: {  	p0 =	seq.s32 s5, $0x0;
	s5 =	sld [smem:$0x3FAC]  }
0x2b: {  	s6 =	sld [smem:$0x3FAD]  }
0x2c: {  	s7 =	sld [smem:$0x3FAE]  }
0x2d: {  	s3 =	simm.s32 $0x108;
	s8 =	sld [smem:$0x3FAF]  }
0x2e: {  	s3 =	simm.s32 @!p0 $0x1082;
	s9 =	sld [smem:$0x3FB0]  }
0x2f: {  	lr =	sadd.s32 s0, s3;
	s0 =	sld [smem:$0x3FA7]  }
0x30: {  	s3 =	sld [smem:$0x3FAA]  }
0x31: {  	[smem:$0x3FB3] =	sst s10  }
0x32: {  	s10 =	sld [smem:$0x3FB1];
	_ =	sdelay $0x3  }
0x33: {  	p0 =	seq.s32 s10, $0x1;
	s10 =	sld [smem:$0x3FB3];
	_ =	sdelay $0x3  }
0x34: {  	[smem:$0x3FB3] =	sst s10  }
0x35: {  	s10 =	sld [smem:$0x3FB2];
	_ =	sdelay $0x3  }
0x36: {  	p1 =	seq.s32 s10, $0x1;
	s10 =	sld [smem:$0x3FB3];
	_ =	sdelay $0x3  }
0x37: {  	[smem:$0x3FB3] =	sst s10  }
0x38: {  	s10 =	sld [smem:$0x3FB4]  }
0x39: {  	_ = 	snop;
	(pc) =	sbr.ind lr, $3  }
0x3a: {  	_ = 	snop  }
0x3b: {  	_ = 	snop  }
0x3c: {  	p2 =	seq.s32 s10, $0x1;
	s10 =	sld [smem:$0x3FB3]  }
0x3d: {  	_ =	shalt  }
0x3e: {  	_ =	shalt  }
0x3f: {  	_ =	shalt  }
0x40: {  	_ =	shalt  }
0x41: {  	_ =	shalt  }
0x42: {  	_ =	shalt  }
0x43: {  	_ =	shalt  }
0x44: {  	_ =	shalt  }
0x45: {  	_ =	shalt  }
0x46: {  	_ =	shalt  }
0x47: {  	_ =	shalt  }
0x48: {  	_ =	shalt  }
0x49: {  	_ =	shalt  }
0x4a: {  	_ =	shalt  }
0x4b: {  	_ =	shalt  }
0x4c: {  	_ =	shalt  }
0x4d: {  	_ =	shalt  }
0x4e: {  	_ =	shalt  }
0x4f: {  	_ =	shalt  }
0x50: {  	_ =	shalt  }
0x51: {  	_ =	shalt  }
0x52: {  	_ =	shalt  }
0x53: {  	_ =	shalt  }
0x54: {  	_ =	shalt  }
0x55: {  	_ =	shalt  }
0x56: {  	_ =	shalt  }
0x57: {  	_ =	shalt  }
0x58: {  	_ =	shalt  }
0x59: {  	_ =	shalt  }
0x5a: {  	_ =	shalt  }
0x5b: {  	_ =	shalt  }
0x5c: {  	_ =	shalt  }
0x5d: {  	_ =	shalt  }
0x5e: {  	_ =	shalt  }
0x5f: {  	_ =	shalt  }
0x60: {  	_ =	shalt  }
0x61: {  	_ =	shalt  }
0x62: {  	_ =	shalt  }
0x63: {  	_ =	shalt  }
0x64: {  	_ =	shalt  }
0x65: {  	_ =	shalt  }
0x66: {  	_ =	shalt  }
0x67: {  	_ =	shalt  }
0x68: {  	_ =	shalt  }
0x69: {  	_ =	shalt  }
0x6a: {  	_ =	shalt  }
0x6b: {  	_ =	shalt  }
0x6c: {  	_ =	shalt  }
0x6d: {  	_ =	shalt  }
0x6e: {  	_ =	shalt  }
0x6f: {  	_ =	shalt  }
0x70: {  	_ =	shalt  }
0x71: {  	_ =	shalt  }
0x72: {  	_ =	shalt  }
0x73: {  	_ =	shalt  }
0x74: {  	_ =	shalt  }
0x75: {  	_ =	shalt  }
0x76: {  	_ =	shalt  }
0x77: {  	_ =	shalt  }
0x78: {  	_ =	shalt  }
0x79: {  	_ =	shalt  }
0x7a: {  	_ =	shalt  }
0x7b: {  	_ =	shalt  }
0x7c: {  	_ =	shalt  }
0x7d: {  	_ =	shalt  }
0x7e: {  	_ =	shalt  }
0x7f: {  	_ =	shalt  }
0x80: {  	_ =	shalt  }
0x81: {  	_ =	shalt  }
0x82: {  	_ =	shalt  }
0x83: {  	_ =	shalt  }
0x84: {  	_ =	shalt  }
0x85: {  	_ =	shalt  }
0x86: {  	_ =	shalt  }
0x87: {  	_ =	shalt  }
.Lfunc_end0:
.L_simem_size_0:
called_computation.2_lowered:
.L_overlay_start_0:
0x88: {  	s2 =	sld [smem:$0x3FD9]  }
0x89: {  	s3 =	sld [smem:$0x3FFE];
	_ =	sdelay $0x1  }
0x8a: {  	s1 =	srdreg.scid  }
0x8b: {  	s0 =	sand.u32 $0x1, s1  }
0x8c: {  	s17 =	sshll.u32 s0, $0xA;
	s2 =	sadd.s32 s3, s2  }
0x8d: {  	s2 =	sadd.s32 s2, s17  }
0x8e: {  	[smem:$0x3FBF] =	sst s2  }
0x8f: {  	_ = 	snop  }
0x90: {  	s2 =	sld [smem:$0x3FD0];
	(tm) =	ssettm $0x1  }
0x91: {  	s18 =	sld [smem:$0x3FFB];
	_ =	sdelay $0x3  }
0x92: {  	_ =	strace s18  }
0x93: {  	s3 =	sld [smem:$0x3FFC];
	_ =	sdelay $0x3  }
0x94: {  	_ =	strace s3  }
0x95: {  	s3 =	sld [smem:$0x3FFD];
	_ =	sdelay $0x3  }
0x96: {  	_ =	strace s3  }
0x97: {  	_ =	strace $0x8FFFFFFF  }
0x98: {  	s19 =	sld [smem:$0x3FDB];
	_ =	sdelay $0x1  }
0x99: {  	s4 =	simm.s32 $_scs_section_size  }
0x9a: {  	s5 =	simm.s32 $_size__tile_overlayer_lowered;
	s6 =	simm.s32 $_tile_overlayer_lowered  }
0x9b: {  	s22 =	simm.s32 $0x1BFF;
	s21 =	sshll.u32 s6, $0x1;
	s3 =	sadd.s32 s4, s19  }
0x9c: {  	s7 =	simm.s32 $0x0;
	s20 =	sshll.u32 s5, $0x1;
	s5 =	sadd.s32 s21, s3  }
0x9d: {  	[timem:s7], [sflag:s22] =	dma.local [hbm:s5], s20  }
0x9e: {  	_ =	swait.ge [sflag:s22], s20  }
0x9f: {  	s4 =	ssub.s32 $0x0, s20;
	[sflag:s22] =	ssyncset.done $0x0  }
0xa0: {  	[sflag:s22] =	ssyncadd.s32 s4;
	_ =	sdelay $0x1  }
0xa1: {  	s23 =	simm.s32 $0x1B8B  }
0xa2: {  	_ =	swait.ge [sflag:s23], $0x1  }
0xa3: {  	[sflag:s23] =	ssyncset.done $0x0  }
0xa4: {  	s25 =	simm.s32 $0x1B8E;
	s24 =	sld [smem:$0x3FFE];
	[sflag:s23] =	ssyncadd.s32 $0xFFFFFFFF  }
0xa5: {  	s26 =	simm.s32 $execute0_lowered;
	[smem:$0x3FD2] =	sst s25  }
0xa6: {  	s5 =	sshll.u32 s26, $0x1;
	_ =	strace $0x8000004C;
	[dreg:$0x1] =	wrdreg $0xFFFFFFFF  }
0xa7: {  	s28 =	simm.s32 $_size_execute0_lowered;
	s3 =	sadd.s32 s3, s5;
	[dreg:$0x0] =	wrdreg $0x0  }
0xa8: {  	s5 =	sshll.u32 s28, $0x1;
	[dreg:$0x2] =	wrdreg s3  }
0xa9: {  	[dreg:$0x3] =	wrdreg s5  }
0xaa: {  	[dreg:$0x4] =	wrdreg $0xC0  }
0xab: {  	_ =	task [dreg:s7], $0x5FFFF  }
0xac: {  	[dreg:$0x1] =	wrdreg $0xFFFFFFFF  }
0xad: {  	[dreg:$0x0] =	wrdreg $0x60  }
0xae: {  	[dreg:$0x2] =	wrdreg s24  }
0xaf: {  	[dreg:$0x3] =	wrdreg s2  }
0xb0: {  	[dreg:$0x4] =	wrdreg $0x0  }
0xb1: {  	[dreg:$0x5] =	wrdreg $0x9  }
0xb2: {  	_ =	task.clear_ibuf [dreg:s7], $0x6FFFF;
	_ =	strace $0x9000004C  }
0xb3: {  	s29 =	simm.s32 $0x9;
	_ =	strace $0x8000004E  }
0xb4: {  	_ =	swait.ge [sflag:s29], $0x1  }
0xb5: {  	[sflag:s29] =	ssyncadd.s32 $0xFFFFFFFF  }
0xb6: {  	_ =	strace $0x9000004E  }
0xb7: {  	_ =	sfence  }
0xb8: {  	s30 =	sld [smem:$0x0];
	_ =	sdelay $0x2  }
0xb9: {  	s31 =	sshll.u32 s1, $0xD;
	s1 =	sshrl.u32 s1, $0x2  }
0xba: {  	s3 =	sand.u32 $0x4000, s31;
	s1 =	sadd.s32 s1, s30  }
0xbb: {  	s0 =	sor.u32 s3, s0;
	s1 =	sshll.u32 s1, $0x11  }
0xbc: {  	s0 =	sor.u32 s1, s0  }
0xbd: {  	s0 =	sadd.s32 $0x8F2B, s0  }
0xbe: {  	[sflag:s0] =	ssyncadd.remote.s32 $0x1  }
0xbf: {  	_ =	sfence.sel $0xFFFF  }
0xc0: {  	[dreg:$0x0] =	wrdreg $0xFFFFFFFF;
	(pc) =	sbr.abs _section_cstart, $3  }
0xc1: {  	[dreg:$0x1] =	wrdreg $0xFFFFFFFF  }
0xc2: {  	_ =	task.clear_ibuf [dreg:s7], $0x2FFFF;
	_ =	strace $0x9FFFFFFF  }
0xc3: {  	(tm) =	ssettm $0x7FFFFFFF  }
tec
execute0_lowered:
.L_overlay_start_1:
0x0: {  	(tag) =	ssettag $0x1  }
0x1: {  	s0 =	rddreg [dreg:$0x0]  }
0x2: {  	s1 =	rddreg [dreg:$0x1]  }
0x3: {  	s2 =	rddreg [dreg:$0x2];
	s12 =	stileid.u32  }
0x4: {  	s3 =	simm.s32 $0x0;
	s7 =	srdreg.scid;
	s28 =	simm.s32 $0x13E00  }
0x5: {  	s29 =	simm.s32 $0x14580;
	s30 =	simm.s32 $0x13E80;
	s4 =	smul.u32 $0x500, s12  }
0x6: {  	s31 =	simm.s32 $0x0;
	[smem:$0x7FF] =	sst s3;
	s8 =	smul.u32 $0x4F000, s12  }
0x7: {  	s5 =	sadd.s32 $0x61800, s0;
	s13 =	sadd.s32 $0x88A00, s0;
	s9 =	smul.u32 $0x2780, s12  }
0x8: {  	s7 =	sand.u32 $0x1, s7;
	s14 =	sadd.s32 $0xAFC00, s0;
	s11 =	smul.u32 $0x4E000, s12  }
0x9: {  	s18 =	smul.u32 $0x2700, s12;
	s19 =	sshll.u32 s12, $0x6;
	s23 =	sadd.s32 $0x138000, s2  }
0xa: {  	p1 =	seq.s32 s12, $0xF;
	p2 =	sne.s32 s12, $0xF;
	s12 =	simm.s32 $0x13F80  }
0xb: {  	_ =	strace $0x8000004D;
	s17 =	ssub.s32 $0x2, s7;
	[dreg:$0x5] =	wrdreg s14  }
0xc: {  	s16 =	sor.u32 $0x1C02, s19;
	[dreg:$0x4] =	wrdreg s13;
	p0 =	sne.s32 s7, $0x0  }
0xd: {  	s19 =	simm.s32 $0x14400;
	s26 =	sshrl.u32 s23, $0x3;
	s23 =	simm.s32 $0x13D80  }
0xe: {  	s6 =	sadd.s32 s4, s0;
	s4 =	sadd.s32 $0x12C00, s0;
	s10 =	sshrl.u32 s17, $0x1  }
0xf: {  	s8 =	sshrl.u32 s8, $0x2;
	s1 =	sadd.s32 s1, s9;
	s20 =	sshrl.u32 s11, $0x2  }
0x10: {  	s22 =	sadd.s32 s14, s18;
	s24 =	sadd.s32 s13, s18;
	[dreg:$0xd] =	wrdreg s26  }
0x11: {  	s18 =	simm.s32 $0x13C00;
	s13 =	simm.s32 $0x13C80;
	[dreg:$0x7] =	wrdreg s16  }
0x12: {  	s9 =	simm.s32 $0x13D00;
	s26 =	simm.s32 $0x14500;
	[dreg:$0x6] =	wrdreg s1  }
0x13: {  	s11 =	simm.s32 $0x14680;
	s0 =	ssub.s32 s17, s10;
	[dreg:$0x9] =	wrdreg s22  }
0x14: {  	s8 =	sadd.s32 s8, s2;
	s21 =	sadd.s32 s20, s2;
	[dreg:$0xa] =	wrdreg s24  }
0x15: {  	s14 =	sadd.s32 $0xDC00, s6;
	s15 =	sadd.s32 $0x8C00, s6;
	s17 =	simm.s32 $0x2  }
.Ltmp0:
0x16: {  	s20 =	simm.s32 $0x80;
	s22 =	simm.s32 $0x1;
	(pc) =	sbr.rel .LBB2_1-.Ltmp0, $4  }
0x17: {  	s24 =	simm.s32 $0x18C00;
	s10 =	simm.s32 $0x14480;
	s1 =	simm.s32 $0x13F00  }
0x18: {  	s6 =	simm.s32 $0x14000;
	[dreg:$0x8] =	wrdreg s21;
	s0 =	smax.u32 s0, $0x1  }
0x19: {  	s25 =	sshrl.u32 s8, $0x3;
	s21 =	simm.s32 $0x14C00;
	[dreg:$0xb] =	wrdreg s0  }
0x1a: {  	[dreg:$0xc] =	wrdreg s25;
	s0 =	simm.s32 $0x14600;
	s25 =	simm.s32 $0x14700  }
.LBB2_8:
0x1b: {  	s7 =	sadd.s32 $0x27000, s7;
	s8 =	rddreg [dreg:$0xd]  }
0x1c: {  	[hbm:s7], [sflag:s16] =	dma.local [spmem:s8], $0x100  }
0x1d: {  	_ =	swait.ge [sflag:s17], $0x100  }
0x1e: {  	[sflag:s17] =	ssyncset.done $0x0  }
0x1f: {  	[sflag:s17] =	ssyncadd.s32 $0xFFFFFF00  }
.LBB2_9:
0x20: {  	s31 =	sadd.s32 $0x1, s31;
	s7 =	rddreg [dreg:$0xb]  }
0x21: {  	p3 =	sne.s32 s31, s7  }
.Ltmp1:
0x22: {  	_ = 	snop;
	(pc) =	sbr.rel @!p3 .LBB2_10-.Ltmp1, $1  }
0x23: {  	_ =	sdelay $0x3  }
.LBB2_1:
0x24: {  	[dreg:$0xe] =	wrdreg s31  }
0x25: {  	s7 =	rddreg [dreg:$0x6]  }
0x26: {  	s8 =	rddreg [dreg:$0xc]  }
0x27: {  	[spmem:s8], [sflag:s16] =	dma.local [hbm:s7], $0x2780  }
.Ltmp2:
0x28: {  	_ =	swait.ge [sflag:s17], $0x2780;
	(pc) =	sbr.rel @p0 .LBB2_5-.Ltmp2, $4  }
0x29: {  	[sflag:s17] =	ssyncset.done $0x0  }
0x2a: {  	[sflag:s17] =	ssyncadd.s32 $0xFFFFD880  }
0x2b: {  	[bflag:$0x0] =	sbarrier.arrive $0xFFFF  }
0x2c: {  	s7 =	sadd.s32 $0x0, s15  }
0x2d: {  	[tilespmem:s18], [sflag:$0x2] =	stream.linear.gather [hbm4b:s7+s3], $0x800, $0x38;
	[tilespmem:$0x1CC00] =	vst v63  }
0x2e: {  	_ =	swait.ge [sflag:s17], $0x800  }
0x2f: {  	[sflag:s17] =	ssyncset.done $0x0  }
0x30: {  	s16 =	sadd.s32 $0x0, s14;
	[sflag:s17] =	ssyncadd.s32 $0xFFFFF800  }
0x31: {  	[tilespmem:s19], [sflag:$0x2] =	stream.linear.gather [hbm4b:s16+s3], $0x800, $0x38;
	[tilespmem:$0x1CC00] =	vst v63  }
0x32: {  	_ =	swait.ge [sflag:s17], $0x800  }
0x33: {  	[sflag:s17] =	ssyncset.done $0x0  }
0x34: {  	[sflag:s17] =	ssyncadd.s32 $0xFFFFF800  }
0x35: {  	[tilespmem:s21], [sflag:$0x1] =	stream.indirect.gather [hbm4b:s4+s20], $0x80, s18, s20, $0xb8;
	[tilespmem:$0x1CC00] =	vst v63  }
0x36: {  	_ =	swait.ge [sflag:s22], $0x4000  }
0x37: {  	[sflag:s22] =	ssyncset.done $0x0  }
0x38: {  	[sflag:s22] =	ssyncadd.s32 $0xFFFFC000  }
0x39: {  	[tilespmem:s24], [sflag:$0x1] =	stream.indirect.gather [hbm4b:s4+s20], $0x80, s13, s20, $0xb8;
	[tilespmem:$0x1CC00] =	vst v63  }
0x3a: {  	_ = 	snop  }
0x3b: {  	[spmem:s2] =	stream.indirect.scatter.add.f32 [tilespmem:s21], [sflag:$0x2], $0x80, s19, s20, $0xb8;
	[tilespmem:$0x1CC00] =	vst v63  }
0x3c: {  	_ =	swait.ge [sflag:s17], $0x4000  }
0x3d: {  	[sflag:s17] =	ssyncset.done $0x0  }
0x3e: {  	[sflag:s17] =	ssyncadd.s32 $0xFFFFC000  }
0x3f: {  	_ =	swait.ge [sflag:s22], $0x4000  }
0x40: {  	[sflag:s22] =	ssyncset.done $0x0  }
0x41: {  	[sflag:s22] =	ssyncadd.s32 $0xFFFFC000  }
0x42: {  	[tilespmem:s21], [sflag:$0x1] =	stream.indirect.gather [hbm4b:s4+s20], $0x80, s9, s20, $0xb8;
	[tilespmem:$0x1CC00] =	vst v63  }
0x43: {  	_ = 	snop  }
0x44: {  	[spmem:s2] =	stream.indirect.scatter.add.f32 [tilespmem:s24], [sflag:$0x2], $0x80, s10, s20, $0xb8;
	[tilespmem:$0x1CC00] =	vst v63  }
0x45: {  	_ =	swait.ge [sflag:s17], $0x4000  }
0x46: {  	[sflag:s17] =	ssyncset.done $0x0  }
0x47: {  	[sflag:s17] =	ssyncadd.s32 $0xFFFFC000  }
0x48: {  	_ =	swait.ge [sflag:s22], $0x4000  }
0x49: {  	[sflag:s22] =	ssyncset.done $0x0  }
0x4a: {  	[sflag:s22] =	ssyncadd.s32 $0xFFFFC000  }
0x4b: {  	[tilespmem:s24], [sflag:$0x1] =	stream.indirect.gather [hbm4b:s4+s20], $0x80, s23, s20, $0xb8;
	[tilespmem:$0x1CC00] =	vst v63  }
0x4c: {  	_ = 	snop  }
0x4d: {  	[spmem:s2] =	stream.indirect.scatter.add.f32 [tilespmem:s21], [sflag:$0x2], $0x80, s26, s20, $0xb8;
	[tilespmem:$0x1CC00] =	vst v63  }
0x4e: {  	_ =	swait.ge [sflag:s17], $0x4000  }
0x4f: {  	[sflag:s17] =	ssyncset.done $0x0  }
0x50: {  	[sflag:s17] =	ssyncadd.s32 $0xFFFFC000  }
0x51: {  	_ =	swait.ge [sflag:s22], $0x4000  }
0x52: {  	[sflag:s22] =	ssyncset.done $0x0  }
0x53: {  	[sflag:s22] =	ssyncadd.s32 $0xFFFFC000  }
0x54: {  	[tilespmem:s21], [sflag:$0x1] =	stream.indirect.gather [hbm4b:s4+s20], $0x80, s28, s20, $0xb8;
	[tilespmem:$0x1CC00] =	vst v63  }
0x55: {  	_ = 	snop  }
0x56: {  	[spmem:s2] =	stream.indirect.scatter.add.f32 [tilespmem:s24], [sflag:$0x2], $0x80, s29, s20, $0xb8;
	[tilespmem:$0x1CC00] =	vst v63  }
0x57: {  	_ =	swait.ge [sflag:s17], $0x4000  }
0x58: {  	[sflag:s17] =	ssyncset.done $0x0  }
0x59: {  	[sflag:s17] =	ssyncadd.s32 $0xFFFFC000  }
0x5a: {  	_ =	swait.ge [sflag:s22], $0x4000  }
0x5b: {  	[sflag:s22] =	ssyncset.done $0x0  }
0x5c: {  	[sflag:s22] =	ssyncadd.s32 $0xFFFFC000  }
0x5d: {  	[tilespmem:s24], [sflag:$0x1] =	stream.indirect.gather [hbm4b:s4+s20], $0x80, s30, s20, $0xb8;
	[tilespmem:$0x1CC00] =	vst v63  }
0x5e: {  	_ = 	snop  }
0x5f: {  	[spmem:s2] =	stream.indirect.scatter.add.f32 [tilespmem:s21], [sflag:$0x2], $0x80, s0, s20, $0xb8;
	[tilespmem:$0x1CC00] =	vst v63  }
0x60: {  	_ =	swait.ge [sflag:s17], $0x4000  }
0x61: {  	[sflag:s17] =	ssyncset.done $0x0  }
0x62: {  	[sflag:s17] =	ssyncadd.s32 $0xFFFFC000  }
0x63: {  	_ =	swait.ge [sflag:s22], $0x4000  }
0x64: {  	[sflag:s22] =	ssyncset.done $0x0  }
0x65: {  	[sflag:s22] =	ssyncadd.s32 $0xFFFFC000  }
0x66: {  	[tilespmem:s21], [sflag:$0x1] =	stream.indirect.gather [hbm4b:s4+s20], $0x80, s1, s20, $0xb8;
	[tilespmem:$0x1CC00] =	vst v63  }
0x67: {  	_ = 	snop  }
0x68: {  	[spmem:s2] =	stream.indirect.scatter.add.f32 [tilespmem:s24], [sflag:$0x2], $0x80, s11, s20, $0xb8;
	[tilespmem:$0x1CC00] =	vst v63  }
0x69: {  	_ =	swait.ge [sflag:s17], $0x4000  }
0x6a: {  	[sflag:s17] =	ssyncset.done $0x0  }
0x6b: {  	[sflag:s17] =	ssyncadd.s32 $0xFFFFC000  }
0x6c: {  	_ =	swait.ge [sflag:s22], $0x4000  }
0x6d: {  	[sflag:s22] =	ssyncset.done $0x0  }
0x6e: {  	[sflag:s22] =	ssyncadd.s32 $0xFFFFC000  }
0x6f: {  	[tilespmem:s24], [sflag:$0x1] =	stream.indirect.gather [hbm4b:s4+s20], $0x80, s12, s20, $0xb8;
	[tilespmem:$0x1CC00] =	vst v63  }
0x70: {  	_ = 	snop  }
0x71: {  	[spmem:s2] =	stream.indirect.scatter.add.f32 [tilespmem:s21], [sflag:$0x2], $0x80, s25, s20, $0xb8;
	[tilespmem:$0x1CC00] =	vst v63  }
0x72: {  	_ =	swait.ge [sflag:s17], $0x4000  }
0x73: {  	[sflag:s17] =	ssyncset.done $0x0  }
0x74: {  	[sflag:s17] =	ssyncadd.s32 $0xFFFFC000  }
0x75: {  	_ =	swait.ge [sflag:s22], $0x4000  }
0x76: {  	[sflag:s22] =	ssyncset.done $0x0  }
0x77: {  	[sflag:s22] =	ssyncadd.s32 $0xFFFFC000  }
0x78: {  	[tilespmem:s21], [sflag:$0x1] =	stream.indirect.gather [hbm4b:s4+s20], $0x80, s6, s20, $0xb8;
	[tilespmem:$0x1CC00] =	vst v63  }
0x79: {  	s23 =	simm.s32 $0x14780  }
0x7a: {  	[spmem:s2] =	stream.indirect.scatter.add.f32 [tilespmem:s24], [sflag:$0x2], $0x80, s23, s20, $0xb8;
	[tilespmem:$0x1CC00] =	vst v63  }
0x7b: {  	_ =	swait.ge [sflag:s17], $0x4000  }
0x7c: {  	[sflag:s17] =	ssyncset.done $0x0  }
0x7d: {  	[sflag:s17] =	ssyncadd.s32 $0xFFFFC000  }
0x7e: {  	_ =	swait.ge [sflag:s22], $0x4000  }
0x7f: {  	[sflag:s22] =	ssyncset.done $0x0  }
0x80: {  	s25 =	simm.s32 $0x14080;
	[sflag:s22] =	ssyncadd.s32 $0xFFFFC000  }
0x81: {  	[tilespmem:s24], [sflag:$0x1] =	stream.indirect.gather [hbm4b:s4+s20], $0x80, s25, s20, $0xb8;
	[tilespmem:$0x1CC00] =	vst v63  }
0x82: {  	s26 =	simm.s32 $0x14800  }
0x83: {  	[spmem:s2] =	stream.indirect.scatter.add.f32 [tilespmem:s21], [sflag:$0x2], $0x80, s26, s20, $0xb8;
	[tilespmem:$0x1CC00] =	vst v63  }
0x84: {  	_ =	swait.ge [sflag:s17], $0x4000  }
0x85: {  	[sflag:s17] =	ssyncset.done $0x0  }
0x86: {  	[sflag:s17] =	ssyncadd.s32 $0xFFFFC000  }
0x87: {  	_ =	swait.ge [sflag:s22], $0x4000  }
0x88: {  	[sflag:s22] =	ssyncset.done $0x0  }
0x89: {  	s1 =	simm.s32 $0x14100;
	[sflag:s22] =	ssyncadd.s32 $0xFFFFC000  }
0x8a: {  	[tilespmem:s21], [sflag:$0x1] =	stream.indirect.gather [hbm4b:s4+s20], $0x80, s1, s20, $0xb8;
	[tilespmem:$0x1CC00] =	vst v63  }
0x8b: {  	s6 =	simm.s32 $0x14880  }
0x8c: {  	[spmem:s2] =	stream.indirect.scatter.add.f32 [tilespmem:s24], [sflag:$0x2], $0x80, s6, s20, $0xb8;
	[tilespmem:$0x1CC00] =	vst v63  }
0x8d: {  	_ =	swait.ge [sflag:s17], $0x4000  }
0x8e: {  	[sflag:s17] =	ssyncset.done $0x0  }
0x8f: {  	[sflag:s17] =	ssyncadd.s32 $0xFFFFC000  }
0x90: {  	_ =	swait.ge [sflag:s22], $0x4000  }
0x91: {  	[sflag:s22] =	ssyncset.done $0x0  }
0x92: {  	s7 =	simm.s32 $0x14180;
	[sflag:s22] =	ssyncadd.s32 $0xFFFFC000  }
0x93: {  	[tilespmem:s24], [sflag:$0x1] =	stream.indirect.gather [hbm4b:s4+s20], $0x80, s7, s20, $0xb8;
	[tilespmem:$0x1CC00] =	vst v63  }
0x94: {  	s8 =	simm.s32 $0x14900  }
0x95: {  	[spmem:s2] =	stream.indirect.scatter.add.f32 [tilespmem:s21], [sflag:$0x2], $0x80, s8, s20, $0xb8;
	[tilespmem:$0x1CC00] =	vst v63  }
0x96: {  	_ =	swait.ge [sflag:s17], $0x4000  }
0x97: {  	[sflag:s17] =	ssyncset.done $0x0  }
0x98: {  	[sflag:s17] =	ssyncadd.s32 $0xFFFFC000  }
0x99: {  	_ =	swait.ge [sflag:s22], $0x4000  }
0x9a: {  	[sflag:s22] =	ssyncset.done $0x0  }
0x9b: {  	s9 =	simm.s32 $0x14200;
	[sflag:s22] =	ssyncadd.s32 $0xFFFFC000  }
0x9c: {  	[tilespmem:s21], [sflag:$0x1] =	stream.indirect.gather [hbm4b:s4+s20], $0x80, s9, s20, $0xb8;
	[tilespmem:$0x1CC00] =	vst v63  }
0x9d: {  	s10 =	simm.s32 $0x14980  }
0x9e: {  	[spmem:s2] =	stream.indirect.scatter.add.f32 [tilespmem:s24], [sflag:$0x2], $0x80, s10, s20, $0xb8;
	[tilespmem:$0x1CC00] =	vst v63  }
0x9f: {  	_ =	swait.ge [sflag:s17], $0x4000  }
0xa0: {  	[sflag:s17] =	ssyncset.done $0x0  }
0xa1: {  	[sflag:s17] =	ssyncadd.s32 $0xFFFFC000  }
0xa2: {  	_ =	swait.ge [sflag:s22], $0x4000  }
0xa3: {  	[sflag:s22] =	ssyncset.done $0x0  }
0xa4: {  	s11 =	simm.s32 $0x14280;
	[sflag:s22] =	ssyncadd.s32 $0xFFFFC000  }
0xa5: {  	[tilespmem:s24], [sflag:$0x1] =	stream.indirect.gather [hbm4b:s4+s20], $0x80, s11, s20, $0xb8;
	[tilespmem:$0x1CC00] =	vst v63  }
0xa6: {  	s12 =	simm.s32 $0x14A00  }
0xa7: {  	[spmem:s2] =	stream.indirect.scatter.add.f32 [tilespmem:s21], [sflag:$0x2], $0x80, s12, s20, $0xb8;
	[tilespmem:$0x1CC00] =	vst v63  }
0xa8: {  	_ =	swait.ge [sflag:s17], $0x4000  }
0xa9: {  	[sflag:s17] =	ssyncset.done $0x0  }
0xaa: {  	[sflag:s17] =	ssyncadd.s32 $0xFFFFC000  }
0xab: {  	_ =	swait.ge [sflag:s22], $0x4000  }
0xac: {  	[sflag:s22] =	ssyncset.done $0x0  }
0xad: {  	s13 =	simm.s32 $0x14300;
	[sflag:s22] =	ssyncadd.s32 $0xFFFFC000  }
0xae: {  	[tilespmem:s21], [sflag:$0x1] =	stream.indirect.gather [hbm4b:s4+s20], $0x80, s13, s20, $0xb8;
	[tilespmem:$0x1CC00] =	vst v63  }
0xaf: {  	s16 =	simm.s32 $0x14A80  }
0xb0: {  	[spmem:s2] =	stream.indirect.scatter.add.f32 [tilespmem:s24], [sflag:$0x2], $0x80, s16, s20, $0xb8;
	[tilespmem:$0x1CC00] =	vst v63  }
0xb1: {  	_ =	swait.ge [sflag:s17], $0x4000  }
0xb2: {  	[sflag:s17] =	ssyncset.done $0x0  }
0xb3: {  	[sflag:s17] =	ssyncadd.s32 $0xFFFFC000  }
0xb4: {  	_ =	swait.ge [sflag:s22], $0x4000  }
0xb5: {  	[sflag:s22] =	ssyncset.done $0x0  }
0xb6: {  	s23 =	simm.s32 $0x14380;
	[sflag:s22] =	ssyncadd.s32 $0xFFFFC000  }
0xb7: {  	[tilespmem:s24], [sflag:$0x1] =	stream.indirect.gather [hbm4b:s4+s20], $0x80, s23, s20, $0xb8;
	[tilespmem:$0x1CC00] =	vst v63  }
0xb8: {  	s25 =	simm.s32 $0x14B00  }
0xb9: {  	[spmem:s2] =	stream.indirect.scatter.add.f32 [tilespmem:s21], [sflag:$0x2], $0x80, s25, s20, $0xb8;
	[tilespmem:$0x1CC00] =	vst v63  }
0xba: {  	s31 =	simm.s32 $0x13E80;
	s28 =	simm.s32 $0x14500;
	_ =	swait.ge [sflag:s17], $0x4000  }
0xbb: {  	s29 =	simm.s32 $0x13E00;
	s30 =	simm.s32 $0x14580;
	[sflag:s17] =	ssyncset.done $0x0  }
0xbc: {  	s0 =	simm.s32 $0x14600;
	s26 =	simm.s32 $0x14B80;
	[sflag:s17] =	ssyncadd.s32 $0xFFFFC000  }
0xbd: {  	s1 =	simm.s32 $0x13F00;
	s6 =	simm.s32 $0x14000;
	_ =	swait.ge [sflag:s22], $0x4000  }
0xbe: {  	s7 =	simm.s32 $0x100;
	s8 =	simm.s32 $0x200;
	[sflag:s22] =	ssyncset.done $0x0  }
0xbf: {  	s9 =	simm.s32 $0x13D00;
	s11 =	simm.s32 $0x14680;
	[sflag:s22] =	ssyncadd.s32 $0xFFFFC000  }
0xc0: {  	[spmem:s2] =	stream.indirect.scatter.add.f32 [tilespmem:s24], [sflag:$0x2], $0x80, s26, s20, $0xb8;
	[tilespmem:$0x1CC00] =	vst v63  }
0xc1: {  	s12 =	simm.s32 $0x13F80;
	s23 =	simm.s32 $0x14480;
	_ =	swait.ge [sflag:s17], $0x4000  }
0xc2: {  	s25 =	simm.s32 $0x14700;
	s26 =	simm.s32 $0x13D80;
	[sflag:s17] =	ssyncset.done $0x0  }
.LBB2_3:
0xc3: {  	s13 =	sadd.s32 s7, s15  }
0xc4: {  	[sflag:s17] =	ssyncadd.s32 $0xFFFFC000;
	s16 =	smov.u32 s8;
	s10 =	sadd.s32 $0x100, s8  }
0xc5: {  	[tilespmem:s18], [sflag:$0x2] =	stream.linear.gather [hbm4b:s13+s3], $0x800, $0x38;
	[tilespmem:$0x1CC00] =	vst v63  }
0xc6: {  	s13 =	simm.s32 $0x13C80  }
0xc7: {  	p3 =	sne.s32 s8, $0x400;
	_ =	swait.ge [sflag:s17], $0x800  }
0xc8: {  	s8 =	sadd.s32 s7, s14;
	[sflag:s17] =	ssyncset.done $0x0  }
0xc9: {  	s7 =	smov.u32 s16;
	s16 =	simm.s32 $0x14080;
	[sflag:s17] =	ssyncadd.s32 $0xFFFFF800  }
0xca: {  	[tilespmem:s19], [sflag:$0x2] =	stream.linear.gather [hbm4b:s8+s3], $0x800, $0x38;
	[tilespmem:$0x1CC00] =	vst v63  }
0xcb: {  	_ =	swait.ge [sflag:s17], $0x800  }
0xcc: {  	[sflag:s17] =	ssyncset.done $0x0  }
0xcd: {  	[sflag:s17] =	ssyncadd.s32 $0xFFFFF800  }
0xce: {  	[tilespmem:s21], [sflag:$0x1] =	stream.indirect.gather [hbm4b:s4+s20], $0x80, s18, s20, $0xb8;
	[tilespmem:$0x1CC00] =	vst v63  }
0xcf: {  	_ =	swait.ge [sflag:s22], $0x4000  }
0xd0: {  	[sflag:s22] =	ssyncset.done $0x0  }
0xd1: {  	[sflag:s22] =	ssyncadd.s32 $0xFFFFC000  }
0xd2: {  	[tilespmem:s24], [sflag:$0x1] =	stream.indirect.gather [hbm4b:s4+s20], $0x80, s13, s20, $0xb8;
	[tilespmem:$0x1CC00] =	vst v63  }
0xd3: {  	_ = 	snop  }
0xd4: {  	[spmem:s2] =	stream.indirect.scatter.add.f32 [tilespmem:s21], [sflag:$0x2], $0x80, s19, s20, $0xb8;
	[tilespmem:$0x1CC00] =	vst v63  }
0xd5: {  	_ =	swait.ge [sflag:s17], $0x4000  }
0xd6: {  	[sflag:s17] =	ssyncset.done $0x0  }
0xd7: {  	[sflag:s17] =	ssyncadd.s32 $0xFFFFC000  }
0xd8: {  	_ =	swait.ge [sflag:s22], $0x4000  }
0xd9: {  	[sflag:s22] =	ssyncset.done $0x0  }
0xda: {  	[sflag:s22] =	ssyncadd.s32 $0xFFFFC000  }
0xdb: {  	[tilespmem:s21], [sflag:$0x1] =	stream.indirect.gather [hbm4b:s4+s20], $0x80, s9, s20, $0xb8;
	[tilespmem:$0x1CC00] =	vst v63  }
0xdc: {  	_ = 	snop  }
0xdd: {  	[spmem:s2] =	stream.indirect.scatter.add.f32 [tilespmem:s24], [sflag:$0x2], $0x80, s23, s20, $0xb8;
	[tilespmem:$0x1CC00] =	vst v63  }
0xde: {  	_ =	swait.ge [sflag:s17], $0x4000  }
0xdf: {  	[sflag:s17] =	ssyncset.done $0x0  }
0xe0: {  	[sflag:s17] =	ssyncadd.s32 $0xFFFFC000  }
0xe1: {  	_ =	swait.ge [sflag:s22], $0x4000  }
0xe2: {  	[sflag:s22] =	ssyncset.done $0x0  }
0xe3: {  	[sflag:s22] =	ssyncadd.s32 $0xFFFFC000  }
0xe4: {  	[tilespmem:s24], [sflag:$0x1] =	stream.indirect.gather [hbm4b:s4+s20], $0x80, s26, s20, $0xb8;
	[tilespmem:$0x1CC00] =	vst v63  }
0xe5: {  	_ = 	snop  }
0xe6: {  	[spmem:s2] =	stream.indirect.scatter.add.f32 [tilespmem:s21], [sflag:$0x2], $0x80, s28, s20, $0xb8;
	[tilespmem:$0x1CC00] =	vst v63  }
0xe7: {  	_ =	swait.ge [sflag:s17], $0x4000  }
0xe8: {  	[sflag:s17] =	ssyncset.done $0x0  }
0xe9: {  	[sflag:s17] =	ssyncadd.s32 $0xFFFFC000  }
0xea: {  	_ =	swait.ge [sflag:s22], $0x4000  }
0xeb: {  	[sflag:s22] =	ssyncset.done $0x0  }
0xec: {  	[sflag:s22] =	ssyncadd.s32 $0xFFFFC000  }
0xed: {  	[tilespmem:s21], [sflag:$0x1] =	stream.indirect.gather [hbm4b:s4+s20], $0x80, s29, s20, $0xb8;
	[tilespmem:$0x1CC00] =	vst v63  }
0xee: {  	_ = 	snop  }
0xef: {  	[spmem:s2] =	stream.indirect.scatter.add.f32 [tilespmem:s24], [sflag:$0x2], $0x80, s30, s20, $0xb8;
	[tilespmem:$0x1CC00] =	vst v63  }
0xf0: {  	_ =	swait.ge [sflag:s17], $0x4000  }
0xf1: {  	[sflag:s17] =	ssyncset.done $0x0  }
0xf2: {  	[sflag:s17] =	ssyncadd.s32 $0xFFFFC000  }
0xf3: {  	_ =	swait.ge [sflag:s22], $0x4000  }
0xf4: {  	[sflag:s22] =	ssyncset.done $0x0  }
0xf5: {  	[sflag:s22] =	ssyncadd.s32 $0xFFFFC000  }
0xf6: {  	[tilespmem:s24], [sflag:$0x1] =	stream.indirect.gather [hbm4b:s4+s20], $0x80, s31, s20, $0xb8;
	[tilespmem:$0x1CC00] =	vst v63  }
0xf7: {  	_ = 	snop  }
0xf8: {  	[spmem:s2] =	stream.indirect.scatter.add.f32 [tilespmem:s21], [sflag:$0x2], $0x80, s0, s20, $0xb8;
	[tilespmem:$0x1CC00] =	vst v63  }
0xf9: {  	_ =	swait.ge [sflag:s17], $0x4000  }
0xfa: {  	[sflag:s17] =	ssyncset.done $0x0  }
0xfb: {  	[sflag:s17] =	ssyncadd.s32 $0xFFFFC000  }
0xfc: {  	_ =	swait.ge [sflag:s22], $0x4000  }
0xfd: {  	[sflag:s22] =	ssyncset.done $0x0  }
0xfe: {  	[sflag:s22] =	ssyncadd.s32 $0xFFFFC000  }
0xff: {  	[tilespmem:s21], [sflag:$0x1] =	stream.indirect.gather [hbm4b:s4+s20], $0x80, s1, s20, $0xb8;
	[tilespmem:$0x1CC00] =	vst v63  }
0x100: {  	_ = 	snop  }
0x101: {  	[spmem:s2] =	stream.indirect.scatter.add.f32 [tilespmem:s24], [sflag:$0x2], $0x80, s11, s20, $0xb8;
	[tilespmem:$0x1CC00] =	vst v63  }
0x102: {  	_ =	swait.ge [sflag:s17], $0x4000  }
0x103: {  	[sflag:s17] =	ssyncset.done $0x0  }
0x104: {  	[sflag:s17] =	ssyncadd.s32 $0xFFFFC000  }
0x105: {  	_ =	swait.ge [sflag:s22], $0x4000  }
0x106: {  	[sflag:s22] =	ssyncset.done $0x0  }
0x107: {  	[sflag:s22] =	ssyncadd.s32 $0xFFFFC000  }
0x108: {  	[tilespmem:s24], [sflag:$0x1] =	stream.indirect.gather [hbm4b:s4+s20], $0x80, s12, s20, $0xb8;
	[tilespmem:$0x1CC00] =	vst v63  }
0x109: {  	_ = 	snop  }
0x10a: {  	[spmem:s2] =	stream.indirect.scatter.add.f32 [tilespmem:s21], [sflag:$0x2], $0x80, s25, s20, $0xb8;
	[tilespmem:$0x1CC00] =	vst v63  }
0x10b: {  	_ =	swait.ge [sflag:s17], $0x4000  }
0x10c: {  	[sflag:s17] =	ssyncset.done $0x0  }
0x10d: {  	[sflag:s17] =	ssyncadd.s32 $0xFFFFC000  }
0x10e: {  	_ =	swait.ge [sflag:s22], $0x4000  }
0x10f: {  	[sflag:s22] =	ssyncset.done $0x0  }
0x110: {  	[sflag:s22] =	ssyncadd.s32 $0xFFFFC000  }
0x111: {  	[tilespmem:s21], [sflag:$0x1] =	stream.indirect.gather [hbm4b:s4+s20], $0x80, s6, s20, $0xb8;
	[tilespmem:$0x1CC00] =	vst v63  }
0x112: {  	s8 =	simm.s32 $0x14780  }
0x113: {  	[spmem:s2] =	stream.indirect.scatter.add.f32 [tilespmem:s24], [sflag:$0x2], $0x80, s8, s20, $0xb8;
	[tilespmem:$0x1CC00] =	vst v63  }
0x114: {  	_ =	swait.ge [sflag:s17], $0x4000  }
0x115: {  	[sflag:s17] =	ssyncset.done $0x0  }
0x116: {  	[sflag:s17] =	ssyncadd.s32 $0xFFFFC000  }
0x117: {  	_ =	swait.ge [sflag:s22], $0x4000  }
0x118: {  	[sflag:s22] =	ssyncset.done $0x0  }
0x119: {  	[sflag:s22] =	ssyncadd.s32 $0xFFFFC000  }
0x11a: {  	[tilespmem:s24], [sflag:$0x1] =	stream.indirect.gather [hbm4b:s4+s20], $0x80, s16, s20, $0xb8;
	[tilespmem:$0x1CC00] =	vst v63  }
0x11b: {  	s8 =	simm.s32 $0x14800  }
0x11c: {  	[spmem:s2] =	stream.indirect.scatter.add.f32 [tilespmem:s21], [sflag:$0x2], $0x80, s8, s20, $0xb8;
	[tilespmem:$0x1CC00] =	vst v63  }
0x11d: {  	_ =	swait.ge [sflag:s17], $0x4000  }
0x11e: {  	[sflag:s17] =	ssyncset.done $0x0  }
0x11f: {  	[sflag:s17] =	ssyncadd.s32 $0xFFFFC000  }
0x120: {  	_ =	swait.ge [sflag:s22], $0x4000  }
0x121: {  	[sflag:s22] =	ssyncset.done $0x0  }
0x122: {  	s8 =	simm.s32 $0x14100;
	[sflag:s22] =	ssyncadd.s32 $0xFFFFC000  }
0x123: {  	[tilespmem:s21], [sflag:$0x1] =	stream.indirect.gather [hbm4b:s4+s20], $0x80, s8, s20, $0xb8;
	[tilespmem:$0x1CC00] =	vst v63  }
0x124: {  	s8 =	simm.s32 $0x14880  }
0x125: {  	[spmem:s2] =	stream.indirect.scatter.add.f32 [tilespmem:s24], [sflag:$0x2], $0x80, s8, s20, $0xb8;
	[tilespmem:$0x1CC00] =	vst v63  }
0x126: {  	_ =	swait.ge [sflag:s17], $0x4000  }
0x127: {  	[sflag:s17] =	ssyncset.done $0x0  }
0x128: {  	[sflag:s17] =	ssyncadd.s32 $0xFFFFC000  }
0x129: {  	_ =	swait.ge [sflag:s22], $0x4000  }
0x12a: {  	[sflag:s22] =	ssyncset.done $0x0  }
0x12b: {  	s8 =	simm.s32 $0x14180;
	[sflag:s22] =	ssyncadd.s32 $0xFFFFC000  }
0x12c: {  	[tilespmem:s24], [sflag:$0x1] =	stream.indirect.gather [hbm4b:s4+s20], $0x80, s8, s20, $0xb8;
	[tilespmem:$0x1CC00] =	vst v63  }
0x12d: {  	s8 =	simm.s32 $0x14900  }
0x12e: {  	[spmem:s2] =	stream.indirect.scatter.add.f32 [tilespmem:s21], [sflag:$0x2], $0x80, s8, s20, $0xb8;
	[tilespmem:$0x1CC00] =	vst v63  }
0x12f: {  	_ =	swait.ge [sflag:s17], $0x4000  }
0x130: {  	[sflag:s17] =	ssyncset.done $0x0  }
0x131: {  	[sflag:s17] =	ssyncadd.s32 $0xFFFFC000  }
0x132: {  	_ =	swait.ge [sflag:s22], $0x4000  }
0x133: {  	[sflag:s22] =	ssyncset.done $0x0  }
0x134: {  	s8 =	simm.s32 $0x14200;
	[sflag:s22] =	ssyncadd.s32 $0xFFFFC000  }
0x135: {  	[tilespmem:s21], [sflag:$0x1] =	stream.indirect.gather [hbm4b:s4+s20], $0x80, s8, s20, $0xb8;
	[tilespmem:$0x1CC00] =	vst v63  }
0x136: {  	s8 =	simm.s32 $0x14980  }
0x137: {  	[spmem:s2] =	stream.indirect.scatter.add.f32 [tilespmem:s24], [sflag:$0x2], $0x80, s8, s20, $0xb8;
	[tilespmem:$0x1CC00] =	vst v63  }
0x138: {  	_ =	swait.ge [sflag:s17], $0x4000  }
0x139: {  	[sflag:s17] =	ssyncset.done $0x0  }
0x13a: {  	[sflag:s17] =	ssyncadd.s32 $0xFFFFC000  }
0x13b: {  	_ =	swait.ge [sflag:s22], $0x4000  }
0x13c: {  	[sflag:s22] =	ssyncset.done $0x0  }
0x13d: {  	s8 =	simm.s32 $0x14280;
	[sflag:s22] =	ssyncadd.s32 $0xFFFFC000  }
0x13e: {  	[tilespmem:s24], [sflag:$0x1] =	stream.indirect.gather [hbm4b:s4+s20], $0x80, s8, s20, $0xb8;
	[tilespmem:$0x1CC00] =	vst v63  }
0x13f: {  	s8 =	simm.s32 $0x14A00  }
0x140: {  	[spmem:s2] =	stream.indirect.scatter.add.f32 [tilespmem:s21], [sflag:$0x2], $0x80, s8, s20, $0xb8;
	[tilespmem:$0x1CC00] =	vst v63  }
0x141: {  	_ =	swait.ge [sflag:s17], $0x4000  }
0x142: {  	[sflag:s17] =	ssyncset.done $0x0  }
0x143: {  	[sflag:s17] =	ssyncadd.s32 $0xFFFFC000  }
0x144: {  	_ =	swait.ge [sflag:s22], $0x4000  }
0x145: {  	[sflag:s22] =	ssyncset.done $0x0  }
0x146: {  	s8 =	simm.s32 $0x14300;
	[sflag:s22] =	ssyncadd.s32 $0xFFFFC000  }
0x147: {  	[tilespmem:s21], [sflag:$0x1] =	stream.indirect.gather [hbm4b:s4+s20], $0x80, s8, s20, $0xb8;
	[tilespmem:$0x1CC00] =	vst v63  }
0x148: {  	s8 =	simm.s32 $0x14A80  }
0x149: {  	[spmem:s2] =	stream.indirect.scatter.add.f32 [tilespmem:s24], [sflag:$0x2], $0x80, s8, s20, $0xb8;
	[tilespmem:$0x1CC00] =	vst v63  }
0x14a: {  	_ =	swait.ge [sflag:s17], $0x4000  }
0x14b: {  	[sflag:s17] =	ssyncset.done $0x0  }
0x14c: {  	[sflag:s17] =	ssyncadd.s32 $0xFFFFC000  }
0x14d: {  	_ =	swait.ge [sflag:s22], $0x4000  }
0x14e: {  	[sflag:s22] =	ssyncset.done $0x0  }
0x14f: {  	s8 =	simm.s32 $0x14380;
	[sflag:s22] =	ssyncadd.s32 $0xFFFFC000  }
0x150: {  	[tilespmem:s24], [sflag:$0x1] =	stream.indirect.gather [hbm4b:s4+s20], $0x80, s8, s20, $0xb8;
	[tilespmem:$0x1CC00] =	vst v63  }
0x151: {  	s8 =	simm.s32 $0x14B00  }
0x152: {  	[spmem:s2] =	stream.indirect.scatter.add.f32 [tilespmem:s21], [sflag:$0x2], $0x80, s8, s20, $0xb8;
	[tilespmem:$0x1CC00] =	vst v63  }
0x153: {  	_ =	swait.ge [sflag:s17], $0x4000  }
0x154: {  	[sflag:s17] =	ssyncset.done $0x0  }
0x155: {  	[sflag:s17] =	ssyncadd.s32 $0xFFFFC000  }
0x156: {  	_ =	swait.ge [sflag:s22], $0x4000  }
.Ltmp3:
0x157: {  	[sflag:s22] =	ssyncset.done $0x0;
	(pc) =	sbr.rel @p3 .LBB2_3-.Ltmp3, $4  }
0x158: {  	s8 =	simm.s32 $0x14B80;
	[sflag:s22] =	ssyncadd.s32 $0xFFFFC000  }
0x159: {  	[spmem:s2] =	stream.indirect.scatter.add.f32 [tilespmem:s24], [sflag:$0x2], $0x80, s8, s20, $0xb8;
	[tilespmem:$0x1CC00] =	vst v63  }
0x15a: {  	_ =	swait.ge [sflag:s17], $0x4000  }
0x15b: {  	s8 =	smov.u32 s10;
	[sflag:s17] =	ssyncset.done $0x0  }
0x15c: {  	s8 =	sadd.s32 s7, s15;
	[sflag:s17] =	ssyncadd.s32 $0xFFFFC000  }
0x15d: {  	[tilespmem:s18], [sflag:$0x2] =	stream.linear.gather [hbm4b:s8+s3], $0x800, $0x38;
	[tilespmem:$0x1CC00] =	vst v63  }
0x15e: {  	_ =	swait.ge [sflag:s17], $0x800  }
0x15f: {  	[sflag:s17] =	ssyncset.done $0x0  }
0x160: {  	s10 =	sadd.s32 s7, s14;
	[sflag:s17] =	ssyncadd.s32 $0xFFFFF800  }
0x161: {  	[tilespmem:s19], [sflag:$0x2] =	stream.linear.gather [hbm4b:s10+s3], $0x800, $0x38;
	[tilespmem:$0x1CC00] =	vst v63  }
0x162: {  	_ =	swait.ge [sflag:s17], $0x800  }
0x163: {  	[sflag:s17] =	ssyncset.done $0x0  }
0x164: {  	[sflag:s17] =	ssyncadd.s32 $0xFFFFF800  }
0x165: {  	[tilespmem:s21], [sflag:$0x1] =	stream.indirect.gather [hbm4b:s4+s20], $0x80, s18, s20, $0xb8;
	[tilespmem:$0x1CC00] =	vst v63  }
0x166: {  	_ =	swait.ge [sflag:s22], $0x4000  }
0x167: {  	[sflag:s22] =	ssyncset.done $0x0  }
0x168: {  	[sflag:s22] =	ssyncadd.s32 $0xFFFFC000  }
0x169: {  	[tilespmem:s24], [sflag:$0x1] =	stream.indirect.gather [hbm4b:s4+s20], $0x80, s13, s20, $0xb8;
	[tilespmem:$0x1CC00] =	vst v63  }
0x16a: {  	_ = 	snop  }
0x16b: {  	[spmem:s2] =	stream.indirect.scatter.add.f32 [tilespmem:s21], [sflag:$0x2], $0x80, s19, s20, $0xb8;
	[tilespmem:$0x1CC00] =	vst v63  }
0x16c: {  	_ =	swait.ge [sflag:s17], $0x4000  }
0x16d: {  	[sflag:s17] =	ssyncset.done $0x0  }
0x16e: {  	[sflag:s17] =	ssyncadd.s32 $0xFFFFC000  }
0x16f: {  	_ =	swait.ge [sflag:s22], $0x4000  }
0x170: {  	[sflag:s22] =	ssyncset.done $0x0  }
0x171: {  	[sflag:s22] =	ssyncadd.s32 $0xFFFFC000  }
0x172: {  	[tilespmem:s21], [sflag:$0x1] =	stream.indirect.gather [hbm4b:s4+s20], $0x80, s9, s20, $0xb8;
	[tilespmem:$0x1CC00] =	vst v63  }
0x173: {  	_ = 	snop  }
0x174: {  	[spmem:s2] =	stream.indirect.scatter.add.f32 [tilespmem:s24], [sflag:$0x2], $0x80, s23, s20, $0xb8;
	[tilespmem:$0x1CC00] =	vst v63  }
0x175: {  	_ =	swait.ge [sflag:s17], $0x4000  }
0x176: {  	[sflag:s17] =	ssyncset.done $0x0  }
0x177: {  	[sflag:s17] =	ssyncadd.s32 $0xFFFFC000  }
0x178: {  	_ =	swait.ge [sflag:s22], $0x4000  }
0x179: {  	[sflag:s22] =	ssyncset.done $0x0  }
0x17a: {  	[sflag:s22] =	ssyncadd.s32 $0xFFFFC000  }
0x17b: {  	[tilespmem:s24], [sflag:$0x1] =	stream.indirect.gather [hbm4b:s4+s20], $0x80, s26, s20, $0xb8;
	[tilespmem:$0x1CC00] =	vst v63  }
0x17c: {  	_ = 	snop  }
0x17d: {  	[spmem:s2] =	stream.indirect.scatter.add.f32 [tilespmem:s21], [sflag:$0x2], $0x80, s28, s20, $0xb8;
	[tilespmem:$0x1CC00] =	vst v63  }
0x17e: {  	_ =	swait.ge [sflag:s17], $0x4000  }
0x17f: {  	[sflag:s17] =	ssyncset.done $0x0  }
0x180: {  	[sflag:s17] =	ssyncadd.s32 $0xFFFFC000  }
0x181: {  	_ =	swait.ge [sflag:s22], $0x4000  }
0x182: {  	[sflag:s22] =	ssyncset.done $0x0  }
0x183: {  	[sflag:s22] =	ssyncadd.s32 $0xFFFFC000  }
0x184: {  	[tilespmem:s21], [sflag:$0x1] =	stream.indirect.gather [hbm4b:s4+s20], $0x80, s29, s20, $0xb8;
	[tilespmem:$0x1CC00] =	vst v63  }
0x185: {  	_ = 	snop  }
0x186: {  	[spmem:s2] =	stream.indirect.scatter.add.f32 [tilespmem:s24], [sflag:$0x2], $0x80, s30, s20, $0xb8;
	[tilespmem:$0x1CC00] =	vst v63  }
0x187: {  	_ =	swait.ge [sflag:s17], $0x4000  }
0x188: {  	[sflag:s17] =	ssyncset.done $0x0  }
0x189: {  	[sflag:s17] =	ssyncadd.s32 $0xFFFFC000  }
0x18a: {  	_ =	swait.ge [sflag:s22], $0x4000  }
0x18b: {  	[sflag:s22] =	ssyncset.done $0x0  }
0x18c: {  	[sflag:s22] =	ssyncadd.s32 $0xFFFFC000  }
0x18d: {  	[tilespmem:s24], [sflag:$0x1] =	stream.indirect.gather [hbm4b:s4+s20], $0x80, s31, s20, $0xb8;
	[tilespmem:$0x1CC00] =	vst v63  }
0x18e: {  	_ = 	snop  }
0x18f: {  	[spmem:s2] =	stream.indirect.scatter.add.f32 [tilespmem:s21], [sflag:$0x2], $0x80, s0, s20, $0xb8;
	[tilespmem:$0x1CC00] =	vst v63  }
0x190: {  	_ =	swait.ge [sflag:s17], $0x4000  }
0x191: {  	[sflag:s17] =	ssyncset.done $0x0  }
0x192: {  	[sflag:s17] =	ssyncadd.s32 $0xFFFFC000  }
0x193: {  	_ =	swait.ge [sflag:s22], $0x4000  }
0x194: {  	[sflag:s22] =	ssyncset.done $0x0  }
0x195: {  	[sflag:s22] =	ssyncadd.s32 $0xFFFFC000  }
0x196: {  	[tilespmem:s21], [sflag:$0x1] =	stream.indirect.gather [hbm4b:s4+s20], $0x80, s1, s20, $0xb8;
	[tilespmem:$0x1CC00] =	vst v63  }
0x197: {  	_ = 	snop  }
0x198: {  	[spmem:s2] =	stream.indirect.scatter.add.f32 [tilespmem:s24], [sflag:$0x2], $0x80, s11, s20, $0xb8;
	[tilespmem:$0x1CC00] =	vst v63  }
0x199: {  	_ =	swait.ge [sflag:s17], $0x4000  }
0x19a: {  	[sflag:s17] =	ssyncset.done $0x0  }
0x19b: {  	[sflag:s17] =	ssyncadd.s32 $0xFFFFC000  }
0x19c: {  	_ =	swait.ge [sflag:s22], $0x4000  }
0x19d: {  	[sflag:s22] =	ssyncset.done $0x0  }
0x19e: {  	[sflag:s22] =	ssyncadd.s32 $0xFFFFC000  }
0x19f: {  	[tilespmem:s24], [sflag:$0x1] =	stream.indirect.gather [hbm4b:s4+s20], $0x80, s12, s20, $0xb8;
	[tilespmem:$0x1CC00] =	vst v63  }
0x1a0: {  	_ = 	snop  }
0x1a1: {  	[spmem:s2] =	stream.indirect.scatter.add.f32 [tilespmem:s21], [sflag:$0x2], $0x80, s25, s20, $0xb8;
	[tilespmem:$0x1CC00] =	vst v63  }
0x1a2: {  	_ =	swait.ge [sflag:s17], $0x4000  }
0x1a3: {  	[sflag:s17] =	ssyncset.done $0x0  }
0x1a4: {  	[sflag:s17] =	ssyncadd.s32 $0xFFFFC000  }
0x1a5: {  	_ =	swait.ge [sflag:s22], $0x4000  }
0x1a6: {  	[sflag:s22] =	ssyncset.done $0x0  }
0x1a7: {  	[sflag:s22] =	ssyncadd.s32 $0xFFFFC000  }
0x1a8: {  	[tilespmem:s21], [sflag:$0x1] =	stream.indirect.gather [hbm4b:s4+s20], $0x80, s6, s20, $0xb8;
	[tilespmem:$0x1CC00] =	vst v63  }
0x1a9: {  	s12 =	simm.s32 $0x14780  }
0x1aa: {  	[spmem:s2] =	stream.indirect.scatter.add.f32 [tilespmem:s24], [sflag:$0x2], $0x80, s12, s20, $0xb8;
	[tilespmem:$0x1CC00] =	vst v63  }
0x1ab: {  	_ =	swait.ge [sflag:s17], $0x4000  }
0x1ac: {  	[sflag:s17] =	ssyncset.done $0x0  }
0x1ad: {  	[sflag:s17] =	ssyncadd.s32 $0xFFFFC000  }
0x1ae: {  	_ =	swait.ge [sflag:s22], $0x4000  }
0x1af: {  	[sflag:s22] =	ssyncset.done $0x0  }
0x1b0: {  	[sflag:s22] =	ssyncadd.s32 $0xFFFFC000  }
0x1b1: {  	[tilespmem:s24], [sflag:$0x1] =	stream.indirect.gather [hbm4b:s4+s20], $0x80, s16, s20, $0xb8;
	[tilespmem:$0x1CC00] =	vst v63  }
0x1b2: {  	s16 =	simm.s32 $0x14800  }
0x1b3: {  	[spmem:s2] =	stream.indirect.scatter.add.f32 [tilespmem:s21], [sflag:$0x2], $0x80, s16, s20, $0xb8;
	[tilespmem:$0x1CC00] =	vst v63  }
0x1b4: {  	_ =	swait.ge [sflag:s17], $0x4000  }
0x1b5: {  	[sflag:s17] =	ssyncset.done $0x0  }
0x1b6: {  	[sflag:s17] =	ssyncadd.s32 $0xFFFFC000  }
0x1b7: {  	_ =	swait.ge [sflag:s22], $0x4000  }
0x1b8: {  	[sflag:s22] =	ssyncset.done $0x0  }
0x1b9: {  	s23 =	simm.s32 $0x14100;
	[sflag:s22] =	ssyncadd.s32 $0xFFFFC000  }
0x1ba: {  	[tilespmem:s21], [sflag:$0x1] =	stream.indirect.gather [hbm4b:s4+s20], $0x80, s23, s20, $0xb8;
	[tilespmem:$0x1CC00] =	vst v63  }
0x1bb: {  	s25 =	simm.s32 $0x14880  }
0x1bc: {  	[spmem:s2] =	stream.indirect.scatter.add.f32 [tilespmem:s24], [sflag:$0x2], $0x80, s25, s20, $0xb8;
	[tilespmem:$0x1CC00] =	vst v63  }
0x1bd: {  	_ =	swait.ge [sflag:s17], $0x4000  }
0x1be: {  	[sflag:s17] =	ssyncset.done $0x0  }
0x1bf: {  	[sflag:s17] =	ssyncadd.s32 $0xFFFFC000  }
0x1c0: {  	_ =	swait.ge [sflag:s22], $0x4000  }
0x1c1: {  	[sflag:s22] =	ssyncset.done $0x0  }
0x1c2: {  	s26 =	simm.s32 $0x14180;
	[sflag:s22] =	ssyncadd.s32 $0xFFFFC000  }
0x1c3: {  	[tilespmem:s24], [sflag:$0x1] =	stream.indirect.gather [hbm4b:s4+s20], $0x80, s26, s20, $0xb8;
	[tilespmem:$0x1CC00] =	vst v63  }
0x1c4: {  	s1 =	simm.s32 $0x14900  }
0x1c5: {  	[spmem:s2] =	stream.indirect.scatter.add.f32 [tilespmem:s21], [sflag:$0x2], $0x80, s1, s20, $0xb8;
	[tilespmem:$0x1CC00] =	vst v63  }
0x1c6: {  	_ =	swait.ge [sflag:s17], $0x4000  }
0x1c7: {  	[sflag:s17] =	ssyncset.done $0x0  }
0x1c8: {  	[sflag:s17] =	ssyncadd.s32 $0xFFFFC000  }
0x1c9: {  	_ =	swait.ge [sflag:s22], $0x4000  }
0x1ca: {  	[sflag:s22] =	ssyncset.done $0x0  }
0x1cb: {  	s6 =	simm.s32 $0x14200;
	[sflag:s22] =	ssyncadd.s32 $0xFFFFC000  }
0x1cc: {  	[tilespmem:s21], [sflag:$0x1] =	stream.indirect.gather [hbm4b:s4+s20], $0x80, s6, s20, $0xb8;
	[tilespmem:$0x1CC00] =	vst v63  }
0x1cd: {  	s7 =	simm.s32 $0x14980  }
0x1ce: {  	[spmem:s2] =	stream.indirect.scatter.add.f32 [tilespmem:s24], [sflag:$0x2], $0x80, s7, s20, $0xb8;
	[tilespmem:$0x1CC00] =	vst v63  }
0x1cf: {  	_ =	swait.ge [sflag:s17], $0x4000  }
0x1d0: {  	[sflag:s17] =	ssyncset.done $0x0  }
0x1d1: {  	[sflag:s17] =	ssyncadd.s32 $0xFFFFC000  }
0x1d2: {  	_ =	swait.ge [sflag:s22], $0x4000  }
0x1d3: {  	[sflag:s22] =	ssyncset.done $0x0  }
0x1d4: {  	s8 =	simm.s32 $0x14280;
	[sflag:s22] =	ssyncadd.s32 $0xFFFFC000  }
0x1d5: {  	[tilespmem:s24], [sflag:$0x1] =	stream.indirect.gather [hbm4b:s4+s20], $0x80, s8, s20, $0xb8;
	[tilespmem:$0x1CC00] =	vst v63  }
0x1d6: {  	s9 =	simm.s32 $0x14A00  }
0x1d7: {  	[spmem:s2] =	stream.indirect.scatter.add.f32 [tilespmem:s21], [sflag:$0x2], $0x80, s9, s20, $0xb8;
	[tilespmem:$0x1CC00] =	vst v63  }
0x1d8: {  	_ =	swait.ge [sflag:s17], $0x4000  }
0x1d9: {  	[sflag:s17] =	ssyncset.done $0x0  }
0x1da: {  	[sflag:s17] =	ssyncadd.s32 $0xFFFFC000  }
0x1db: {  	_ =	swait.ge [sflag:s22], $0x4000  }
0x1dc: {  	[sflag:s22] =	ssyncset.done $0x0  }
0x1dd: {  	s10 =	simm.s32 $0x14300;
	[sflag:s22] =	ssyncadd.s32 $0xFFFFC000  }
0x1de: {  	[tilespmem:s21], [sflag:$0x1] =	stream.indirect.gather [hbm4b:s4+s20], $0x80, s10, s20, $0xb8;
	[tilespmem:$0x1CC00] =	vst v63  }
0x1df: {  	s11 =	simm.s32 $0x14A80  }
0x1e0: {  	[spmem:s2] =	stream.indirect.scatter.add.f32 [tilespmem:s24], [sflag:$0x2], $0x80, s11, s20, $0xb8;
	[tilespmem:$0x1CC00] =	vst v63  }
0x1e1: {  	_ =	swait.ge [sflag:s17], $0x4000  }
0x1e2: {  	[sflag:s17] =	ssyncset.done $0x0  }
0x1e3: {  	[sflag:s17] =	ssyncadd.s32 $0xFFFFC000  }
0x1e4: {  	_ =	swait.ge [sflag:s22], $0x4000  }
0x1e5: {  	[sflag:s22] =	ssyncset.done $0x0  }
0x1e6: {  	s12 =	simm.s32 $0x14380;
	[sflag:s22] =	ssyncadd.s32 $0xFFFFC000  }
0x1e7: {  	[tilespmem:s24], [sflag:$0x1] =	stream.indirect.gather [hbm4b:s4+s20], $0x80, s12, s20, $0xb8;
	[tilespmem:$0x1CC00] =	vst v63  }
0x1e8: {  	s16 =	simm.s32 $0x14B00  }
0x1e9: {  	[spmem:s2] =	stream.indirect.scatter.add.f32 [tilespmem:s21], [sflag:$0x2], $0x80, s16, s20, $0xb8;
	[tilespmem:$0x1CC00] =	vst v63  }
0x1ea: {  	_ =	swait.ge [sflag:s17], $0x4000  }
0x1eb: {  	[sflag:s17] =	ssyncset.done $0x0  }
0x1ec: {  	[sflag:s17] =	ssyncadd.s32 $0xFFFFC000  }
0x1ed: {  	_ =	swait.ge [sflag:s22], $0x4000  }
0x1ee: {  	[sflag:s22] =	ssyncset.done $0x0  }
0x1ef: {  	s23 =	simm.s32 $0x14B80;
	[sflag:s22] =	ssyncadd.s32 $0xFFFFC000  }
0x1f0: {  	[spmem:s2] =	stream.indirect.scatter.add.f32 [tilespmem:s24], [sflag:$0x2], $0x80, s23, s20, $0xb8;
	[tilespmem:$0x1CC00] =	vst v63  }
0x1f1: {  	_ =	swait.ge [sflag:s17], $0x4000  }
0x1f2: {  	[sflag:s17] =	ssyncset.done $0x0  }
0x1f3: {  	[sflag:s17] =	ssyncadd.s32 $0xFFFFC000  }
0x1f4: {  	[bflag:$0x0] =	sbarrier.arrive $0xFFFF  }
0x1f5: {  	s28 =	simm.s32 $0x13E00;
	s29 =	simm.s32 $0x14580;
	s25 =	rddreg [dreg:$0x8]  }
0x1f6: {  	s30 =	simm.s32 $0x13E80;
	s0 =	simm.s32 $0x14600;
	s16 =	rddreg [dreg:$0x7]  }
0x1f7: {  	s1 =	simm.s32 $0x13F00;
	s26 =	rddreg [dreg:$0xa];
	s7 =	sshrl.u32 s25, $0x3  }
0x1f8: {  	[hbm:s26], [sflag:s16] =	dma.local [spmem:s7], $0x2700  }
.Ltmp4:
0x1f9: {  	s6 =	simm.s32 $0x14000;
	s9 =	simm.s32 $0x13D00;
	(pc) =	sbr.rel @p1 .LBB2_8-.Ltmp4, $4  }
.Ltmp5:
0x1fa: {  	s10 =	simm.s32 $0x14480;
	s11 =	simm.s32 $0x14680;
	(pc) =	sbr.rel @!p1 .LBB2_9-.Ltmp5, $4  }
0x1fb: {  	s12 =	simm.s32 $0x13F80;
	s23 =	simm.s32 $0x13D80;
	_ =	swait.ge [sflag:s17], $0x2700  }
0x1fc: {  	s25 =	simm.s32 $0x14700;
	[sflag:s17] =	ssyncset.done $0x0;
	s7 =	rddreg [dreg:$0x4]  }
0x1fd: {  	s26 =	simm.s32 $0x14500;
	s31 =	rddreg [dreg:$0xe];
	[sflag:s17] =	ssyncadd.s32 $0xFFFFD900  }
0x1fe: {  	_ = 	snop  }
.LBB2_5:
0x1ff: {  	[tilespmem:s18], [sflag:$0x2] =	stream.linear.gather [hbm4b:s7+s3], $0x800, $0x38;
	[tilespmem:$0x1CC00] =	vst v63  }
0x200: {  	_ =	swait.ge [sflag:s17], $0x800  }
0x201: {  	[sflag:s17] =	ssyncset.done $0x0  }
0x202: {  	s16 =	sadd.s32 $0x0, s14;
	[sflag:s17] =	ssyncadd.s32 $0xFFFFF800  }
0x203: {  	[tilespmem:s19], [sflag:$0x2] =	stream.linear.gather [hbm4b:s16+s3], $0x800, $0x38;
	[tilespmem:$0x1CC00] =	vst v63  }
0x204: {  	_ =	swait.ge [sflag:s17], $0x800  }
0x205: {  	[sflag:s17] =	ssyncset.done $0x0  }
0x206: {  	[sflag:s17] =	ssyncadd.s32 $0xFFFFF800  }
0x207: {  	[tilespmem:s21], [sflag:$0x1] =	stream.indirect.gather [hbm4b:s5+s20], $0x80, s18, s20, $0xb8;
	[tilespmem:$0x1CC00] =	vst v63  }
0x208: {  	_ =	swait.ge [sflag:s22], $0x4000  }
0x209: {  	[sflag:s22] =	ssyncset.done $0x0  }
0x20a: {  	[sflag:s22] =	ssyncadd.s32 $0xFFFFC000  }
0x20b: {  	[tilespmem:s24], [sflag:$0x1] =	stream.indirect.gather [hbm4b:s5+s20], $0x80, s13, s20, $0xb8;
	[tilespmem:$0x1CC00] =	vst v63  }
0x20c: {  	_ = 	snop  }
0x20d: {  	[spmem:s2] =	stream.indirect.scatter.add.f32 [tilespmem:s21], [sflag:$0x2], $0x80, s19, s20, $0xb8;
	[tilespmem:$0x1CC00] =	vst v63  }
0x20e: {  	_ =	swait.ge [sflag:s17], $0x4000  }
0x20f: {  	[sflag:s17] =	ssyncset.done $0x0  }
0x210: {  	[sflag:s17] =	ssyncadd.s32 $0xFFFFC000  }
0x211: {  	_ =	swait.ge [sflag:s22], $0x4000  }
0x212: {  	[sflag:s22] =	ssyncset.done $0x0  }
0x213: {  	[sflag:s22] =	ssyncadd.s32 $0xFFFFC000  }
0x214: {  	[tilespmem:s21], [sflag:$0x1] =	stream.indirect.gather [hbm4b:s5+s20], $0x80, s9, s20, $0xb8;
	[tilespmem:$0x1CC00] =	vst v63  }
0x215: {  	_ = 	snop  }
0x216: {  	[spmem:s2] =	stream.indirect.scatter.add.f32 [tilespmem:s24], [sflag:$0x2], $0x80, s10, s20, $0xb8;
	[tilespmem:$0x1CC00] =	vst v63  }
0x217: {  	_ =	swait.ge [sflag:s17], $0x4000  }
0x218: {  	[sflag:s17] =	ssyncset.done $0x0  }
0x219: {  	[sflag:s17] =	ssyncadd.s32 $0xFFFFC000  }
0x21a: {  	_ =	swait.ge [sflag:s22], $0x4000  }
0x21b: {  	[sflag:s22] =	ssyncset.done $0x0  }
0x21c: {  	[sflag:s22] =	ssyncadd.s32 $0xFFFFC000  }
0x21d: {  	[tilespmem:s24], [sflag:$0x1] =	stream.indirect.gather [hbm4b:s5+s20], $0x80, s23, s20, $0xb8;
	[tilespmem:$0x1CC00] =	vst v63  }
0x21e: {  	_ = 	snop  }
0x21f: {  	[spmem:s2] =	stream.indirect.scatter.add.f32 [tilespmem:s21], [sflag:$0x2], $0x80, s26, s20, $0xb8;
	[tilespmem:$0x1CC00] =	vst v63  }
0x220: {  	_ =	swait.ge [sflag:s17], $0x4000  }
0x221: {  	[sflag:s17] =	ssyncset.done $0x0  }
0x222: {  	[sflag:s17] =	ssyncadd.s32 $0xFFFFC000  }
0x223: {  	_ =	swait.ge [sflag:s22], $0x4000  }
0x224: {  	[sflag:s22] =	ssyncset.done $0x0  }
0x225: {  	[sflag:s22] =	ssyncadd.s32 $0xFFFFC000  }
0x226: {  	[tilespmem:s21], [sflag:$0x1] =	stream.indirect.gather [hbm4b:s5+s20], $0x80, s28, s20, $0xb8;
	[tilespmem:$0x1CC00] =	vst v63  }
0x227: {  	_ = 	snop  }
0x228: {  	[spmem:s2] =	stream.indirect.scatter.add.f32 [tilespmem:s24], [sflag:$0x2], $0x80, s29, s20, $0xb8;
	[tilespmem:$0x1CC00] =	vst v63  }
0x229: {  	_ =	swait.ge [sflag:s17], $0x4000  }
0x22a: {  	[sflag:s17] =	ssyncset.done $0x0  }
0x22b: {  	[sflag:s17] =	ssyncadd.s32 $0xFFFFC000  }
0x22c: {  	_ =	swait.ge [sflag:s22], $0x4000  }
0x22d: {  	[sflag:s22] =	ssyncset.done $0x0  }
0x22e: {  	[sflag:s22] =	ssyncadd.s32 $0xFFFFC000  }
0x22f: {  	[tilespmem:s24], [sflag:$0x1] =	stream.indirect.gather [hbm4b:s5+s20], $0x80, s30, s20, $0xb8;
	[tilespmem:$0x1CC00] =	vst v63  }
0x230: {  	_ = 	snop  }
0x231: {  	[spmem:s2] =	stream.indirect.scatter.add.f32 [tilespmem:s21], [sflag:$0x2], $0x80, s0, s20, $0xb8;
	[tilespmem:$0x1CC00] =	vst v63  }
0x232: {  	_ =	swait.ge [sflag:s17], $0x4000  }
0x233: {  	[sflag:s17] =	ssyncset.done $0x0  }
0x234: {  	[sflag:s17] =	ssyncadd.s32 $0xFFFFC000  }
0x235: {  	_ =	swait.ge [sflag:s22], $0x4000  }
0x236: {  	[sflag:s22] =	ssyncset.done $0x0  }
0x237: {  	[sflag:s22] =	ssyncadd.s32 $0xFFFFC000  }
0x238: {  	[tilespmem:s21], [sflag:$0x1] =	stream.indirect.gather [hbm4b:s5+s20], $0x80, s1, s20, $0xb8;
	[tilespmem:$0x1CC00] =	vst v63  }
0x239: {  	_ = 	snop  }
0x23a: {  	[spmem:s2] =	stream.indirect.scatter.add.f32 [tilespmem:s24], [sflag:$0x2], $0x80, s11, s20, $0xb8;
	[tilespmem:$0x1CC00] =	vst v63  }
0x23b: {  	_ =	swait.ge [sflag:s17], $0x4000  }
0x23c: {  	[sflag:s17] =	ssyncset.done $0x0  }
0x23d: {  	[sflag:s17] =	ssyncadd.s32 $0xFFFFC000  }
0x23e: {  	_ =	swait.ge [sflag:s22], $0x4000  }
0x23f: {  	[sflag:s22] =	ssyncset.done $0x0  }
0x240: {  	[sflag:s22] =	ssyncadd.s32 $0xFFFFC000  }
0x241: {  	[tilespmem:s24], [sflag:$0x1] =	stream.indirect.gather [hbm4b:s5+s20], $0x80, s12, s20, $0xb8;
	[tilespmem:$0x1CC00] =	vst v63  }
0x242: {  	_ = 	snop  }
0x243: {  	[spmem:s2] =	stream.indirect.scatter.add.f32 [tilespmem:s21], [sflag:$0x2], $0x80, s25, s20, $0xb8;
	[tilespmem:$0x1CC00] =	vst v63  }
0x244: {  	_ =	swait.ge [sflag:s17], $0x4000  }
0x245: {  	[sflag:s17] =	ssyncset.done $0x0  }
0x246: {  	[sflag:s17] =	ssyncadd.s32 $0xFFFFC000  }
0x247: {  	_ =	swait.ge [sflag:s22], $0x4000  }
0x248: {  	[sflag:s22] =	ssyncset.done $0x0  }
0x249: {  	[sflag:s22] =	ssyncadd.s32 $0xFFFFC000  }
0x24a: {  	[tilespmem:s21], [sflag:$0x1] =	stream.indirect.gather [hbm4b:s5+s20], $0x80, s6, s20, $0xb8;
	[tilespmem:$0x1CC00] =	vst v63  }
0x24b: {  	s23 =	simm.s32 $0x14780  }
0x24c: {  	[spmem:s2] =	stream.indirect.scatter.add.f32 [tilespmem:s24], [sflag:$0x2], $0x80, s23, s20, $0xb8;
	[tilespmem:$0x1CC00] =	vst v63  }
0x24d: {  	_ =	swait.ge [sflag:s17], $0x4000  }
0x24e: {  	[sflag:s17] =	ssyncset.done $0x0  }
0x24f: {  	[sflag:s17] =	ssyncadd.s32 $0xFFFFC000  }
0x250: {  	_ =	swait.ge [sflag:s22], $0x4000  }
0x251: {  	[sflag:s22] =	ssyncset.done $0x0  }
0x252: {  	s25 =	simm.s32 $0x14080;
	[sflag:s22] =	ssyncadd.s32 $0xFFFFC000  }
0x253: {  	[tilespmem:s24], [sflag:$0x1] =	stream.indirect.gather [hbm4b:s5+s20], $0x80, s25, s20, $0xb8;
	[tilespmem:$0x1CC00] =	vst v63  }
0x254: {  	s26 =	simm.s32 $0x14800  }
0x255: {  	[spmem:s2] =	stream.indirect.scatter.add.f32 [tilespmem:s21], [sflag:$0x2], $0x80, s26, s20, $0xb8;
	[tilespmem:$0x1CC00] =	vst v63  }
0x256: {  	_ =	swait.ge [sflag:s17], $0x4000  }
0x257: {  	[sflag:s17] =	ssyncset.done $0x0  }
0x258: {  	[sflag:s17] =	ssyncadd.s32 $0xFFFFC000  }
0x259: {  	_ =	swait.ge [sflag:s22], $0x4000  }
0x25a: {  	[sflag:s22] =	ssyncset.done $0x0  }
0x25b: {  	s1 =	simm.s32 $0x14100;
	[sflag:s22] =	ssyncadd.s32 $0xFFFFC000  }
0x25c: {  	[tilespmem:s21], [sflag:$0x1] =	stream.indirect.gather [hbm4b:s5+s20], $0x80, s1, s20, $0xb8;
	[tilespmem:$0x1CC00] =	vst v63  }
0x25d: {  	s6 =	simm.s32 $0x14880  }
0x25e: {  	[spmem:s2] =	stream.indirect.scatter.add.f32 [tilespmem:s24], [sflag:$0x2], $0x80, s6, s20, $0xb8;
	[tilespmem:$0x1CC00] =	vst v63  }
0x25f: {  	_ =	swait.ge [sflag:s17], $0x4000  }
0x260: {  	[sflag:s17] =	ssyncset.done $0x0  }
0x261: {  	[sflag:s17] =	ssyncadd.s32 $0xFFFFC000  }
0x262: {  	_ =	swait.ge [sflag:s22], $0x4000  }
0x263: {  	[sflag:s22] =	ssyncset.done $0x0  }
0x264: {  	s7 =	simm.s32 $0x14180;
	[sflag:s22] =	ssyncadd.s32 $0xFFFFC000  }
0x265: {  	[tilespmem:s24], [sflag:$0x1] =	stream.indirect.gather [hbm4b:s5+s20], $0x80, s7, s20, $0xb8;
	[tilespmem:$0x1CC00] =	vst v63  }
0x266: {  	s8 =	simm.s32 $0x14900  }
0x267: {  	[spmem:s2] =	stream.indirect.scatter.add.f32 [tilespmem:s21], [sflag:$0x2], $0x80, s8, s20, $0xb8;
	[tilespmem:$0x1CC00] =	vst v63  }
0x268: {  	_ =	swait.ge [sflag:s17], $0x4000  }
0x269: {  	[sflag:s17] =	ssyncset.done $0x0  }
0x26a: {  	[sflag:s17] =	ssyncadd.s32 $0xFFFFC000  }
0x26b: {  	_ =	swait.ge [sflag:s22], $0x4000  }
0x26c: {  	[sflag:s22] =	ssyncset.done $0x0  }
0x26d: {  	s9 =	simm.s32 $0x14200;
	[sflag:s22] =	ssyncadd.s32 $0xFFFFC000  }
0x26e: {  	[tilespmem:s21], [sflag:$0x1] =	stream.indirect.gather [hbm4b:s5+s20], $0x80, s9, s20, $0xb8;
	[tilespmem:$0x1CC00] =	vst v63  }
0x26f: {  	s10 =	simm.s32 $0x14980  }
0x270: {  	[spmem:s2] =	stream.indirect.scatter.add.f32 [tilespmem:s24], [sflag:$0x2], $0x80, s10, s20, $0xb8;
	[tilespmem:$0x1CC00] =	vst v63  }
0x271: {  	_ =	swait.ge [sflag:s17], $0x4000  }
0x272: {  	[sflag:s17] =	ssyncset.done $0x0  }
0x273: {  	[sflag:s17] =	ssyncadd.s32 $0xFFFFC000  }
0x274: {  	_ =	swait.ge [sflag:s22], $0x4000  }
0x275: {  	[sflag:s22] =	ssyncset.done $0x0  }
0x276: {  	s11 =	simm.s32 $0x14280;
	[sflag:s22] =	ssyncadd.s32 $0xFFFFC000  }
0x277: {  	[tilespmem:s24], [sflag:$0x1] =	stream.indirect.gather [hbm4b:s5+s20], $0x80, s11, s20, $0xb8;
	[tilespmem:$0x1CC00] =	vst v63  }
0x278: {  	s12 =	simm.s32 $0x14A00  }
0x279: {  	[spmem:s2] =	stream.indirect.scatter.add.f32 [tilespmem:s21], [sflag:$0x2], $0x80, s12, s20, $0xb8;
	[tilespmem:$0x1CC00] =	vst v63  }
0x27a: {  	_ =	swait.ge [sflag:s17], $0x4000  }
0x27b: {  	[sflag:s17] =	ssyncset.done $0x0  }
0x27c: {  	[sflag:s17] =	ssyncadd.s32 $0xFFFFC000  }
0x27d: {  	_ =	swait.ge [sflag:s22], $0x4000  }
0x27e: {  	[sflag:s22] =	ssyncset.done $0x0  }
0x27f: {  	s13 =	simm.s32 $0x14300;
	[sflag:s22] =	ssyncadd.s32 $0xFFFFC000  }
0x280: {  	[tilespmem:s21], [sflag:$0x1] =	stream.indirect.gather [hbm4b:s5+s20], $0x80, s13, s20, $0xb8;
	[tilespmem:$0x1CC00] =	vst v63  }
0x281: {  	s16 =	simm.s32 $0x14A80  }
0x282: {  	[spmem:s2] =	stream.indirect.scatter.add.f32 [tilespmem:s24], [sflag:$0x2], $0x80, s16, s20, $0xb8;
	[tilespmem:$0x1CC00] =	vst v63  }
0x283: {  	_ =	swait.ge [sflag:s17], $0x4000  }
0x284: {  	[sflag:s17] =	ssyncset.done $0x0  }
0x285: {  	[sflag:s17] =	ssyncadd.s32 $0xFFFFC000  }
0x286: {  	_ =	swait.ge [sflag:s22], $0x4000  }
0x287: {  	[sflag:s22] =	ssyncset.done $0x0  }
0x288: {  	s23 =	simm.s32 $0x14380;
	[sflag:s22] =	ssyncadd.s32 $0xFFFFC000  }
0x289: {  	[tilespmem:s24], [sflag:$0x1] =	stream.indirect.gather [hbm4b:s5+s20], $0x80, s23, s20, $0xb8;
	[tilespmem:$0x1CC00] =	vst v63  }
0x28a: {  	s25 =	simm.s32 $0x14B00  }
0x28b: {  	[spmem:s2] =	stream.indirect.scatter.add.f32 [tilespmem:s21], [sflag:$0x2], $0x80, s25, s20, $0xb8;
	[tilespmem:$0x1CC00] =	vst v63  }
0x28c: {  	s31 =	simm.s32 $0x13E80;
	s28 =	simm.s32 $0x14500;
	_ =	swait.ge [sflag:s17], $0x4000  }
0x28d: {  	s29 =	simm.s32 $0x13E00;
	s30 =	simm.s32 $0x14580;
	[sflag:s17] =	ssyncset.done $0x0  }
0x28e: {  	s0 =	simm.s32 $0x14600;
	s26 =	simm.s32 $0x14B80;
	[sflag:s17] =	ssyncadd.s32 $0xFFFFC000  }
0x28f: {  	s1 =	simm.s32 $0x13F00;
	s6 =	simm.s32 $0x14000;
	_ =	swait.ge [sflag:s22], $0x4000  }
0x290: {  	s7 =	simm.s32 $0x100;
	s9 =	simm.s32 $0x13D00;
	[sflag:s22] =	ssyncset.done $0x0  }
0x291: {  	s10 =	simm.s32 $0x200;
	s11 =	simm.s32 $0x14680;
	[sflag:s22] =	ssyncadd.s32 $0xFFFFC000  }
0x292: {  	[spmem:s2] =	stream.indirect.scatter.add.f32 [tilespmem:s24], [sflag:$0x2], $0x80, s26, s20, $0xb8;
	[tilespmem:$0x1CC00] =	vst v63  }
0x293: {  	s12 =	simm.s32 $0x13F80;
	s23 =	simm.s32 $0x14480;
	_ =	swait.ge [sflag:s17], $0x4000  }
0x294: {  	s25 =	simm.s32 $0x14700;
	s26 =	simm.s32 $0x13D80;
	[sflag:s17] =	ssyncset.done $0x0  }
.LBB2_6:
0x295: {  	s13 =	sadd.s32 s7, s15  }
0x296: {  	[sflag:s17] =	ssyncadd.s32 $0xFFFFC000;
	s16 =	smov.u32 s10;
	s8 =	sadd.s32 $0x100, s10  }
0x297: {  	[tilespmem:s18], [sflag:$0x2] =	stream.linear.gather [hbm4b:s13+s3], $0x800, $0x38;
	[tilespmem:$0x1CC00] =	vst v63  }
0x298: {  	s13 =	simm.s32 $0x13C80  }
0x299: {  	p3 =	sne.s32 s10, $0x400;
	_ =	swait.ge [sflag:s17], $0x800  }
0x29a: {  	s10 =	sadd.s32 s7, s14;
	[sflag:s17] =	ssyncset.done $0x0  }
0x29b: {  	s7 =	smov.u32 s16;
	s16 =	simm.s32 $0x14080;
	[sflag:s17] =	ssyncadd.s32 $0xFFFFF800  }
0x29c: {  	[tilespmem:s19], [sflag:$0x2] =	stream.linear.gather [hbm4b:s10+s3], $0x800, $0x38;
	[tilespmem:$0x1CC00] =	vst v63  }
0x29d: {  	_ =	swait.ge [sflag:s17], $0x800  }
0x29e: {  	[sflag:s17] =	ssyncset.done $0x0  }
0x29f: {  	[sflag:s17] =	ssyncadd.s32 $0xFFFFF800  }
0x2a0: {  	[tilespmem:s21], [sflag:$0x1] =	stream.indirect.gather [hbm4b:s5+s20], $0x80, s18, s20, $0xb8;
	[tilespmem:$0x1CC00] =	vst v63  }
0x2a1: {  	_ =	swait.ge [sflag:s22], $0x4000  }
0x2a2: {  	[sflag:s22] =	ssyncset.done $0x0  }
0x2a3: {  	[sflag:s22] =	ssyncadd.s32 $0xFFFFC000  }
0x2a4: {  	[tilespmem:s24], [sflag:$0x1] =	stream.indirect.gather [hbm4b:s5+s20], $0x80, s13, s20, $0xb8;
	[tilespmem:$0x1CC00] =	vst v63  }
0x2a5: {  	_ = 	snop  }
0x2a6: {  	[spmem:s2] =	stream.indirect.scatter.add.f32 [tilespmem:s21], [sflag:$0x2], $0x80, s19, s20, $0xb8;
	[tilespmem:$0x1CC00] =	vst v63  }
0x2a7: {  	_ =	swait.ge [sflag:s17], $0x4000  }
0x2a8: {  	[sflag:s17] =	ssyncset.done $0x0  }
0x2a9: {  	[sflag:s17] =	ssyncadd.s32 $0xFFFFC000  }
0x2aa: {  	_ =	swait.ge [sflag:s22], $0x4000  }
0x2ab: {  	[sflag:s22] =	ssyncset.done $0x0  }
0x2ac: {  	[sflag:s22] =	ssyncadd.s32 $0xFFFFC000  }
0x2ad: {  	[tilespmem:s21], [sflag:$0x1] =	stream.indirect.gather [hbm4b:s5+s20], $0x80, s9, s20, $0xb8;
	[tilespmem:$0x1CC00] =	vst v63  }
0x2ae: {  	_ = 	snop  }
0x2af: {  	[spmem:s2] =	stream.indirect.scatter.add.f32 [tilespmem:s24], [sflag:$0x2], $0x80, s23, s20, $0xb8;
	[tilespmem:$0x1CC00] =	vst v63  }
0x2b0: {  	_ =	swait.ge [sflag:s17], $0x4000  }
0x2b1: {  	[sflag:s17] =	ssyncset.done $0x0  }
0x2b2: {  	[sflag:s17] =	ssyncadd.s32 $0xFFFFC000  }
0x2b3: {  	_ =	swait.ge [sflag:s22], $0x4000  }
0x2b4: {  	[sflag:s22] =	ssyncset.done $0x0  }
0x2b5: {  	[sflag:s22] =	ssyncadd.s32 $0xFFFFC000  }
0x2b6: {  	[tilespmem:s24], [sflag:$0x1] =	stream.indirect.gather [hbm4b:s5+s20], $0x80, s26, s20, $0xb8;
	[tilespmem:$0x1CC00] =	vst v63  }
0x2b7: {  	_ = 	snop  }
0x2b8: {  	[spmem:s2] =	stream.indirect.scatter.add.f32 [tilespmem:s21], [sflag:$0x2], $0x80, s28, s20, $0xb8;
	[tilespmem:$0x1CC00] =	vst v63  }
0x2b9: {  	_ =	swait.ge [sflag:s17], $0x4000  }
0x2ba: {  	[sflag:s17] =	ssyncset.done $0x0  }
0x2bb: {  	[sflag:s17] =	ssyncadd.s32 $0xFFFFC000  }
0x2bc: {  	_ =	swait.ge [sflag:s22], $0x4000  }
0x2bd: {  	[sflag:s22] =	ssyncset.done $0x0  }
0x2be: {  	[sflag:s22] =	ssyncadd.s32 $0xFFFFC000  }
0x2bf: {  	[tilespmem:s21], [sflag:$0x1] =	stream.indirect.gather [hbm4b:s5+s20], $0x80, s29, s20, $0xb8;
	[tilespmem:$0x1CC00] =	vst v63  }
0x2c0: {  	_ = 	snop  }
0x2c1: {  	[spmem:s2] =	stream.indirect.scatter.add.f32 [tilespmem:s24], [sflag:$0x2], $0x80, s30, s20, $0xb8;
	[tilespmem:$0x1CC00] =	vst v63  }
0x2c2: {  	_ =	swait.ge [sflag:s17], $0x4000  }
0x2c3: {  	[sflag:s17] =	ssyncset.done $0x0  }
0x2c4: {  	[sflag:s17] =	ssyncadd.s32 $0xFFFFC000  }
0x2c5: {  	_ =	swait.ge [sflag:s22], $0x4000  }
0x2c6: {  	[sflag:s22] =	ssyncset.done $0x0  }
0x2c7: {  	[sflag:s22] =	ssyncadd.s32 $0xFFFFC000  }
0x2c8: {  	[tilespmem:s24], [sflag:$0x1] =	stream.indirect.gather [hbm4b:s5+s20], $0x80, s31, s20, $0xb8;
	[tilespmem:$0x1CC00] =	vst v63  }
0x2c9: {  	_ = 	snop  }
0x2ca: {  	[spmem:s2] =	stream.indirect.scatter.add.f32 [tilespmem:s21], [sflag:$0x2], $0x80, s0, s20, $0xb8;
	[tilespmem:$0x1CC00] =	vst v63  }
0x2cb: {  	_ =	swait.ge [sflag:s17], $0x4000  }
0x2cc: {  	[sflag:s17] =	ssyncset.done $0x0  }
0x2cd: {  	[sflag:s17] =	ssyncadd.s32 $0xFFFFC000  }
0x2ce: {  	_ =	swait.ge [sflag:s22], $0x4000  }
0x2cf: {  	[sflag:s22] =	ssyncset.done $0x0  }
0x2d0: {  	[sflag:s22] =	ssyncadd.s32 $0xFFFFC000  }
0x2d1: {  	[tilespmem:s21], [sflag:$0x1] =	stream.indirect.gather [hbm4b:s5+s20], $0x80, s1, s20, $0xb8;
	[tilespmem:$0x1CC00] =	vst v63  }
0x2d2: {  	_ = 	snop  }
0x2d3: {  	[spmem:s2] =	stream.indirect.scatter.add.f32 [tilespmem:s24], [sflag:$0x2], $0x80, s11, s20, $0xb8;
	[tilespmem:$0x1CC00] =	vst v63  }
0x2d4: {  	_ =	swait.ge [sflag:s17], $0x4000  }
0x2d5: {  	[sflag:s17] =	ssyncset.done $0x0  }
0x2d6: {  	[sflag:s17] =	ssyncadd.s32 $0xFFFFC000  }
0x2d7: {  	_ =	swait.ge [sflag:s22], $0x4000  }
0x2d8: {  	[sflag:s22] =	ssyncset.done $0x0  }
0x2d9: {  	[sflag:s22] =	ssyncadd.s32 $0xFFFFC000  }
0x2da: {  	[tilespmem:s24], [sflag:$0x1] =	stream.indirect.gather [hbm4b:s5+s20], $0x80, s12, s20, $0xb8;
	[tilespmem:$0x1CC00] =	vst v63  }
0x2db: {  	_ = 	snop  }
0x2dc: {  	[spmem:s2] =	stream.indirect.scatter.add.f32 [tilespmem:s21], [sflag:$0x2], $0x80, s25, s20, $0xb8;
	[tilespmem:$0x1CC00] =	vst v63  }
0x2dd: {  	_ =	swait.ge [sflag:s17], $0x4000  }
0x2de: {  	[sflag:s17] =	ssyncset.done $0x0  }
0x2df: {  	[sflag:s17] =	ssyncadd.s32 $0xFFFFC000  }
0x2e0: {  	_ =	swait.ge [sflag:s22], $0x4000  }
0x2e1: {  	[sflag:s22] =	ssyncset.done $0x0  }
0x2e2: {  	[sflag:s22] =	ssyncadd.s32 $0xFFFFC000  }
0x2e3: {  	[tilespmem:s21], [sflag:$0x1] =	stream.indirect.gather [hbm4b:s5+s20], $0x80, s6, s20, $0xb8;
	[tilespmem:$0x1CC00] =	vst v63  }
0x2e4: {  	s10 =	simm.s32 $0x14780  }
0x2e5: {  	[spmem:s2] =	stream.indirect.scatter.add.f32 [tilespmem:s24], [sflag:$0x2], $0x80, s10, s20, $0xb8;
	[tilespmem:$0x1CC00] =	vst v63  }
0x2e6: {  	_ =	swait.ge [sflag:s17], $0x4000  }
0x2e7: {  	[sflag:s17] =	ssyncset.done $0x0  }
0x2e8: {  	[sflag:s17] =	ssyncadd.s32 $0xFFFFC000  }
0x2e9: {  	_ =	swait.ge [sflag:s22], $0x4000  }
0x2ea: {  	[sflag:s22] =	ssyncset.done $0x0  }
0x2eb: {  	[sflag:s22] =	ssyncadd.s32 $0xFFFFC000  }
0x2ec: {  	[tilespmem:s24], [sflag:$0x1] =	stream.indirect.gather [hbm4b:s5+s20], $0x80, s16, s20, $0xb8;
	[tilespmem:$0x1CC00] =	vst v63  }
0x2ed: {  	s10 =	simm.s32 $0x14800  }
0x2ee: {  	[spmem:s2] =	stream.indirect.scatter.add.f32 [tilespmem:s21], [sflag:$0x2], $0x80, s10, s20, $0xb8;
	[tilespmem:$0x1CC00] =	vst v63  }
0x2ef: {  	_ =	swait.ge [sflag:s17], $0x4000  }
0x2f0: {  	[sflag:s17] =	ssyncset.done $0x0  }
0x2f1: {  	[sflag:s17] =	ssyncadd.s32 $0xFFFFC000  }
0x2f2: {  	_ =	swait.ge [sflag:s22], $0x4000  }
0x2f3: {  	[sflag:s22] =	ssyncset.done $0x0  }
0x2f4: {  	s10 =	simm.s32 $0x14100;
	[sflag:s22] =	ssyncadd.s32 $0xFFFFC000  }
0x2f5: {  	[tilespmem:s21], [sflag:$0x1] =	stream.indirect.gather [hbm4b:s5+s20], $0x80, s10, s20, $0xb8;
	[tilespmem:$0x1CC00] =	vst v63  }
0x2f6: {  	s10 =	simm.s32 $0x14880  }
0x2f7: {  	[spmem:s2] =	stream.indirect.scatter.add.f32 [tilespmem:s24], [sflag:$0x2], $0x80, s10, s20, $0xb8;
	[tilespmem:$0x1CC00] =	vst v63  }
0x2f8: {  	_ =	swait.ge [sflag:s17], $0x4000  }
0x2f9: {  	[sflag:s17] =	ssyncset.done $0x0  }
0x2fa: {  	[sflag:s17] =	ssyncadd.s32 $0xFFFFC000  }
0x2fb: {  	_ =	swait.ge [sflag:s22], $0x4000  }
0x2fc: {  	[sflag:s22] =	ssyncset.done $0x0  }
0x2fd: {  	s10 =	simm.s32 $0x14180;
	[sflag:s22] =	ssyncadd.s32 $0xFFFFC000  }
0x2fe: {  	[tilespmem:s24], [sflag:$0x1] =	stream.indirect.gather [hbm4b:s5+s20], $0x80, s10, s20, $0xb8;
	[tilespmem:$0x1CC00] =	vst v63  }
0x2ff: {  	s10 =	simm.s32 $0x14900  }
0x300: {  	[spmem:s2] =	stream.indirect.scatter.add.f32 [tilespmem:s21], [sflag:$0x2], $0x80, s10, s20, $0xb8;
	[tilespmem:$0x1CC00] =	vst v63  }
0x301: {  	_ =	swait.ge [sflag:s17], $0x4000  }
0x302: {  	[sflag:s17] =	ssyncset.done $0x0  }
0x303: {  	[sflag:s17] =	ssyncadd.s32 $0xFFFFC000  }
0x304: {  	_ =	swait.ge [sflag:s22], $0x4000  }
0x305: {  	[sflag:s22] =	ssyncset.done $0x0  }
0x306: {  	s10 =	simm.s32 $0x14200;
	[sflag:s22] =	ssyncadd.s32 $0xFFFFC000  }
0x307: {  	[tilespmem:s21], [sflag:$0x1] =	stream.indirect.gather [hbm4b:s5+s20], $0x80, s10, s20, $0xb8;
	[tilespmem:$0x1CC00] =	vst v63  }
0x308: {  	s10 =	simm.s32 $0x14980  }
0x309: {  	[spmem:s2] =	stream.indirect.scatter.add.f32 [tilespmem:s24], [sflag:$0x2], $0x80, s10, s20, $0xb8;
	[tilespmem:$0x1CC00] =	vst v63  }
0x30a: {  	_ =	swait.ge [sflag:s17], $0x4000  }
0x30b: {  	[sflag:s17] =	ssyncset.done $0x0  }
0x30c: {  	[sflag:s17] =	ssyncadd.s32 $0xFFFFC000  }
0x30d: {  	_ =	swait.ge [sflag:s22], $0x4000  }
0x30e: {  	[sflag:s22] =	ssyncset.done $0x0  }
0x30f: {  	s10 =	simm.s32 $0x14280;
	[sflag:s22] =	ssyncadd.s32 $0xFFFFC000  }
0x310: {  	[tilespmem:s24], [sflag:$0x1] =	stream.indirect.gather [hbm4b:s5+s20], $0x80, s10, s20, $0xb8;
	[tilespmem:$0x1CC00] =	vst v63  }
0x311: {  	s10 =	simm.s32 $0x14A00  }
0x312: {  	[spmem:s2] =	stream.indirect.scatter.add.f32 [tilespmem:s21], [sflag:$0x2], $0x80, s10, s20, $0xb8;
	[tilespmem:$0x1CC00] =	vst v63  }
0x313: {  	_ =	swait.ge [sflag:s17], $0x4000  }
0x314: {  	[sflag:s17] =	ssyncset.done $0x0  }
0x315: {  	[sflag:s17] =	ssyncadd.s32 $0xFFFFC000  }
0x316: {  	_ =	swait.ge [sflag:s22], $0x4000  }
0x317: {  	[sflag:s22] =	ssyncset.done $0x0  }
0x318: {  	s10 =	simm.s32 $0x14300;
	[sflag:s22] =	ssyncadd.s32 $0xFFFFC000  }
0x319: {  	[tilespmem:s21], [sflag:$0x1] =	stream.indirect.gather [hbm4b:s5+s20], $0x80, s10, s20, $0xb8;
	[tilespmem:$0x1CC00] =	vst v63  }
0x31a: {  	s10 =	simm.s32 $0x14A80  }
0x31b: {  	[spmem:s2] =	stream.indirect.scatter.add.f32 [tilespmem:s24], [sflag:$0x2], $0x80, s10, s20, $0xb8;
	[tilespmem:$0x1CC00] =	vst v63  }
0x31c: {  	_ =	swait.ge [sflag:s17], $0x4000  }
0x31d: {  	[sflag:s17] =	ssyncset.done $0x0  }
0x31e: {  	[sflag:s17] =	ssyncadd.s32 $0xFFFFC000  }
0x31f: {  	_ =	swait.ge [sflag:s22], $0x4000  }
0x320: {  	[sflag:s22] =	ssyncset.done $0x0  }
0x321: {  	s10 =	simm.s32 $0x14380;
	[sflag:s22] =	ssyncadd.s32 $0xFFFFC000  }
0x322: {  	[tilespmem:s24], [sflag:$0x1] =	stream.indirect.gather [hbm4b:s5+s20], $0x80, s10, s20, $0xb8;
	[tilespmem:$0x1CC00] =	vst v63  }
0x323: {  	s10 =	simm.s32 $0x14B00  }
0x324: {  	[spmem:s2] =	stream.indirect.scatter.add.f32 [tilespmem:s21], [sflag:$0x2], $0x80, s10, s20, $0xb8;
	[tilespmem:$0x1CC00] =	vst v63  }
0x325: {  	_ =	swait.ge [sflag:s17], $0x4000  }
0x326: {  	[sflag:s17] =	ssyncset.done $0x0  }
0x327: {  	[sflag:s17] =	ssyncadd.s32 $0xFFFFC000  }
0x328: {  	_ =	swait.ge [sflag:s22], $0x4000  }
.Ltmp6:
0x329: {  	[sflag:s22] =	ssyncset.done $0x0;
	(pc) =	sbr.rel @p3 .LBB2_6-.Ltmp6, $4  }
0x32a: {  	s10 =	simm.s32 $0x14B80;
	[sflag:s22] =	ssyncadd.s32 $0xFFFFC000  }
0x32b: {  	[spmem:s2] =	stream.indirect.scatter.add.f32 [tilespmem:s24], [sflag:$0x2], $0x80, s10, s20, $0xb8;
	[tilespmem:$0x1CC00] =	vst v63  }
0x32c: {  	_ =	swait.ge [sflag:s17], $0x4000  }
0x32d: {  	s10 =	smov.u32 s8;
	[sflag:s17] =	ssyncset.done $0x0  }
0x32e: {  	s8 =	sadd.s32 s7, s15;
	[sflag:s17] =	ssyncadd.s32 $0xFFFFC000  }
0x32f: {  	[tilespmem:s18], [sflag:$0x2] =	stream.linear.gather [hbm4b:s8+s3], $0x800, $0x38;
	[tilespmem:$0x1CC00] =	vst v63  }
0x330: {  	_ =	swait.ge [sflag:s17], $0x800  }
0x331: {  	[sflag:s17] =	ssyncset.done $0x0  }
0x332: {  	s10 =	sadd.s32 s7, s14;
	[sflag:s17] =	ssyncadd.s32 $0xFFFFF800  }
0x333: {  	[tilespmem:s19], [sflag:$0x2] =	stream.linear.gather [hbm4b:s10+s3], $0x800, $0x38;
	[tilespmem:$0x1CC00] =	vst v63  }
0x334: {  	_ =	swait.ge [sflag:s17], $0x800  }
0x335: {  	[sflag:s17] =	ssyncset.done $0x0  }
0x336: {  	[sflag:s17] =	ssyncadd.s32 $0xFFFFF800  }
0x337: {  	[tilespmem:s21], [sflag:$0x1] =	stream.indirect.gather [hbm4b:s5+s20], $0x80, s18, s20, $0xb8;
	[tilespmem:$0x1CC00] =	vst v63  }
0x338: {  	_ =	swait.ge [sflag:s22], $0x4000  }
0x339: {  	[sflag:s22] =	ssyncset.done $0x0  }
0x33a: {  	[sflag:s22] =	ssyncadd.s32 $0xFFFFC000  }
0x33b: {  	[tilespmem:s24], [sflag:$0x1] =	stream.indirect.gather [hbm4b:s5+s20], $0x80, s13, s20, $0xb8;
	[tilespmem:$0x1CC00] =	vst v63  }
0x33c: {  	_ = 	snop  }
0x33d: {  	[spmem:s2] =	stream.indirect.scatter.add.f32 [tilespmem:s21], [sflag:$0x2], $0x80, s19, s20, $0xb8;
	[tilespmem:$0x1CC00] =	vst v63  }
0x33e: {  	_ =	swait.ge [sflag:s17], $0x4000  }
0x33f: {  	[sflag:s17] =	ssyncset.done $0x0  }
0x340: {  	[sflag:s17] =	ssyncadd.s32 $0xFFFFC000  }
0x341: {  	_ =	swait.ge [sflag:s22], $0x4000  }
0x342: {  	[sflag:s22] =	ssyncset.done $0x0  }
0x343: {  	[sflag:s22] =	ssyncadd.s32 $0xFFFFC000  }
0x344: {  	[tilespmem:s21], [sflag:$0x1] =	stream.indirect.gather [hbm4b:s5+s20], $0x80, s9, s20, $0xb8;
	[tilespmem:$0x1CC00] =	vst v63  }
0x345: {  	_ = 	snop  }
0x346: {  	[spmem:s2] =	stream.indirect.scatter.add.f32 [tilespmem:s24], [sflag:$0x2], $0x80, s23, s20, $0xb8;
	[tilespmem:$0x1CC00] =	vst v63  }
0x347: {  	_ =	swait.ge [sflag:s17], $0x4000  }
0x348: {  	[sflag:s17] =	ssyncset.done $0x0  }
0x349: {  	[sflag:s17] =	ssyncadd.s32 $0xFFFFC000  }
0x34a: {  	_ =	swait.ge [sflag:s22], $0x4000  }
0x34b: {  	[sflag:s22] =	ssyncset.done $0x0  }
0x34c: {  	[sflag:s22] =	ssyncadd.s32 $0xFFFFC000  }
0x34d: {  	[tilespmem:s24], [sflag:$0x1] =	stream.indirect.gather [hbm4b:s5+s20], $0x80, s26, s20, $0xb8;
	[tilespmem:$0x1CC00] =	vst v63  }
0x34e: {  	_ = 	snop  }
0x34f: {  	[spmem:s2] =	stream.indirect.scatter.add.f32 [tilespmem:s21], [sflag:$0x2], $0x80, s28, s20, $0xb8;
	[tilespmem:$0x1CC00] =	vst v63  }
0x350: {  	_ =	swait.ge [sflag:s17], $0x4000  }
0x351: {  	[sflag:s17] =	ssyncset.done $0x0  }
0x352: {  	[sflag:s17] =	ssyncadd.s32 $0xFFFFC000  }
0x353: {  	_ =	swait.ge [sflag:s22], $0x4000  }
0x354: {  	[sflag:s22] =	ssyncset.done $0x0  }
0x355: {  	[sflag:s22] =	ssyncadd.s32 $0xFFFFC000  }
0x356: {  	[tilespmem:s21], [sflag:$0x1] =	stream.indirect.gather [hbm4b:s5+s20], $0x80, s29, s20, $0xb8;
	[tilespmem:$0x1CC00] =	vst v63  }
0x357: {  	_ = 	snop  }
0x358: {  	[spmem:s2] =	stream.indirect.scatter.add.f32 [tilespmem:s24], [sflag:$0x2], $0x80, s30, s20, $0xb8;
	[tilespmem:$0x1CC00] =	vst v63  }
0x359: {  	_ =	swait.ge [sflag:s17], $0x4000  }
0x35a: {  	[sflag:s17] =	ssyncset.done $0x0  }
0x35b: {  	[sflag:s17] =	ssyncadd.s32 $0xFFFFC000  }
0x35c: {  	_ =	swait.ge [sflag:s22], $0x4000  }
0x35d: {  	[sflag:s22] =	ssyncset.done $0x0  }
0x35e: {  	[sflag:s22] =	ssyncadd.s32 $0xFFFFC000  }
0x35f: {  	[tilespmem:s24], [sflag:$0x1] =	stream.indirect.gather [hbm4b:s5+s20], $0x80, s31, s20, $0xb8;
	[tilespmem:$0x1CC00] =	vst v63  }
0x360: {  	_ = 	snop  }
0x361: {  	[spmem:s2] =	stream.indirect.scatter.add.f32 [tilespmem:s21], [sflag:$0x2], $0x80, s0, s20, $0xb8;
	[tilespmem:$0x1CC00] =	vst v63  }
0x362: {  	_ =	swait.ge [sflag:s17], $0x4000  }
0x363: {  	[sflag:s17] =	ssyncset.done $0x0  }
0x364: {  	[sflag:s17] =	ssyncadd.s32 $0xFFFFC000  }
0x365: {  	_ =	swait.ge [sflag:s22], $0x4000  }
0x366: {  	[sflag:s22] =	ssyncset.done $0x0  }
0x367: {  	[sflag:s22] =	ssyncadd.s32 $0xFFFFC000  }
0x368: {  	[tilespmem:s21], [sflag:$0x1] =	stream.indirect.gather [hbm4b:s5+s20], $0x80, s1, s20, $0xb8;
	[tilespmem:$0x1CC00] =	vst v63  }
0x369: {  	_ = 	snop  }
0x36a: {  	[spmem:s2] =	stream.indirect.scatter.add.f32 [tilespmem:s24], [sflag:$0x2], $0x80, s11, s20, $0xb8;
	[tilespmem:$0x1CC00] =	vst v63  }
0x36b: {  	_ =	swait.ge [sflag:s17], $0x4000  }
0x36c: {  	[sflag:s17] =	ssyncset.done $0x0  }
0x36d: {  	[sflag:s17] =	ssyncadd.s32 $0xFFFFC000  }
0x36e: {  	_ =	swait.ge [sflag:s22], $0x4000  }
0x36f: {  	[sflag:s22] =	ssyncset.done $0x0  }
0x370: {  	[sflag:s22] =	ssyncadd.s32 $0xFFFFC000  }
0x371: {  	[tilespmem:s24], [sflag:$0x1] =	stream.indirect.gather [hbm4b:s5+s20], $0x80, s12, s20, $0xb8;
	[tilespmem:$0x1CC00] =	vst v63  }
0x372: {  	_ = 	snop  }
0x373: {  	[spmem:s2] =	stream.indirect.scatter.add.f32 [tilespmem:s21], [sflag:$0x2], $0x80, s25, s20, $0xb8;
	[tilespmem:$0x1CC00] =	vst v63  }
0x374: {  	_ =	swait.ge [sflag:s17], $0x4000  }
0x375: {  	[sflag:s17] =	ssyncset.done $0x0  }
0x376: {  	[sflag:s17] =	ssyncadd.s32 $0xFFFFC000  }
0x377: {  	_ =	swait.ge [sflag:s22], $0x4000  }
0x378: {  	[sflag:s22] =	ssyncset.done $0x0  }
0x379: {  	[sflag:s22] =	ssyncadd.s32 $0xFFFFC000  }
0x37a: {  	[tilespmem:s21], [sflag:$0x1] =	stream.indirect.gather [hbm4b:s5+s20], $0x80, s6, s20, $0xb8;
	[tilespmem:$0x1CC00] =	vst v63  }
0x37b: {  	s12 =	simm.s32 $0x14780  }
0x37c: {  	[spmem:s2] =	stream.indirect.scatter.add.f32 [tilespmem:s24], [sflag:$0x2], $0x80, s12, s20, $0xb8;
	[tilespmem:$0x1CC00] =	vst v63  }
0x37d: {  	_ =	swait.ge [sflag:s17], $0x4000  }
0x37e: {  	[sflag:s17] =	ssyncset.done $0x0  }
0x37f: {  	[sflag:s17] =	ssyncadd.s32 $0xFFFFC000  }
0x380: {  	_ =	swait.ge [sflag:s22], $0x4000  }
0x381: {  	[sflag:s22] =	ssyncset.done $0x0  }
0x382: {  	[sflag:s22] =	ssyncadd.s32 $0xFFFFC000  }
0x383: {  	[tilespmem:s24], [sflag:$0x1] =	stream.indirect.gather [hbm4b:s5+s20], $0x80, s16, s20, $0xb8;
	[tilespmem:$0x1CC00] =	vst v63  }
0x384: {  	s16 =	simm.s32 $0x14800  }
0x385: {  	[spmem:s2] =	stream.indirect.scatter.add.f32 [tilespmem:s21], [sflag:$0x2], $0x80, s16, s20, $0xb8;
	[tilespmem:$0x1CC00] =	vst v63  }
0x386: {  	_ =	swait.ge [sflag:s17], $0x4000  }
0x387: {  	[sflag:s17] =	ssyncset.done $0x0  }
0x388: {  	[sflag:s17] =	ssyncadd.s32 $0xFFFFC000  }
0x389: {  	_ =	swait.ge [sflag:s22], $0x4000  }
0x38a: {  	[sflag:s22] =	ssyncset.done $0x0  }
0x38b: {  	s23 =	simm.s32 $0x14100;
	[sflag:s22] =	ssyncadd.s32 $0xFFFFC000  }
0x38c: {  	[tilespmem:s21], [sflag:$0x1] =	stream.indirect.gather [hbm4b:s5+s20], $0x80, s23, s20, $0xb8;
	[tilespmem:$0x1CC00] =	vst v63  }
0x38d: {  	s25 =	simm.s32 $0x14880  }
0x38e: {  	[spmem:s2] =	stream.indirect.scatter.add.f32 [tilespmem:s24], [sflag:$0x2], $0x80, s25, s20, $0xb8;
	[tilespmem:$0x1CC00] =	vst v63  }
0x38f: {  	_ =	swait.ge [sflag:s17], $0x4000  }
0x390: {  	[sflag:s17] =	ssyncset.done $0x0  }
0x391: {  	[sflag:s17] =	ssyncadd.s32 $0xFFFFC000  }
0x392: {  	_ =	swait.ge [sflag:s22], $0x4000  }
0x393: {  	[sflag:s22] =	ssyncset.done $0x0  }
0x394: {  	s26 =	simm.s32 $0x14180;
	[sflag:s22] =	ssyncadd.s32 $0xFFFFC000  }
0x395: {  	[tilespmem:s24], [sflag:$0x1] =	stream.indirect.gather [hbm4b:s5+s20], $0x80, s26, s20, $0xb8;
	[tilespmem:$0x1CC00] =	vst v63  }
0x396: {  	s1 =	simm.s32 $0x14900  }
0x397: {  	[spmem:s2] =	stream.indirect.scatter.add.f32 [tilespmem:s21], [sflag:$0x2], $0x80, s1, s20, $0xb8;
	[tilespmem:$0x1CC00] =	vst v63  }
0x398: {  	_ =	swait.ge [sflag:s17], $0x4000  }
0x399: {  	[sflag:s17] =	ssyncset.done $0x0  }
0x39a: {  	[sflag:s17] =	ssyncadd.s32 $0xFFFFC000  }
0x39b: {  	_ =	swait.ge [sflag:s22], $0x4000  }
0x39c: {  	[sflag:s22] =	ssyncset.done $0x0  }
0x39d: {  	s6 =	simm.s32 $0x14200;
	[sflag:s22] =	ssyncadd.s32 $0xFFFFC000  }
0x39e: {  	[tilespmem:s21], [sflag:$0x1] =	stream.indirect.gather [hbm4b:s5+s20], $0x80, s6, s20, $0xb8;
	[tilespmem:$0x1CC00] =	vst v63  }
0x39f: {  	s7 =	simm.s32 $0x14980  }
0x3a0: {  	[spmem:s2] =	stream.indirect.scatter.add.f32 [tilespmem:s24], [sflag:$0x2], $0x80, s7, s20, $0xb8;
	[tilespmem:$0x1CC00] =	vst v63  }
0x3a1: {  	_ =	swait.ge [sflag:s17], $0x4000  }
0x3a2: {  	[sflag:s17] =	ssyncset.done $0x0  }
0x3a3: {  	[sflag:s17] =	ssyncadd.s32 $0xFFFFC000  }
0x3a4: {  	_ =	swait.ge [sflag:s22], $0x4000  }
0x3a5: {  	[sflag:s22] =	ssyncset.done $0x0  }
0x3a6: {  	s8 =	simm.s32 $0x14280;
	[sflag:s22] =	ssyncadd.s32 $0xFFFFC000  }
0x3a7: {  	[tilespmem:s24], [sflag:$0x1] =	stream.indirect.gather [hbm4b:s5+s20], $0x80, s8, s20, $0xb8;
	[tilespmem:$0x1CC00] =	vst v63  }
0x3a8: {  	s9 =	simm.s32 $0x14A00  }
0x3a9: {  	[spmem:s2] =	stream.indirect.scatter.add.f32 [tilespmem:s21], [sflag:$0x2], $0x80, s9, s20, $0xb8;
	[tilespmem:$0x1CC00] =	vst v63  }
0x3aa: {  	_ =	swait.ge [sflag:s17], $0x4000  }
0x3ab: {  	[sflag:s17] =	ssyncset.done $0x0  }
0x3ac: {  	[sflag:s17] =	ssyncadd.s32 $0xFFFFC000  }
0x3ad: {  	_ =	swait.ge [sflag:s22], $0x4000  }
0x3ae: {  	[sflag:s22] =	ssyncset.done $0x0  }
0x3af: {  	s10 =	simm.s32 $0x14300;
	[sflag:s22] =	ssyncadd.s32 $0xFFFFC000  }
0x3b0: {  	[tilespmem:s21], [sflag:$0x1] =	stream.indirect.gather [hbm4b:s5+s20], $0x80, s10, s20, $0xb8;
	[tilespmem:$0x1CC00] =	vst v63  }
0x3b1: {  	s11 =	simm.s32 $0x14A80  }
0x3b2: {  	[spmem:s2] =	stream.indirect.scatter.add.f32 [tilespmem:s24], [sflag:$0x2], $0x80, s11, s20, $0xb8;
	[tilespmem:$0x1CC00] =	vst v63  }
0x3b3: {  	_ =	swait.ge [sflag:s17], $0x4000  }
0x3b4: {  	[sflag:s17] =	ssyncset.done $0x0  }
0x3b5: {  	[sflag:s17] =	ssyncadd.s32 $0xFFFFC000  }
0x3b6: {  	_ =	swait.ge [sflag:s22], $0x4000  }
0x3b7: {  	[sflag:s22] =	ssyncset.done $0x0  }
0x3b8: {  	s12 =	simm.s32 $0x14380;
	[sflag:s22] =	ssyncadd.s32 $0xFFFFC000  }
0x3b9: {  	[tilespmem:s24], [sflag:$0x1] =	stream.indirect.gather [hbm4b:s5+s20], $0x80, s12, s20, $0xb8;
	[tilespmem:$0x1CC00] =	vst v63  }
0x3ba: {  	s16 =	simm.s32 $0x14B00  }
0x3bb: {  	[spmem:s2] =	stream.indirect.scatter.add.f32 [tilespmem:s21], [sflag:$0x2], $0x80, s16, s20, $0xb8;
	[tilespmem:$0x1CC00] =	vst v63  }
0x3bc: {  	_ =	swait.ge [sflag:s17], $0x4000  }
0x3bd: {  	[sflag:s17] =	ssyncset.done $0x0  }
0x3be: {  	[sflag:s17] =	ssyncadd.s32 $0xFFFFC000  }
0x3bf: {  	_ =	swait.ge [sflag:s22], $0x4000  }
0x3c0: {  	[sflag:s22] =	ssyncset.done $0x0  }
0x3c1: {  	s23 =	simm.s32 $0x14B80;
	[sflag:s22] =	ssyncadd.s32 $0xFFFFC000  }
0x3c2: {  	[spmem:s2] =	stream.indirect.scatter.add.f32 [tilespmem:s24], [sflag:$0x2], $0x80, s23, s20, $0xb8;
	[tilespmem:$0x1CC00] =	vst v63  }
0x3c3: {  	_ =	swait.ge [sflag:s17], $0x4000  }
0x3c4: {  	[sflag:s17] =	ssyncset.done $0x0  }
0x3c5: {  	[sflag:s17] =	ssyncadd.s32 $0xFFFFC000  }
0x3c6: {  	[bflag:$0x0] =	sbarrier.arrive $0xFFFF  }
0x3c7: {  	s28 =	simm.s32 $0x13E00;
	s29 =	simm.s32 $0x14580;
	s25 =	rddreg [dreg:$0x8]  }
0x3c8: {  	s30 =	simm.s32 $0x13E80;
	s0 =	simm.s32 $0x14600;
	s16 =	rddreg [dreg:$0x7]  }
0x3c9: {  	s1 =	simm.s32 $0x13F00;
	s26 =	rddreg [dreg:$0x9];
	s7 =	sshrl.u32 s25, $0x3  }
0x3ca: {  	[hbm:s26], [sflag:s16] =	dma.local [spmem:s7], $0x2700  }
.Ltmp7:
0x3cb: {  	s6 =	simm.s32 $0x14000;
	s9 =	simm.s32 $0x13D00;
	(pc) =	sbr.rel @p2 .LBB2_9-.Ltmp7, $4  }
.Ltmp8:
0x3cc: {  	s10 =	simm.s32 $0x14480;
	s11 =	simm.s32 $0x14680;
	(pc) =	sbr.rel @!p2 .LBB2_8-.Ltmp8, $4  }
0x3cd: {  	s12 =	simm.s32 $0x13F80;
	s23 =	simm.s32 $0x13D80;
	_ =	swait.ge [sflag:s17], $0x2700  }
0x3ce: {  	s25 =	simm.s32 $0x14700;
	[sflag:s17] =	ssyncset.done $0x0;
	s7 =	rddreg [dreg:$0x5]  }
0x3cf: {  	s26 =	simm.s32 $0x14500;
	s31 =	rddreg [dreg:$0xe];
	[sflag:s17] =	ssyncadd.s32 $0xFFFFD900  }
0x3d0: {  	_ = 	snop  }
.LBB2_10:
0x3d1: {  	_ =	sfence.sel $0x180000  }
0x3d2: {  	[bflag:$0x0] =	sbarrier.arrive $0xFFFF  }
0x3d3: {  	_ =	strace $0x9000004D  }
0x3d4: {  	s0 =	stileid.u32;
	[bflag:$0x2] =	sbarrier.arrive $0xFFFF  }
0x3d5: {  	p0 =	sne.s32 s0, $0x0;
	s0 =	rddreg [dreg:$0x3]  }
0x3d6: {  	s0 =	sadd.s32 @!p0 $0x100000, s0  }
0x3d7: {  	[sflag:s0] =	ssyncadd.tile.s32 @!p0 $0x1;
	_ =	shalt  }
.Lfunc_end2:
_tile_overlayer_lowered:
.L_overlay_start_2:
0x3d8: {  	(tag) =	ssettag $0x2  }
0x3d9: {  	s0 =	rddreg [dreg:$0x0];
	s2 =	stileid.u32  }
0x3da: {  	s1 =	rddreg [dreg:$0x1];
	p0 =	sne.s32 s2, $0x0  }
0x3db: {  	s3 =	rddreg [dreg:$0x2];
	[bflag:$0x3] =	sbarrier.arrive $0xFFFF;
	s2 =	simm.s32 @!p0 $0x1C02  }
0x3dc: {  	[timem:s3], [sflag:s2] =	dma.local @!p0 [hbm:s0], s1  }
0x3dd: {  	s0 =	simm.s32 @!p0 $0x2  }
0x3de: {  	_ =	swait.ge @!p0 [sflag:s0], s1  }
0x3df: {  	s1 =	ssub.s32 @!p0 $0x0, s1;
	[sflag:s0] =	ssyncset.done @!p0 $0x0  }
0x3e0: {  	[sflag:s0] =	ssyncadd.s32 @!p0 s1  }
0x3e1: {  	[bflag:$0x3] =	sbarrier.arrive $0xFFFF  }
0x3e2: {  	_ =	shalt  }

// kernel: kernel.9.cloned.1.call-start
scs
__scs_entry_jumppad:
0x0: {  	(pc) =	sbr.rel $0x88, $3  }
0x1: {  	(tag) =	ssettag $0x0;
	lr =	simm.s32 $0x1  }
0x2: {  	[smem:$0x3F98] =	sst lr;
	_ =	strace $0xD0000000  }
0x3: {  	_ = 	snop  }
0x4: {  	_ = 	snop  }
0x5: {  	_ = 	snop  }
0x6: {  	_ = 	snop  }
0x7: {  	_ = 	snop  }
__scs_overlays_trampoline_lowered:
0x8: {  	[smem:$0x3FA7] =	sst s0  }
0x9: {  	[smem:$0x3FA8] =	sst s1  }
0xa: {  	[smem:$0x3FA9] =	sst s2  }
0xb: {  	[smem:$0x3FAA] =	sst s3  }
0xc: {  	[smem:$0x3FAB] =	sst s4  }
0xd: {  	[smem:$0x3FAC] =	sst s5  }
0xe: {  	[smem:$0x3FAD] =	sst s6  }
0xf: {  	[smem:$0x3FAE] =	sst s7  }
0x10: {  	[smem:$0x3FAF] =	sst s8  }
0x11: {  	[smem:$0x3FB0] =	sst s9;
	s0 =	simm.s32 @!p0 $0x0  }
0x12: {  	s1 =	sld [smem:$0x3F96];
	s0 =	simm.s32 @p0 $0x1  }
0x13: {  	[smem:$0x3FB1] =	sst s0;
	s0 =	simm.s32 @!p1 $0x0  }
0x14: {  	s2 =	sld [smem:$0x3F95];
	s0 =	simm.s32 @p1 $0x1  }
0x15: {  	[smem:$0x3FB2] =	sst s0;
	s0 =	simm.s32 @!p2 $0x0  }
0x16: {  	s3 =	sld [smem:$0x3FDB];
	s0 =	simm.s32 @p2 $0x1  }
0x17: {  	s4 =	simm.s32 $0x1BF5;
	[smem:$0x3FB4] =	sst s0  }
0x18: {  	s0 =	sld [smem:$0x3F97];
	_ =	swait.ge [sflag:s4], $0x0  }
0x19: {  	s7 =	sld [smem:$0x3F98]  }
0x1a: {  	s8 =	sadd.s32 $0xFFFFE003, lr  }
0x1b: {  	s9 =	sadd.s32 $0xFFFFFEF7, lr;
	s5 =	simm.s32 $0xFFFFFFFF;
	p2 =	slt.u32 s8, $0xFFFFF086  }
0x1c: {  	p1 =	slt.u32 s9, $0xF7A;
	s5 =	simm.s32 @!p2 $0x0  }
0x1d: {  	s5 =	simm.s32 @p1 $0x1;
	p0 =	seq.s32 s7, s2  }
0x1e: {  	s7 =	smul.u32 @!p0 $0xF7A, s2;
	p2 =	seq.s32 @!p0 s5, $0x0  }
0x1f: {  	s9 =	smul.u32 $0xF7A, s1;
	s8 =	simm.s32 @!p0 $0x1BF5;
	p2 =	por !p2, p0  }
0x20: {  	[sflag:s8] =	ssyncset.s32 @!p0 $0xFFFFF086;
	s6 =	sadd.s32 @!p0 s3, s7;
	s7 =	simm.s32 @!p0 $0x108  }
0x21: {  	s3 =	sadd.s32 s3, s9;
	s6 =	sadd.s32 @!p0 $0x88, s6;
	s7 =	simm.s32 @p2 $0x1082  }
0x22: {  	[simem:s7], [sflag:s8] =	dma.local @!p0 [hbm:s6], $0xF7A  }
0x23: {  	s9 =	sor.u32 $0xD0000000, s2;
	s6 =	simm.s32 $0x108;
	_ =	swait.ge @!p0 [sflag:s8], $0x0  }
0x24: {  	s3 =	sadd.s32 $0x88, s3;
	s6 =	simm.s32 @!p1 $0x1082;
	[sflag:s4] =	ssyncset.s32 $0xFFFFF086  }
0x25: {  	[simem:s6], [sflag:s4] =	dma.local [hbm:s3], $0xF7A  }
0x26: {  	[smem:$0x3F98] =	sst s1;
	(tag) =	ssettag s2;
	_ =	strace s9  }
0x27: {  	s1 =	sld [smem:$0x3FA8]  }
0x28: {  	s2 =	sld [smem:$0x3FA9]  }
0x29: {  	s4 =	sld [smem:$0x3FAB]  }
0x2a: {  	p0 =	seq.s32 s5, $0x0;
	s5 =	sld [smem:$0x3FAC]  }
0x2b: {  	s6 =	sld [smem:$0x3FAD]  }
0x2c: {  	s7 =	sld [smem:$0x3FAE]  }
0x2d: {  	s3 =	simm.s32 $0x108;
	s8 =	sld [smem:$0x3FAF]  }
0x2e: {  	s3 =	simm.s32 @!p0 $0x1082;
	s9 =	sld [smem:$0x3FB0]  }
0x2f: {  	lr =	sadd.s32 s0, s3;
	s0 =	sld [smem:$0x3FA7]  }
0x30: {  	s3 =	sld [smem:$0x3FAA]  }
0x31: {  	[smem:$0x3FB3] =	sst s10  }
0x32: {  	s10 =	sld [smem:$0x3FB1];
	_ =	sdelay $0x3  }
0x33: {  	p0 =	seq.s32 s10, $0x1;
	s10 =	sld [smem:$0x3FB3];
	_ =	sdelay $0x3  }
0x34: {  	[smem:$0x3FB3] =	sst s10  }
0x35: {  	s10 =	sld [smem:$0x3FB2];
	_ =	sdelay $0x3  }
0x36: {  	p1 =	seq.s32 s10, $0x1;
	s10 =	sld [smem:$0x3FB3];
	_ =	sdelay $0x3  }
0x37: {  	[smem:$0x3FB3] =	sst s10  }
0x38: {  	s10 =	sld [smem:$0x3FB4]  }
0x39: {  	_ = 	snop;
	(pc) =	sbr.ind lr, $3  }
0x3a: {  	_ = 	snop  }
0x3b: {  	_ = 	snop  }
0x3c: {  	p2 =	seq.s32 s10, $0x1;
	s10 =	sld [smem:$0x3FB3]  }
0x3d: {  	_ =	shalt  }
0x3e: {  	_ =	shalt  }
0x3f: {  	_ =	shalt  }
0x40: {  	_ =	shalt  }
0x41: {  	_ =	shalt  }
0x42: {  	_ =	shalt  }
0x43: {  	_ =	shalt  }
0x44: {  	_ =	shalt  }
0x45: {  	_ =	shalt  }
0x46: {  	_ =	shalt  }
0x47: {  	_ =	shalt  }
0x48: {  	_ =	shalt  }
0x49: {  	_ =	shalt  }
0x4a: {  	_ =	shalt  }
0x4b: {  	_ =	shalt  }
0x4c: {  	_ =	shalt  }
0x4d: {  	_ =	shalt  }
0x4e: {  	_ =	shalt  }
0x4f: {  	_ =	shalt  }
0x50: {  	_ =	shalt  }
0x51: {  	_ =	shalt  }
0x52: {  	_ =	shalt  }
0x53: {  	_ =	shalt  }
0x54: {  	_ =	shalt  }
0x55: {  	_ =	shalt  }
0x56: {  	_ =	shalt  }
0x57: {  	_ =	shalt  }
0x58: {  	_ =	shalt  }
0x59: {  	_ =	shalt  }
0x5a: {  	_ =	shalt  }
0x5b: {  	_ =	shalt  }
0x5c: {  	_ =	shalt  }
0x5d: {  	_ =	shalt  }
0x5e: {  	_ =	shalt  }
0x5f: {  	_ =	shalt  }
0x60: {  	_ =	shalt  }
0x61: {  	_ =	shalt  }
0x62: {  	_ =	shalt  }
0x63: {  	_ =	shalt  }
0x64: {  	_ =	shalt  }
0x65: {  	_ =	shalt  }
0x66: {  	_ =	shalt  }
0x67: {  	_ =	shalt  }
0x68: {  	_ =	shalt  }
0x69: {  	_ =	shalt  }
0x6a: {  	_ =	shalt  }
0x6b: {  	_ =	shalt  }
0x6c: {  	_ =	shalt  }
0x6d: {  	_ =	shalt  }
0x6e: {  	_ =	shalt  }
0x6f: {  	_ =	shalt  }
0x70: {  	_ =	shalt  }
0x71: {  	_ =	shalt  }
0x72: {  	_ =	shalt  }
0x73: {  	_ =	shalt  }
0x74: {  	_ =	shalt  }
0x75: {  	_ =	shalt  }
0x76: {  	_ =	shalt  }
0x77: {  	_ =	shalt  }
0x78: {  	_ =	shalt  }
0x79: {  	_ =	shalt  }
0x7a: {  	_ =	shalt  }
0x7b: {  	_ =	shalt  }
0x7c: {  	_ =	shalt  }
0x7d: {  	_ =	shalt  }
0x7e: {  	_ =	shalt  }
0x7f: {  	_ =	shalt  }
0x80: {  	_ =	shalt  }
0x81: {  	_ =	shalt  }
0x82: {  	_ =	shalt  }
0x83: {  	_ =	shalt  }
0x84: {  	_ =	shalt  }
0x85: {  	_ =	shalt  }
0x86: {  	_ =	shalt  }
0x87: {  	_ =	shalt  }
.Lfunc_end0:
.L_simem_size_0:
called_computation_lowered:
.L_overlay_start_0:
0x88: {  	s2 =	sld [smem:$0x3FD9]  }
0x89: {  	s3 =	sld [smem:$0x3FFE];
	_ =	sdelay $0x1  }
0x8a: {  	s1 =	srdreg.scid  }
0x8b: {  	s0 =	sand.u32 $0x1, s1  }
0x8c: {  	s17 =	sshll.u32 s0, $0xA;
	s2 =	sadd.s32 s3, s2  }
0x8d: {  	s2 =	sadd.s32 s2, s17  }
0x8e: {  	[smem:$0x3FBF] =	sst s2  }
0x8f: {  	_ = 	snop  }
0x90: {  	s2 =	sld [smem:$0x3FD0];
	(tm) =	ssettm $0x1  }
0x91: {  	s18 =	sld [smem:$0x3FFB];
	_ =	sdelay $0x3  }
0x92: {  	_ =	strace s18  }
0x93: {  	s3 =	sld [smem:$0x3FFC];
	_ =	sdelay $0x3  }
0x94: {  	_ =	strace s3  }
0x95: {  	s3 =	sld [smem:$0x3FFD];
	_ =	sdelay $0x3  }
0x96: {  	_ =	strace s3  }
0x97: {  	_ =	strace $0x8FFFFFFF  }
0x98: {  	s19 =	sld [smem:$0x3FDB];
	_ =	sdelay $0x1  }
0x99: {  	s4 =	simm.s32 $_scs_section_size  }
0x9a: {  	s5 =	simm.s32 $_size__tile_overlayer_lowered;
	s6 =	simm.s32 $_tile_overlayer_lowered  }
0x9b: {  	s22 =	simm.s32 $0x1BFF;
	s21 =	sshll.u32 s6, $0x1;
	s3 =	sadd.s32 s4, s19  }
0x9c: {  	s7 =	simm.s32 $0x0;
	s20 =	sshll.u32 s5, $0x1;
	s5 =	sadd.s32 s21, s3  }
0x9d: {  	[timem:s7], [sflag:s22] =	dma.local [hbm:s5], s20  }
0x9e: {  	_ =	swait.ge [sflag:s22], s20  }
0x9f: {  	s4 =	ssub.s32 $0x0, s20;
	[sflag:s22] =	ssyncset.done $0x0  }
0xa0: {  	[sflag:s22] =	ssyncadd.s32 s4;
	_ =	sdelay $0x1  }
0xa1: {  	s23 =	simm.s32 $0x1B8B  }
0xa2: {  	_ =	swait.ge [sflag:s23], $0x1  }
0xa3: {  	[sflag:s23] =	ssyncset.done $0x0  }
0xa4: {  	s25 =	simm.s32 $0x1B8E;
	s24 =	sld [smem:$0x3FFE];
	[sflag:s23] =	ssyncadd.s32 $0xFFFFFFFF  }
0xa5: {  	s26 =	simm.s32 $execute0_lowered;
	[smem:$0x3FD2] =	sst s25  }
0xa6: {  	s5 =	sshll.u32 s26, $0x1;
	_ =	strace $0x80000046;
	[dreg:$0x1] =	wrdreg $0xFFFFFFFF  }
0xa7: {  	s28 =	simm.s32 $_size_execute0_lowered;
	s3 =	sadd.s32 s3, s5;
	[dreg:$0x0] =	wrdreg $0x0  }
0xa8: {  	s5 =	sshll.u32 s28, $0x1;
	[dreg:$0x2] =	wrdreg s3  }
0xa9: {  	[dreg:$0x3] =	wrdreg s5  }
0xaa: {  	[dreg:$0x4] =	wrdreg $0xC0  }
0xab: {  	_ =	task [dreg:s7], $0x5FFFF  }
0xac: {  	[dreg:$0x1] =	wrdreg $0xFFFFFFFF  }
0xad: {  	[dreg:$0x0] =	wrdreg $0x60  }
0xae: {  	[dreg:$0x2] =	wrdreg s24  }
0xaf: {  	[dreg:$0x3] =	wrdreg s2  }
0xb0: {  	[dreg:$0x4] =	wrdreg $0x0  }
0xb1: {  	[dreg:$0x5] =	wrdreg $0x9  }
0xb2: {  	_ =	task.clear_ibuf [dreg:s7], $0x6FFFF;
	_ =	strace $0x90000046  }
0xb3: {  	s29 =	simm.s32 $0x9;
	_ =	strace $0x80000048  }
0xb4: {  	_ =	swait.ge [sflag:s29], $0x1  }
0xb5: {  	[sflag:s29] =	ssyncadd.s32 $0xFFFFFFFF  }
0xb6: {  	_ =	strace $0x90000048  }
0xb7: {  	_ =	sfence  }
0xb8: {  	s30 =	sld [smem:$0x0];
	_ =	sdelay $0x2  }
0xb9: {  	s31 =	sshll.u32 s1, $0xD;
	s1 =	sshrl.u32 s1, $0x2  }
0xba: {  	s3 =	sand.u32 $0x4000, s31;
	s1 =	sadd.s32 s1, s30  }
0xbb: {  	s0 =	sor.u32 s3, s0;
	s1 =	sshll.u32 s1, $0x11  }
0xbc: {  	s0 =	sor.u32 s1, s0  }
0xbd: {  	s0 =	sadd.s32 $0x8F2B, s0  }
0xbe: {  	[sflag:s0] =	ssyncadd.remote.s32 $0x1  }
0xbf: {  	_ =	sfence.sel $0xFFFF  }
0xc0: {  	[dreg:$0x0] =	wrdreg $0xFFFFFFFF;
	(pc) =	sbr.abs _section_cstart, $3  }
0xc1: {  	[dreg:$0x1] =	wrdreg $0xFFFFFFFF  }
0xc2: {  	_ =	task.clear_ibuf [dreg:s7], $0x2FFFF;
	_ =	strace $0x9FFFFFFF  }
0xc3: {  	(tm) =	ssettm $0x7FFFFFFF  }
tec
execute0_lowered:
.L_overlay_start_1:
0x0: {  	(tag) =	ssettag $0x1  }
0x1: {  	s6 =	rddreg [dreg:$0x0]  }
0x2: {  	s7 =	rddreg [dreg:$0x1]  }
0x3: {  	s2 =	rddreg [dreg:$0x2]  }
0x4: {  	s0 =	rddreg [dreg:$0x3];
	s1 =	stileid.u32  }
0x5: {  	s3 =	simm.s32 $0x0;
	s5 =	srdreg.scid;
	s4 =	smul.u32 $0x500, s1  }
0x6: {  	s17 =	simm.s32 $0x2780;
	s18 =	simm.s32 $0x80;
	s9 =	smul.u32 $0x4F000, s1  }
0x7: {  	s21 =	simm.s32 $0x0;
	[smem:$0x7FF] =	sst s3;
	s12 =	smul.u32 $0x2780, s1  }
0x8: {  	s14 =	sand.u32 $0x1, s5;
	s5 =	sadd.s32 $0x13400, s6;
	s29 =	smul.u32 $0x4E000, s1  }
0x9: {  	s30 =	sshll.u32 s1, $0x6;
	s16 =	smul.u32 $0x2700, s1;
	s20 =	sadd.s32 $0x138000, s2  }
0xa: {  	p1 =	seq.s32 s1, $0xF;
	p2 =	sne.s32 s1, $0xF;
	_ =	strace $0x80000047  }
0xb: {  	s8 =	ssub.s32 $0x2, s14;
	p0 =	sne.s32 s14, $0x0;
	s20 =	sshrl.u32 s20, $0x3  }
0xc: {  	s11 =	sadd.s32 s4, s6;
	s4 =	sadd.s32 $0x12C00, s6;
	s6 =	sadd.s32 $0x3A600, s6  }
0xd: {  	s10 =	sshrl.u32 s8, $0x1;
	s28 =	sshrl.u32 s9, $0x2;
	s7 =	sadd.s32 s7, s12  }
.Ltmp0:
0xe: {  	s31 =	sshrl.u32 s29, $0x2;
	s12 =	sadd.s32 s5, s16;
	(pc) =	sbr.rel .LBB2_1-.Ltmp0, $4  }
0xf: {  	s13 =	ssub.s32 s8, s10;
	s15 =	sadd.s32 s28, s2;
	s8 =	sor.u32 $0x1C01, s30  }
0x10: {  	s9 =	sadd.s32 $0xDC00, s11;
	s19 =	sadd.s32 s31, s2;
	s10 =	sadd.s32 s6, s16  }
0x11: {  	s11 =	sadd.s32 $0x3C00, s11;
	s16 =	simm.s32 $0x4F80;
	s13 =	smax.u32 s13, $0x1  }
0x12: {  	s14 =	sshrl.u32 s15, $0x3;
	s15 =	simm.s32 $0x1;
	s19 =	sshrl.u32 s19, $0x3  }
.LBB2_8:
0x13: {  	s22 =	sadd.s32 $0x27000, s22  }
0x14: {  	[hbm:s22], [sflag:s8] =	dma.local [spmem:s20], $0x100  }
0x15: {  	_ =	swait.ge [sflag:s15], $0x100  }
0x16: {  	[sflag:s15] =	ssyncset.done $0x0  }
0x17: {  	[sflag:s15] =	ssyncadd.s32 $0xFFFFFF00  }
.LBB2_9:
0x18: {  	s21 =	sadd.s32 $0x1, s21  }
0x19: {  	p3 =	sne.s32 s21, s13  }
.Ltmp1:
0x1a: {  	_ = 	snop;
	(pc) =	sbr.rel @!p3 .LBB2_10-.Ltmp1, $1  }
0x1b: {  	_ =	sdelay $0x3  }
.LBB2_1:
0x1c: {  	[spmem:s14], [sflag:s8] =	dma.local [hbm:s7], $0x2780  }
0x1d: {  	_ =	swait.ge [sflag:s15], $0x2780  }
0x1e: {  	[sflag:s15] =	ssyncset.done $0x0  }
.Ltmp2:
0x1f: {  	[sflag:s15] =	ssyncadd.s32 $0xFFFFD880;
	(pc) =	sbr.rel @p0 .LBB2_5-.Ltmp2, $4  }
0x20: {  	[tilespmem:s16], [sflag:$0x1] =	stream.linear.gather [hbm4b:s4+s3], $0x4000, $0x38;
	[tilespmem:$0x8F80] =	vst v63  }
0x21: {  	_ =	swait.ge [sflag:s15], $0x4000  }
0x22: {  	[sflag:s15] =	ssyncset.done $0x0  }
0x23: {  	s22 =	simm.s32 $0x0;
	[sflag:s15] =	ssyncadd.s32 $0xFFFFC000  }
0x24: {  	[tilespmem:s17], [sflag:$0x1] =	stream.linear.gather [hbm4b:s11+s22], $0x2800, $0x38;
	[tilespmem:$0x8F80] =	vst v63  }
0x25: {  	_ =	swait.ge [sflag:s15], $0x2800  }
0x26: {  	[sflag:s15] =	ssyncset.done $0x0  }
0x27: {  	[sflag:s15] =	ssyncadd.s32 $0xFFFFD800  }
0x28: {  	s31 =	simm.s32 $0x2780;
	[bflag:$0x0] =	sbarrier.arrive $0xFFFF  }
0x29: {  	[spmem:s2] =	stream.indirect.scatter.add.f32 [tilespmem:s16], [sflag:$0x1], $0x10, s31, s18, $0xb8;
	[tilespmem:$0x8F80] =	vst v63  }
0x2a: {  	s22 =	simm.s32 $0x200;
	_ =	swait.ge [sflag:s15], $0x800  }
.LBB2_3:
0x2b: {  	s23 =	sshra.s32 s22, $0x2;
	[sflag:s15] =	ssyncset.done $0x0;
	p3 =	sne.s32 s22, $0x9E00  }
.Ltmp3:
0x2c: {  	s23 =	sadd.s32 $0x2780, s23;
	[sflag:s15] =	ssyncadd.s32 $0xFFFFF800;
	(pc) =	sbr.rel @p3 .LBB2_3-.Ltmp3, $3  }
0x2d: {  	[spmem:s2] =	stream.indirect.scatter.add.f32 [tilespmem:s16], [sflag:$0x1], $0x10, s23, s18, $0xb8;
	[tilespmem:$0x8F80] =	vst v63  }
0x2e: {  	s22 =	sadd.s32 $0x200, s22;
	_ =	sdelay $0x1  }
0x2f: {  	_ =	swait.ge [sflag:s15], $0x800  }
0x30: {  	[sflag:s15] =	ssyncset.done $0x0  }
0x31: {  	[sflag:s15] =	ssyncadd.s32 $0xFFFFF800  }
0x32: {  	[bflag:$0x0] =	sbarrier.arrive $0xFFFF  }
0x33: {  	[hbm:s12], [sflag:s8] =	dma.local [spmem:s19], $0x2700  }
.Ltmp4:
0x34: {  	_ = 	snop;
	(pc) =	sbr.rel @p1 .LBB2_8-.Ltmp4, $4  }
.Ltmp5:
0x35: {  	_ = 	snop;
	(pc) =	sbr.rel @!p1 .LBB2_9-.Ltmp5, $4  }
0x36: {  	_ =	swait.ge [sflag:s15], $0x2700  }
0x37: {  	[sflag:s15] =	ssyncset.done $0x0  }
0x38: {  	s22 =	smov.u32 s5;
	[sflag:s15] =	ssyncadd.s32 $0xFFFFD900  }
0x39: {  	_ = 	snop  }
.LBB2_5:
0x3a: {  	[tilespmem:s17], [sflag:$0x1] =	stream.linear.gather [hbm4b:s9+s22], $0x2800, $0x38;
	[tilespmem:$0x8F80] =	vst v63  }
0x3b: {  	_ =	swait.ge [sflag:s15], $0x2800  }
0x3c: {  	[sflag:s15] =	ssyncset.done $0x0  }
0x3d: {  	[sflag:s15] =	ssyncadd.s32 $0xFFFFD800  }
0x3e: {  	s31 =	simm.s32 $0x2780;
	[bflag:$0x0] =	sbarrier.arrive $0xFFFF  }
0x3f: {  	[spmem:s2] =	stream.indirect.scatter.add.f32 [tilespmem:s16], [sflag:$0x1], $0x10, s31, s18, $0xb8;
	[tilespmem:$0x8F80] =	vst v63  }
0x40: {  	s22 =	simm.s32 $0x200;
	_ =	swait.ge [sflag:s15], $0x800  }
.LBB2_6:
0x41: {  	s23 =	sshra.s32 s22, $0x2;
	[sflag:s15] =	ssyncset.done $0x0;
	p3 =	sne.s32 s22, $0x9E00  }
.Ltmp6:
0x42: {  	s23 =	sadd.s32 $0x2780, s23;
	[sflag:s15] =	ssyncadd.s32 $0xFFFFF800;
	(pc) =	sbr.rel @p3 .LBB2_6-.Ltmp6, $3  }
0x43: {  	[spmem:s2] =	stream.indirect.scatter.add.f32 [tilespmem:s16], [sflag:$0x1], $0x10, s23, s18, $0xb8;
	[tilespmem:$0x8F80] =	vst v63  }
0x44: {  	s22 =	sadd.s32 $0x200, s22;
	_ =	sdelay $0x1  }
0x45: {  	_ =	swait.ge [sflag:s15], $0x800  }
0x46: {  	[sflag:s15] =	ssyncset.done $0x0  }
0x47: {  	[sflag:s15] =	ssyncadd.s32 $0xFFFFF800  }
0x48: {  	[bflag:$0x0] =	sbarrier.arrive $0xFFFF  }
0x49: {  	[hbm:s10], [sflag:s8] =	dma.local [spmem:s19], $0x2700  }
.Ltmp7:
0x4a: {  	_ = 	snop;
	(pc) =	sbr.rel @p2 .LBB2_9-.Ltmp7, $4  }
.Ltmp8:
0x4b: {  	_ = 	snop;
	(pc) =	sbr.rel @!p2 .LBB2_8-.Ltmp8, $4  }
0x4c: {  	_ =	swait.ge [sflag:s15], $0x2700  }
0x4d: {  	[sflag:s15] =	ssyncset.done $0x0  }
0x4e: {  	s22 =	smov.u32 s6;
	[sflag:s15] =	ssyncadd.s32 $0xFFFFD900  }
0x4f: {  	_ = 	snop  }
.LBB2_10:
0x50: {  	_ =	sfence.sel $0x180000  }
0x51: {  	[bflag:$0x0] =	sbarrier.arrive $0xFFFF  }
0x52: {  	p0 =	sne.s32 s1, $0x0;
	_ =	strace $0x90000047  }
0x53: {  	s0 =	sadd.s32 @!p0 $0x100000, s0;
	[bflag:$0x2] =	sbarrier.arrive $0xFFFF  }
0x54: {  	[sflag:s0] =	ssyncadd.tile.s32 @!p0 $0x1;
	_ =	shalt  }
.Lfunc_end2:
_tile_overlayer_lowered:
.L_overlay_start_2:
0x55: {  	(tag) =	ssettag $0x2  }
0x56: {  	s0 =	rddreg [dreg:$0x0];
	s2 =	stileid.u32  }
0x57: {  	s1 =	rddreg [dreg:$0x1];
	p0 =	sne.s32 s2, $0x0  }
0x58: {  	s3 =	rddreg [dreg:$0x2];
	[bflag:$0x3] =	sbarrier.arrive $0xFFFF;
	s2 =	simm.s32 @!p0 $0x1C01  }
0x59: {  	[timem:s3], [sflag:s2] =	dma.local @!p0 [hbm:s0], s1  }
0x5a: {  	s0 =	simm.s32 @!p0 $0x1  }
0x5b: {  	_ =	swait.ge @!p0 [sflag:s0], s1  }
0x5c: {  	s1 =	ssub.s32 @!p0 $0x0, s1;
	[sflag:s0] =	ssyncset.done @!p0 $0x0  }
0x5d: {  	[sflag:s0] =	ssyncadd.s32 @!p0 s1  }
0x5e: {  	[bflag:$0x3] =	sbarrier.arrive $0xFFFF  }
0x5f: {  	_ =	shalt  }

</sc_bundles>
